<compile_context>
chip_gen: v7x
topology: tpu7x:2x2x1
jax: 0.10.2.dev20260603
libtpu: 0.0.44.dev20260713+nightly
codegen_flags: <defaults>
</compile_context>

<pallas_src>
import math

import jax
import jax.numpy as jnp
import numpy as np
from jax import lax
from jax.experimental import pallas as pl
from jax.experimental.pallas import tpu as pltpu
from jax.experimental.pallas import tpu_sc as plsc

T = 524288
L = 16
F = 2
N_MIN = 16
N_MAX = 2048
NUM_POINTS = 262144

NC = 2
NS = 16
NW = NC * NS
LANES = 16

PW = NUM_POINTS // NW
B = 512
NBLK = PW // B
BG = B // LANES
ROWS = B * 8
TCHUNK = T // NS

_GROWTH = math.exp((math.log(N_MAX) - math.log(N_MIN)) / (L - 1))
SCALES = [float(math.floor(N_MIN * (_GROWTH ** l))) for l in range(L)]
P2 = -1640531535
P3 = 805459861
MASK = T - 1


def _body(xs_hbm, ys_hbm, zs_hbm, t0_hbm, t1_hbm, sc_hbm, out_hbm,
          xv, yv, zv, fx0, fy0, fz0, fx1, fy1, fz1,
          idx0, idx1, g0a, g1a, g0b, g1b, ova, ovvb, scv,
          tsh0, tsh1,
          sa0, sa1, sb0, sb1, so0, so1):
    ovb = (ova, ovvb)
    osem = (so0, so1)
    idxb = (idx0, idx1)
    gb = ((g0a, g1a), (g0b, g1b))
    semb = ((sa0, sa1), (sb0, sb1))
    fracb = ((fx0, fy0, fz0), (fx1, fy1, fz1))

    wid = lax.axis_index("s") * NC + lax.axis_index("c")
    sid = lax.axis_index("s")
    wbase = wid * PW
    pltpu.sync_copy(xs_hbm.at[pl.ds(wbase, PW)], xv)
    pltpu.sync_copy(ys_hbm.at[pl.ds(wbase, PW)], yv)
    pltpu.sync_copy(zs_hbm.at[pl.ds(wbase, PW)], zv)
    pltpu.sync_copy(sc_hbm, scv)

    def make_idx_loop(boff, scale, lvl, p):
        idxv = idxb[p]
        fxv, fyv, fzv = fracb[p]

        def hash_groups(g, store):
            sl = pl.ds(g * LANES, LANES)
            xsl = pl.ds(boff + g * LANES, LANES)
            px = xv[xsl] * scale
            py = yv[xsl] * scale
            pz = zv[xsl] * scale
            ix = px.astype(jnp.int32)
            iy = py.astype(jnp.int32)
            iz = pz.astype(jnp.int32)
            fxv[sl] = px - ix.astype(jnp.float32)
            fyv[sl] = py - iy.astype(jnp.float32)
            fzv[sl] = pz - iz.astype(jnp.float32)
            yp = iy * P2
            zp = iz * P3
            hy1 = yp + P2
            hz1 = zp + P3
            a0 = ix & MASK
            a1 = (ix + 1) & MASK
            b00 = (yp ^ zp) & MASK
            b01 = (yp ^ hz1) & MASK
            b10 = (hy1 ^ zp) & MASK
            b11 = (hy1 ^ hz1) & MASK
            store(a0, a1, (b00, b01, b10, b11))

        @plsc.parallel_loop(0, BG, unroll=2)
        def idx_body(g):
            def store(a0, a1, bs):
                rb = g * (8 * LANES)
                for i, a in enumerate((a0, a1)):
                    for j, b in enumerate(bs):
                        idxv[pl.ds(rb + (4 * i + j) * LANES, LANES)] = a ^ b
            hash_groups(g, store)

    def fire(p):
        pltpu.async_copy(tsh0.at[idxb[p]], gb[p][0], semb[p][0])
        pltpu.async_copy(tsh1.at[idxb[p]], gb[p][1], semb[p][1])

    def gwait(p):
        pltpu.make_async_copy(tsh0.at[idxb[p]], gb[p][0], semb[p][0]).wait()
        pltpu.make_async_copy(tsh1.at[idxb[p]], gb[p][1], semb[p][1]).wait()

    def make_comb_loop(p):
        ovl = ovb[p]
        g0v, g1v = gb[p]
        fxv, fyv, fzv = fracb[p]

        @plsc.parallel_loop(0, BG, unroll=2)
        def comb_body(g):
            sl = pl.ds(g * LANES, LANES)
            fx = fxv[sl]
            fy = fyv[sl]
            fz = fzv[sl]
            gx = 1.0 - fx
            gy = 1.0 - fy
            gz = 1.0 - fz
            w00 = gx * gy
            w01 = gx * fy
            w10 = fx * gy
            w11 = fx * fy
            ws = (w00 * gz, w00 * fz, w01 * gz, w01 * fz,
                  w10 * gz, w10 * fz, w11 * gz, w11 * fz)
            rb = g * (8 * LANES)
            acc0 = None
            acc1 = None
            for c in range(8):
                f0 = g0v[pl.ds(rb + c * LANES, LANES)]
                f1 = g1v[pl.ds(rb + c * LANES, LANES)]
                if c == 0:
                    acc0 = ws[c] * f0
                    acc1 = ws[c] * f1
                else:
                    acc0 = acc0 + ws[c] * f0
                    acc1 = acc1 + ws[c] * f1
            ovl[0, sl] = acc0
            ovl[1, sl] = acc1

    def ofire(row0, blk, p):
        obase = row0 + wbase + blk * B
        pltpu.async_copy(ovb[p].at[0], out_hbm.at[pl.ds(obase, B)], osem[p])
        pltpu.async_copy(
            ovb[p].at[1], out_hbm.at[pl.ds(obase + NUM_POINTS, B)], osem[p])

    def owait(p):
        pltpu.make_async_copy(
            ovb[p].at[0], out_hbm.at[pl.ds(0, B)], osem[p]).wait()
        pltpu.make_async_copy(
            ovb[p].at[1], out_hbm.at[pl.ds(0, B)], osem[p]).wait()

    def lvl_body(lvl, carry):
        cbase = lvl * T + sid * TCHUNK
        pltpu.sync_copy(t0_hbm.at[pl.ds(cbase, TCHUNK)],
                        tsh0.at[pl.ds(sid * TCHUNK, TCHUNK)])
        pltpu.sync_copy(t1_hbm.at[pl.ds(cbase, TCHUNK)],
                        tsh1.at[pl.ds(sid * TCHUNK, TCHUNK)])
        plsc.subcore_barrier()

        scale = scv[pl.ds(lvl * LANES, LANES)]
        row0 = 2 * lvl * NUM_POINTS

        make_idx_loop(0, scale, lvl, 0)
        fire(0)
        make_idx_loop(B, scale, lvl, 1)
        fire(1)
        gwait(0)
        make_comb_loop(0)
        ofire(row0, 0, 0)
        make_idx_loop(2 * B, scale, lvl, 0)
        fire(0)
        gwait(1)
        make_comb_loop(1)
        ofire(row0, 1, 1)

        def blk2_body(i, c0):
            b0 = 2 * i
            make_idx_loop((b0 + 1) * B, scale, lvl, 1)
            fire(1)
            gwait(0)
            owait(0)
            make_comb_loop(0)
            ofire(row0, b0, 0)
            make_idx_loop((b0 + 2) * B, scale, lvl, 0)
            fire(0)
            gwait(1)
            owait(1)
            make_comb_loop(1)
            ofire(row0, b0 + 1, 1)
            return c0

        lax.fori_loop(1, NBLK // 2 - 1, blk2_body, 0)

        make_idx_loop(15 * B, scale, lvl, 1)
        fire(1)
        gwait(0)
        owait(0)
        make_comb_loop(0)
        ofire(row0, 14, 0)
        gwait(1)
        owait(1)
        make_comb_loop(1)
        ofire(row0, 15, 1)
        owait(0)
        owait(1)
        plsc.subcore_barrier()
        return carry

    lax.fori_loop(0, L, lvl_body, 0)


@jax.jit
def _encode_sc(xs, ys, zs, t0, t1, scales):
    mesh = plsc.VectorSubcoreMesh(core_axis_name="c", subcore_axis_name="s")
    return pl.kernel(
        _body,
        out_type=jax.ShapeDtypeStruct((L * F * NUM_POINTS,), jnp.float32),
        mesh=mesh,
        scratch_types=[
            pltpu.VMEM((PW,), jnp.float32),
            pltpu.VMEM((PW,), jnp.float32),
            pltpu.VMEM((PW,), jnp.float32),
            pltpu.VMEM((B,), jnp.float32),
            pltpu.VMEM((B,), jnp.float32),
            pltpu.VMEM((B,), jnp.float32),
            pltpu.VMEM((B,), jnp.float32),
            pltpu.VMEM((B,), jnp.float32),
            pltpu.VMEM((B,), jnp.float32),
            pltpu.VMEM((ROWS,), jnp.int32),
            pltpu.VMEM((ROWS,), jnp.int32),
            pltpu.VMEM((ROWS,), jnp.float32),
            pltpu.VMEM((ROWS,), jnp.float32),
            pltpu.VMEM((ROWS,), jnp.float32),
            pltpu.VMEM((ROWS,), jnp.float32),
            pltpu.VMEM((F, B), jnp.float32),
            pltpu.VMEM((F, B), jnp.float32),
            pltpu.VMEM((L * LANES,), jnp.float32),
            pltpu.VMEM_SHARED((T,), jnp.float32),
            pltpu.VMEM_SHARED((T,), jnp.float32),
            pltpu.SemaphoreType.DMA,
            pltpu.SemaphoreType.DMA,
            pltpu.SemaphoreType.DMA,
            pltpu.SemaphoreType.DMA,
            pltpu.SemaphoreType.DMA,
            pltpu.SemaphoreType.DMA,
        ],
    )(xs, ys, zs, t0, t1, scales)


def kernel(x, hash_table):
    xs, ys, zs = x[:, 0], x[:, 1], x[:, 2]
    t0, t1 = hash_table[:, 0], hash_table[:, 1]
    scales = jnp.asarray(
        np.repeat(np.array(SCALES, dtype=np.float32), LANES))
    out = _encode_sc(xs, ys, zs, t0, t1, scales)
    return out.reshape(L * F, NUM_POINTS).T

# --- scband reference (transcript-rebuilt; emitter-appended) ---
"""Pipeline reference for scband-multi-resolution-hash-encoding-40810779247542 (READ-ONLY COPY).

The authoritative reference and input builder live on the scoring server;
editing this copy changes nothing except your own understanding.
"""

import jax, jax.numpy as jnp
import numpy as np
import math

T = 524288
L = 16
F = 2
N_MIN = 16
N_MAX = 2048
NUM_POINTS = 262144


def setup_inputs(seed: int = 0) -> dict:
    key = jax.random.key(seed)
    k1, k2 = jax.random.split(key)
    x = jax.random.uniform(k1, (NUM_POINTS, 3), dtype=jnp.float32)
    # flax nn.initializers.uniform(scale=1e-4) -> U[0, 1e-4)
    hash_table = jax.random.uniform(k2, (T * L, F), dtype=jnp.float32, minval=0.0, maxval=1e-4)
    return {"x": x, "hash_table": hash_table}


def _encode(x, hash_table):
    # Instant-NGP multi-resolution hash grid encoding, 3D coords in [0,1).
    growth = math.exp((math.log(N_MAX) - math.log(N_MIN)) / (L - 1))
    primes = jnp.array([1, 2654435761, 805459861], dtype=jnp.uint32)
    corner_offsets = jnp.array(
        [[i, j, k] for i in (0, 1) for j in (0, 1) for k in (0, 1)],
        dtype=jnp.uint32,
    )  # [8, 3]
    outs = []
    for lvl in range(L):
        scale = math.floor(N_MIN * (growth ** lvl))
        pos = x * scale                      # [N, 3]
        pos0 = jnp.floor(pos)
        frac = pos - pos0                    # [N, 3]
        pos0u = pos0.astype(jnp.uint32)
        corners = pos0u[:, None, :] + corner_offsets[None, :, :]  # [N, 8, 3]
        h = corners * primes[None, None, :]
        hidx = (h[..., 0] ^ h[..., 1] ^ h[..., 2]) & jnp.uint32(T - 1)  # [N, 8]
        idx = hidx.astype(jnp.int32) + lvl * T
        feat = jnp.take(hash_table, idx, axis=0)  # [N, 8, F] gather
        w = jnp.where(
            corner_offsets[None, :, :] == 1,
            frac[:, None, :],
            1.0 - frac[:, None, :],
        )  # [N, 8, 3]
        w = jnp.prod(w, axis=-1)             # [N, 8] trilinear weights
        outs.append(jnp.sum(w[..., None] * feat, axis=1))  # [N, F]
    return jnp.concatenate(outs, axis=-1)    # [N, L*F]


def reference(x, hash_table):
    return _encode(x, hash_table)

if __name__ == "__main__":
    import jax
    _d = setup_inputs()
    print(jax.jit(kernel)(*tuple(_d.values())))

</pallas_src>

<mosaic_0001>
#map = affine_map<(d0, d1) -> (0)>
module attributes {stable_mosaic.version = 14 : i64} {
  func.func @_body(%arg0: i32, %arg1: i32, %arg2: memref<262144xf32, #tpu.memory_space<hbm>>, %arg3: memref<262144xf32, #tpu.memory_space<hbm>>, %arg4: memref<262144xf32, #tpu.memory_space<hbm>>, %arg5: memref<8388608xf32, #tpu.memory_space<hbm>>, %arg6: memref<8388608xf32, #tpu.memory_space<hbm>>, %arg7: memref<256xf32, #tpu.memory_space<hbm>>, %arg8: memref<8388608xf32, #tpu.memory_space<hbm>>, %arg9: memref<8192xf32, #tpu.memory_space<vmem>>, %arg10: memref<8192xf32, #tpu.memory_space<vmem>>, %arg11: memref<8192xf32, #tpu.memory_space<vmem>>, %arg12: memref<512xf32, #tpu.memory_space<vmem>>, %arg13: memref<512xf32, #tpu.memory_space<vmem>>, %arg14: memref<512xf32, #tpu.memory_space<vmem>>, %arg15: memref<512xf32, #tpu.memory_space<vmem>>, %arg16: memref<512xf32, #tpu.memory_space<vmem>>, %arg17: memref<512xf32, #tpu.memory_space<vmem>>, %arg18: memref<4096xi32, #tpu.memory_space<vmem>>, %arg19: memref<4096xi32, #tpu.memory_space<vmem>>, %arg20: memref<4096xf32, #tpu.memory_space<vmem>>, %arg21: memref<4096xf32, #tpu.memory_space<vmem>>, %arg22: memref<4096xf32, #tpu.memory_space<vmem>>, %arg23: memref<4096xf32, #tpu.memory_space<vmem>>, %arg24: memref<2x512xf32, #tpu.memory_space<vmem>>, %arg25: memref<2x512xf32, #tpu.memory_space<vmem>>, %arg26: memref<256xf32, #tpu.memory_space<vmem>>, %arg27: memref<524288xf32, #tpu.memory_space<vmem_shared>>, %arg28: memref<524288xf32, #tpu.memory_space<vmem_shared>>, %arg29: memref<!tpu.dma_semaphore, #tpu.memory_space<semaphore_mem>>, %arg30: memref<!tpu.dma_semaphore, #tpu.memory_space<semaphore_mem>>, %arg31: memref<!tpu.dma_semaphore, #tpu.memory_space<semaphore_mem>>, %arg32: memref<!tpu.dma_semaphore, #tpu.memory_space<semaphore_mem>>, %arg33: memref<!tpu.dma_semaphore, #tpu.memory_space<semaphore_mem>>, %arg34: memref<!tpu.dma_semaphore, #tpu.memory_space<semaphore_mem>>) attributes {dimension_semantics = [#tpu.dimension_semantics<core_parallel>, #tpu.dimension_semantics<subcore_parallel>], iteration_bounds = array<i64: 2, 16>, scalar_prefetch = 0 : i64, scratch_operands = 26 : i64, tpu.core_type = #tpu.core_type<sc_vector_subcore>, window_params = [{transform_indices = #map}, {transform_indices = #map}, {transform_indices = #map}, {transform_indices = #map}, {transform_indices = #map}, {transform_indices = #map}, {transform_indices = #map}]} {
    %mul3A = arith.constant 2 : i32
    %mul3A_0 = arith.muli %arg1, %mul3A : i32
    %add3A = arith.addi %mul3A_0, %arg0 : i32
    %mul3A_1 = arith.constant 8192 : i32
    %mul3A_2 = arith.muli %add3A, %mul3A_1 : i32
    "tpu.region"() ({
      %run_scoped3A = tpu.sem_alloc : memref<!tpu.dma_semaphore, #tpu.memory_space<semaphore_mem>>
      %dma_start3A = tpu.memref_slice %arg2[%mul3A_2] : memref<262144xf32, #tpu.memory_space<hbm>> -> memref<8192xf32, #tpu.memory_space<hbm>>
      %dma_start3A_8 = tpu.memref_slice %arg2[%mul3A_2] : memref<262144xf32, #tpu.memory_space<hbm>> -> memref<8192xf32, #tpu.memory_space<hbm>>
      tpu.enqueue_dma source(%dma_start3A_8 : memref<8192xf32, #tpu.memory_space<hbm>>) target(%arg9 : memref<8192xf32, #tpu.memory_space<vmem>>) target_semaphore(%run_scoped3A : memref<!tpu.dma_semaphore, #tpu.memory_space<semaphore_mem>>)
      %dma_wait3A = tpu.memref_slice %arg2[%mul3A_2] : memref<262144xf32, #tpu.memory_space<hbm>> -> memref<8192xf32, #tpu.memory_space<hbm>>
      %dma_wait3A_9 = tpu.memref_slice %arg2[%mul3A_2] : memref<262144xf32, #tpu.memory_space<hbm>> -> memref<8192xf32, #tpu.memory_space<hbm>>
      tpu.wait_dma2 semaphore(%run_scoped3A : memref<!tpu.dma_semaphore, #tpu.memory_space<semaphore_mem>>) src(%dma_wait3A_9 : memref<8192xf32, #tpu.memory_space<hbm>>) dst(%arg9 : memref<8192xf32, #tpu.memory_space<vmem>>)
      tpu.yield
    }) : () -> ()
    "tpu.region"() ({
      %run_scoped3A = tpu.sem_alloc : memref<!tpu.dma_semaphore, #tpu.memory_space<semaphore_mem>>
      %dma_start3A = tpu.memref_slice %arg3[%mul3A_2] : memref<262144xf32, #tpu.memory_space<hbm>> -> memref<8192xf32, #tpu.memory_space<hbm>>
      %dma_start3A_8 = tpu.memref_slice %arg3[%mul3A_2] : memref<262144xf32, #tpu.memory_space<hbm>> -> memref<8192xf32, #tpu.memory_space<hbm>>
      tpu.enqueue_dma source(%dma_start3A_8 : memref<8192xf32, #tpu.memory_space<hbm>>) target(%arg10 : memref<8192xf32, #tpu.memory_space<vmem>>) target_semaphore(%run_scoped3A : memref<!tpu.dma_semaphore, #tpu.memory_space<semaphore_mem>>)
      %dma_wait3A = tpu.memref_slice %arg3[%mul3A_2] : memref<262144xf32, #tpu.memory_space<hbm>> -> memref<8192xf32, #tpu.memory_space<hbm>>
      %dma_wait3A_9 = tpu.memref_slice %arg3[%mul3A_2] : memref<262144xf32, #tpu.memory_space<hbm>> -> memref<8192xf32, #tpu.memory_space<hbm>>
      tpu.wait_dma2 semaphore(%run_scoped3A : memref<!tpu.dma_semaphore, #tpu.memory_space<semaphore_mem>>) src(%dma_wait3A_9 : memref<8192xf32, #tpu.memory_space<hbm>>) dst(%arg10 : memref<8192xf32, #tpu.memory_space<vmem>>)
      tpu.yield
    }) : () -> ()
    "tpu.region"() ({
      %run_scoped3A = tpu.sem_alloc : memref<!tpu.dma_semaphore, #tpu.memory_space<semaphore_mem>>
      %dma_start3A = tpu.memref_slice %arg4[%mul3A_2] : memref<262144xf32, #tpu.memory_space<hbm>> -> memref<8192xf32, #tpu.memory_space<hbm>>
      %dma_start3A_8 = tpu.memref_slice %arg4[%mul3A_2] : memref<262144xf32, #tpu.memory_space<hbm>> -> memref<8192xf32, #tpu.memory_space<hbm>>
      tpu.enqueue_dma source(%dma_start3A_8 : memref<8192xf32, #tpu.memory_space<hbm>>) target(%arg11 : memref<8192xf32, #tpu.memory_space<vmem>>) target_semaphore(%run_scoped3A : memref<!tpu.dma_semaphore, #tpu.memory_space<semaphore_mem>>)
      %dma_wait3A = tpu.memref_slice %arg4[%mul3A_2] : memref<262144xf32, #tpu.memory_space<hbm>> -> memref<8192xf32, #tpu.memory_space<hbm>>
      %dma_wait3A_9 = tpu.memref_slice %arg4[%mul3A_2] : memref<262144xf32, #tpu.memory_space<hbm>> -> memref<8192xf32, #tpu.memory_space<hbm>>
      tpu.wait_dma2 semaphore(%run_scoped3A : memref<!tpu.dma_semaphore, #tpu.memory_space<semaphore_mem>>) src(%dma_wait3A_9 : memref<8192xf32, #tpu.memory_space<hbm>>) dst(%arg11 : memref<8192xf32, #tpu.memory_space<vmem>>)
      tpu.yield
    }) : () -> ()
    "tpu.region"() ({
      %run_scoped3A = tpu.sem_alloc : memref<!tpu.dma_semaphore, #tpu.memory_space<semaphore_mem>>
      tpu.enqueue_dma source(%arg7 : memref<256xf32, #tpu.memory_space<hbm>>) target(%arg26 : memref<256xf32, #tpu.memory_space<vmem>>) target_semaphore(%run_scoped3A : memref<!tpu.dma_semaphore, #tpu.memory_space<semaphore_mem>>)
      tpu.wait_dma2 semaphore(%run_scoped3A : memref<!tpu.dma_semaphore, #tpu.memory_space<semaphore_mem>>) src(%arg7 : memref<256xf32, #tpu.memory_space<hbm>>) dst(%arg26 : memref<256xf32, #tpu.memory_space<vmem>>)
      tpu.yield
    }) : () -> ()
    %scan3A = arith.constant 0 : i32
    %scan3A_3 = arith.constant 0 : i32
    %scan3A_4 = arith.constant 16 : i32
    %scan3A_5 = arith.addi %scan3A_3, %scan3A_4 : i32
    %scan3A_6 = arith.constant 1 : i32
    scf.for %scan3A_8 = %scan3A_3 to %scan3A_5 step %scan3A_6  : i32 {
      %mul3A_9 = arith.constant 524288 : i32
      %mul3A_10 = arith.muli %scan3A_8, %mul3A_9 : i32
      %mul3A_11 = arith.constant 32768 : i32
      %mul3A_12 = arith.muli %arg1, %mul3A_11 : i32
      %add3A_13 = arith.addi %mul3A_10, %mul3A_12 : i32
      %mul3A_14 = arith.constant 32768 : i32
      %mul3A_15 = arith.muli %arg1, %mul3A_14 : i32
      "tpu.region"() ({
        %run_scoped3A = tpu.sem_alloc : memref<!tpu.dma_semaphore, #tpu.memory_space<semaphore_mem>>
        %dma_start3A_266 = tpu.memref_slice %arg27[%mul3A_15] : memref<524288xf32, #tpu.memory_space<vmem_shared>> -> memref<32768xf32, #tpu.memory_space<vmem_shared>>
        %dma_start3A_267 = tpu.memref_slice %arg5[%add3A_13] : memref<8388608xf32, #tpu.memory_space<hbm>> -> memref<32768xf32, #tpu.memory_space<hbm>>
        tpu.enqueue_dma source(%dma_start3A_267 : memref<32768xf32, #tpu.memory_space<hbm>>) target(%dma_start3A_266 : memref<32768xf32, #tpu.memory_space<vmem_shared>>) target_semaphore(%run_scoped3A : memref<!tpu.dma_semaphore, #tpu.memory_space<semaphore_mem>>)
        %dma_wait3A_268 = tpu.memref_slice %arg27[%mul3A_15] : memref<524288xf32, #tpu.memory_space<vmem_shared>> -> memref<32768xf32, #tpu.memory_space<vmem_shared>>
        %dma_wait3A_269 = tpu.memref_slice %arg5[%add3A_13] : memref<8388608xf32, #tpu.memory_space<hbm>> -> memref<32768xf32, #tpu.memory_space<hbm>>
        tpu.wait_dma2 semaphore(%run_scoped3A : memref<!tpu.dma_semaphore, #tpu.memory_space<semaphore_mem>>) src(%dma_wait3A_269 : memref<32768xf32, #tpu.memory_space<hbm>>) dst(%dma_wait3A_268 : memref<32768xf32, #tpu.memory_space<vmem_shared>>)
        tpu.yield
      }) : () -> ()
      %mul3A_16 = arith.constant 32768 : i32
      %mul3A_17 = arith.muli %arg1, %mul3A_16 : i32
      "tpu.region"() ({
        %run_scoped3A = tpu.sem_alloc : memref<!tpu.dma_semaphore, #tpu.memory_space<semaphore_mem>>
        %dma_start3A_266 = tpu.memref_slice %arg28[%mul3A_17] : memref<524288xf32, #tpu.memory_space<vmem_shared>> -> memref<32768xf32, #tpu.memory_space<vmem_shared>>
        %dma_start3A_267 = tpu.memref_slice %arg6[%add3A_13] : memref<8388608xf32, #tpu.memory_space<hbm>> -> memref<32768xf32, #tpu.memory_space<hbm>>
        tpu.enqueue_dma source(%dma_start3A_267 : memref<32768xf32, #tpu.memory_space<hbm>>) target(%dma_start3A_266 : memref<32768xf32, #tpu.memory_space<vmem_shared>>) target_semaphore(%run_scoped3A : memref<!tpu.dma_semaphore, #tpu.memory_space<semaphore_mem>>)
        %dma_wait3A_268 = tpu.memref_slice %arg28[%mul3A_17] : memref<524288xf32, #tpu.memory_space<vmem_shared>> -> memref<32768xf32, #tpu.memory_space<vmem_shared>>
        %dma_wait3A_269 = tpu.memref_slice %arg6[%add3A_13] : memref<8388608xf32, #tpu.memory_space<hbm>> -> memref<32768xf32, #tpu.memory_space<hbm>>
        tpu.wait_dma2 semaphore(%run_scoped3A : memref<!tpu.dma_semaphore, #tpu.memory_space<semaphore_mem>>) src(%dma_wait3A_269 : memref<32768xf32, #tpu.memory_space<hbm>>) dst(%dma_wait3A_268 : memref<32768xf32, #tpu.memory_space<vmem_shared>>)
        tpu.yield
      }) : () -> ()
      %barrier3A = arith.constant 0 : index
      tpu.barrier barrier_id(%barrier3A)
      %mul3A_18 = arith.constant 16 : i32
      %mul3A_19 = arith.muli %scan3A_8, %mul3A_18 : i32
      %get3A = arith.index_cast %mul3A_19 : i32 to index
      %get3A_20 = tpu.vector_load %arg26[%get3A] {strides = array<i32>} : memref<256xf32, #tpu.memory_space<vmem>>, vector<16xf32>,
      %get3A_21 = vector.shape_cast %get3A_20 : vector<16xf32> to vector<16xf32>
      %mul3A_22 = arith.constant 2 : i32
      %mul3A_23 = arith.muli %mul3A_22, %scan3A_8 : i32
      %mul3A_24 = arith.constant 262144 : i32
      %mul3A_25 = arith.muli %mul3A_23, %mul3A_24 : i32
      %parallel_loop3A = arith.constant 0 : i32
      %parallel_loop3A_26 = arith.constant 32 : i32
      %parallel_loop3A_27 = arith.constant 1 : i32
      scf.for %parallel_loop3A_266 = %parallel_loop3A to %parallel_loop3A_26 step %parallel_loop3A_27  : i32 {
        %parallel_loop3A_267 = arith.constant 16 : i32
        %parallel_loop3A_268 = arith.muli %parallel_loop3A_266, %parallel_loop3A_267 : i32
        %parallel_loop3A_269 = arith.constant 16 : i32
        %parallel_loop3A_270 = arith.muli %parallel_loop3A_266, %parallel_loop3A_269 : i32
        %parallel_loop3A_271 = arith.constant 0 : i32
        %parallel_loop3A_272 = arith.addi %parallel_loop3A_271, %parallel_loop3A_270 : i32
        %parallel_loop3A_273 = arith.index_cast %parallel_loop3A_272 : i32 to index
        %parallel_loop3A_274 = tpu.vector_load %arg9[%parallel_loop3A_273] {strides = array<i32>} : memref<8192xf32, #tpu.memory_space<vmem>>, vector<16xf32>,
        %parallel_loop3A_275 = vector.shape_cast %parallel_loop3A_274 : vector<16xf32> to vector<16xf32>
        %parallel_loop3A_276 = arith.mulf %parallel_loop3A_275, %get3A_21 : vector<16xf32>
        %parallel_loop3A_277 = arith.index_cast %parallel_loop3A_272 : i32 to index
        %parallel_loop3A_278 = tpu.vector_load %arg10[%parallel_loop3A_277] {strides = array<i32>} : memref<8192xf32, #tpu.memory_space<vmem>>, vector<16xf32>,
        %parallel_loop3A_279 = vector.shape_cast %parallel_loop3A_278 : vector<16xf32> to vector<16xf32>
        %parallel_loop3A_280 = arith.mulf %parallel_loop3A_279, %get3A_21 : vector<16xf32>
        %parallel_loop3A_281 = arith.index_cast %parallel_loop3A_272 : i32 to index
        %parallel_loop3A_282 = tpu.vector_load %arg11[%parallel_loop3A_281] {strides = array<i32>} : memref<8192xf32, #tpu.memory_space<vmem>>, vector<16xf32>,
        %parallel_loop3A_283 = vector.shape_cast %parallel_loop3A_282 : vector<16xf32> to vector<16xf32>
        %parallel_loop3A_284 = arith.mulf %parallel_loop3A_283, %get3A_21 : vector<16xf32>
        %parallel_loop3A_285 = arith.fptosi %parallel_loop3A_276 : vector<16xf32> to vector<16xi32>
        %parallel_loop3A_286 = arith.fptosi %parallel_loop3A_280 : vector<16xf32> to vector<16xi32>
        %parallel_loop3A_287 = arith.fptosi %parallel_loop3A_284 : vector<16xf32> to vector<16xi32>
        %parallel_loop3A_288 = arith.sitofp %parallel_loop3A_285 : vector<16xi32> to vector<16xf32>
        %parallel_loop3A_289 = arith.subf %parallel_loop3A_276, %parallel_loop3A_288 : vector<16xf32>
        %parallel_loop3A_290 = arith.index_cast %parallel_loop3A_268 : i32 to index
        %parallel_loop3A_291 = tpu.vector_load %arg12[%parallel_loop3A_290] {strides = array<i32>} : memref<512xf32, #tpu.memory_space<vmem>>, vector<16xf32>,
        %parallel_loop3A_292 = vector.shape_cast %parallel_loop3A_291 : vector<16xf32> to vector<16xf32>
        %parallel_loop3A_293 = vector.shape_cast %parallel_loop3A_289 : vector<16xf32> to vector<16xf32>
        tpu.vector_store %arg12[%parallel_loop3A_290], %parallel_loop3A_293 {strides = array<i32>} : memref<512xf32, #tpu.memory_space<vmem>>, vector<16xf32>,
        %parallel_loop3A_294 = arith.sitofp %parallel_loop3A_286 : vector<16xi32> to vector<16xf32>
        %parallel_loop3A_295 = arith.subf %parallel_loop3A_280, %parallel_loop3A_294 : vector<16xf32>
        %parallel_loop3A_296 = arith.index_cast %parallel_loop3A_268 : i32 to index
        %parallel_loop3A_297 = tpu.vector_load %arg13[%parallel_loop3A_296] {strides = array<i32>} : memref<512xf32, #tpu.memory_space<vmem>>, vector<16xf32>,
        %parallel_loop3A_298 = vector.shape_cast %parallel_loop3A_297 : vector<16xf32> to vector<16xf32>
        %parallel_loop3A_299 = vector.shape_cast %parallel_loop3A_295 : vector<16xf32> to vector<16xf32>
        tpu.vector_store %arg13[%parallel_loop3A_296], %parallel_loop3A_299 {strides = array<i32>} : memref<512xf32, #tpu.memory_space<vmem>>, vector<16xf32>,
        %parallel_loop3A_300 = arith.sitofp %parallel_loop3A_287 : vector<16xi32> to vector<16xf32>
        %parallel_loop3A_301 = arith.subf %parallel_loop3A_284, %parallel_loop3A_300 : vector<16xf32>
        %parallel_loop3A_302 = arith.index_cast %parallel_loop3A_268 : i32 to index
        %parallel_loop3A_303 = tpu.vector_load %arg14[%parallel_loop3A_302] {strides = array<i32>} : memref<512xf32, #tpu.memory_space<vmem>>, vector<16xf32>,
        %parallel_loop3A_304 = vector.shape_cast %parallel_loop3A_303 : vector<16xf32> to vector<16xf32>
        %parallel_loop3A_305 = vector.shape_cast %parallel_loop3A_301 : vector<16xf32> to vector<16xf32>
        tpu.vector_store %arg14[%parallel_loop3A_302], %parallel_loop3A_305 {strides = array<i32>} : memref<512xf32, #tpu.memory_space<vmem>>, vector<16xf32>,
        %parallel_loop3A_306 = arith.constant -1640531535 : i32
        %parallel_loop3A_307 = vector.broadcast %parallel_loop3A_306 : i32 to vector<16xi32>
        %parallel_loop3A_308 = arith.muli %parallel_loop3A_286, %parallel_loop3A_307 : vector<16xi32>
        %parallel_loop3A_309 = arith.constant 805459861 : i32
        %parallel_loop3A_310 = vector.broadcast %parallel_loop3A_309 : i32 to vector<16xi32>
        %parallel_loop3A_311 = arith.muli %parallel_loop3A_287, %parallel_loop3A_310 : vector<16xi32>
        %parallel_loop3A_312 = arith.constant -1640531535 : i32
        %parallel_loop3A_313 = vector.broadcast %parallel_loop3A_312 : i32 to vector<16xi32>
        %parallel_loop3A_314 = arith.addi %parallel_loop3A_308, %parallel_loop3A_313 : vector<16xi32>
        %parallel_loop3A_315 = arith.constant 805459861 : i32
        %parallel_loop3A_316 = vector.broadcast %parallel_loop3A_315 : i32 to vector<16xi32>
        %parallel_loop3A_317 = arith.addi %parallel_loop3A_311, %parallel_loop3A_316 : vector<16xi32>
        %parallel_loop3A_318 = arith.constant 524287 : i32
        %parallel_loop3A_319 = vector.broadcast %parallel_loop3A_318 : i32 to vector<16xi32>
        %parallel_loop3A_320 = arith.andi %parallel_loop3A_285, %parallel_loop3A_319 : vector<16xi32>
        %parallel_loop3A_321 = arith.constant 1 : i32
        %parallel_loop3A_322 = vector.broadcast %parallel_loop3A_321 : i32 to vector<16xi32>
        %parallel_loop3A_323 = arith.addi %parallel_loop3A_285, %parallel_loop3A_322 : vector<16xi32>
        %parallel_loop3A_324 = arith.constant 524287 : i32
        %parallel_loop3A_325 = vector.broadcast %parallel_loop3A_324 : i32 to vector<16xi32>
        %parallel_loop3A_326 = arith.andi %parallel_loop3A_323, %parallel_loop3A_325 : vector<16xi32>
        %parallel_loop3A_327 = arith.xori %parallel_loop3A_308, %parallel_loop3A_311 : vector<16xi32>
        %parallel_loop3A_328 = arith.constant 524287 : i32
        %parallel_loop3A_329 = vector.broadcast %parallel_loop3A_328 : i32 to vector<16xi32>
        %parallel_loop3A_330 = arith.andi %parallel_loop3A_327, %parallel_loop3A_329 : vector<16xi32>
        %parallel_loop3A_331 = arith.xori %parallel_loop3A_308, %parallel_loop3A_317 : vector<16xi32>
        %parallel_loop3A_332 = arith.constant 524287 : i32
        %parallel_loop3A_333 = vector.broadcast %parallel_loop3A_332 : i32 to vector<16xi32>
        %parallel_loop3A_334 = arith.andi %parallel_loop3A_331, %parallel_loop3A_333 : vector<16xi32>
        %parallel_loop3A_335 = arith.xori %parallel_loop3A_314, %parallel_loop3A_311 : vector<16xi32>
        %parallel_loop3A_336 = arith.constant 524287 : i32
        %parallel_loop3A_337 = vector.broadcast %parallel_loop3A_336 : i32 to vector<16xi32>
        %parallel_loop3A_338 = arith.andi %parallel_loop3A_335, %parallel_loop3A_337 : vector<16xi32>
        %parallel_loop3A_339 = arith.xori %parallel_loop3A_314, %parallel_loop3A_317 : vector<16xi32>
        %parallel_loop3A_340 = arith.constant 524287 : i32
        %parallel_loop3A_341 = vector.broadcast %parallel_loop3A_340 : i32 to vector<16xi32>
        %parallel_loop3A_342 = arith.andi %parallel_loop3A_339, %parallel_loop3A_341 : vector<16xi32>
        %parallel_loop3A_343 = arith.constant 128 : i32
        %parallel_loop3A_344 = arith.muli %parallel_loop3A_266, %parallel_loop3A_343 : i32
        %parallel_loop3A_345 = arith.xori %parallel_loop3A_320, %parallel_loop3A_330 : vector<16xi32>
        %parallel_loop3A_346 = arith.constant 0 : i32
        %parallel_loop3A_347 = arith.addi %parallel_loop3A_344, %parallel_loop3A_346 : i32
        %parallel_loop3A_348 = arith.index_cast %parallel_loop3A_347 : i32 to index
        %parallel_loop3A_349 = tpu.vector_load %arg18[%parallel_loop3A_348] {strides = array<i32>} : memref<4096xi32, #tpu.memory_space<vmem>>, vector<16xi32>,
        %parallel_loop3A_350 = vector.shape_cast %parallel_loop3A_349 : vector<16xi32> to vector<16xi32>
        %parallel_loop3A_351 = vector.shape_cast %parallel_loop3A_345 : vector<16xi32> to vector<16xi32>
        tpu.vector_store %arg18[%parallel_loop3A_348], %parallel_loop3A_351 {strides = array<i32>} : memref<4096xi32, #tpu.memory_space<vmem>>, vector<16xi32>,
        %parallel_loop3A_352 = arith.xori %parallel_loop3A_320, %parallel_loop3A_334 : vector<16xi32>
        %parallel_loop3A_353 = arith.constant 16 : i32
        %parallel_loop3A_354 = arith.addi %parallel_loop3A_344, %parallel_loop3A_353 : i32
        %parallel_loop3A_355 = arith.index_cast %parallel_loop3A_354 : i32 to index
        %parallel_loop3A_356 = tpu.vector_load %arg18[%parallel_loop3A_355] {strides = array<i32>} : memref<4096xi32, #tpu.memory_space<vmem>>, vector<16xi32>,
        %parallel_loop3A_357 = vector.shape_cast %parallel_loop3A_356 : vector<16xi32> to vector<16xi32>
        %parallel_loop3A_358 = vector.shape_cast %parallel_loop3A_352 : vector<16xi32> to vector<16xi32>
        tpu.vector_store %arg18[%parallel_loop3A_355], %parallel_loop3A_358 {strides = array<i32>} : memref<4096xi32, #tpu.memory_space<vmem>>, vector<16xi32>,
        %parallel_loop3A_359 = arith.xori %parallel_loop3A_320, %parallel_loop3A_338 : vector<16xi32>
        %parallel_loop3A_360 = arith.constant 32 : i32
        %parallel_loop3A_361 = arith.addi %parallel_loop3A_344, %parallel_loop3A_360 : i32
        %parallel_loop3A_362 = arith.index_cast %parallel_loop3A_361 : i32 to index
        %parallel_loop3A_363 = tpu.vector_load %arg18[%parallel_loop3A_362] {strides = array<i32>} : memref<4096xi32, #tpu.memory_space<vmem>>, vector<16xi32>,
        %parallel_loop3A_364 = vector.shape_cast %parallel_loop3A_363 : vector<16xi32> to vector<16xi32>
        %parallel_loop3A_365 = vector.shape_cast %parallel_loop3A_359 : vector<16xi32> to vector<16xi32>
        tpu.vector_store %arg18[%parallel_loop3A_362], %parallel_loop3A_365 {strides = array<i32>} : memref<4096xi32, #tpu.memory_space<vmem>>, vector<16xi32>,
        %parallel_loop3A_366 = arith.xori %parallel_loop3A_320, %parallel_loop3A_342 : vector<16xi32>
        %parallel_loop3A_367 = arith.constant 48 : i32
        %parallel_loop3A_368 = arith.addi %parallel_loop3A_344, %parallel_loop3A_367 : i32
        %parallel_loop3A_369 = arith.index_cast %parallel_loop3A_368 : i32 to index
        %parallel_loop3A_370 = tpu.vector_load %arg18[%parallel_loop3A_369] {strides = array<i32>} : memref<4096xi32, #tpu.memory_space<vmem>>, vector<16xi32>,
        %parallel_loop3A_371 = vector.shape_cast %parallel_loop3A_370 : vector<16xi32> to vector<16xi32>
        %parallel_loop3A_372 = vector.shape_cast %parallel_loop3A_366 : vector<16xi32> to vector<16xi32>
        tpu.vector_store %arg18[%parallel_loop3A_369], %parallel_loop3A_372 {strides = array<i32>} : memref<4096xi32, #tpu.memory_space<vmem>>, vector<16xi32>,
        %parallel_loop3A_373 = arith.xori %parallel_loop3A_326, %parallel_loop3A_330 : vector<16xi32>
        %parallel_loop3A_374 = arith.constant 64 : i32
        %parallel_loop3A_375 = arith.addi %parallel_loop3A_344, %parallel_loop3A_374 : i32
        %parallel_loop3A_376 = arith.index_cast %parallel_loop3A_375 : i32 to index
        %parallel_loop3A_377 = tpu.vector_load %arg18[%parallel_loop3A_376] {strides = array<i32>} : memref<4096xi32, #tpu.memory_space<vmem>>, vector<16xi32>,
        %parallel_loop3A_378 = vector.shape_cast %parallel_loop3A_377 : vector<16xi32> to vector<16xi32>
        %parallel_loop3A_379 = vector.shape_cast %parallel_loop3A_373 : vector<16xi32> to vector<16xi32>
        tpu.vector_store %arg18[%parallel_loop3A_376], %parallel_loop3A_379 {strides = array<i32>} : memref<4096xi32, #tpu.memory_space<vmem>>, vector<16xi32>,
        %parallel_loop3A_380 = arith.xori %parallel_loop3A_326, %parallel_loop3A_334 : vector<16xi32>
        %parallel_loop3A_381 = arith.constant 80 : i32
        %parallel_loop3A_382 = arith.addi %parallel_loop3A_344, %parallel_loop3A_381 : i32
        %parallel_loop3A_383 = arith.index_cast %parallel_loop3A_382 : i32 to index
        %parallel_loop3A_384 = tpu.vector_load %arg18[%parallel_loop3A_383] {strides = array<i32>} : memref<4096xi32, #tpu.memory_space<vmem>>, vector<16xi32>,
        %parallel_loop3A_385 = vector.shape_cast %parallel_loop3A_384 : vector<16xi32> to vector<16xi32>
        %parallel_loop3A_386 = vector.shape_cast %parallel_loop3A_380 : vector<16xi32> to vector<16xi32>
        tpu.vector_store %arg18[%parallel_loop3A_383], %parallel_loop3A_386 {strides = array<i32>} : memref<4096xi32, #tpu.memory_space<vmem>>, vector<16xi32>,
        %parallel_loop3A_387 = arith.xori %parallel_loop3A_326, %parallel_loop3A_338 : vector<16xi32>
        %parallel_loop3A_388 = arith.constant 96 : i32
        %parallel_loop3A_389 = arith.addi %parallel_loop3A_344, %parallel_loop3A_388 : i32
        %parallel_loop3A_390 = arith.index_cast %parallel_loop3A_389 : i32 to index
        %parallel_loop3A_391 = tpu.vector_load %arg18[%parallel_loop3A_390] {strides = array<i32>} : memref<4096xi32, #tpu.memory_space<vmem>>, vector<16xi32>,
        %parallel_loop3A_392 = vector.shape_cast %parallel_loop3A_391 : vector<16xi32> to vector<16xi32>
        %parallel_loop3A_393 = vector.shape_cast %parallel_loop3A_387 : vector<16xi32> to vector<16xi32>
        tpu.vector_store %arg18[%parallel_loop3A_390], %parallel_loop3A_393 {strides = array<i32>} : memref<4096xi32, #tpu.memory_space<vmem>>, vector<16xi32>,
        %parallel_loop3A_394 = arith.xori %parallel_loop3A_326, %parallel_loop3A_342 : vector<16xi32>
        %parallel_loop3A_395 = arith.constant 112 : i32
        %parallel_loop3A_396 = arith.addi %parallel_loop3A_344, %parallel_loop3A_395 : i32
        %parallel_loop3A_397 = arith.index_cast %parallel_loop3A_396 : i32 to index
        %parallel_loop3A_398 = tpu.vector_load %arg18[%parallel_loop3A_397] {strides = array<i32>} : memref<4096xi32, #tpu.memory_space<vmem>>, vector<16xi32>,
        %parallel_loop3A_399 = vector.shape_cast %parallel_loop3A_398 : vector<16xi32> to vector<16xi32>
        %parallel_loop3A_400 = vector.shape_cast %parallel_loop3A_394 : vector<16xi32> to vector<16xi32>
        tpu.vector_store %arg18[%parallel_loop3A_397], %parallel_loop3A_400 {strides = array<i32>} : memref<4096xi32, #tpu.memory_space<vmem>>, vector<16xi32>,
      } {sc.loop_unroll_factor = 2 : i64, sc.parallel_access}
      %dma_start3A = arith.constant 0 : i32
      %dma_start3A_28 = tpu.memref_slice %arg27[%dma_start3A] : memref<524288xf32, #tpu.memory_space<vmem_shared>> -> memref<524288xf32, #tpu.memory_space<vmem_shared>>
      tpu.enqueue_indirect_dma source(%dma_start3A_28 : memref<524288xf32, #tpu.memory_space<vmem_shared>>) target(%arg20 : memref<4096xf32, #tpu.memory_space<vmem>>) offsets(%arg18 : memref<4096xi32, #tpu.memory_space<vmem>>) semaphore(%arg29 : memref<!tpu.dma_semaphore, #tpu.memory_space<semaphore_mem>>)
      %dma_start3A_29 = arith.constant 0 : i32
      %dma_start3A_30 = tpu.memref_slice %arg28[%dma_start3A_29] : memref<524288xf32, #tpu.memory_space<vmem_shared>> -> memref<524288xf32, #tpu.memory_space<vmem_shared>>
      tpu.enqueue_indirect_dma source(%dma_start3A_30 : memref<524288xf32, #tpu.memory_space<vmem_shared>>) target(%arg21 : memref<4096xf32, #tpu.memory_space<vmem>>) offsets(%arg18 : memref<4096xi32, #tpu.memory_space<vmem>>) semaphore(%arg30 : memref<!tpu.dma_semaphore, #tpu.memory_space<semaphore_mem>>)
      %parallel_loop3A_31 = arith.constant 0 : i32
      %parallel_loop3A_32 = arith.constant 32 : i32
      %parallel_loop3A_33 = arith.constant 1 : i32
      scf.for %parallel_loop3A_266 = %parallel_loop3A_31 to %parallel_loop3A_32 step %parallel_loop3A_33  : i32 {
        %parallel_loop3A_267 = arith.constant 16 : i32
        %parallel_loop3A_268 = arith.muli %parallel_loop3A_266, %parallel_loop3A_267 : i32
        %parallel_loop3A_269 = arith.constant 16 : i32
        %parallel_loop3A_270 = arith.muli %parallel_loop3A_266, %parallel_loop3A_269 : i32
        %parallel_loop3A_271 = arith.constant 512 : i32
        %parallel_loop3A_272 = arith.addi %parallel_loop3A_271, %parallel_loop3A_270 : i32
        %parallel_loop3A_273 = arith.index_cast %parallel_loop3A_272 : i32 to index
        %parallel_loop3A_274 = tpu.vector_load %arg9[%parallel_loop3A_273] {strides = array<i32>} : memref<8192xf32, #tpu.memory_space<vmem>>, vector<16xf32>,
        %parallel_loop3A_275 = vector.shape_cast %parallel_loop3A_274 : vector<16xf32> to vector<16xf32>
        %parallel_loop3A_276 = arith.mulf %parallel_loop3A_275, %get3A_21 : vector<16xf32>
        %parallel_loop3A_277 = arith.index_cast %parallel_loop3A_272 : i32 to index
        %parallel_loop3A_278 = tpu.vector_load %arg10[%parallel_loop3A_277] {strides = array<i32>} : memref<8192xf32, #tpu.memory_space<vmem>>, vector<16xf32>,
        %parallel_loop3A_279 = vector.shape_cast %parallel_loop3A_278 : vector<16xf32> to vector<16xf32>
        %parallel_loop3A_280 = arith.mulf %parallel_loop3A_279, %get3A_21 : vector<16xf32>
        %parallel_loop3A_281 = arith.index_cast %parallel_loop3A_272 : i32 to index
        %parallel_loop3A_282 = tpu.vector_load %arg11[%parallel_loop3A_281] {strides = array<i32>} : memref<8192xf32, #tpu.memory_space<vmem>>, vector<16xf32>,
        %parallel_loop3A_283 = vector.shape_cast %parallel_loop3A_282 : vector<16xf32> to vector<16xf32>
        %parallel_loop3A_284 = arith.mulf %parallel_loop3A_283, %get3A_21 : vector<16xf32>
        %parallel_loop3A_285 = arith.fptosi %parallel_loop3A_276 : vector<16xf32> to vector<16xi32>
        %parallel_loop3A_286 = arith.fptosi %parallel_loop3A_280 : vector<16xf32> to vector<16xi32>
        %parallel_loop3A_287 = arith.fptosi %parallel_loop3A_284 : vector<16xf32> to vector<16xi32>
        %parallel_loop3A_288 = arith.sitofp %parallel_loop3A_285 : vector<16xi32> to vector<16xf32>
        %parallel_loop3A_289 = arith.subf %parallel_loop3A_276, %parallel_loop3A_288 : vector<16xf32>
        %parallel_loop3A_290 = arith.index_cast %parallel_loop3A_268 : i32 to index
        %parallel_loop3A_291 = tpu.vector_load %arg15[%parallel_loop3A_290] {strides = array<i32>} : memref<512xf32, #tpu.memory_space<vmem>>, vector<16xf32>,
        %parallel_loop3A_292 = vector.shape_cast %parallel_loop3A_291 : vector<16xf32> to vector<16xf32>
        %parallel_loop3A_293 = vector.shape_cast %parallel_loop3A_289 : vector<16xf32> to vector<16xf32>
        tpu.vector_store %arg15[%parallel_loop3A_290], %parallel_loop3A_293 {strides = array<i32>} : memref<512xf32, #tpu.memory_space<vmem>>, vector<16xf32>,
        %parallel_loop3A_294 = arith.sitofp %parallel_loop3A_286 : vector<16xi32> to vector<16xf32>
        %parallel_loop3A_295 = arith.subf %parallel_loop3A_280, %parallel_loop3A_294 : vector<16xf32>
        %parallel_loop3A_296 = arith.index_cast %parallel_loop3A_268 : i32 to index
        %parallel_loop3A_297 = tpu.vector_load %arg16[%parallel_loop3A_296] {strides = array<i32>} : memref<512xf32, #tpu.memory_space<vmem>>, vector<16xf32>,
        %parallel_loop3A_298 = vector.shape_cast %parallel_loop3A_297 : vector<16xf32> to vector<16xf32>
        %parallel_loop3A_299 = vector.shape_cast %parallel_loop3A_295 : vector<16xf32> to vector<16xf32>
        tpu.vector_store %arg16[%parallel_loop3A_296], %parallel_loop3A_299 {strides = array<i32>} : memref<512xf32, #tpu.memory_space<vmem>>, vector<16xf32>,
        %parallel_loop3A_300 = arith.sitofp %parallel_loop3A_287 : vector<16xi32> to vector<16xf32>
        %parallel_loop3A_301 = arith.subf %parallel_loop3A_284, %parallel_loop3A_300 : vector<16xf32>
        %parallel_loop3A_302 = arith.index_cast %parallel_loop3A_268 : i32 to index
        %parallel_loop3A_303 = tpu.vector_load %arg17[%parallel_loop3A_302] {strides = array<i32>} : memref<512xf32, #tpu.memory_space<vmem>>, vector<16xf32>,
        %parallel_loop3A_304 = vector.shape_cast %parallel_loop3A_303 : vector<16xf32> to vector<16xf32>
        %parallel_loop3A_305 = vector.shape_cast %parallel_loop3A_301 : vector<16xf32> to vector<16xf32>
        tpu.vector_store %arg17[%parallel_loop3A_302], %parallel_loop3A_305 {strides = array<i32>} : memref<512xf32, #tpu.memory_space<vmem>>, vector<16xf32>,
        %parallel_loop3A_306 = arith.constant -1640531535 : i32
        %parallel_loop3A_307 = vector.broadcast %parallel_loop3A_306 : i32 to vector<16xi32>
        %parallel_loop3A_308 = arith.muli %parallel_loop3A_286, %parallel_loop3A_307 : vector<16xi32>
        %parallel_loop3A_309 = arith.constant 805459861 : i32
        %parallel_loop3A_310 = vector.broadcast %parallel_loop3A_309 : i32 to vector<16xi32>
        %parallel_loop3A_311 = arith.muli %parallel_loop3A_287, %parallel_loop3A_310 : vector<16xi32>
        %parallel_loop3A_312 = arith.constant -1640531535 : i32
        %parallel_loop3A_313 = vector.broadcast %parallel_loop3A_312 : i32 to vector<16xi32>
        %parallel_loop3A_314 = arith.addi %parallel_loop3A_308, %parallel_loop3A_313 : vector<16xi32>
        %parallel_loop3A_315 = arith.constant 805459861 : i32
        %parallel_loop3A_316 = vector.broadcast %parallel_loop3A_315 : i32 to vector<16xi32>
        %parallel_loop3A_317 = arith.addi %parallel_loop3A_311, %parallel_loop3A_316 : vector<16xi32>
        %parallel_loop3A_318 = arith.constant 524287 : i32
        %parallel_loop3A_319 = vector.broadcast %parallel_loop3A_318 : i32 to vector<16xi32>
        %parallel_loop3A_320 = arith.andi %parallel_loop3A_285, %parallel_loop3A_319 : vector<16xi32>
        %parallel_loop3A_321 = arith.constant 1 : i32
        %parallel_loop3A_322 = vector.broadcast %parallel_loop3A_321 : i32 to vector<16xi32>
        %parallel_loop3A_323 = arith.addi %parallel_loop3A_285, %parallel_loop3A_322 : vector<16xi32>
        %parallel_loop3A_324 = arith.constant 524287 : i32
        %parallel_loop3A_325 = vector.broadcast %parallel_loop3A_324 : i32 to vector<16xi32>
        %parallel_loop3A_326 = arith.andi %parallel_loop3A_323, %parallel_loop3A_325 : vector<16xi32>
        %parallel_loop3A_327 = arith.xori %parallel_loop3A_308, %parallel_loop3A_311 : vector<16xi32>
        %parallel_loop3A_328 = arith.constant 524287 : i32
        %parallel_loop3A_329 = vector.broadcast %parallel_loop3A_328 : i32 to vector<16xi32>
        %parallel_loop3A_330 = arith.andi %parallel_loop3A_327, %parallel_loop3A_329 : vector<16xi32>
        %parallel_loop3A_331 = arith.xori %parallel_loop3A_308, %parallel_loop3A_317 : vector<16xi32>
        %parallel_loop3A_332 = arith.constant 524287 : i32
        %parallel_loop3A_333 = vector.broadcast %parallel_loop3A_332 : i32 to vector<16xi32>
        %parallel_loop3A_334 = arith.andi %parallel_loop3A_331, %parallel_loop3A_333 : vector<16xi32>
        %parallel_loop3A_335 = arith.xori %parallel_loop3A_314, %parallel_loop3A_311 : vector<16xi32>
        %parallel_loop3A_336 = arith.constant 524287 : i32
        %parallel_loop3A_337 = vector.broadcast %parallel_loop3A_336 : i32 to vector<16xi32>
        %parallel_loop3A_338 = arith.andi %parallel_loop3A_335, %parallel_loop3A_337 : vector<16xi32>
        %parallel_loop3A_339 = arith.xori %parallel_loop3A_314, %parallel_loop3A_317 : vector<16xi32>
        %parallel_loop3A_340 = arith.constant 524287 : i32
        %parallel_loop3A_341 = vector.broadcast %parallel_loop3A_340 : i32 to vector<16xi32>
        %parallel_loop3A_342 = arith.andi %parallel_loop3A_339, %parallel_loop3A_341 : vector<16xi32>
        %parallel_loop3A_343 = arith.constant 128 : i32
        %parallel_loop3A_344 = arith.muli %parallel_loop3A_266, %parallel_loop3A_343 : i32
        %parallel_loop3A_345 = arith.xori %parallel_loop3A_320, %parallel_loop3A_330 : vector<16xi32>
        %parallel_loop3A_346 = arith.constant 0 : i32
        %parallel_loop3A_347 = arith.addi %parallel_loop3A_344, %parallel_loop3A_346 : i32
        %parallel_loop3A_348 = arith.index_cast %parallel_loop3A_347 : i32 to index
        %parallel_loop3A_349 = tpu.vector_load %arg19[%parallel_loop3A_348] {strides = array<i32>} : memref<4096xi32, #tpu.memory_space<vmem>>, vector<16xi32>,
        %parallel_loop3A_350 = vector.shape_cast %parallel_loop3A_349 : vector<16xi32> to vector<16xi32>
        %parallel_loop3A_351 = vector.shape_cast %parallel_loop3A_345 : vector<16xi32> to vector<16xi32>
        tpu.vector_store %arg19[%parallel_loop3A_348], %parallel_loop3A_351 {strides = array<i32>} : memref<4096xi32, #tpu.memory_space<vmem>>, vector<16xi32>,
        %parallel_loop3A_352 = arith.xori %parallel_loop3A_320, %parallel_loop3A_334 : vector<16xi32>
        %parallel_loop3A_353 = arith.constant 16 : i32
        %parallel_loop3A_354 = arith.addi %parallel_loop3A_344, %parallel_loop3A_353 : i32
        %parallel_loop3A_355 = arith.index_cast %parallel_loop3A_354 : i32 to index
        %parallel_loop3A_356 = tpu.vector_load %arg19[%parallel_loop3A_355] {strides = array<i32>} : memref<4096xi32, #tpu.memory_space<vmem>>, vector<16xi32>,
        %parallel_loop3A_357 = vector.shape_cast %parallel_loop3A_356 : vector<16xi32> to vector<16xi32>
        %parallel_loop3A_358 = vector.shape_cast %parallel_loop3A_352 : vector<16xi32> to vector<16xi32>
        tpu.vector_store %arg19[%parallel_loop3A_355], %parallel_loop3A_358 {strides = array<i32>} : memref<4096xi32, #tpu.memory_space<vmem>>, vector<16xi32>,
        %parallel_loop3A_359 = arith.xori %parallel_loop3A_320, %parallel_loop3A_338 : vector<16xi32>
        %parallel_loop3A_360 = arith.constant 32 : i32
        %parallel_loop3A_361 = arith.addi %parallel_loop3A_344, %parallel_loop3A_360 : i32
        %parallel_loop3A_362 = arith.index_cast %parallel_loop3A_361 : i32 to index
        %parallel_loop3A_363 = tpu.vector_load %arg19[%parallel_loop3A_362] {strides = array<i32>} : memref<4096xi32, #tpu.memory_space<vmem>>, vector<16xi32>,
        %parallel_loop3A_364 = vector.shape_cast %parallel_loop3A_363 : vector<16xi32> to vector<16xi32>
        %parallel_loop3A_365 = vector.shape_cast %parallel_loop3A_359 : vector<16xi32> to vector<16xi32>
        tpu.vector_store %arg19[%parallel_loop3A_362], %parallel_loop3A_365 {strides = array<i32>} : memref<4096xi32, #tpu.memory_space<vmem>>, vector<16xi32>,
        %parallel_loop3A_366 = arith.xori %parallel_loop3A_320, %parallel_loop3A_342 : vector<16xi32>
        %parallel_loop3A_367 = arith.constant 48 : i32
        %parallel_loop3A_368 = arith.addi %parallel_loop3A_344, %parallel_loop3A_367 : i32
        %parallel_loop3A_369 = arith.index_cast %parallel_loop3A_368 : i32 to index
        %parallel_loop3A_370 = tpu.vector_load %arg19[%parallel_loop3A_369] {strides = array<i32>} : memref<4096xi32, #tpu.memory_space<vmem>>, vector<16xi32>,
        %parallel_loop3A_371 = vector.shape_cast %parallel_loop3A_370 : vector<16xi32> to vector<16xi32>
        %parallel_loop3A_372 = vector.shape_cast %parallel_loop3A_366 : vector<16xi32> to vector<16xi32>
        tpu.vector_store %arg19[%parallel_loop3A_369], %parallel_loop3A_372 {strides = array<i32>} : memref<4096xi32, #tpu.memory_space<vmem>>, vector<16xi32>,
        %parallel_loop3A_373 = arith.xori %parallel_loop3A_326, %parallel_loop3A_330 : vector<16xi32>
        %parallel_loop3A_374 = arith.constant 64 : i32
        %parallel_loop3A_375 = arith.addi %parallel_loop3A_344, %parallel_loop3A_374 : i32
        %parallel_loop3A_376 = arith.index_cast %parallel_loop3A_375 : i32 to index
        %parallel_loop3A_377 = tpu.vector_load %arg19[%parallel_loop3A_376] {strides = array<i32>} : memref<4096xi32, #tpu.memory_space<vmem>>, vector<16xi32>,
        %parallel_loop3A_378 = vector.shape_cast %parallel_loop3A_377 : vector<16xi32> to vector<16xi32>
        %parallel_loop3A_379 = vector.shape_cast %parallel_loop3A_373 : vector<16xi32> to vector<16xi32>
        tpu.vector_store %arg19[%parallel_loop3A_376], %parallel_loop3A_379 {strides = array<i32>} : memref<4096xi32, #tpu.memory_space<vmem>>, vector<16xi32>,
        %parallel_loop3A_380 = arith.xori %parallel_loop3A_326, %parallel_loop3A_334 : vector<16xi32>
        %parallel_loop3A_381 = arith.constant 80 : i32
        %parallel_loop3A_382 = arith.addi %parallel_loop3A_344, %parallel_loop3A_381 : i32
        %parallel_loop3A_383 = arith.index_cast %parallel_loop3A_382 : i32 to index
        %parallel_loop3A_384 = tpu.vector_load %arg19[%parallel_loop3A_383] {strides = array<i32>} : memref<4096xi32, #tpu.memory_space<vmem>>, vector<16xi32>,
        %parallel_loop3A_385 = vector.shape_cast %parallel_loop3A_384 : vector<16xi32> to vector<16xi32>
        %parallel_loop3A_386 = vector.shape_cast %parallel_loop3A_380 : vector<16xi32> to vector<16xi32>
        tpu.vector_store %arg19[%parallel_loop3A_383], %parallel_loop3A_386 {strides = array<i32>} : memref<4096xi32, #tpu.memory_space<vmem>>, vector<16xi32>,
        %parallel_loop3A_387 = arith.xori %parallel_loop3A_326, %parallel_loop3A_338 : vector<16xi32>
        %parallel_loop3A_388 = arith.constant 96 : i32
        %parallel_loop3A_389 = arith.addi %parallel_loop3A_344, %parallel_loop3A_388 : i32
        %parallel_loop3A_390 = arith.index_cast %parallel_loop3A_389 : i32 to index
        %parallel_loop3A_391 = tpu.vector_load %arg19[%parallel_loop3A_390] {strides = array<i32>} : memref<4096xi32, #tpu.memory_space<vmem>>, vector<16xi32>,
        %parallel_loop3A_392 = vector.shape_cast %parallel_loop3A_391 : vector<16xi32> to vector<16xi32>
        %parallel_loop3A_393 = vector.shape_cast %parallel_loop3A_387 : vector<16xi32> to vector<16xi32>
        tpu.vector_store %arg19[%parallel_loop3A_390], %parallel_loop3A_393 {strides = array<i32>} : memref<4096xi32, #tpu.memory_space<vmem>>, vector<16xi32>,
        %parallel_loop3A_394 = arith.xori %parallel_loop3A_326, %parallel_loop3A_342 : vector<16xi32>
        %parallel_loop3A_395 = arith.constant 112 : i32
        %parallel_loop3A_396 = arith.addi %parallel_loop3A_344, %parallel_loop3A_395 : i32
        %parallel_loop3A_397 = arith.index_cast %parallel_loop3A_396 : i32 to index
        %parallel_loop3A_398 = tpu.vector_load %arg19[%parallel_loop3A_397] {strides = array<i32>} : memref<4096xi32, #tpu.memory_space<vmem>>, vector<16xi32>,
        %parallel_loop3A_399 = vector.shape_cast %parallel_loop3A_398 : vector<16xi32> to vector<16xi32>
        %parallel_loop3A_400 = vector.shape_cast %parallel_loop3A_394 : vector<16xi32> to vector<16xi32>
        tpu.vector_store %arg19[%parallel_loop3A_397], %parallel_loop3A_400 {strides = array<i32>} : memref<4096xi32, #tpu.memory_space<vmem>>, vector<16xi32>,
      } {sc.loop_unroll_factor = 2 : i64, sc.parallel_access}
      %dma_start3A_34 = arith.constant 0 : i32
      %dma_start3A_35 = tpu.memref_slice %arg27[%dma_start3A_34] : memref<524288xf32, #tpu.memory_space<vmem_shared>> -> memref<524288xf32, #tpu.memory_space<vmem_shared>>
      tpu.enqueue_indirect_dma source(%dma_start3A_35 : memref<524288xf32, #tpu.memory_space<vmem_shared>>) target(%arg22 : memref<4096xf32, #tpu.memory_space<vmem>>) offsets(%arg19 : memref<4096xi32, #tpu.memory_space<vmem>>) semaphore(%arg31 : memref<!tpu.dma_semaphore, #tpu.memory_space<semaphore_mem>>)
      %dma_start3A_36 = arith.constant 0 : i32
      %dma_start3A_37 = tpu.memref_slice %arg28[%dma_start3A_36] : memref<524288xf32, #tpu.memory_space<vmem_shared>> -> memref<524288xf32, #tpu.memory_space<vmem_shared>>
      tpu.enqueue_indirect_dma source(%dma_start3A_37 : memref<524288xf32, #tpu.memory_space<vmem_shared>>) target(%arg23 : memref<4096xf32, #tpu.memory_space<vmem>>) offsets(%arg19 : memref<4096xi32, #tpu.memory_space<vmem>>) semaphore(%arg32 : memref<!tpu.dma_semaphore, #tpu.memory_space<semaphore_mem>>)
      %dma_wait3A = arith.constant 0 : i32
      %dma_wait3A_38 = tpu.memref_slice %arg27[%dma_wait3A] : memref<524288xf32, #tpu.memory_space<vmem_shared>> -> memref<524288xf32, #tpu.memory_space<vmem_shared>>
      tpu.wait_indirect_dma semaphore(%arg29 : memref<!tpu.dma_semaphore, #tpu.memory_space<semaphore_mem>>) src(%dma_wait3A_38 : memref<524288xf32, #tpu.memory_space<vmem_shared>>) dst(%arg20 : memref<4096xf32, #tpu.memory_space<vmem>>)
      %dma_wait3A_39 = arith.constant 0 : i32
      %dma_wait3A_40 = tpu.memref_slice %arg28[%dma_wait3A_39] : memref<524288xf32, #tpu.memory_space<vmem_shared>> -> memref<524288xf32, #tpu.memory_space<vmem_shared>>
      tpu.wait_indirect_dma semaphore(%arg30 : memref<!tpu.dma_semaphore, #tpu.memory_space<semaphore_mem>>) src(%dma_wait3A_40 : memref<524288xf32, #tpu.memory_space<vmem_shared>>) dst(%arg21 : memref<4096xf32, #tpu.memory_space<vmem>>)
      %parallel_loop3A_41 = arith.constant 0 : i32
      %parallel_loop3A_42 = arith.constant 32 : i32
      %parallel_loop3A_43 = arith.constant 1 : i32
      scf.for %parallel_loop3A_266 = %parallel_loop3A_41 to %parallel_loop3A_42 step %parallel_loop3A_43  : i32 {
        %parallel_loop3A_267 = arith.constant 16 : i32
        %parallel_loop3A_268 = arith.muli %parallel_loop3A_266, %parallel_loop3A_267 : i32
        %parallel_loop3A_269 = arith.index_cast %parallel_loop3A_268 : i32 to index
        %parallel_loop3A_270 = tpu.vector_load %arg12[%parallel_loop3A_269] {strides = array<i32>} : memref<512xf32, #tpu.memory_space<vmem>>, vector<16xf32>,
        %parallel_loop3A_271 = vector.shape_cast %parallel_loop3A_270 : vector<16xf32> to vector<16xf32>
        %parallel_loop3A_272 = arith.index_cast %parallel_loop3A_268 : i32 to index
        %parallel_loop3A_273 = tpu.vector_load %arg13[%parallel_loop3A_272] {strides = array<i32>} : memref<512xf32, #tpu.memory_space<vmem>>, vector<16xf32>,
        %parallel_loop3A_274 = vector.shape_cast %parallel_loop3A_273 : vector<16xf32> to vector<16xf32>
        %parallel_loop3A_275 = arith.index_cast %parallel_loop3A_268 : i32 to index
        %parallel_loop3A_276 = tpu.vector_load %arg14[%parallel_loop3A_275] {strides = array<i32>} : memref<512xf32, #tpu.memory_space<vmem>>, vector<16xf32>,
        %parallel_loop3A_277 = vector.shape_cast %parallel_loop3A_276 : vector<16xf32> to vector<16xf32>
        %parallel_loop3A_278 = arith.constant 1.000000e+00 : f32
        %parallel_loop3A_279 = vector.broadcast %parallel_loop3A_278 : f32 to vector<16xf32>
        %parallel_loop3A_280 = arith.subf %parallel_loop3A_279, %parallel_loop3A_271 : vector<16xf32>
        %parallel_loop3A_281 = arith.constant 1.000000e+00 : f32
        %parallel_loop3A_282 = vector.broadcast %parallel_loop3A_281 : f32 to vector<16xf32>
        %parallel_loop3A_283 = arith.subf %parallel_loop3A_282, %parallel_loop3A_274 : vector<16xf32>
        %parallel_loop3A_284 = arith.constant 1.000000e+00 : f32
        %parallel_loop3A_285 = vector.broadcast %parallel_loop3A_284 : f32 to vector<16xf32>
        %parallel_loop3A_286 = arith.subf %parallel_loop3A_285, %parallel_loop3A_277 : vector<16xf32>
        %parallel_loop3A_287 = arith.mulf %parallel_loop3A_280, %parallel_loop3A_283 : vector<16xf32>
        %parallel_loop3A_288 = arith.mulf %parallel_loop3A_280, %parallel_loop3A_274 : vector<16xf32>
        %parallel_loop3A_289 = arith.mulf %parallel_loop3A_271, %parallel_loop3A_283 : vector<16xf32>
        %parallel_loop3A_290 = arith.mulf %parallel_loop3A_271, %parallel_loop3A_274 : vector<16xf32>
        %parallel_loop3A_291 = arith.mulf %parallel_loop3A_287, %parallel_loop3A_286 : vector<16xf32>
        %parallel_loop3A_292 = arith.mulf %parallel_loop3A_287, %parallel_loop3A_277 : vector<16xf32>
        %parallel_loop3A_293 = arith.mulf %parallel_loop3A_288, %parallel_loop3A_286 : vector<16xf32>
        %parallel_loop3A_294 = arith.mulf %parallel_loop3A_288, %parallel_loop3A_277 : vector<16xf32>
        %parallel_loop3A_295 = arith.mulf %parallel_loop3A_289, %parallel_loop3A_286 : vector<16xf32>
        %parallel_loop3A_296 = arith.mulf %parallel_loop3A_289, %parallel_loop3A_277 : vector<16xf32>
        %parallel_loop3A_297 = arith.mulf %parallel_loop3A_290, %parallel_loop3A_286 : vector<16xf32>
        %parallel_loop3A_298 = arith.mulf %parallel_loop3A_290, %parallel_loop3A_277 : vector<16xf32>
        %parallel_loop3A_299 = arith.constant 128 : i32
        %parallel_loop3A_300 = arith.muli %parallel_loop3A_266, %parallel_loop3A_299 : i32
        %parallel_loop3A_301 = arith.constant 0 : i32
        %parallel_loop3A_302 = arith.addi %parallel_loop3A_300, %parallel_loop3A_301 : i32
        %parallel_loop3A_303 = arith.index_cast %parallel_loop3A_302 : i32 to index
        %parallel_loop3A_304 = tpu.vector_load %arg20[%parallel_loop3A_303] {strides = array<i32>} : memref<4096xf32, #tpu.memory_space<vmem>>, vector<16xf32>,
        %parallel_loop3A_305 = vector.shape_cast %parallel_loop3A_304 : vector<16xf32> to vector<16xf32>
        %parallel_loop3A_306 = arith.constant 0 : i32
        %parallel_loop3A_307 = arith.addi %parallel_loop3A_300, %parallel_loop3A_306 : i32
        %parallel_loop3A_308 = arith.index_cast %parallel_loop3A_307 : i32 to index
        %parallel_loop3A_309 = tpu.vector_load %arg21[%parallel_loop3A_308] {strides = array<i32>} : memref<4096xf32, #tpu.memory_space<vmem>>, vector<16xf32>,
        %parallel_loop3A_310 = vector.shape_cast %parallel_loop3A_309 : vector<16xf32> to vector<16xf32>
        %parallel_loop3A_311 = arith.mulf %parallel_loop3A_291, %parallel_loop3A_305 : vector<16xf32>
        %parallel_loop3A_312 = arith.mulf %parallel_loop3A_291, %parallel_loop3A_310 : vector<16xf32>
        %parallel_loop3A_313 = arith.constant 16 : i32
        %parallel_loop3A_314 = arith.addi %parallel_loop3A_300, %parallel_loop3A_313 : i32
        %parallel_loop3A_315 = arith.index_cast %parallel_loop3A_314 : i32 to index
        %parallel_loop3A_316 = tpu.vector_load %arg20[%parallel_loop3A_315] {strides = array<i32>} : memref<4096xf32, #tpu.memory_space<vmem>>, vector<16xf32>,
        %parallel_loop3A_317 = vector.shape_cast %parallel_loop3A_316 : vector<16xf32> to vector<16xf32>
        %parallel_loop3A_318 = arith.constant 16 : i32
        %parallel_loop3A_319 = arith.addi %parallel_loop3A_300, %parallel_loop3A_318 : i32
        %parallel_loop3A_320 = arith.index_cast %parallel_loop3A_319 : i32 to index
        %parallel_loop3A_321 = tpu.vector_load %arg21[%parallel_loop3A_320] {strides = array<i32>} : memref<4096xf32, #tpu.memory_space<vmem>>, vector<16xf32>,
        %parallel_loop3A_322 = vector.shape_cast %parallel_loop3A_321 : vector<16xf32> to vector<16xf32>
        %parallel_loop3A_323 = arith.mulf %parallel_loop3A_292, %parallel_loop3A_317 : vector<16xf32>
        %parallel_loop3A_324 = arith.addf %parallel_loop3A_311, %parallel_loop3A_323 : vector<16xf32>
        %parallel_loop3A_325 = arith.mulf %parallel_loop3A_292, %parallel_loop3A_322 : vector<16xf32>
        %parallel_loop3A_326 = arith.addf %parallel_loop3A_312, %parallel_loop3A_325 : vector<16xf32>
        %parallel_loop3A_327 = arith.constant 32 : i32
        %parallel_loop3A_328 = arith.addi %parallel_loop3A_300, %parallel_loop3A_327 : i32
        %parallel_loop3A_329 = arith.index_cast %parallel_loop3A_328 : i32 to index
        %parallel_loop3A_330 = tpu.vector_load %arg20[%parallel_loop3A_329] {strides = array<i32>} : memref<4096xf32, #tpu.memory_space<vmem>>, vector<16xf32>,
        %parallel_loop3A_331 = vector.shape_cast %parallel_loop3A_330 : vector<16xf32> to vector<16xf32>
        %parallel_loop3A_332 = arith.constant 32 : i32
        %parallel_loop3A_333 = arith.addi %parallel_loop3A_300, %parallel_loop3A_332 : i32
        %parallel_loop3A_334 = arith.index_cast %parallel_loop3A_333 : i32 to index
        %parallel_loop3A_335 = tpu.vector_load %arg21[%parallel_loop3A_334] {strides = array<i32>} : memref<4096xf32, #tpu.memory_space<vmem>>, vector<16xf32>,
        %parallel_loop3A_336 = vector.shape_cast %parallel_loop3A_335 : vector<16xf32> to vector<16xf32>
        %parallel_loop3A_337 = arith.mulf %parallel_loop3A_293, %parallel_loop3A_331 : vector<16xf32>
        %parallel_loop3A_338 = arith.addf %parallel_loop3A_324, %parallel_loop3A_337 : vector<16xf32>
        %parallel_loop3A_339 = arith.mulf %parallel_loop3A_293, %parallel_loop3A_336 : vector<16xf32>
        %parallel_loop3A_340 = arith.addf %parallel_loop3A_326, %parallel_loop3A_339 : vector<16xf32>
        %parallel_loop3A_341 = arith.constant 48 : i32
        %parallel_loop3A_342 = arith.addi %parallel_loop3A_300, %parallel_loop3A_341 : i32
        %parallel_loop3A_343 = arith.index_cast %parallel_loop3A_342 : i32 to index
        %parallel_loop3A_344 = tpu.vector_load %arg20[%parallel_loop3A_343] {strides = array<i32>} : memref<4096xf32, #tpu.memory_space<vmem>>, vector<16xf32>,
        %parallel_loop3A_345 = vector.shape_cast %parallel_loop3A_344 : vector<16xf32> to vector<16xf32>
        %parallel_loop3A_346 = arith.constant 48 : i32
        %parallel_loop3A_347 = arith.addi %parallel_loop3A_300, %parallel_loop3A_346 : i32
        %parallel_loop3A_348 = arith.index_cast %parallel_loop3A_347 : i32 to index
        %parallel_loop3A_349 = tpu.vector_load %arg21[%parallel_loop3A_348] {strides = array<i32>} : memref<4096xf32, #tpu.memory_space<vmem>>, vector<16xf32>,
        %parallel_loop3A_350 = vector.shape_cast %parallel_loop3A_349 : vector<16xf32> to vector<16xf32>
        %parallel_loop3A_351 = arith.mulf %parallel_loop3A_294, %parallel_loop3A_345 : vector<16xf32>
        %parallel_loop3A_352 = arith.addf %parallel_loop3A_338, %parallel_loop3A_351 : vector<16xf32>
        %parallel_loop3A_353 = arith.mulf %parallel_loop3A_294, %parallel_loop3A_350 : vector<16xf32>
        %parallel_loop3A_354 = arith.addf %parallel_loop3A_340, %parallel_loop3A_353 : vector<16xf32>
        %parallel_loop3A_355 = arith.constant 64 : i32
        %parallel_loop3A_356 = arith.addi %parallel_loop3A_300, %parallel_loop3A_355 : i32
        %parallel_loop3A_357 = arith.index_cast %parallel_loop3A_356 : i32 to index
        %parallel_loop3A_358 = tpu.vector_load %arg20[%parallel_loop3A_357] {strides = array<i32>} : memref<4096xf32, #tpu.memory_space<vmem>>, vector<16xf32>,
        %parallel_loop3A_359 = vector.shape_cast %parallel_loop3A_358 : vector<16xf32> to vector<16xf32>
        %parallel_loop3A_360 = arith.constant 64 : i32
        %parallel_loop3A_361 = arith.addi %parallel_loop3A_300, %parallel_loop3A_360 : i32
        %parallel_loop3A_362 = arith.index_cast %parallel_loop3A_361 : i32 to index
        %parallel_loop3A_363 = tpu.vector_load %arg21[%parallel_loop3A_362] {strides = array<i32>} : memref<4096xf32, #tpu.memory_space<vmem>>, vector<16xf32>,
        %parallel_loop3A_364 = vector.shape_cast %parallel_loop3A_363 : vector<16xf32> to vector<16xf32>
        %parallel_loop3A_365 = arith.mulf %parallel_loop3A_295, %parallel_loop3A_359 : vector<16xf32>
        %parallel_loop3A_366 = arith.addf %parallel_loop3A_352, %parallel_loop3A_365 : vector<16xf32>
        %parallel_loop3A_367 = arith.mulf %parallel_loop3A_295, %parallel_loop3A_364 : vector<16xf32>
        %parallel_loop3A_368 = arith.addf %parallel_loop3A_354, %parallel_loop3A_367 : vector<16xf32>
        %parallel_loop3A_369 = arith.constant 80 : i32
        %parallel_loop3A_370 = arith.addi %parallel_loop3A_300, %parallel_loop3A_369 : i32
        %parallel_loop3A_371 = arith.index_cast %parallel_loop3A_370 : i32 to index
        %parallel_loop3A_372 = tpu.vector_load %arg20[%parallel_loop3A_371] {strides = array<i32>} : memref<4096xf32, #tpu.memory_space<vmem>>, vector<16xf32>,
        %parallel_loop3A_373 = vector.shape_cast %parallel_loop3A_372 : vector<16xf32> to vector<16xf32>
        %parallel_loop3A_374 = arith.constant 80 : i32
        %parallel_loop3A_375 = arith.addi %parallel_loop3A_300, %parallel_loop3A_374 : i32
        %parallel_loop3A_376 = arith.index_cast %parallel_loop3A_375 : i32 to index
        %parallel_loop3A_377 = tpu.vector_load %arg21[%parallel_loop3A_376] {strides = array<i32>} : memref<4096xf32, #tpu.memory_space<vmem>>, vector<16xf32>,
        %parallel_loop3A_378 = vector.shape_cast %parallel_loop3A_377 : vector<16xf32> to vector<16xf32>
        %parallel_loop3A_379 = arith.mulf %parallel_loop3A_296, %parallel_loop3A_373 : vector<16xf32>
        %parallel_loop3A_380 = arith.addf %parallel_loop3A_366, %parallel_loop3A_379 : vector<16xf32>
        %parallel_loop3A_381 = arith.mulf %parallel_loop3A_296, %parallel_loop3A_378 : vector<16xf32>
        %parallel_loop3A_382 = arith.addf %parallel_loop3A_368, %parallel_loop3A_381 : vector<16xf32>
        %parallel_loop3A_383 = arith.constant 96 : i32
        %parallel_loop3A_384 = arith.addi %parallel_loop3A_300, %parallel_loop3A_383 : i32
        %parallel_loop3A_385 = arith.index_cast %parallel_loop3A_384 : i32 to index
        %parallel_loop3A_386 = tpu.vector_load %arg20[%parallel_loop3A_385] {strides = array<i32>} : memref<4096xf32, #tpu.memory_space<vmem>>, vector<16xf32>,
        %parallel_loop3A_387 = vector.shape_cast %parallel_loop3A_386 : vector<16xf32> to vector<16xf32>
        %parallel_loop3A_388 = arith.constant 96 : i32
        %parallel_loop3A_389 = arith.addi %parallel_loop3A_300, %parallel_loop3A_388 : i32
        %parallel_loop3A_390 = arith.index_cast %parallel_loop3A_389 : i32 to index
        %parallel_loop3A_391 = tpu.vector_load %arg21[%parallel_loop3A_390] {strides = array<i32>} : memref<4096xf32, #tpu.memory_space<vmem>>, vector<16xf32>,
        %parallel_loop3A_392 = vector.shape_cast %parallel_loop3A_391 : vector<16xf32> to vector<16xf32>
        %parallel_loop3A_393 = arith.mulf %parallel_loop3A_297, %parallel_loop3A_387 : vector<16xf32>
        %parallel_loop3A_394 = arith.addf %parallel_loop3A_380, %parallel_loop3A_393 : vector<16xf32>
        %parallel_loop3A_395 = arith.mulf %parallel_loop3A_297, %parallel_loop3A_392 : vector<16xf32>
        %parallel_loop3A_396 = arith.addf %parallel_loop3A_382, %parallel_loop3A_395 : vector<16xf32>
        %parallel_loop3A_397 = arith.constant 112 : i32
        %parallel_loop3A_398 = arith.addi %parallel_loop3A_300, %parallel_loop3A_397 : i32
        %parallel_loop3A_399 = arith.index_cast %parallel_loop3A_398 : i32 to index
        %parallel_loop3A_400 = tpu.vector_load %arg20[%parallel_loop3A_399] {strides = array<i32>} : memref<4096xf32, #tpu.memory_space<vmem>>, vector<16xf32>,
        %parallel_loop3A_401 = vector.shape_cast %parallel_loop3A_400 : vector<16xf32> to vector<16xf32>
        %parallel_loop3A_402 = arith.constant 112 : i32
        %parallel_loop3A_403 = arith.addi %parallel_loop3A_300, %parallel_loop3A_402 : i32
        %parallel_loop3A_404 = arith.index_cast %parallel_loop3A_403 : i32 to index
        %parallel_loop3A_405 = tpu.vector_load %arg21[%parallel_loop3A_404] {strides = array<i32>} : memref<4096xf32, #tpu.memory_space<vmem>>, vector<16xf32>,
        %parallel_loop3A_406 = vector.shape_cast %parallel_loop3A_405 : vector<16xf32> to vector<16xf32>
        %parallel_loop3A_407 = arith.mulf %parallel_loop3A_298, %parallel_loop3A_401 : vector<16xf32>
        %parallel_loop3A_408 = arith.addf %parallel_loop3A_394, %parallel_loop3A_407 : vector<16xf32>
        %parallel_loop3A_409 = arith.mulf %parallel_loop3A_298, %parallel_loop3A_406 : vector<16xf32>
        %parallel_loop3A_410 = arith.addf %parallel_loop3A_396, %parallel_loop3A_409 : vector<16xf32>
        %parallel_loop3A_411 = arith.constant 0 : i32
        %parallel_loop3A_412 = arith.index_cast %parallel_loop3A_411 : i32 to index
        %parallel_loop3A_413 = arith.index_cast %parallel_loop3A_268 : i32 to index
        %parallel_loop3A_414 = tpu.vector_load %arg24[%parallel_loop3A_412, %parallel_loop3A_413] {strides = array<i32>} : memref<2x512xf32, #tpu.memory_space<vmem>>, vector<1x16xf32>,
        %parallel_loop3A_415 = vector.shape_cast %parallel_loop3A_414 : vector<1x16xf32> to vector<16xf32>
        %parallel_loop3A_416 = vector.shape_cast %parallel_loop3A_408 : vector<16xf32> to vector<1x16xf32>
        tpu.vector_store %arg24[%parallel_loop3A_412, %parallel_loop3A_413], %parallel_loop3A_416 {strides = array<i32>} : memref<2x512xf32, #tpu.memory_space<vmem>>, vector<1x16xf32>,
        %parallel_loop3A_417 = arith.constant 1 : i32
        %parallel_loop3A_418 = arith.index_cast %parallel_loop3A_417 : i32 to index
        %parallel_loop3A_419 = arith.index_cast %parallel_loop3A_268 : i32 to index
        %parallel_loop3A_420 = tpu.vector_load %arg24[%parallel_loop3A_418, %parallel_loop3A_419] {strides = array<i32>} : memref<2x512xf32, #tpu.memory_space<vmem>>, vector<1x16xf32>,
        %parallel_loop3A_421 = vector.shape_cast %parallel_loop3A_420 : vector<1x16xf32> to vector<16xf32>
        %parallel_loop3A_422 = vector.shape_cast %parallel_loop3A_410 : vector<16xf32> to vector<1x16xf32>
        tpu.vector_store %arg24[%parallel_loop3A_418, %parallel_loop3A_419], %parallel_loop3A_422 {strides = array<i32>} : memref<2x512xf32, #tpu.memory_space<vmem>>, vector<1x16xf32>,
      } {sc.loop_unroll_factor = 2 : i64, sc.parallel_access}
      %add3A_44 = arith.addi %mul3A_25, %mul3A_2 : i32
      %add3A_45 = arith.constant 0 : i32
      %add3A_46 = arith.addi %add3A_44, %add3A_45 : i32
      %dma_start3A_47 = arith.constant 0 : i32
      %dma_start3A_48 = arith.constant 0 : i32
      %dma_start3A_49 = tpu.memref_slice %arg24[%dma_start3A_47, %dma_start3A_48] : memref<2x512xf32, #tpu.memory_space<vmem>> -> memref<1x512xf32, #tpu.memory_space<vmem>>
      %dma_start3A_50 = tpu.memref_squeeze %dma_start3A_49 : memref<1x512xf32, #tpu.memory_space<vmem>> -> memref<512xf32, #tpu.memory_space<vmem>>
      %dma_start3A_51 = tpu.memref_slice %arg8[%add3A_46] : memref<8388608xf32, #tpu.memory_space<hbm>> -> memref<512xf32, #tpu.memory_space<hbm>>
      %dma_start3A_52 = tpu.memref_slice %arg8[%add3A_46] : memref<8388608xf32, #tpu.memory_space<hbm>> -> memref<512xf32, #tpu.memory_space<hbm>>
      %dma_start3A_53 = arith.constant 0 : i32
      %dma_start3A_54 = tpu.memref_slice %arg24[%dma_start3A_47, %dma_start3A_53] : memref<2x512xf32, #tpu.memory_space<vmem>> -> memref<1x512xf32, #tpu.memory_space<vmem>>
      %dma_start3A_55 = tpu.memref_squeeze %dma_start3A_54 : memref<1x512xf32, #tpu.memory_space<vmem>> -> memref<512xf32, #tpu.memory_space<vmem>>
      tpu.enqueue_dma source(%dma_start3A_55 : memref<512xf32, #tpu.memory_space<vmem>>) target(%dma_start3A_52 : memref<512xf32, #tpu.memory_space<hbm>>) target_semaphore(%arg33 : memref<!tpu.dma_semaphore, #tpu.memory_space<semaphore_mem>>)
      %add3A_56 = arith.constant 262144 : i32
      %add3A_57 = arith.addi %add3A_46, %add3A_56 : i32
      %dma_start3A_58 = arith.constant 1 : i32
      %dma_start3A_59 = arith.constant 0 : i32
      %dma_start3A_60 = tpu.memref_slice %arg24[%dma_start3A_58, %dma_start3A_59] : memref<2x512xf32, #tpu.memory_space<vmem>> -> memref<1x512xf32, #tpu.memory_space<vmem>>
      %dma_start3A_61 = tpu.memref_squeeze %dma_start3A_60 : memref<1x512xf32, #tpu.memory_space<vmem>> -> memref<512xf32, #tpu.memory_space<vmem>>
      %dma_start3A_62 = tpu.memref_slice %arg8[%add3A_57] : memref<8388608xf32, #tpu.memory_space<hbm>> -> memref<512xf32, #tpu.memory_space<hbm>>
      %dma_start3A_63 = tpu.memref_slice %arg8[%add3A_57] : memref<8388608xf32, #tpu.memory_space<hbm>> -> memref<512xf32, #tpu.memory_space<hbm>>
      %dma_start3A_64 = arith.constant 0 : i32
      %dma_start3A_65 = tpu.memref_slice %arg24[%dma_start3A_58, %dma_start3A_64] : memref<2x512xf32, #tpu.memory_space<vmem>> -> memref<1x512xf32, #tpu.memory_space<vmem>>
      %dma_start3A_66 = tpu.memref_squeeze %dma_start3A_65 : memref<1x512xf32, #tpu.memory_space<vmem>> -> memref<512xf32, #tpu.memory_space<vmem>>
      tpu.enqueue_dma source(%dma_start3A_66 : memref<512xf32, #tpu.memory_space<vmem>>) target(%dma_start3A_63 : memref<512xf32, #tpu.memory_space<hbm>>) target_semaphore(%arg33 : memref<!tpu.dma_semaphore, #tpu.memory_space<semaphore_mem>>)
      %parallel_loop3A_67 = arith.constant 0 : i32
      %parallel_loop3A_68 = arith.constant 32 : i32
      %parallel_loop3A_69 = arith.constant 1 : i32
      scf.for %parallel_loop3A_266 = %parallel_loop3A_67 to %parallel_loop3A_68 step %parallel_loop3A_69  : i32 {
        %parallel_loop3A_267 = arith.constant 16 : i32
        %parallel_loop3A_268 = arith.muli %parallel_loop3A_266, %parallel_loop3A_267 : i32
        %parallel_loop3A_269 = arith.constant 16 : i32
        %parallel_loop3A_270 = arith.muli %parallel_loop3A_266, %parallel_loop3A_269 : i32
        %parallel_loop3A_271 = arith.constant 1024 : i32
        %parallel_loop3A_272 = arith.addi %parallel_loop3A_271, %parallel_loop3A_270 : i32
        %parallel_loop3A_273 = arith.index_cast %parallel_loop3A_272 : i32 to index
        %parallel_loop3A_274 = tpu.vector_load %arg9[%parallel_loop3A_273] {strides = array<i32>} : memref<8192xf32, #tpu.memory_space<vmem>>, vector<16xf32>,
        %parallel_loop3A_275 = vector.shape_cast %parallel_loop3A_274 : vector<16xf32> to vector<16xf32>
        %parallel_loop3A_276 = arith.mulf %parallel_loop3A_275, %get3A_21 : vector<16xf32>
        %parallel_loop3A_277 = arith.index_cast %parallel_loop3A_272 : i32 to index
        %parallel_loop3A_278 = tpu.vector_load %arg10[%parallel_loop3A_277] {strides = array<i32>} : memref<8192xf32, #tpu.memory_space<vmem>>, vector<16xf32>,
        %parallel_loop3A_279 = vector.shape_cast %parallel_loop3A_278 : vector<16xf32> to vector<16xf32>
        %parallel_loop3A_280 = arith.mulf %parallel_loop3A_279, %get3A_21 : vector<16xf32>
        %parallel_loop3A_281 = arith.index_cast %parallel_loop3A_272 : i32 to index
        %parallel_loop3A_282 = tpu.vector_load %arg11[%parallel_loop3A_281] {strides = array<i32>} : memref<8192xf32, #tpu.memory_space<vmem>>, vector<16xf32>,
        %parallel_loop3A_283 = vector.shape_cast %parallel_loop3A_282 : vector<16xf32> to vector<16xf32>
        %parallel_loop3A_284 = arith.mulf %parallel_loop3A_283, %get3A_21 : vector<16xf32>
        %parallel_loop3A_285 = arith.fptosi %parallel_loop3A_276 : vector<16xf32> to vector<16xi32>
        %parallel_loop3A_286 = arith.fptosi %parallel_loop3A_280 : vector<16xf32> to vector<16xi32>
        %parallel_loop3A_287 = arith.fptosi %parallel_loop3A_284 : vector<16xf32> to vector<16xi32>
        %parallel_loop3A_288 = arith.sitofp %parallel_loop3A_285 : vector<16xi32> to vector<16xf32>
        %parallel_loop3A_289 = arith.subf %parallel_loop3A_276, %parallel_loop3A_288 : vector<16xf32>
        %parallel_loop3A_290 = arith.index_cast %parallel_loop3A_268 : i32 to index
        %parallel_loop3A_291 = tpu.vector_load %arg12[%parallel_loop3A_290] {strides = array<i32>} : memref<512xf32, #tpu.memory_space<vmem>>, vector<16xf32>,
        %parallel_loop3A_292 = vector.shape_cast %parallel_loop3A_291 : vector<16xf32> to vector<16xf32>
        %parallel_loop3A_293 = vector.shape_cast %parallel_loop3A_289 : vector<16xf32> to vector<16xf32>
        tpu.vector_store %arg12[%parallel_loop3A_290], %parallel_loop3A_293 {strides = array<i32>} : memref<512xf32, #tpu.memory_space<vmem>>, vector<16xf32>,
        %parallel_loop3A_294 = arith.sitofp %parallel_loop3A_286 : vector<16xi32> to vector<16xf32>
        %parallel_loop3A_295 = arith.subf %parallel_loop3A_280, %parallel_loop3A_294 : vector<16xf32>
        %parallel_loop3A_296 = arith.index_cast %parallel_loop3A_268 : i32 to index
        %parallel_loop3A_297 = tpu.vector_load %arg13[%parallel_loop3A_296] {strides = array<i32>} : memref<512xf32, #tpu.memory_space<vmem>>, vector<16xf32>,
        %parallel_loop3A_298 = vector.shape_cast %parallel_loop3A_297 : vector<16xf32> to vector<16xf32>
        %parallel_loop3A_299 = vector.shape_cast %parallel_loop3A_295 : vector<16xf32> to vector<16xf32>
        tpu.vector_store %arg13[%parallel_loop3A_296], %parallel_loop3A_299 {strides = array<i32>} : memref<512xf32, #tpu.memory_space<vmem>>, vector<16xf32>,
        %parallel_loop3A_300 = arith.sitofp %parallel_loop3A_287 : vector<16xi32> to vector<16xf32>
        %parallel_loop3A_301 = arith.subf %parallel_loop3A_284, %parallel_loop3A_300 : vector<16xf32>
        %parallel_loop3A_302 = arith.index_cast %parallel_loop3A_268 : i32 to index
        %parallel_loop3A_303 = tpu.vector_load %arg14[%parallel_loop3A_302] {strides = array<i32>} : memref<512xf32, #tpu.memory_space<vmem>>, vector<16xf32>,
        %parallel_loop3A_304 = vector.shape_cast %parallel_loop3A_303 : vector<16xf32> to vector<16xf32>
        %parallel_loop3A_305 = vector.shape_cast %parallel_loop3A_301 : vector<16xf32> to vector<16xf32>
        tpu.vector_store %arg14[%parallel_loop3A_302], %parallel_loop3A_305 {strides = array<i32>} : memref<512xf32, #tpu.memory_space<vmem>>, vector<16xf32>,
        %parallel_loop3A_306 = arith.constant -1640531535 : i32
        %parallel_loop3A_307 = vector.broadcast %parallel_loop3A_306 : i32 to vector<16xi32>
        %parallel_loop3A_308 = arith.muli %parallel_loop3A_286, %parallel_loop3A_307 : vector<16xi32>
        %parallel_loop3A_309 = arith.constant 805459861 : i32
        %parallel_loop3A_310 = vector.broadcast %parallel_loop3A_309 : i32 to vector<16xi32>
        %parallel_loop3A_311 = arith.muli %parallel_loop3A_287, %parallel_loop3A_310 : vector<16xi32>
        %parallel_loop3A_312 = arith.constant -1640531535 : i32
        %parallel_loop3A_313 = vector.broadcast %parallel_loop3A_312 : i32 to vector<16xi32>
        %parallel_loop3A_314 = arith.addi %parallel_loop3A_308, %parallel_loop3A_313 : vector<16xi32>
        %parallel_loop3A_315 = arith.constant 805459861 : i32
        %parallel_loop3A_316 = vector.broadcast %parallel_loop3A_315 : i32 to vector<16xi32>
        %parallel_loop3A_317 = arith.addi %parallel_loop3A_311, %parallel_loop3A_316 : vector<16xi32>
        %parallel_loop3A_318 = arith.constant 524287 : i32
        %parallel_loop3A_319 = vector.broadcast %parallel_loop3A_318 : i32 to vector<16xi32>
        %parallel_loop3A_320 = arith.andi %parallel_loop3A_285, %parallel_loop3A_319 : vector<16xi32>
        %parallel_loop3A_321 = arith.constant 1 : i32
        %parallel_loop3A_322 = vector.broadcast %parallel_loop3A_321 : i32 to vector<16xi32>
        %parallel_loop3A_323 = arith.addi %parallel_loop3A_285, %parallel_loop3A_322 : vector<16xi32>
        %parallel_loop3A_324 = arith.constant 524287 : i32
        %parallel_loop3A_325 = vector.broadcast %parallel_loop3A_324 : i32 to vector<16xi32>
        %parallel_loop3A_326 = arith.andi %parallel_loop3A_323, %parallel_loop3A_325 : vector<16xi32>
        %parallel_loop3A_327 = arith.xori %parallel_loop3A_308, %parallel_loop3A_311 : vector<16xi32>
        %parallel_loop3A_328 = arith.constant 524287 : i32
        %parallel_loop3A_329 = vector.broadcast %parallel_loop3A_328 : i32 to vector<16xi32>
        %parallel_loop3A_330 = arith.andi %parallel_loop3A_327, %parallel_loop3A_329 : vector<16xi32>
        %parallel_loop3A_331 = arith.xori %parallel_loop3A_308, %parallel_loop3A_317 : vector<16xi32>
        %parallel_loop3A_332 = arith.constant 524287 : i32
        %parallel_loop3A_333 = vector.broadcast %parallel_loop3A_332 : i32 to vector<16xi32>
        %parallel_loop3A_334 = arith.andi %parallel_loop3A_331, %parallel_loop3A_333 : vector<16xi32>
        %parallel_loop3A_335 = arith.xori %parallel_loop3A_314, %parallel_loop3A_311 : vector<16xi32>
        %parallel_loop3A_336 = arith.constant 524287 : i32
        %parallel_loop3A_337 = vector.broadcast %parallel_loop3A_336 : i32 to vector<16xi32>
        %parallel_loop3A_338 = arith.andi %parallel_loop3A_335, %parallel_loop3A_337 : vector<16xi32>
        %parallel_loop3A_339 = arith.xori %parallel_loop3A_314, %parallel_loop3A_317 : vector<16xi32>
        %parallel_loop3A_340 = arith.constant 524287 : i32
        %parallel_loop3A_341 = vector.broadcast %parallel_loop3A_340 : i32 to vector<16xi32>
        %parallel_loop3A_342 = arith.andi %parallel_loop3A_339, %parallel_loop3A_341 : vector<16xi32>
        %parallel_loop3A_343 = arith.constant 128 : i32
        %parallel_loop3A_344 = arith.muli %parallel_loop3A_266, %parallel_loop3A_343 : i32
        %parallel_loop3A_345 = arith.xori %parallel_loop3A_320, %parallel_loop3A_330 : vector<16xi32>
        %parallel_loop3A_346 = arith.constant 0 : i32
        %parallel_loop3A_347 = arith.addi %parallel_loop3A_344, %parallel_loop3A_346 : i32
        %parallel_loop3A_348 = arith.index_cast %parallel_loop3A_347 : i32 to index
        %parallel_loop3A_349 = tpu.vector_load %arg18[%parallel_loop3A_348] {strides = array<i32>} : memref<4096xi32, #tpu.memory_space<vmem>>, vector<16xi32>,
        %parallel_loop3A_350 = vector.shape_cast %parallel_loop3A_349 : vector<16xi32> to vector<16xi32>
        %parallel_loop3A_351 = vector.shape_cast %parallel_loop3A_345 : vector<16xi32> to vector<16xi32>
        tpu.vector_store %arg18[%parallel_loop3A_348], %parallel_loop3A_351 {strides = array<i32>} : memref<4096xi32, #tpu.memory_space<vmem>>, vector<16xi32>,
        %parallel_loop3A_352 = arith.xori %parallel_loop3A_320, %parallel_loop3A_334 : vector<16xi32>
        %parallel_loop3A_353 = arith.constant 16 : i32
        %parallel_loop3A_354 = arith.addi %parallel_loop3A_344, %parallel_loop3A_353 : i32
        %parallel_loop3A_355 = arith.index_cast %parallel_loop3A_354 : i32 to index
        %parallel_loop3A_356 = tpu.vector_load %arg18[%parallel_loop3A_355] {strides = array<i32>} : memref<4096xi32, #tpu.memory_space<vmem>>, vector<16xi32>,
        %parallel_loop3A_357 = vector.shape_cast %parallel_loop3A_356 : vector<16xi32> to vector<16xi32>
        %parallel_loop3A_358 = vector.shape_cast %parallel_loop3A_352 : vector<16xi32> to vector<16xi32>
        tpu.vector_store %arg18[%parallel_loop3A_355], %parallel_loop3A_358 {strides = array<i32>} : memref<4096xi32, #tpu.memory_space<vmem>>, vector<16xi32>,
        %parallel_loop3A_359 = arith.xori %parallel_loop3A_320, %parallel_loop3A_338 : vector<16xi32>
        %parallel_loop3A_360 = arith.constant 32 : i32
        %parallel_loop3A_361 = arith.addi %parallel_loop3A_344, %parallel_loop3A_360 : i32
        %parallel_loop3A_362 = arith.index_cast %parallel_loop3A_361 : i32 to index
        %parallel_loop3A_363 = tpu.vector_load %arg18[%parallel_loop3A_362] {strides = array<i32>} : memref<4096xi32, #tpu.memory_space<vmem>>, vector<16xi32>,
        %parallel_loop3A_364 = vector.shape_cast %parallel_loop3A_363 : vector<16xi32> to vector<16xi32>
        %parallel_loop3A_365 = vector.shape_cast %parallel_loop3A_359 : vector<16xi32> to vector<16xi32>
        tpu.vector_store %arg18[%parallel_loop3A_362], %parallel_loop3A_365 {strides = array<i32>} : memref<4096xi32, #tpu.memory_space<vmem>>, vector<16xi32>,
        %parallel_loop3A_366 = arith.xori %parallel_loop3A_320, %parallel_loop3A_342 : vector<16xi32>
        %parallel_loop3A_367 = arith.constant 48 : i32
        %parallel_loop3A_368 = arith.addi %parallel_loop3A_344, %parallel_loop3A_367 : i32
        %parallel_loop3A_369 = arith.index_cast %parallel_loop3A_368 : i32 to index
        %parallel_loop3A_370 = tpu.vector_load %arg18[%parallel_loop3A_369] {strides = array<i32>} : memref<4096xi32, #tpu.memory_space<vmem>>, vector<16xi32>,
        %parallel_loop3A_371 = vector.shape_cast %parallel_loop3A_370 : vector<16xi32> to vector<16xi32>
        %parallel_loop3A_372 = vector.shape_cast %parallel_loop3A_366 : vector<16xi32> to vector<16xi32>
        tpu.vector_store %arg18[%parallel_loop3A_369], %parallel_loop3A_372 {strides = array<i32>} : memref<4096xi32, #tpu.memory_space<vmem>>, vector<16xi32>,
        %parallel_loop3A_373 = arith.xori %parallel_loop3A_326, %parallel_loop3A_330 : vector<16xi32>
        %parallel_loop3A_374 = arith.constant 64 : i32
        %parallel_loop3A_375 = arith.addi %parallel_loop3A_344, %parallel_loop3A_374 : i32
        %parallel_loop3A_376 = arith.index_cast %parallel_loop3A_375 : i32 to index
        %parallel_loop3A_377 = tpu.vector_load %arg18[%parallel_loop3A_376] {strides = array<i32>} : memref<4096xi32, #tpu.memory_space<vmem>>, vector<16xi32>,
        %parallel_loop3A_378 = vector.shape_cast %parallel_loop3A_377 : vector<16xi32> to vector<16xi32>
        %parallel_loop3A_379 = vector.shape_cast %parallel_loop3A_373 : vector<16xi32> to vector<16xi32>
        tpu.vector_store %arg18[%parallel_loop3A_376], %parallel_loop3A_379 {strides = array<i32>} : memref<4096xi32, #tpu.memory_space<vmem>>, vector<16xi32>,
        %parallel_loop3A_380 = arith.xori %parallel_loop3A_326, %parallel_loop3A_334 : vector<16xi32>
        %parallel_loop3A_381 = arith.constant 80 : i32
        %parallel_loop3A_382 = arith.addi %parallel_loop3A_344, %parallel_loop3A_381 : i32
        %parallel_loop3A_383 = arith.index_cast %parallel_loop3A_382 : i32 to index
        %parallel_loop3A_384 = tpu.vector_load %arg18[%parallel_loop3A_383] {strides = array<i32>} : memref<4096xi32, #tpu.memory_space<vmem>>, vector<16xi32>,
        %parallel_loop3A_385 = vector.shape_cast %parallel_loop3A_384 : vector<16xi32> to vector<16xi32>
        %parallel_loop3A_386 = vector.shape_cast %parallel_loop3A_380 : vector<16xi32> to vector<16xi32>
        tpu.vector_store %arg18[%parallel_loop3A_383], %parallel_loop3A_386 {strides = array<i32>} : memref<4096xi32, #tpu.memory_space<vmem>>, vector<16xi32>,
        %parallel_loop3A_387 = arith.xori %parallel_loop3A_326, %parallel_loop3A_338 : vector<16xi32>
        %parallel_loop3A_388 = arith.constant 96 : i32
        %parallel_loop3A_389 = arith.addi %parallel_loop3A_344, %parallel_loop3A_388 : i32
        %parallel_loop3A_390 = arith.index_cast %parallel_loop3A_389 : i32 to index
        %parallel_loop3A_391 = tpu.vector_load %arg18[%parallel_loop3A_390] {strides = array<i32>} : memref<4096xi32, #tpu.memory_space<vmem>>, vector<16xi32>,
        %parallel_loop3A_392 = vector.shape_cast %parallel_loop3A_391 : vector<16xi32> to vector<16xi32>
        %parallel_loop3A_393 = vector.shape_cast %parallel_loop3A_387 : vector<16xi32> to vector<16xi32>
        tpu.vector_store %arg18[%parallel_loop3A_390], %parallel_loop3A_393 {strides = array<i32>} : memref<4096xi32, #tpu.memory_space<vmem>>, vector<16xi32>,
        %parallel_loop3A_394 = arith.xori %parallel_loop3A_326, %parallel_loop3A_342 : vector<16xi32>
        %parallel_loop3A_395 = arith.constant 112 : i32
        %parallel_loop3A_396 = arith.addi %parallel_loop3A_344, %parallel_loop3A_395 : i32
        %parallel_loop3A_397 = arith.index_cast %parallel_loop3A_396 : i32 to index
        %parallel_loop3A_398 = tpu.vector_load %arg18[%parallel_loop3A_397] {strides = array<i32>} : memref<4096xi32, #tpu.memory_space<vmem>>, vector<16xi32>,
        %parallel_loop3A_399 = vector.shape_cast %parallel_loop3A_398 : vector<16xi32> to vector<16xi32>
        %parallel_loop3A_400 = vector.shape_cast %parallel_loop3A_394 : vector<16xi32> to vector<16xi32>
        tpu.vector_store %arg18[%parallel_loop3A_397], %parallel_loop3A_400 {strides = array<i32>} : memref<4096xi32, #tpu.memory_space<vmem>>, vector<16xi32>,
      } {sc.loop_unroll_factor = 2 : i64, sc.parallel_access}
      %dma_start3A_70 = arith.constant 0 : i32
      %dma_start3A_71 = tpu.memref_slice %arg27[%dma_start3A_70] : memref<524288xf32, #tpu.memory_space<vmem_shared>> -> memref<524288xf32, #tpu.memory_space<vmem_shared>>
      tpu.enqueue_indirect_dma source(%dma_start3A_71 : memref<524288xf32, #tpu.memory_space<vmem_shared>>) target(%arg20 : memref<4096xf32, #tpu.memory_space<vmem>>) offsets(%arg18 : memref<4096xi32, #tpu.memory_space<vmem>>) semaphore(%arg29 : memref<!tpu.dma_semaphore, #tpu.memory_space<semaphore_mem>>)
      %dma_start3A_72 = arith.constant 0 : i32
      %dma_start3A_73 = tpu.memref_slice %arg28[%dma_start3A_72] : memref<524288xf32, #tpu.memory_space<vmem_shared>> -> memref<524288xf32, #tpu.memory_space<vmem_shared>>
      tpu.enqueue_indirect_dma source(%dma_start3A_73 : memref<524288xf32, #tpu.memory_space<vmem_shared>>) target(%arg21 : memref<4096xf32, #tpu.memory_space<vmem>>) offsets(%arg18 : memref<4096xi32, #tpu.memory_space<vmem>>) semaphore(%arg30 : memref<!tpu.dma_semaphore, #tpu.memory_space<semaphore_mem>>)
      %dma_wait3A_74 = arith.constant 0 : i32
      %dma_wait3A_75 = tpu.memref_slice %arg27[%dma_wait3A_74] : memref<524288xf32, #tpu.memory_space<vmem_shared>> -> memref<524288xf32, #tpu.memory_space<vmem_shared>>
      tpu.wait_indirect_dma semaphore(%arg31 : memref<!tpu.dma_semaphore, #tpu.memory_space<semaphore_mem>>) src(%dma_wait3A_75 : memref<524288xf32, #tpu.memory_space<vmem_shared>>) dst(%arg22 : memref<4096xf32, #tpu.memory_space<vmem>>)
      %dma_wait3A_76 = arith.constant 0 : i32
      %dma_wait3A_77 = tpu.memref_slice %arg28[%dma_wait3A_76] : memref<524288xf32, #tpu.memory_space<vmem_shared>> -> memref<524288xf32, #tpu.memory_space<vmem_shared>>
      tpu.wait_indirect_dma semaphore(%arg32 : memref<!tpu.dma_semaphore, #tpu.memory_space<semaphore_mem>>) src(%dma_wait3A_77 : memref<524288xf32, #tpu.memory_space<vmem_shared>>) dst(%arg23 : memref<4096xf32, #tpu.memory_space<vmem>>)
      %parallel_loop3A_78 = arith.constant 0 : i32
      %parallel_loop3A_79 = arith.constant 32 : i32
      %parallel_loop3A_80 = arith.constant 1 : i32
      scf.for %parallel_loop3A_266 = %parallel_loop3A_78 to %parallel_loop3A_79 step %parallel_loop3A_80  : i32 {
        %parallel_loop3A_267 = arith.constant 16 : i32
        %parallel_loop3A_268 = arith.muli %parallel_loop3A_266, %parallel_loop3A_267 : i32
        %parallel_loop3A_269 = arith.index_cast %parallel_loop3A_268 : i32 to index
        %parallel_loop3A_270 = tpu.vector_load %arg15[%parallel_loop3A_269] {strides = array<i32>} : memref<512xf32, #tpu.memory_space<vmem>>, vector<16xf32>,
        %parallel_loop3A_271 = vector.shape_cast %parallel_loop3A_270 : vector<16xf32> to vector<16xf32>
        %parallel_loop3A_272 = arith.index_cast %parallel_loop3A_268 : i32 to index
        %parallel_loop3A_273 = tpu.vector_load %arg16[%parallel_loop3A_272] {strides = array<i32>} : memref<512xf32, #tpu.memory_space<vmem>>, vector<16xf32>,
        %parallel_loop3A_274 = vector.shape_cast %parallel_loop3A_273 : vector<16xf32> to vector<16xf32>
        %parallel_loop3A_275 = arith.index_cast %parallel_loop3A_268 : i32 to index
        %parallel_loop3A_276 = tpu.vector_load %arg17[%parallel_loop3A_275] {strides = array<i32>} : memref<512xf32, #tpu.memory_space<vmem>>, vector<16xf32>,
        %parallel_loop3A_277 = vector.shape_cast %parallel_loop3A_276 : vector<16xf32> to vector<16xf32>
        %parallel_loop3A_278 = arith.constant 1.000000e+00 : f32
        %parallel_loop3A_279 = vector.broadcast %parallel_loop3A_278 : f32 to vector<16xf32>
        %parallel_loop3A_280 = arith.subf %parallel_loop3A_279, %parallel_loop3A_271 : vector<16xf32>
        %parallel_loop3A_281 = arith.constant 1.000000e+00 : f32
        %parallel_loop3A_282 = vector.broadcast %parallel_loop3A_281 : f32 to vector<16xf32>
        %parallel_loop3A_283 = arith.subf %parallel_loop3A_282, %parallel_loop3A_274 : vector<16xf32>
        %parallel_loop3A_284 = arith.constant 1.000000e+00 : f32
        %parallel_loop3A_285 = vector.broadcast %parallel_loop3A_284 : f32 to vector<16xf32>
        %parallel_loop3A_286 = arith.subf %parallel_loop3A_285, %parallel_loop3A_277 : vector<16xf32>
        %parallel_loop3A_287 = arith.mulf %parallel_loop3A_280, %parallel_loop3A_283 : vector<16xf32>
        %parallel_loop3A_288 = arith.mulf %parallel_loop3A_280, %parallel_loop3A_274 : vector<16xf32>
        %parallel_loop3A_289 = arith.mulf %parallel_loop3A_271, %parallel_loop3A_283 : vector<16xf32>
        %parallel_loop3A_290 = arith.mulf %parallel_loop3A_271, %parallel_loop3A_274 : vector<16xf32>
        %parallel_loop3A_291 = arith.mulf %parallel_loop3A_287, %parallel_loop3A_286 : vector<16xf32>
        %parallel_loop3A_292 = arith.mulf %parallel_loop3A_287, %parallel_loop3A_277 : vector<16xf32>
        %parallel_loop3A_293 = arith.mulf %parallel_loop3A_288, %parallel_loop3A_286 : vector<16xf32>
        %parallel_loop3A_294 = arith.mulf %parallel_loop3A_288, %parallel_loop3A_277 : vector<16xf32>
        %parallel_loop3A_295 = arith.mulf %parallel_loop3A_289, %parallel_loop3A_286 : vector<16xf32>
        %parallel_loop3A_296 = arith.mulf %parallel_loop3A_289, %parallel_loop3A_277 : vector<16xf32>
        %parallel_loop3A_297 = arith.mulf %parallel_loop3A_290, %parallel_loop3A_286 : vector<16xf32>
        %parallel_loop3A_298 = arith.mulf %parallel_loop3A_290, %parallel_loop3A_277 : vector<16xf32>
        %parallel_loop3A_299 = arith.constant 128 : i32
        %parallel_loop3A_300 = arith.muli %parallel_loop3A_266, %parallel_loop3A_299 : i32
        %parallel_loop3A_301 = arith.constant 0 : i32
        %parallel_loop3A_302 = arith.addi %parallel_loop3A_300, %parallel_loop3A_301 : i32
        %parallel_loop3A_303 = arith.index_cast %parallel_loop3A_302 : i32 to index
        %parallel_loop3A_304 = tpu.vector_load %arg22[%parallel_loop3A_303] {strides = array<i32>} : memref<4096xf32, #tpu.memory_space<vmem>>, vector<16xf32>,
        %parallel_loop3A_305 = vector.shape_cast %parallel_loop3A_304 : vector<16xf32> to vector<16xf32>
        %parallel_loop3A_306 = arith.constant 0 : i32
        %parallel_loop3A_307 = arith.addi %parallel_loop3A_300, %parallel_loop3A_306 : i32
        %parallel_loop3A_308 = arith.index_cast %parallel_loop3A_307 : i32 to index
        %parallel_loop3A_309 = tpu.vector_load %arg23[%parallel_loop3A_308] {strides = array<i32>} : memref<4096xf32, #tpu.memory_space<vmem>>, vector<16xf32>,
        %parallel_loop3A_310 = vector.shape_cast %parallel_loop3A_309 : vector<16xf32> to vector<16xf32>
        %parallel_loop3A_311 = arith.mulf %parallel_loop3A_291, %parallel_loop3A_305 : vector<16xf32>
        %parallel_loop3A_312 = arith.mulf %parallel_loop3A_291, %parallel_loop3A_310 : vector<16xf32>
        %parallel_loop3A_313 = arith.constant 16 : i32
        %parallel_loop3A_314 = arith.addi %parallel_loop3A_300, %parallel_loop3A_313 : i32
        %parallel_loop3A_315 = arith.index_cast %parallel_loop3A_314 : i32 to index
        %parallel_loop3A_316 = tpu.vector_load %arg22[%parallel_loop3A_315] {strides = array<i32>} : memref<4096xf32, #tpu.memory_space<vmem>>, vector<16xf32>,
        %parallel_loop3A_317 = vector.shape_cast %parallel_loop3A_316 : vector<16xf32> to vector<16xf32>
        %parallel_loop3A_318 = arith.constant 16 : i32
        %parallel_loop3A_319 = arith.addi %parallel_loop3A_300, %parallel_loop3A_318 : i32
        %parallel_loop3A_320 = arith.index_cast %parallel_loop3A_319 : i32 to index
        %parallel_loop3A_321 = tpu.vector_load %arg23[%parallel_loop3A_320] {strides = array<i32>} : memref<4096xf32, #tpu.memory_space<vmem>>, vector<16xf32>,
        %parallel_loop3A_322 = vector.shape_cast %parallel_loop3A_321 : vector<16xf32> to vector<16xf32>
        %parallel_loop3A_323 = arith.mulf %parallel_loop3A_292, %parallel_loop3A_317 : vector<16xf32>
        %parallel_loop3A_324 = arith.addf %parallel_loop3A_311, %parallel_loop3A_323 : vector<16xf32>
        %parallel_loop3A_325 = arith.mulf %parallel_loop3A_292, %parallel_loop3A_322 : vector<16xf32>
        %parallel_loop3A_326 = arith.addf %parallel_loop3A_312, %parallel_loop3A_325 : vector<16xf32>
        %parallel_loop3A_327 = arith.constant 32 : i32
        %parallel_loop3A_328 = arith.addi %parallel_loop3A_300, %parallel_loop3A_327 : i32
        %parallel_loop3A_329 = arith.index_cast %parallel_loop3A_328 : i32 to index
        %parallel_loop3A_330 = tpu.vector_load %arg22[%parallel_loop3A_329] {strides = array<i32>} : memref<4096xf32, #tpu.memory_space<vmem>>, vector<16xf32>,
        %parallel_loop3A_331 = vector.shape_cast %parallel_loop3A_330 : vector<16xf32> to vector<16xf32>
        %parallel_loop3A_332 = arith.constant 32 : i32
        %parallel_loop3A_333 = arith.addi %parallel_loop3A_300, %parallel_loop3A_332 : i32
        %parallel_loop3A_334 = arith.index_cast %parallel_loop3A_333 : i32 to index
        %parallel_loop3A_335 = tpu.vector_load %arg23[%parallel_loop3A_334] {strides = array<i32>} : memref<4096xf32, #tpu.memory_space<vmem>>, vector<16xf32>,
        %parallel_loop3A_336 = vector.shape_cast %parallel_loop3A_335 : vector<16xf32> to vector<16xf32>
        %parallel_loop3A_337 = arith.mulf %parallel_loop3A_293, %parallel_loop3A_331 : vector<16xf32>
        %parallel_loop3A_338 = arith.addf %parallel_loop3A_324, %parallel_loop3A_337 : vector<16xf32>
        %parallel_loop3A_339 = arith.mulf %parallel_loop3A_293, %parallel_loop3A_336 : vector<16xf32>
        %parallel_loop3A_340 = arith.addf %parallel_loop3A_326, %parallel_loop3A_339 : vector<16xf32>
        %parallel_loop3A_341 = arith.constant 48 : i32
        %parallel_loop3A_342 = arith.addi %parallel_loop3A_300, %parallel_loop3A_341 : i32
        %parallel_loop3A_343 = arith.index_cast %parallel_loop3A_342 : i32 to index
        %parallel_loop3A_344 = tpu.vector_load %arg22[%parallel_loop3A_343] {strides = array<i32>} : memref<4096xf32, #tpu.memory_space<vmem>>, vector<16xf32>,
        %parallel_loop3A_345 = vector.shape_cast %parallel_loop3A_344 : vector<16xf32> to vector<16xf32>
        %parallel_loop3A_346 = arith.constant 48 : i32
        %parallel_loop3A_347 = arith.addi %parallel_loop3A_300, %parallel_loop3A_346 : i32
        %parallel_loop3A_348 = arith.index_cast %parallel_loop3A_347 : i32 to index
        %parallel_loop3A_349 = tpu.vector_load %arg23[%parallel_loop3A_348] {strides = array<i32>} : memref<4096xf32, #tpu.memory_space<vmem>>, vector<16xf32>,
        %parallel_loop3A_350 = vector.shape_cast %parallel_loop3A_349 : vector<16xf32> to vector<16xf32>
        %parallel_loop3A_351 = arith.mulf %parallel_loop3A_294, %parallel_loop3A_345 : vector<16xf32>
        %parallel_loop3A_352 = arith.addf %parallel_loop3A_338, %parallel_loop3A_351 : vector<16xf32>
        %parallel_loop3A_353 = arith.mulf %parallel_loop3A_294, %parallel_loop3A_350 : vector<16xf32>
        %parallel_loop3A_354 = arith.addf %parallel_loop3A_340, %parallel_loop3A_353 : vector<16xf32>
        %parallel_loop3A_355 = arith.constant 64 : i32
        %parallel_loop3A_356 = arith.addi %parallel_loop3A_300, %parallel_loop3A_355 : i32
        %parallel_loop3A_357 = arith.index_cast %parallel_loop3A_356 : i32 to index
        %parallel_loop3A_358 = tpu.vector_load %arg22[%parallel_loop3A_357] {strides = array<i32>} : memref<4096xf32, #tpu.memory_space<vmem>>, vector<16xf32>,
        %parallel_loop3A_359 = vector.shape_cast %parallel_loop3A_358 : vector<16xf32> to vector<16xf32>
        %parallel_loop3A_360 = arith.constant 64 : i32
        %parallel_loop3A_361 = arith.addi %parallel_loop3A_300, %parallel_loop3A_360 : i32
        %parallel_loop3A_362 = arith.index_cast %parallel_loop3A_361 : i32 to index
        %parallel_loop3A_363 = tpu.vector_load %arg23[%parallel_loop3A_362] {strides = array<i32>} : memref<4096xf32, #tpu.memory_space<vmem>>, vector<16xf32>,
        %parallel_loop3A_364 = vector.shape_cast %parallel_loop3A_363 : vector<16xf32> to vector<16xf32>
        %parallel_loop3A_365 = arith.mulf %parallel_loop3A_295, %parallel_loop3A_359 : vector<16xf32>
        %parallel_loop3A_366 = arith.addf %parallel_loop3A_352, %parallel_loop3A_365 : vector<16xf32>
        %parallel_loop3A_367 = arith.mulf %parallel_loop3A_295, %parallel_loop3A_364 : vector<16xf32>
        %parallel_loop3A_368 = arith.addf %parallel_loop3A_354, %parallel_loop3A_367 : vector<16xf32>
        %parallel_loop3A_369 = arith.constant 80 : i32
        %parallel_loop3A_370 = arith.addi %parallel_loop3A_300, %parallel_loop3A_369 : i32
        %parallel_loop3A_371 = arith.index_cast %parallel_loop3A_370 : i32 to index
        %parallel_loop3A_372 = tpu.vector_load %arg22[%parallel_loop3A_371] {strides = array<i32>} : memref<4096xf32, #tpu.memory_space<vmem>>, vector<16xf32>,
        %parallel_loop3A_373 = vector.shape_cast %parallel_loop3A_372 : vector<16xf32> to vector<16xf32>
        %parallel_loop3A_374 = arith.constant 80 : i32
        %parallel_loop3A_375 = arith.addi %parallel_loop3A_300, %parallel_loop3A_374 : i32
        %parallel_loop3A_376 = arith.index_cast %parallel_loop3A_375 : i32 to index
        %parallel_loop3A_377 = tpu.vector_load %arg23[%parallel_loop3A_376] {strides = array<i32>} : memref<4096xf32, #tpu.memory_space<vmem>>, vector<16xf32>,
        %parallel_loop3A_378 = vector.shape_cast %parallel_loop3A_377 : vector<16xf32> to vector<16xf32>
        %parallel_loop3A_379 = arith.mulf %parallel_loop3A_296, %parallel_loop3A_373 : vector<16xf32>
        %parallel_loop3A_380 = arith.addf %parallel_loop3A_366, %parallel_loop3A_379 : vector<16xf32>
        %parallel_loop3A_381 = arith.mulf %parallel_loop3A_296, %parallel_loop3A_378 : vector<16xf32>
        %parallel_loop3A_382 = arith.addf %parallel_loop3A_368, %parallel_loop3A_381 : vector<16xf32>
        %parallel_loop3A_383 = arith.constant 96 : i32
        %parallel_loop3A_384 = arith.addi %parallel_loop3A_300, %parallel_loop3A_383 : i32
        %parallel_loop3A_385 = arith.index_cast %parallel_loop3A_384 : i32 to index
        %parallel_loop3A_386 = tpu.vector_load %arg22[%parallel_loop3A_385] {strides = array<i32>} : memref<4096xf32, #tpu.memory_space<vmem>>, vector<16xf32>,
        %parallel_loop3A_387 = vector.shape_cast %parallel_loop3A_386 : vector<16xf32> to vector<16xf32>
        %parallel_loop3A_388 = arith.constant 96 : i32
        %parallel_loop3A_389 = arith.addi %parallel_loop3A_300, %parallel_loop3A_388 : i32
        %parallel_loop3A_390 = arith.index_cast %parallel_loop3A_389 : i32 to index
        %parallel_loop3A_391 = tpu.vector_load %arg23[%parallel_loop3A_390] {strides = array<i32>} : memref<4096xf32, #tpu.memory_space<vmem>>, vector<16xf32>,
        %parallel_loop3A_392 = vector.shape_cast %parallel_loop3A_391 : vector<16xf32> to vector<16xf32>
        %parallel_loop3A_393 = arith.mulf %parallel_loop3A_297, %parallel_loop3A_387 : vector<16xf32>
        %parallel_loop3A_394 = arith.addf %parallel_loop3A_380, %parallel_loop3A_393 : vector<16xf32>
        %parallel_loop3A_395 = arith.mulf %parallel_loop3A_297, %parallel_loop3A_392 : vector<16xf32>
        %parallel_loop3A_396 = arith.addf %parallel_loop3A_382, %parallel_loop3A_395 : vector<16xf32>
        %parallel_loop3A_397 = arith.constant 112 : i32
        %parallel_loop3A_398 = arith.addi %parallel_loop3A_300, %parallel_loop3A_397 : i32
        %parallel_loop3A_399 = arith.index_cast %parallel_loop3A_398 : i32 to index
        %parallel_loop3A_400 = tpu.vector_load %arg22[%parallel_loop3A_399] {strides = array<i32>} : memref<4096xf32, #tpu.memory_space<vmem>>, vector<16xf32>,
        %parallel_loop3A_401 = vector.shape_cast %parallel_loop3A_400 : vector<16xf32> to vector<16xf32>
        %parallel_loop3A_402 = arith.constant 112 : i32
        %parallel_loop3A_403 = arith.addi %parallel_loop3A_300, %parallel_loop3A_402 : i32
        %parallel_loop3A_404 = arith.index_cast %parallel_loop3A_403 : i32 to index
        %parallel_loop3A_405 = tpu.vector_load %arg23[%parallel_loop3A_404] {strides = array<i32>} : memref<4096xf32, #tpu.memory_space<vmem>>, vector<16xf32>,
        %parallel_loop3A_406 = vector.shape_cast %parallel_loop3A_405 : vector<16xf32> to vector<16xf32>
        %parallel_loop3A_407 = arith.mulf %parallel_loop3A_298, %parallel_loop3A_401 : vector<16xf32>
        %parallel_loop3A_408 = arith.addf %parallel_loop3A_394, %parallel_loop3A_407 : vector<16xf32>
        %parallel_loop3A_409 = arith.mulf %parallel_loop3A_298, %parallel_loop3A_406 : vector<16xf32>
        %parallel_loop3A_410 = arith.addf %parallel_loop3A_396, %parallel_loop3A_409 : vector<16xf32>
        %parallel_loop3A_411 = arith.constant 0 : i32
        %parallel_loop3A_412 = arith.index_cast %parallel_loop3A_411 : i32 to index
        %parallel_loop3A_413 = arith.index_cast %parallel_loop3A_268 : i32 to index
        %parallel_loop3A_414 = tpu.vector_load %arg25[%parallel_loop3A_412, %parallel_loop3A_413] {strides = array<i32>} : memref<2x512xf32, #tpu.memory_space<vmem>>, vector<1x16xf32>,
        %parallel_loop3A_415 = vector.shape_cast %parallel_loop3A_414 : vector<1x16xf32> to vector<16xf32>
        %parallel_loop3A_416 = vector.shape_cast %parallel_loop3A_408 : vector<16xf32> to vector<1x16xf32>
        tpu.vector_store %arg25[%parallel_loop3A_412, %parallel_loop3A_413], %parallel_loop3A_416 {strides = array<i32>} : memref<2x512xf32, #tpu.memory_space<vmem>>, vector<1x16xf32>,
        %parallel_loop3A_417 = arith.constant 1 : i32
        %parallel_loop3A_418 = arith.index_cast %parallel_loop3A_417 : i32 to index
        %parallel_loop3A_419 = arith.index_cast %parallel_loop3A_268 : i32 to index
        %parallel_loop3A_420 = tpu.vector_load %arg25[%parallel_loop3A_418, %parallel_loop3A_419] {strides = array<i32>} : memref<2x512xf32, #tpu.memory_space<vmem>>, vector<1x16xf32>,
        %parallel_loop3A_421 = vector.shape_cast %parallel_loop3A_420 : vector<1x16xf32> to vector<16xf32>
        %parallel_loop3A_422 = vector.shape_cast %parallel_loop3A_410 : vector<16xf32> to vector<1x16xf32>
        tpu.vector_store %arg25[%parallel_loop3A_418, %parallel_loop3A_419], %parallel_loop3A_422 {strides = array<i32>} : memref<2x512xf32, #tpu.memory_space<vmem>>, vector<1x16xf32>,
      } {sc.loop_unroll_factor = 2 : i64, sc.parallel_access}
      %add3A_81 = arith.addi %mul3A_25, %mul3A_2 : i32
      %add3A_82 = arith.constant 512 : i32
      %add3A_83 = arith.addi %add3A_81, %add3A_82 : i32
      %dma_start3A_84 = arith.constant 0 : i32
      %dma_start3A_85 = arith.constant 0 : i32
      %dma_start3A_86 = tpu.memref_slice %arg25[%dma_start3A_84, %dma_start3A_85] : memref<2x512xf32, #tpu.memory_space<vmem>> -> memref<1x512xf32, #tpu.memory_space<vmem>>
      %dma_start3A_87 = tpu.memref_squeeze %dma_start3A_86 : memref<1x512xf32, #tpu.memory_space<vmem>> -> memref<512xf32, #tpu.memory_space<vmem>>
      %dma_start3A_88 = tpu.memref_slice %arg8[%add3A_83] : memref<8388608xf32, #tpu.memory_space<hbm>> -> memref<512xf32, #tpu.memory_space<hbm>>
      %dma_start3A_89 = tpu.memref_slice %arg8[%add3A_83] : memref<8388608xf32, #tpu.memory_space<hbm>> -> memref<512xf32, #tpu.memory_space<hbm>>
      %dma_start3A_90 = arith.constant 0 : i32
      %dma_start3A_91 = tpu.memref_slice %arg25[%dma_start3A_84, %dma_start3A_90] : memref<2x512xf32, #tpu.memory_space<vmem>> -> memref<1x512xf32, #tpu.memory_space<vmem>>
      %dma_start3A_92 = tpu.memref_squeeze %dma_start3A_91 : memref<1x512xf32, #tpu.memory_space<vmem>> -> memref<512xf32, #tpu.memory_space<vmem>>
      tpu.enqueue_dma source(%dma_start3A_92 : memref<512xf32, #tpu.memory_space<vmem>>) target(%dma_start3A_89 : memref<512xf32, #tpu.memory_space<hbm>>) target_semaphore(%arg34 : memref<!tpu.dma_semaphore, #tpu.memory_space<semaphore_mem>>)
      %add3A_93 = arith.constant 262144 : i32
      %add3A_94 = arith.addi %add3A_83, %add3A_93 : i32
      %dma_start3A_95 = arith.constant 1 : i32
      %dma_start3A_96 = arith.constant 0 : i32
      %dma_start3A_97 = tpu.memref_slice %arg25[%dma_start3A_95, %dma_start3A_96] : memref<2x512xf32, #tpu.memory_space<vmem>> -> memref<1x512xf32, #tpu.memory_space<vmem>>
      %dma_start3A_98 = tpu.memref_squeeze %dma_start3A_97 : memref<1x512xf32, #tpu.memory_space<vmem>> -> memref<512xf32, #tpu.memory_space<vmem>>
      %dma_start3A_99 = tpu.memref_slice %arg8[%add3A_94] : memref<8388608xf32, #tpu.memory_space<hbm>> -> memref<512xf32, #tpu.memory_space<hbm>>
      %dma_start3A_100 = tpu.memref_slice %arg8[%add3A_94] : memref<8388608xf32, #tpu.memory_space<hbm>> -> memref<512xf32, #tpu.memory_space<hbm>>
      %dma_start3A_101 = arith.constant 0 : i32
      %dma_start3A_102 = tpu.memref_slice %arg25[%dma_start3A_95, %dma_start3A_101] : memref<2x512xf32, #tpu.memory_space<vmem>> -> memref<1x512xf32, #tpu.memory_space<vmem>>
      %dma_start3A_103 = tpu.memref_squeeze %dma_start3A_102 : memref<1x512xf32, #tpu.memory_space<vmem>> -> memref<512xf32, #tpu.memory_space<vmem>>
      tpu.enqueue_dma source(%dma_start3A_103 : memref<512xf32, #tpu.memory_space<vmem>>) target(%dma_start3A_100 : memref<512xf32, #tpu.memory_space<hbm>>) target_semaphore(%arg34 : memref<!tpu.dma_semaphore, #tpu.memory_space<semaphore_mem>>)
      %scan3A_104 = arith.constant 0 : i32
      %scan3A_105 = arith.constant 1 : i32
      %scan3A_106 = arith.constant 6 : i32
      %scan3A_107 = arith.addi %scan3A_105, %scan3A_106 : i32
      %scan3A_108 = arith.constant 1 : i32
      scf.for %scan3A_266 = %scan3A_105 to %scan3A_107 step %scan3A_108  : i32 {
        %mul3A_267 = arith.constant 2 : i32
        %mul3A_268 = arith.muli %mul3A_267, %scan3A_266 : i32
        %add3A_269 = arith.constant 1 : i32
        %add3A_270 = arith.addi %mul3A_268, %add3A_269 : i32
        %mul3A_271 = arith.constant 512 : i32
        %mul3A_272 = arith.muli %add3A_270, %mul3A_271 : i32
        %parallel_loop3A_273 = arith.constant 0 : i32
        %parallel_loop3A_274 = arith.constant 32 : i32
        %parallel_loop3A_275 = arith.constant 1 : i32
        scf.for %parallel_loop3A_399 = %parallel_loop3A_273 to %parallel_loop3A_274 step %parallel_loop3A_275  : i32 {
          %parallel_loop3A_400 = arith.constant 16 : i32
          %parallel_loop3A_401 = arith.muli %parallel_loop3A_399, %parallel_loop3A_400 : i32
          %parallel_loop3A_402 = arith.constant 16 : i32
          %parallel_loop3A_403 = arith.muli %parallel_loop3A_399, %parallel_loop3A_402 : i32
          %parallel_loop3A_404 = arith.addi %mul3A_272, %parallel_loop3A_403 : i32
          %parallel_loop3A_405 = arith.index_cast %parallel_loop3A_404 : i32 to index
          %parallel_loop3A_406 = tpu.vector_load %arg9[%parallel_loop3A_405] {strides = array<i32>} : memref<8192xf32, #tpu.memory_space<vmem>>, vector<16xf32>,
          %parallel_loop3A_407 = vector.shape_cast %parallel_loop3A_406 : vector<16xf32> to vector<16xf32>
          %parallel_loop3A_408 = arith.mulf %parallel_loop3A_407, %get3A_21 : vector<16xf32>
          %parallel_loop3A_409 = arith.index_cast %parallel_loop3A_404 : i32 to index
          %parallel_loop3A_410 = tpu.vector_load %arg10[%parallel_loop3A_409] {strides = array<i32>} : memref<8192xf32, #tpu.memory_space<vmem>>, vector<16xf32>,
          %parallel_loop3A_411 = vector.shape_cast %parallel_loop3A_410 : vector<16xf32> to vector<16xf32>
          %parallel_loop3A_412 = arith.mulf %parallel_loop3A_411, %get3A_21 : vector<16xf32>
          %parallel_loop3A_413 = arith.index_cast %parallel_loop3A_404 : i32 to index
          %parallel_loop3A_414 = tpu.vector_load %arg11[%parallel_loop3A_413] {strides = array<i32>} : memref<8192xf32, #tpu.memory_space<vmem>>, vector<16xf32>,
          %parallel_loop3A_415 = vector.shape_cast %parallel_loop3A_414 : vector<16xf32> to vector<16xf32>
          %parallel_loop3A_416 = arith.mulf %parallel_loop3A_415, %get3A_21 : vector<16xf32>
          %parallel_loop3A_417 = arith.fptosi %parallel_loop3A_408 : vector<16xf32> to vector<16xi32>
          %parallel_loop3A_418 = arith.fptosi %parallel_loop3A_412 : vector<16xf32> to vector<16xi32>
          %parallel_loop3A_419 = arith.fptosi %parallel_loop3A_416 : vector<16xf32> to vector<16xi32>
          %parallel_loop3A_420 = arith.sitofp %parallel_loop3A_417 : vector<16xi32> to vector<16xf32>
          %parallel_loop3A_421 = arith.subf %parallel_loop3A_408, %parallel_loop3A_420 : vector<16xf32>
          %parallel_loop3A_422 = arith.index_cast %parallel_loop3A_401 : i32 to index
          %parallel_loop3A_423 = tpu.vector_load %arg15[%parallel_loop3A_422] {strides = array<i32>} : memref<512xf32, #tpu.memory_space<vmem>>, vector<16xf32>,
          %parallel_loop3A_424 = vector.shape_cast %parallel_loop3A_423 : vector<16xf32> to vector<16xf32>
          %parallel_loop3A_425 = vector.shape_cast %parallel_loop3A_421 : vector<16xf32> to vector<16xf32>
          tpu.vector_store %arg15[%parallel_loop3A_422], %parallel_loop3A_425 {strides = array<i32>} : memref<512xf32, #tpu.memory_space<vmem>>, vector<16xf32>,
          %parallel_loop3A_426 = arith.sitofp %parallel_loop3A_418 : vector<16xi32> to vector<16xf32>
          %parallel_loop3A_427 = arith.subf %parallel_loop3A_412, %parallel_loop3A_426 : vector<16xf32>
          %parallel_loop3A_428 = arith.index_cast %parallel_loop3A_401 : i32 to index
          %parallel_loop3A_429 = tpu.vector_load %arg16[%parallel_loop3A_428] {strides = array<i32>} : memref<512xf32, #tpu.memory_space<vmem>>, vector<16xf32>,
          %parallel_loop3A_430 = vector.shape_cast %parallel_loop3A_429 : vector<16xf32> to vector<16xf32>
          %parallel_loop3A_431 = vector.shape_cast %parallel_loop3A_427 : vector<16xf32> to vector<16xf32>
          tpu.vector_store %arg16[%parallel_loop3A_428], %parallel_loop3A_431 {strides = array<i32>} : memref<512xf32, #tpu.memory_space<vmem>>, vector<16xf32>,
          %parallel_loop3A_432 = arith.sitofp %parallel_loop3A_419 : vector<16xi32> to vector<16xf32>
          %parallel_loop3A_433 = arith.subf %parallel_loop3A_416, %parallel_loop3A_432 : vector<16xf32>
          %parallel_loop3A_434 = arith.index_cast %parallel_loop3A_401 : i32 to index
          %parallel_loop3A_435 = tpu.vector_load %arg17[%parallel_loop3A_434] {strides = array<i32>} : memref<512xf32, #tpu.memory_space<vmem>>, vector<16xf32>,
          %parallel_loop3A_436 = vector.shape_cast %parallel_loop3A_435 : vector<16xf32> to vector<16xf32>
          %parallel_loop3A_437 = vector.shape_cast %parallel_loop3A_433 : vector<16xf32> to vector<16xf32>
          tpu.vector_store %arg17[%parallel_loop3A_434], %parallel_loop3A_437 {strides = array<i32>} : memref<512xf32, #tpu.memory_space<vmem>>, vector<16xf32>,
          %parallel_loop3A_438 = arith.constant -1640531535 : i32
          %parallel_loop3A_439 = vector.broadcast %parallel_loop3A_438 : i32 to vector<16xi32>
          %parallel_loop3A_440 = arith.muli %parallel_loop3A_418, %parallel_loop3A_439 : vector<16xi32>
          %parallel_loop3A_441 = arith.constant 805459861 : i32
          %parallel_loop3A_442 = vector.broadcast %parallel_loop3A_441 : i32 to vector<16xi32>
          %parallel_loop3A_443 = arith.muli %parallel_loop3A_419, %parallel_loop3A_442 : vector<16xi32>
          %parallel_loop3A_444 = arith.constant -1640531535 : i32
          %parallel_loop3A_445 = vector.broadcast %parallel_loop3A_444 : i32 to vector<16xi32>
          %parallel_loop3A_446 = arith.addi %parallel_loop3A_440, %parallel_loop3A_445 : vector<16xi32>
          %parallel_loop3A_447 = arith.constant 805459861 : i32
          %parallel_loop3A_448 = vector.broadcast %parallel_loop3A_447 : i32 to vector<16xi32>
          %parallel_loop3A_449 = arith.addi %parallel_loop3A_443, %parallel_loop3A_448 : vector<16xi32>
          %parallel_loop3A_450 = arith.constant 524287 : i32
          %parallel_loop3A_451 = vector.broadcast %parallel_loop3A_450 : i32 to vector<16xi32>
          %parallel_loop3A_452 = arith.andi %parallel_loop3A_417, %parallel_loop3A_451 : vector<16xi32>
          %parallel_loop3A_453 = arith.constant 1 : i32
          %parallel_loop3A_454 = vector.broadcast %parallel_loop3A_453 : i32 to vector<16xi32>
          %parallel_loop3A_455 = arith.addi %parallel_loop3A_417, %parallel_loop3A_454 : vector<16xi32>
          %parallel_loop3A_456 = arith.constant 524287 : i32
          %parallel_loop3A_457 = vector.broadcast %parallel_loop3A_456 : i32 to vector<16xi32>
          %parallel_loop3A_458 = arith.andi %parallel_loop3A_455, %parallel_loop3A_457 : vector<16xi32>
          %parallel_loop3A_459 = arith.xori %parallel_loop3A_440, %parallel_loop3A_443 : vector<16xi32>
          %parallel_loop3A_460 = arith.constant 524287 : i32
          %parallel_loop3A_461 = vector.broadcast %parallel_loop3A_460 : i32 to vector<16xi32>
          %parallel_loop3A_462 = arith.andi %parallel_loop3A_459, %parallel_loop3A_461 : vector<16xi32>
          %parallel_loop3A_463 = arith.xori %parallel_loop3A_440, %parallel_loop3A_449 : vector<16xi32>
          %parallel_loop3A_464 = arith.constant 524287 : i32
          %parallel_loop3A_465 = vector.broadcast %parallel_loop3A_464 : i32 to vector<16xi32>
          %parallel_loop3A_466 = arith.andi %parallel_loop3A_463, %parallel_loop3A_465 : vector<16xi32>
          %parallel_loop3A_467 = arith.xori %parallel_loop3A_446, %parallel_loop3A_443 : vector<16xi32>
          %parallel_loop3A_468 = arith.constant 524287 : i32
          %parallel_loop3A_469 = vector.broadcast %parallel_loop3A_468 : i32 to vector<16xi32>
          %parallel_loop3A_470 = arith.andi %parallel_loop3A_467, %parallel_loop3A_469 : vector<16xi32>
          %parallel_loop3A_471 = arith.xori %parallel_loop3A_446, %parallel_loop3A_449 : vector<16xi32>
          %parallel_loop3A_472 = arith.constant 524287 : i32
          %parallel_loop3A_473 = vector.broadcast %parallel_loop3A_472 : i32 to vector<16xi32>
          %parallel_loop3A_474 = arith.andi %parallel_loop3A_471, %parallel_loop3A_473 : vector<16xi32>
          %parallel_loop3A_475 = arith.constant 128 : i32
          %parallel_loop3A_476 = arith.muli %parallel_loop3A_399, %parallel_loop3A_475 : i32
          %parallel_loop3A_477 = arith.xori %parallel_loop3A_452, %parallel_loop3A_462 : vector<16xi32>
          %parallel_loop3A_478 = arith.constant 0 : i32
          %parallel_loop3A_479 = arith.addi %parallel_loop3A_476, %parallel_loop3A_478 : i32
          %parallel_loop3A_480 = arith.index_cast %parallel_loop3A_479 : i32 to index
          %parallel_loop3A_481 = tpu.vector_load %arg19[%parallel_loop3A_480] {strides = array<i32>} : memref<4096xi32, #tpu.memory_space<vmem>>, vector<16xi32>,
          %parallel_loop3A_482 = vector.shape_cast %parallel_loop3A_481 : vector<16xi32> to vector<16xi32>
          %parallel_loop3A_483 = vector.shape_cast %parallel_loop3A_477 : vector<16xi32> to vector<16xi32>
          tpu.vector_store %arg19[%parallel_loop3A_480], %parallel_loop3A_483 {strides = array<i32>} : memref<4096xi32, #tpu.memory_space<vmem>>, vector<16xi32>,
          %parallel_loop3A_484 = arith.xori %parallel_loop3A_452, %parallel_loop3A_466 : vector<16xi32>
          %parallel_loop3A_485 = arith.constant 16 : i32
          %parallel_loop3A_486 = arith.addi %parallel_loop3A_476, %parallel_loop3A_485 : i32
          %parallel_loop3A_487 = arith.index_cast %parallel_loop3A_486 : i32 to index
          %parallel_loop3A_488 = tpu.vector_load %arg19[%parallel_loop3A_487] {strides = array<i32>} : memref<4096xi32, #tpu.memory_space<vmem>>, vector<16xi32>,
          %parallel_loop3A_489 = vector.shape_cast %parallel_loop3A_488 : vector<16xi32> to vector<16xi32>
          %parallel_loop3A_490 = vector.shape_cast %parallel_loop3A_484 : vector<16xi32> to vector<16xi32>
          tpu.vector_store %arg19[%parallel_loop3A_487], %parallel_loop3A_490 {strides = array<i32>} : memref<4096xi32, #tpu.memory_space<vmem>>, vector<16xi32>,
          %parallel_loop3A_491 = arith.xori %parallel_loop3A_452, %parallel_loop3A_470 : vector<16xi32>
          %parallel_loop3A_492 = arith.constant 32 : i32
          %parallel_loop3A_493 = arith.addi %parallel_loop3A_476, %parallel_loop3A_492 : i32
          %parallel_loop3A_494 = arith.index_cast %parallel_loop3A_493 : i32 to index
          %parallel_loop3A_495 = tpu.vector_load %arg19[%parallel_loop3A_494] {strides = array<i32>} : memref<4096xi32, #tpu.memory_space<vmem>>, vector<16xi32>,
          %parallel_loop3A_496 = vector.shape_cast %parallel_loop3A_495 : vector<16xi32> to vector<16xi32>
          %parallel_loop3A_497 = vector.shape_cast %parallel_loop3A_491 : vector<16xi32> to vector<16xi32>
          tpu.vector_store %arg19[%parallel_loop3A_494], %parallel_loop3A_497 {strides = array<i32>} : memref<4096xi32, #tpu.memory_space<vmem>>, vector<16xi32>,
          %parallel_loop3A_498 = arith.xori %parallel_loop3A_452, %parallel_loop3A_474 : vector<16xi32>
          %parallel_loop3A_499 = arith.constant 48 : i32
          %parallel_loop3A_500 = arith.addi %parallel_loop3A_476, %parallel_loop3A_499 : i32
          %parallel_loop3A_501 = arith.index_cast %parallel_loop3A_500 : i32 to index
          %parallel_loop3A_502 = tpu.vector_load %arg19[%parallel_loop3A_501] {strides = array<i32>} : memref<4096xi32, #tpu.memory_space<vmem>>, vector<16xi32>,
          %parallel_loop3A_503 = vector.shape_cast %parallel_loop3A_502 : vector<16xi32> to vector<16xi32>
          %parallel_loop3A_504 = vector.shape_cast %parallel_loop3A_498 : vector<16xi32> to vector<16xi32>
          tpu.vector_store %arg19[%parallel_loop3A_501], %parallel_loop3A_504 {strides = array<i32>} : memref<4096xi32, #tpu.memory_space<vmem>>, vector<16xi32>,
          %parallel_loop3A_505 = arith.xori %parallel_loop3A_458, %parallel_loop3A_462 : vector<16xi32>
          %parallel_loop3A_506 = arith.constant 64 : i32
          %parallel_loop3A_507 = arith.addi %parallel_loop3A_476, %parallel_loop3A_506 : i32
          %parallel_loop3A_508 = arith.index_cast %parallel_loop3A_507 : i32 to index
          %parallel_loop3A_509 = tpu.vector_load %arg19[%parallel_loop3A_508] {strides = array<i32>} : memref<4096xi32, #tpu.memory_space<vmem>>, vector<16xi32>,
          %parallel_loop3A_510 = vector.shape_cast %parallel_loop3A_509 : vector<16xi32> to vector<16xi32>
          %parallel_loop3A_511 = vector.shape_cast %parallel_loop3A_505 : vector<16xi32> to vector<16xi32>
          tpu.vector_store %arg19[%parallel_loop3A_508], %parallel_loop3A_511 {strides = array<i32>} : memref<4096xi32, #tpu.memory_space<vmem>>, vector<16xi32>,
          %parallel_loop3A_512 = arith.xori %parallel_loop3A_458, %parallel_loop3A_466 : vector<16xi32>
          %parallel_loop3A_513 = arith.constant 80 : i32
          %parallel_loop3A_514 = arith.addi %parallel_loop3A_476, %parallel_loop3A_513 : i32
          %parallel_loop3A_515 = arith.index_cast %parallel_loop3A_514 : i32 to index
          %parallel_loop3A_516 = tpu.vector_load %arg19[%parallel_loop3A_515] {strides = array<i32>} : memref<4096xi32, #tpu.memory_space<vmem>>, vector<16xi32>,
          %parallel_loop3A_517 = vector.shape_cast %parallel_loop3A_516 : vector<16xi32> to vector<16xi32>
          %parallel_loop3A_518 = vector.shape_cast %parallel_loop3A_512 : vector<16xi32> to vector<16xi32>
          tpu.vector_store %arg19[%parallel_loop3A_515], %parallel_loop3A_518 {strides = array<i32>} : memref<4096xi32, #tpu.memory_space<vmem>>, vector<16xi32>,
          %parallel_loop3A_519 = arith.xori %parallel_loop3A_458, %parallel_loop3A_470 : vector<16xi32>
          %parallel_loop3A_520 = arith.constant 96 : i32
          %parallel_loop3A_521 = arith.addi %parallel_loop3A_476, %parallel_loop3A_520 : i32
          %parallel_loop3A_522 = arith.index_cast %parallel_loop3A_521 : i32 to index
          %parallel_loop3A_523 = tpu.vector_load %arg19[%parallel_loop3A_522] {strides = array<i32>} : memref<4096xi32, #tpu.memory_space<vmem>>, vector<16xi32>,
          %parallel_loop3A_524 = vector.shape_cast %parallel_loop3A_523 : vector<16xi32> to vector<16xi32>
          %parallel_loop3A_525 = vector.shape_cast %parallel_loop3A_519 : vector<16xi32> to vector<16xi32>
          tpu.vector_store %arg19[%parallel_loop3A_522], %parallel_loop3A_525 {strides = array<i32>} : memref<4096xi32, #tpu.memory_space<vmem>>, vector<16xi32>,
          %parallel_loop3A_526 = arith.xori %parallel_loop3A_458, %parallel_loop3A_474 : vector<16xi32>
          %parallel_loop3A_527 = arith.constant 112 : i32
          %parallel_loop3A_528 = arith.addi %parallel_loop3A_476, %parallel_loop3A_527 : i32
          %parallel_loop3A_529 = arith.index_cast %parallel_loop3A_528 : i32 to index
          %parallel_loop3A_530 = tpu.vector_load %arg19[%parallel_loop3A_529] {strides = array<i32>} : memref<4096xi32, #tpu.memory_space<vmem>>, vector<16xi32>,
          %parallel_loop3A_531 = vector.shape_cast %parallel_loop3A_530 : vector<16xi32> to vector<16xi32>
          %parallel_loop3A_532 = vector.shape_cast %parallel_loop3A_526 : vector<16xi32> to vector<16xi32>
          tpu.vector_store %arg19[%parallel_loop3A_529], %parallel_loop3A_532 {strides = array<i32>} : memref<4096xi32, #tpu.memory_space<vmem>>, vector<16xi32>,
        } {sc.loop_unroll_factor = 2 : i64, sc.parallel_access}
        %dma_start3A_276 = arith.constant 0 : i32
        %dma_start3A_277 = tpu.memref_slice %arg27[%dma_start3A_276] : memref<524288xf32, #tpu.memory_space<vmem_shared>> -> memref<524288xf32, #tpu.memory_space<vmem_shared>>
        tpu.enqueue_indirect_dma source(%dma_start3A_277 : memref<524288xf32, #tpu.memory_space<vmem_shared>>) target(%arg22 : memref<4096xf32, #tpu.memory_space<vmem>>) offsets(%arg19 : memref<4096xi32, #tpu.memory_space<vmem>>) semaphore(%arg31 : memref<!tpu.dma_semaphore, #tpu.memory_space<semaphore_mem>>)
        %dma_start3A_278 = arith.constant 0 : i32
        %dma_start3A_279 = tpu.memref_slice %arg28[%dma_start3A_278] : memref<524288xf32, #tpu.memory_space<vmem_shared>> -> memref<524288xf32, #tpu.memory_space<vmem_shared>>
        tpu.enqueue_indirect_dma source(%dma_start3A_279 : memref<524288xf32, #tpu.memory_space<vmem_shared>>) target(%arg23 : memref<4096xf32, #tpu.memory_space<vmem>>) offsets(%arg19 : memref<4096xi32, #tpu.memory_space<vmem>>) semaphore(%arg32 : memref<!tpu.dma_semaphore, #tpu.memory_space<semaphore_mem>>)
        %dma_wait3A_280 = arith.constant 0 : i32
        %dma_wait3A_281 = tpu.memref_slice %arg27[%dma_wait3A_280] : memref<524288xf32, #tpu.memory_space<vmem_shared>> -> memref<524288xf32, #tpu.memory_space<vmem_shared>>
        tpu.wait_indirect_dma semaphore(%arg29 : memref<!tpu.dma_semaphore, #tpu.memory_space<semaphore_mem>>) src(%dma_wait3A_281 : memref<524288xf32, #tpu.memory_space<vmem_shared>>) dst(%arg20 : memref<4096xf32, #tpu.memory_space<vmem>>)
        %dma_wait3A_282 = arith.constant 0 : i32
        %dma_wait3A_283 = tpu.memref_slice %arg28[%dma_wait3A_282] : memref<524288xf32, #tpu.memory_space<vmem_shared>> -> memref<524288xf32, #tpu.memory_space<vmem_shared>>
        tpu.wait_indirect_dma semaphore(%arg30 : memref<!tpu.dma_semaphore, #tpu.memory_space<semaphore_mem>>) src(%dma_wait3A_283 : memref<524288xf32, #tpu.memory_space<vmem_shared>>) dst(%arg21 : memref<4096xf32, #tpu.memory_space<vmem>>)
        %dma_wait3A_284 = arith.constant 0 : i32
        %dma_wait3A_285 = arith.constant 0 : i32
        %dma_wait3A_286 = tpu.memref_slice %arg24[%dma_wait3A_284, %dma_wait3A_285] : memref<2x512xf32, #tpu.memory_space<vmem>> -> memref<1x512xf32, #tpu.memory_space<vmem>>
        %dma_wait3A_287 = tpu.memref_squeeze %dma_wait3A_286 : memref<1x512xf32, #tpu.memory_space<vmem>> -> memref<512xf32, #tpu.memory_space<vmem>>
        %dma_wait3A_288 = arith.constant 0 : i32
        %dma_wait3A_289 = tpu.memref_slice %arg8[%dma_wait3A_288] : memref<8388608xf32, #tpu.memory_space<hbm>> -> memref<512xf32, #tpu.memory_space<hbm>>
        %dma_wait3A_290 = arith.constant 0 : i32
        %dma_wait3A_291 = tpu.memref_slice %arg8[%dma_wait3A_290] : memref<8388608xf32, #tpu.memory_space<hbm>> -> memref<512xf32, #tpu.memory_space<hbm>>
        %dma_wait3A_292 = arith.constant 0 : i32
        %dma_wait3A_293 = tpu.memref_slice %arg24[%dma_wait3A_284, %dma_wait3A_292] : memref<2x512xf32, #tpu.memory_space<vmem>> -> memref<1x512xf32, #tpu.memory_space<vmem>>
        %dma_wait3A_294 = tpu.memref_squeeze %dma_wait3A_293 : memref<1x512xf32, #tpu.memory_space<vmem>> -> memref<512xf32, #tpu.memory_space<vmem>>
        tpu.wait_dma2 semaphore(%arg33 : memref<!tpu.dma_semaphore, #tpu.memory_space<semaphore_mem>>) src(%dma_wait3A_294 : memref<512xf32, #tpu.memory_space<vmem>>) dst(%dma_wait3A_291 : memref<512xf32, #tpu.memory_space<hbm>>)
        %dma_wait3A_295 = arith.constant 1 : i32
        %dma_wait3A_296 = arith.constant 0 : i32
        %dma_wait3A_297 = tpu.memref_slice %arg24[%dma_wait3A_295, %dma_wait3A_296] : memref<2x512xf32, #tpu.memory_space<vmem>> -> memref<1x512xf32, #tpu.memory_space<vmem>>
        %dma_wait3A_298 = tpu.memref_squeeze %dma_wait3A_297 : memref<1x512xf32, #tpu.memory_space<vmem>> -> memref<512xf32, #tpu.memory_space<vmem>>
        %dma_wait3A_299 = arith.constant 0 : i32
        %dma_wait3A_300 = tpu.memref_slice %arg8[%dma_wait3A_299] : memref<8388608xf32, #tpu.memory_space<hbm>> -> memref<512xf32, #tpu.memory_space<hbm>>
        %dma_wait3A_301 = arith.constant 0 : i32
        %dma_wait3A_302 = tpu.memref_slice %arg8[%dma_wait3A_301] : memref<8388608xf32, #tpu.memory_space<hbm>> -> memref<512xf32, #tpu.memory_space<hbm>>
        %dma_wait3A_303 = arith.constant 0 : i32
        %dma_wait3A_304 = tpu.memref_slice %arg24[%dma_wait3A_295, %dma_wait3A_303] : memref<2x512xf32, #tpu.memory_space<vmem>> -> memref<1x512xf32, #tpu.memory_space<vmem>>
        %dma_wait3A_305 = tpu.memref_squeeze %dma_wait3A_304 : memref<1x512xf32, #tpu.memory_space<vmem>> -> memref<512xf32, #tpu.memory_space<vmem>>
        tpu.wait_dma2 semaphore(%arg33 : memref<!tpu.dma_semaphore, #tpu.memory_space<semaphore_mem>>) src(%dma_wait3A_305 : memref<512xf32, #tpu.memory_space<vmem>>) dst(%dma_wait3A_302 : memref<512xf32, #tpu.memory_space<hbm>>)
        %parallel_loop3A_306 = arith.constant 0 : i32
        %parallel_loop3A_307 = arith.constant 32 : i32
        %parallel_loop3A_308 = arith.constant 1 : i32
        scf.for %parallel_loop3A_399 = %parallel_loop3A_306 to %parallel_loop3A_307 step %parallel_loop3A_308  : i32 {
          %parallel_loop3A_400 = arith.constant 16 : i32
          %parallel_loop3A_401 = arith.muli %parallel_loop3A_399, %parallel_loop3A_400 : i32
          %parallel_loop3A_402 = arith.index_cast %parallel_loop3A_401 : i32 to index
          %parallel_loop3A_403 = tpu.vector_load %arg12[%parallel_loop3A_402] {strides = array<i32>} : memref<512xf32, #tpu.memory_space<vmem>>, vector<16xf32>,
          %parallel_loop3A_404 = vector.shape_cast %parallel_loop3A_403 : vector<16xf32> to vector<16xf32>
          %parallel_loop3A_405 = arith.index_cast %parallel_loop3A_401 : i32 to index
          %parallel_loop3A_406 = tpu.vector_load %arg13[%parallel_loop3A_405] {strides = array<i32>} : memref<512xf32, #tpu.memory_space<vmem>>, vector<16xf32>,
          %parallel_loop3A_407 = vector.shape_cast %parallel_loop3A_406 : vector<16xf32> to vector<16xf32>
          %parallel_loop3A_408 = arith.index_cast %parallel_loop3A_401 : i32 to index
          %parallel_loop3A_409 = tpu.vector_load %arg14[%parallel_loop3A_408] {strides = array<i32>} : memref<512xf32, #tpu.memory_space<vmem>>, vector<16xf32>,
          %parallel_loop3A_410 = vector.shape_cast %parallel_loop3A_409 : vector<16xf32> to vector<16xf32>
          %parallel_loop3A_411 = arith.constant 1.000000e+00 : f32
          %parallel_loop3A_412 = vector.broadcast %parallel_loop3A_411 : f32 to vector<16xf32>
          %parallel_loop3A_413 = arith.subf %parallel_loop3A_412, %parallel_loop3A_404 : vector<16xf32>
          %parallel_loop3A_414 = arith.constant 1.000000e+00 : f32
          %parallel_loop3A_415 = vector.broadcast %parallel_loop3A_414 : f32 to vector<16xf32>
          %parallel_loop3A_416 = arith.subf %parallel_loop3A_415, %parallel_loop3A_407 : vector<16xf32>
          %parallel_loop3A_417 = arith.constant 1.000000e+00 : f32
          %parallel_loop3A_418 = vector.broadcast %parallel_loop3A_417 : f32 to vector<16xf32>
          %parallel_loop3A_419 = arith.subf %parallel_loop3A_418, %parallel_loop3A_410 : vector<16xf32>
          %parallel_loop3A_420 = arith.mulf %parallel_loop3A_413, %parallel_loop3A_416 : vector<16xf32>
          %parallel_loop3A_421 = arith.mulf %parallel_loop3A_413, %parallel_loop3A_407 : vector<16xf32>
          %parallel_loop3A_422 = arith.mulf %parallel_loop3A_404, %parallel_loop3A_416 : vector<16xf32>
          %parallel_loop3A_423 = arith.mulf %parallel_loop3A_404, %parallel_loop3A_407 : vector<16xf32>
          %parallel_loop3A_424 = arith.mulf %parallel_loop3A_420, %parallel_loop3A_419 : vector<16xf32>
          %parallel_loop3A_425 = arith.mulf %parallel_loop3A_420, %parallel_loop3A_410 : vector<16xf32>
          %parallel_loop3A_426 = arith.mulf %parallel_loop3A_421, %parallel_loop3A_419 : vector<16xf32>
          %parallel_loop3A_427 = arith.mulf %parallel_loop3A_421, %parallel_loop3A_410 : vector<16xf32>
          %parallel_loop3A_428 = arith.mulf %parallel_loop3A_422, %parallel_loop3A_419 : vector<16xf32>
          %parallel_loop3A_429 = arith.mulf %parallel_loop3A_422, %parallel_loop3A_410 : vector<16xf32>
          %parallel_loop3A_430 = arith.mulf %parallel_loop3A_423, %parallel_loop3A_419 : vector<16xf32>
          %parallel_loop3A_431 = arith.mulf %parallel_loop3A_423, %parallel_loop3A_410 : vector<16xf32>
          %parallel_loop3A_432 = arith.constant 128 : i32
          %parallel_loop3A_433 = arith.muli %parallel_loop3A_399, %parallel_loop3A_432 : i32
          %parallel_loop3A_434 = arith.constant 0 : i32
          %parallel_loop3A_435 = arith.addi %parallel_loop3A_433, %parallel_loop3A_434 : i32
          %parallel_loop3A_436 = arith.index_cast %parallel_loop3A_435 : i32 to index
          %parallel_loop3A_437 = tpu.vector_load %arg20[%parallel_loop3A_436] {strides = array<i32>} : memref<4096xf32, #tpu.memory_space<vmem>>, vector<16xf32>,
          %parallel_loop3A_438 = vector.shape_cast %parallel_loop3A_437 : vector<16xf32> to vector<16xf32>
          %parallel_loop3A_439 = arith.constant 0 : i32
          %parallel_loop3A_440 = arith.addi %parallel_loop3A_433, %parallel_loop3A_439 : i32
          %parallel_loop3A_441 = arith.index_cast %parallel_loop3A_440 : i32 to index
          %parallel_loop3A_442 = tpu.vector_load %arg21[%parallel_loop3A_441] {strides = array<i32>} : memref<4096xf32, #tpu.memory_space<vmem>>, vector<16xf32>,
          %parallel_loop3A_443 = vector.shape_cast %parallel_loop3A_442 : vector<16xf32> to vector<16xf32>
          %parallel_loop3A_444 = arith.mulf %parallel_loop3A_424, %parallel_loop3A_438 : vector<16xf32>
          %parallel_loop3A_445 = arith.mulf %parallel_loop3A_424, %parallel_loop3A_443 : vector<16xf32>
          %parallel_loop3A_446 = arith.constant 16 : i32
          %parallel_loop3A_447 = arith.addi %parallel_loop3A_433, %parallel_loop3A_446 : i32
          %parallel_loop3A_448 = arith.index_cast %parallel_loop3A_447 : i32 to index
          %parallel_loop3A_449 = tpu.vector_load %arg20[%parallel_loop3A_448] {strides = array<i32>} : memref<4096xf32, #tpu.memory_space<vmem>>, vector<16xf32>,
          %parallel_loop3A_450 = vector.shape_cast %parallel_loop3A_449 : vector<16xf32> to vector<16xf32>
          %parallel_loop3A_451 = arith.constant 16 : i32
          %parallel_loop3A_452 = arith.addi %parallel_loop3A_433, %parallel_loop3A_451 : i32
          %parallel_loop3A_453 = arith.index_cast %parallel_loop3A_452 : i32 to index
          %parallel_loop3A_454 = tpu.vector_load %arg21[%parallel_loop3A_453] {strides = array<i32>} : memref<4096xf32, #tpu.memory_space<vmem>>, vector<16xf32>,
          %parallel_loop3A_455 = vector.shape_cast %parallel_loop3A_454 : vector<16xf32> to vector<16xf32>
          %parallel_loop3A_456 = arith.mulf %parallel_loop3A_425, %parallel_loop3A_450 : vector<16xf32>
          %parallel_loop3A_457 = arith.addf %parallel_loop3A_444, %parallel_loop3A_456 : vector<16xf32>
          %parallel_loop3A_458 = arith.mulf %parallel_loop3A_425, %parallel_loop3A_455 : vector<16xf32>
          %parallel_loop3A_459 = arith.addf %parallel_loop3A_445, %parallel_loop3A_458 : vector<16xf32>
          %parallel_loop3A_460 = arith.constant 32 : i32
          %parallel_loop3A_461 = arith.addi %parallel_loop3A_433, %parallel_loop3A_460 : i32
          %parallel_loop3A_462 = arith.index_cast %parallel_loop3A_461 : i32 to index
          %parallel_loop3A_463 = tpu.vector_load %arg20[%parallel_loop3A_462] {strides = array<i32>} : memref<4096xf32, #tpu.memory_space<vmem>>, vector<16xf32>,
          %parallel_loop3A_464 = vector.shape_cast %parallel_loop3A_463 : vector<16xf32> to vector<16xf32>
          %parallel_loop3A_465 = arith.constant 32 : i32
          %parallel_loop3A_466 = arith.addi %parallel_loop3A_433, %parallel_loop3A_465 : i32
          %parallel_loop3A_467 = arith.index_cast %parallel_loop3A_466 : i32 to index
          %parallel_loop3A_468 = tpu.vector_load %arg21[%parallel_loop3A_467] {strides = array<i32>} : memref<4096xf32, #tpu.memory_space<vmem>>, vector<16xf32>,
          %parallel_loop3A_469 = vector.shape_cast %parallel_loop3A_468 : vector<16xf32> to vector<16xf32>
          %parallel_loop3A_470 = arith.mulf %parallel_loop3A_426, %parallel_loop3A_464 : vector<16xf32>
          %parallel_loop3A_471 = arith.addf %parallel_loop3A_457, %parallel_loop3A_470 : vector<16xf32>
          %parallel_loop3A_472 = arith.mulf %parallel_loop3A_426, %parallel_loop3A_469 : vector<16xf32>
          %parallel_loop3A_473 = arith.addf %parallel_loop3A_459, %parallel_loop3A_472 : vector<16xf32>
          %parallel_loop3A_474 = arith.constant 48 : i32
          %parallel_loop3A_475 = arith.addi %parallel_loop3A_433, %parallel_loop3A_474 : i32
          %parallel_loop3A_476 = arith.index_cast %parallel_loop3A_475 : i32 to index
          %parallel_loop3A_477 = tpu.vector_load %arg20[%parallel_loop3A_476] {strides = array<i32>} : memref<4096xf32, #tpu.memory_space<vmem>>, vector<16xf32>,
          %parallel_loop3A_478 = vector.shape_cast %parallel_loop3A_477 : vector<16xf32> to vector<16xf32>
          %parallel_loop3A_479 = arith.constant 48 : i32
          %parallel_loop3A_480 = arith.addi %parallel_loop3A_433, %parallel_loop3A_479 : i32
          %parallel_loop3A_481 = arith.index_cast %parallel_loop3A_480 : i32 to index
          %parallel_loop3A_482 = tpu.vector_load %arg21[%parallel_loop3A_481] {strides = array<i32>} : memref<4096xf32, #tpu.memory_space<vmem>>, vector<16xf32>,
          %parallel_loop3A_483 = vector.shape_cast %parallel_loop3A_482 : vector<16xf32> to vector<16xf32>
          %parallel_loop3A_484 = arith.mulf %parallel_loop3A_427, %parallel_loop3A_478 : vector<16xf32>
          %parallel_loop3A_485 = arith.addf %parallel_loop3A_471, %parallel_loop3A_484 : vector<16xf32>
          %parallel_loop3A_486 = arith.mulf %parallel_loop3A_427, %parallel_loop3A_483 : vector<16xf32>
          %parallel_loop3A_487 = arith.addf %parallel_loop3A_473, %parallel_loop3A_486 : vector<16xf32>
          %parallel_loop3A_488 = arith.constant 64 : i32
          %parallel_loop3A_489 = arith.addi %parallel_loop3A_433, %parallel_loop3A_488 : i32
          %parallel_loop3A_490 = arith.index_cast %parallel_loop3A_489 : i32 to index
          %parallel_loop3A_491 = tpu.vector_load %arg20[%parallel_loop3A_490] {strides = array<i32>} : memref<4096xf32, #tpu.memory_space<vmem>>, vector<16xf32>,
          %parallel_loop3A_492 = vector.shape_cast %parallel_loop3A_491 : vector<16xf32> to vector<16xf32>
          %parallel_loop3A_493 = arith.constant 64 : i32
          %parallel_loop3A_494 = arith.addi %parallel_loop3A_433, %parallel_loop3A_493 : i32
          %parallel_loop3A_495 = arith.index_cast %parallel_loop3A_494 : i32 to index
          %parallel_loop3A_496 = tpu.vector_load %arg21[%parallel_loop3A_495] {strides = array<i32>} : memref<4096xf32, #tpu.memory_space<vmem>>, vector<16xf32>,
          %parallel_loop3A_497 = vector.shape_cast %parallel_loop3A_496 : vector<16xf32> to vector<16xf32>
          %parallel_loop3A_498 = arith.mulf %parallel_loop3A_428, %parallel_loop3A_492 : vector<16xf32>
          %parallel_loop3A_499 = arith.addf %parallel_loop3A_485, %parallel_loop3A_498 : vector<16xf32>
          %parallel_loop3A_500 = arith.mulf %parallel_loop3A_428, %parallel_loop3A_497 : vector<16xf32>
          %parallel_loop3A_501 = arith.addf %parallel_loop3A_487, %parallel_loop3A_500 : vector<16xf32>
          %parallel_loop3A_502 = arith.constant 80 : i32
          %parallel_loop3A_503 = arith.addi %parallel_loop3A_433, %parallel_loop3A_502 : i32
          %parallel_loop3A_504 = arith.index_cast %parallel_loop3A_503 : i32 to index
          %parallel_loop3A_505 = tpu.vector_load %arg20[%parallel_loop3A_504] {strides = array<i32>} : memref<4096xf32, #tpu.memory_space<vmem>>, vector<16xf32>,
          %parallel_loop3A_506 = vector.shape_cast %parallel_loop3A_505 : vector<16xf32> to vector<16xf32>
          %parallel_loop3A_507 = arith.constant 80 : i32
          %parallel_loop3A_508 = arith.addi %parallel_loop3A_433, %parallel_loop3A_507 : i32
          %parallel_loop3A_509 = arith.index_cast %parallel_loop3A_508 : i32 to index
          %parallel_loop3A_510 = tpu.vector_load %arg21[%parallel_loop3A_509] {strides = array<i32>} : memref<4096xf32, #tpu.memory_space<vmem>>, vector<16xf32>,
          %parallel_loop3A_511 = vector.shape_cast %parallel_loop3A_510 : vector<16xf32> to vector<16xf32>
          %parallel_loop3A_512 = arith.mulf %parallel_loop3A_429, %parallel_loop3A_506 : vector<16xf32>
          %parallel_loop3A_513 = arith.addf %parallel_loop3A_499, %parallel_loop3A_512 : vector<16xf32>
          %parallel_loop3A_514 = arith.mulf %parallel_loop3A_429, %parallel_loop3A_511 : vector<16xf32>
          %parallel_loop3A_515 = arith.addf %parallel_loop3A_501, %parallel_loop3A_514 : vector<16xf32>
          %parallel_loop3A_516 = arith.constant 96 : i32
          %parallel_loop3A_517 = arith.addi %parallel_loop3A_433, %parallel_loop3A_516 : i32
          %parallel_loop3A_518 = arith.index_cast %parallel_loop3A_517 : i32 to index
          %parallel_loop3A_519 = tpu.vector_load %arg20[%parallel_loop3A_518] {strides = array<i32>} : memref<4096xf32, #tpu.memory_space<vmem>>, vector<16xf32>,
          %parallel_loop3A_520 = vector.shape_cast %parallel_loop3A_519 : vector<16xf32> to vector<16xf32>
          %parallel_loop3A_521 = arith.constant 96 : i32
          %parallel_loop3A_522 = arith.addi %parallel_loop3A_433, %parallel_loop3A_521 : i32
          %parallel_loop3A_523 = arith.index_cast %parallel_loop3A_522 : i32 to index
          %parallel_loop3A_524 = tpu.vector_load %arg21[%parallel_loop3A_523] {strides = array<i32>} : memref<4096xf32, #tpu.memory_space<vmem>>, vector<16xf32>,
          %parallel_loop3A_525 = vector.shape_cast %parallel_loop3A_524 : vector<16xf32> to vector<16xf32>
          %parallel_loop3A_526 = arith.mulf %parallel_loop3A_430, %parallel_loop3A_520 : vector<16xf32>
          %parallel_loop3A_527 = arith.addf %parallel_loop3A_513, %parallel_loop3A_526 : vector<16xf32>
          %parallel_loop3A_528 = arith.mulf %parallel_loop3A_430, %parallel_loop3A_525 : vector<16xf32>
          %parallel_loop3A_529 = arith.addf %parallel_loop3A_515, %parallel_loop3A_528 : vector<16xf32>
          %parallel_loop3A_530 = arith.constant 112 : i32
          %parallel_loop3A_531 = arith.addi %parallel_loop3A_433, %parallel_loop3A_530 : i32
          %parallel_loop3A_532 = arith.index_cast %parallel_loop3A_531 : i32 to index
          %parallel_loop3A_533 = tpu.vector_load %arg20[%parallel_loop3A_532] {strides = array<i32>} : memref<4096xf32, #tpu.memory_space<vmem>>, vector<16xf32>,
          %parallel_loop3A_534 = vector.shape_cast %parallel_loop3A_533 : vector<16xf32> to vector<16xf32>
          %parallel_loop3A_535 = arith.constant 112 : i32
          %parallel_loop3A_536 = arith.addi %parallel_loop3A_433, %parallel_loop3A_535 : i32
          %parallel_loop3A_537 = arith.index_cast %parallel_loop3A_536 : i32 to index
          %parallel_loop3A_538 = tpu.vector_load %arg21[%parallel_loop3A_537] {strides = array<i32>} : memref<4096xf32, #tpu.memory_space<vmem>>, vector<16xf32>,
          %parallel_loop3A_539 = vector.shape_cast %parallel_loop3A_538 : vector<16xf32> to vector<16xf32>
          %parallel_loop3A_540 = arith.mulf %parallel_loop3A_431, %parallel_loop3A_534 : vector<16xf32>
          %parallel_loop3A_541 = arith.addf %parallel_loop3A_527, %parallel_loop3A_540 : vector<16xf32>
          %parallel_loop3A_542 = arith.mulf %parallel_loop3A_431, %parallel_loop3A_539 : vector<16xf32>
          %parallel_loop3A_543 = arith.addf %parallel_loop3A_529, %parallel_loop3A_542 : vector<16xf32>
          %parallel_loop3A_544 = arith.constant 0 : i32
          %parallel_loop3A_545 = arith.index_cast %parallel_loop3A_544 : i32 to index
          %parallel_loop3A_546 = arith.index_cast %parallel_loop3A_401 : i32 to index
          %parallel_loop3A_547 = tpu.vector_load %arg24[%parallel_loop3A_545, %parallel_loop3A_546] {strides = array<i32>} : memref<2x512xf32, #tpu.memory_space<vmem>>, vector<1x16xf32>,
          %parallel_loop3A_548 = vector.shape_cast %parallel_loop3A_547 : vector<1x16xf32> to vector<16xf32>
          %parallel_loop3A_549 = vector.shape_cast %parallel_loop3A_541 : vector<16xf32> to vector<1x16xf32>
          tpu.vector_store %arg24[%parallel_loop3A_545, %parallel_loop3A_546], %parallel_loop3A_549 {strides = array<i32>} : memref<2x512xf32, #tpu.memory_space<vmem>>, vector<1x16xf32>,
          %parallel_loop3A_550 = arith.constant 1 : i32
          %parallel_loop3A_551 = arith.index_cast %parallel_loop3A_550 : i32 to index
          %parallel_loop3A_552 = arith.index_cast %parallel_loop3A_401 : i32 to index
          %parallel_loop3A_553 = tpu.vector_load %arg24[%parallel_loop3A_551, %parallel_loop3A_552] {strides = array<i32>} : memref<2x512xf32, #tpu.memory_space<vmem>>, vector<1x16xf32>,
          %parallel_loop3A_554 = vector.shape_cast %parallel_loop3A_553 : vector<1x16xf32> to vector<16xf32>
          %parallel_loop3A_555 = vector.shape_cast %parallel_loop3A_543 : vector<16xf32> to vector<1x16xf32>
          tpu.vector_store %arg24[%parallel_loop3A_551, %parallel_loop3A_552], %parallel_loop3A_555 {strides = array<i32>} : memref<2x512xf32, #tpu.memory_space<vmem>>, vector<1x16xf32>,
        } {sc.loop_unroll_factor = 2 : i64, sc.parallel_access}
        %add3A_309 = arith.addi %mul3A_25, %mul3A_2 : i32
        %mul3A_310 = arith.constant 512 : i32
        %mul3A_311 = arith.muli %mul3A_268, %mul3A_310 : i32
        %add3A_312 = arith.addi %add3A_309, %mul3A_311 : i32
        %dma_start3A_313 = arith.constant 0 : i32
        %dma_start3A_314 = arith.constant 0 : i32
        %dma_start3A_315 = tpu.memref_slice %arg24[%dma_start3A_313, %dma_start3A_314] : memref<2x512xf32, #tpu.memory_space<vmem>> -> memref<1x512xf32, #tpu.memory_space<vmem>>
        %dma_start3A_316 = tpu.memref_squeeze %dma_start3A_315 : memref<1x512xf32, #tpu.memory_space<vmem>> -> memref<512xf32, #tpu.memory_space<vmem>>
        %dma_start3A_317 = tpu.memref_slice %arg8[%add3A_312] : memref<8388608xf32, #tpu.memory_space<hbm>> -> memref<512xf32, #tpu.memory_space<hbm>>
        %dma_start3A_318 = tpu.memref_slice %arg8[%add3A_312] : memref<8388608xf32, #tpu.memory_space<hbm>> -> memref<512xf32, #tpu.memory_space<hbm>>
        %dma_start3A_319 = arith.constant 0 : i32
        %dma_start3A_320 = tpu.memref_slice %arg24[%dma_start3A_313, %dma_start3A_319] : memref<2x512xf32, #tpu.memory_space<vmem>> -> memref<1x512xf32, #tpu.memory_space<vmem>>
        %dma_start3A_321 = tpu.memref_squeeze %dma_start3A_320 : memref<1x512xf32, #tpu.memory_space<vmem>> -> memref<512xf32, #tpu.memory_space<vmem>>
        tpu.enqueue_dma source(%dma_start3A_321 : memref<512xf32, #tpu.memory_space<vmem>>) target(%dma_start3A_318 : memref<512xf32, #tpu.memory_space<hbm>>) target_semaphore(%arg33 : memref<!tpu.dma_semaphore, #tpu.memory_space<semaphore_mem>>)
        %add3A_322 = arith.constant 262144 : i32
        %add3A_323 = arith.addi %add3A_312, %add3A_322 : i32
        %dma_start3A_324 = arith.constant 1 : i32
        %dma_start3A_325 = arith.constant 0 : i32
        %dma_start3A_326 = tpu.memref_slice %arg24[%dma_start3A_324, %dma_start3A_325] : memref<2x512xf32, #tpu.memory_space<vmem>> -> memref<1x512xf32, #tpu.memory_space<vmem>>
        %dma_start3A_327 = tpu.memref_squeeze %dma_start3A_326 : memref<1x512xf32, #tpu.memory_space<vmem>> -> memref<512xf32, #tpu.memory_space<vmem>>
        %dma_start3A_328 = tpu.memref_slice %arg8[%add3A_323] : memref<8388608xf32, #tpu.memory_space<hbm>> -> memref<512xf32, #tpu.memory_space<hbm>>
        %dma_start3A_329 = tpu.memref_slice %arg8[%add3A_323] : memref<8388608xf32, #tpu.memory_space<hbm>> -> memref<512xf32, #tpu.memory_space<hbm>>
        %dma_start3A_330 = arith.constant 0 : i32
        %dma_start3A_331 = tpu.memref_slice %arg24[%dma_start3A_324, %dma_start3A_330] : memref<2x512xf32, #tpu.memory_space<vmem>> -> memref<1x512xf32, #tpu.memory_space<vmem>>
        %dma_start3A_332 = tpu.memref_squeeze %dma_start3A_331 : memref<1x512xf32, #tpu.memory_space<vmem>> -> memref<512xf32, #tpu.memory_space<vmem>>
        tpu.enqueue_dma source(%dma_start3A_332 : memref<512xf32, #tpu.memory_space<vmem>>) target(%dma_start3A_329 : memref<512xf32, #tpu.memory_space<hbm>>) target_semaphore(%arg33 : memref<!tpu.dma_semaphore, #tpu.memory_space<semaphore_mem>>)
        %add3A_333 = arith.constant 2 : i32
        %add3A_334 = arith.addi %mul3A_268, %add3A_333 : i32
        %mul3A_335 = arith.constant 512 : i32
        %mul3A_336 = arith.muli %add3A_334, %mul3A_335 : i32
        %parallel_loop3A_337 = arith.constant 0 : i32
        %parallel_loop3A_338 = arith.constant 32 : i32
        %parallel_loop3A_339 = arith.constant 1 : i32
        scf.for %parallel_loop3A_399 = %parallel_loop3A_337 to %parallel_loop3A_338 step %parallel_loop3A_339  : i32 {
          %parallel_loop3A_400 = arith.constant 16 : i32
          %parallel_loop3A_401 = arith.muli %parallel_loop3A_399, %parallel_loop3A_400 : i32
          %parallel_loop3A_402 = arith.constant 16 : i32
          %parallel_loop3A_403 = arith.muli %parallel_loop3A_399, %parallel_loop3A_402 : i32
          %parallel_loop3A_404 = arith.addi %mul3A_336, %parallel_loop3A_403 : i32
          %parallel_loop3A_405 = arith.index_cast %parallel_loop3A_404 : i32 to index
          %parallel_loop3A_406 = tpu.vector_load %arg9[%parallel_loop3A_405] {strides = array<i32>} : memref<8192xf32, #tpu.memory_space<vmem>>, vector<16xf32>,
          %parallel_loop3A_407 = vector.shape_cast %parallel_loop3A_406 : vector<16xf32> to vector<16xf32>
          %parallel_loop3A_408 = arith.mulf %parallel_loop3A_407, %get3A_21 : vector<16xf32>
          %parallel_loop3A_409 = arith.index_cast %parallel_loop3A_404 : i32 to index
          %parallel_loop3A_410 = tpu.vector_load %arg10[%parallel_loop3A_409] {strides = array<i32>} : memref<8192xf32, #tpu.memory_space<vmem>>, vector<16xf32>,
          %parallel_loop3A_411 = vector.shape_cast %parallel_loop3A_410 : vector<16xf32> to vector<16xf32>
          %parallel_loop3A_412 = arith.mulf %parallel_loop3A_411, %get3A_21 : vector<16xf32>
          %parallel_loop3A_413 = arith.index_cast %parallel_loop3A_404 : i32 to index
          %parallel_loop3A_414 = tpu.vector_load %arg11[%parallel_loop3A_413] {strides = array<i32>} : memref<8192xf32, #tpu.memory_space<vmem>>, vector<16xf32>,
          %parallel_loop3A_415 = vector.shape_cast %parallel_loop3A_414 : vector<16xf32> to vector<16xf32>
          %parallel_loop3A_416 = arith.mulf %parallel_loop3A_415, %get3A_21 : vector<16xf32>
          %parallel_loop3A_417 = arith.fptosi %parallel_loop3A_408 : vector<16xf32> to vector<16xi32>
          %parallel_loop3A_418 = arith.fptosi %parallel_loop3A_412 : vector<16xf32> to vector<16xi32>
          %parallel_loop3A_419 = arith.fptosi %parallel_loop3A_416 : vector<16xf32> to vector<16xi32>
          %parallel_loop3A_420 = arith.sitofp %parallel_loop3A_417 : vector<16xi32> to vector<16xf32>
          %parallel_loop3A_421 = arith.subf %parallel_loop3A_408, %parallel_loop3A_420 : vector<16xf32>
          %parallel_loop3A_422 = arith.index_cast %parallel_loop3A_401 : i32 to index
          %parallel_loop3A_423 = tpu.vector_load %arg12[%parallel_loop3A_422] {strides = array<i32>} : memref<512xf32, #tpu.memory_space<vmem>>, vector<16xf32>,
          %parallel_loop3A_424 = vector.shape_cast %parallel_loop3A_423 : vector<16xf32> to vector<16xf32>
          %parallel_loop3A_425 = vector.shape_cast %parallel_loop3A_421 : vector<16xf32> to vector<16xf32>
          tpu.vector_store %arg12[%parallel_loop3A_422], %parallel_loop3A_425 {strides = array<i32>} : memref<512xf32, #tpu.memory_space<vmem>>, vector<16xf32>,
          %parallel_loop3A_426 = arith.sitofp %parallel_loop3A_418 : vector<16xi32> to vector<16xf32>
          %parallel_loop3A_427 = arith.subf %parallel_loop3A_412, %parallel_loop3A_426 : vector<16xf32>
          %parallel_loop3A_428 = arith.index_cast %parallel_loop3A_401 : i32 to index
          %parallel_loop3A_429 = tpu.vector_load %arg13[%parallel_loop3A_428] {strides = array<i32>} : memref<512xf32, #tpu.memory_space<vmem>>, vector<16xf32>,
          %parallel_loop3A_430 = vector.shape_cast %parallel_loop3A_429 : vector<16xf32> to vector<16xf32>
          %parallel_loop3A_431 = vector.shape_cast %parallel_loop3A_427 : vector<16xf32> to vector<16xf32>
          tpu.vector_store %arg13[%parallel_loop3A_428], %parallel_loop3A_431 {strides = array<i32>} : memref<512xf32, #tpu.memory_space<vmem>>, vector<16xf32>,
          %parallel_loop3A_432 = arith.sitofp %parallel_loop3A_419 : vector<16xi32> to vector<16xf32>
          %parallel_loop3A_433 = arith.subf %parallel_loop3A_416, %parallel_loop3A_432 : vector<16xf32>
          %parallel_loop3A_434 = arith.index_cast %parallel_loop3A_401 : i32 to index
          %parallel_loop3A_435 = tpu.vector_load %arg14[%parallel_loop3A_434] {strides = array<i32>} : memref<512xf32, #tpu.memory_space<vmem>>, vector<16xf32>,
          %parallel_loop3A_436 = vector.shape_cast %parallel_loop3A_435 : vector<16xf32> to vector<16xf32>
          %parallel_loop3A_437 = vector.shape_cast %parallel_loop3A_433 : vector<16xf32> to vector<16xf32>
          tpu.vector_store %arg14[%parallel_loop3A_434], %parallel_loop3A_437 {strides = array<i32>} : memref<512xf32, #tpu.memory_space<vmem>>, vector<16xf32>,
          %parallel_loop3A_438 = arith.constant -1640531535 : i32
          %parallel_loop3A_439 = vector.broadcast %parallel_loop3A_438 : i32 to vector<16xi32>
          %parallel_loop3A_440 = arith.muli %parallel_loop3A_418, %parallel_loop3A_439 : vector<16xi32>
          %parallel_loop3A_441 = arith.constant 805459861 : i32
          %parallel_loop3A_442 = vector.broadcast %parallel_loop3A_441 : i32 to vector<16xi32>
          %parallel_loop3A_443 = arith.muli %parallel_loop3A_419, %parallel_loop3A_442 : vector<16xi32>
          %parallel_loop3A_444 = arith.constant -1640531535 : i32
          %parallel_loop3A_445 = vector.broadcast %parallel_loop3A_444 : i32 to vector<16xi32>
          %parallel_loop3A_446 = arith.addi %parallel_loop3A_440, %parallel_loop3A_445 : vector<16xi32>
          %parallel_loop3A_447 = arith.constant 805459861 : i32
          %parallel_loop3A_448 = vector.broadcast %parallel_loop3A_447 : i32 to vector<16xi32>
          %parallel_loop3A_449 = arith.addi %parallel_loop3A_443, %parallel_loop3A_448 : vector<16xi32>
          %parallel_loop3A_450 = arith.constant 524287 : i32
          %parallel_loop3A_451 = vector.broadcast %parallel_loop3A_450 : i32 to vector<16xi32>
          %parallel_loop3A_452 = arith.andi %parallel_loop3A_417, %parallel_loop3A_451 : vector<16xi32>
          %parallel_loop3A_453 = arith.constant 1 : i32
          %parallel_loop3A_454 = vector.broadcast %parallel_loop3A_453 : i32 to vector<16xi32>
          %parallel_loop3A_455 = arith.addi %parallel_loop3A_417, %parallel_loop3A_454 : vector<16xi32>
          %parallel_loop3A_456 = arith.constant 524287 : i32
          %parallel_loop3A_457 = vector.broadcast %parallel_loop3A_456 : i32 to vector<16xi32>
          %parallel_loop3A_458 = arith.andi %parallel_loop3A_455, %parallel_loop3A_457 : vector<16xi32>
          %parallel_loop3A_459 = arith.xori %parallel_loop3A_440, %parallel_loop3A_443 : vector<16xi32>
          %parallel_loop3A_460 = arith.constant 524287 : i32
          %parallel_loop3A_461 = vector.broadcast %parallel_loop3A_460 : i32 to vector<16xi32>
          %parallel_loop3A_462 = arith.andi %parallel_loop3A_459, %parallel_loop3A_461 : vector<16xi32>
          %parallel_loop3A_463 = arith.xori %parallel_loop3A_440, %parallel_loop3A_449 : vector<16xi32>
          %parallel_loop3A_464 = arith.constant 524287 : i32
          %parallel_loop3A_465 = vector.broadcast %parallel_loop3A_464 : i32 to vector<16xi32>
          %parallel_loop3A_466 = arith.andi %parallel_loop3A_463, %parallel_loop3A_465 : vector<16xi32>
          %parallel_loop3A_467 = arith.xori %parallel_loop3A_446, %parallel_loop3A_443 : vector<16xi32>
          %parallel_loop3A_468 = arith.constant 524287 : i32
          %parallel_loop3A_469 = vector.broadcast %parallel_loop3A_468 : i32 to vector<16xi32>
          %parallel_loop3A_470 = arith.andi %parallel_loop3A_467, %parallel_loop3A_469 : vector<16xi32>
          %parallel_loop3A_471 = arith.xori %parallel_loop3A_446, %parallel_loop3A_449 : vector<16xi32>
          %parallel_loop3A_472 = arith.constant 524287 : i32
          %parallel_loop3A_473 = vector.broadcast %parallel_loop3A_472 : i32 to vector<16xi32>
          %parallel_loop3A_474 = arith.andi %parallel_loop3A_471, %parallel_loop3A_473 : vector<16xi32>
          %parallel_loop3A_475 = arith.constant 128 : i32
          %parallel_loop3A_476 = arith.muli %parallel_loop3A_399, %parallel_loop3A_475 : i32
          %parallel_loop3A_477 = arith.xori %parallel_loop3A_452, %parallel_loop3A_462 : vector<16xi32>
          %parallel_loop3A_478 = arith.constant 0 : i32
          %parallel_loop3A_479 = arith.addi %parallel_loop3A_476, %parallel_loop3A_478 : i32
          %parallel_loop3A_480 = arith.index_cast %parallel_loop3A_479 : i32 to index
          %parallel_loop3A_481 = tpu.vector_load %arg18[%parallel_loop3A_480] {strides = array<i32>} : memref<4096xi32, #tpu.memory_space<vmem>>, vector<16xi32>,
          %parallel_loop3A_482 = vector.shape_cast %parallel_loop3A_481 : vector<16xi32> to vector<16xi32>
          %parallel_loop3A_483 = vector.shape_cast %parallel_loop3A_477 : vector<16xi32> to vector<16xi32>
          tpu.vector_store %arg18[%parallel_loop3A_480], %parallel_loop3A_483 {strides = array<i32>} : memref<4096xi32, #tpu.memory_space<vmem>>, vector<16xi32>,
          %parallel_loop3A_484 = arith.xori %parallel_loop3A_452, %parallel_loop3A_466 : vector<16xi32>
          %parallel_loop3A_485 = arith.constant 16 : i32
          %parallel_loop3A_486 = arith.addi %parallel_loop3A_476, %parallel_loop3A_485 : i32
          %parallel_loop3A_487 = arith.index_cast %parallel_loop3A_486 : i32 to index
          %parallel_loop3A_488 = tpu.vector_load %arg18[%parallel_loop3A_487] {strides = array<i32>} : memref<4096xi32, #tpu.memory_space<vmem>>, vector<16xi32>,
          %parallel_loop3A_489 = vector.shape_cast %parallel_loop3A_488 : vector<16xi32> to vector<16xi32>
          %parallel_loop3A_490 = vector.shape_cast %parallel_loop3A_484 : vector<16xi32> to vector<16xi32>
          tpu.vector_store %arg18[%parallel_loop3A_487], %parallel_loop3A_490 {strides = array<i32>} : memref<4096xi32, #tpu.memory_space<vmem>>, vector<16xi32>,
          %parallel_loop3A_491 = arith.xori %parallel_loop3A_452, %parallel_loop3A_470 : vector<16xi32>
          %parallel_loop3A_492 = arith.constant 32 : i32
          %parallel_loop3A_493 = arith.addi %parallel_loop3A_476, %parallel_loop3A_492 : i32
          %parallel_loop3A_494 = arith.index_cast %parallel_loop3A_493 : i32 to index
          %parallel_loop3A_495 = tpu.vector_load %arg18[%parallel_loop3A_494] {strides = array<i32>} : memref<4096xi32, #tpu.memory_space<vmem>>, vector<16xi32>,
          %parallel_loop3A_496 = vector.shape_cast %parallel_loop3A_495 : vector<16xi32> to vector<16xi32>
          %parallel_loop3A_497 = vector.shape_cast %parallel_loop3A_491 : vector<16xi32> to vector<16xi32>
          tpu.vector_store %arg18[%parallel_loop3A_494], %parallel_loop3A_497 {strides = array<i32>} : memref<4096xi32, #tpu.memory_space<vmem>>, vector<16xi32>,
          %parallel_loop3A_498 = arith.xori %parallel_loop3A_452, %parallel_loop3A_474 : vector<16xi32>
          %parallel_loop3A_499 = arith.constant 48 : i32
          %parallel_loop3A_500 = arith.addi %parallel_loop3A_476, %parallel_loop3A_499 : i32
          %parallel_loop3A_501 = arith.index_cast %parallel_loop3A_500 : i32 to index
          %parallel_loop3A_502 = tpu.vector_load %arg18[%parallel_loop3A_501] {strides = array<i32>} : memref<4096xi32, #tpu.memory_space<vmem>>, vector<16xi32>,
          %parallel_loop3A_503 = vector.shape_cast %parallel_loop3A_502 : vector<16xi32> to vector<16xi32>
          %parallel_loop3A_504 = vector.shape_cast %parallel_loop3A_498 : vector<16xi32> to vector<16xi32>
          tpu.vector_store %arg18[%parallel_loop3A_501], %parallel_loop3A_504 {strides = array<i32>} : memref<4096xi32, #tpu.memory_space<vmem>>, vector<16xi32>,
          %parallel_loop3A_505 = arith.xori %parallel_loop3A_458, %parallel_loop3A_462 : vector<16xi32>
          %parallel_loop3A_506 = arith.constant 64 : i32
          %parallel_loop3A_507 = arith.addi %parallel_loop3A_476, %parallel_loop3A_506 : i32
          %parallel_loop3A_508 = arith.index_cast %parallel_loop3A_507 : i32 to index
          %parallel_loop3A_509 = tpu.vector_load %arg18[%parallel_loop3A_508] {strides = array<i32>} : memref<4096xi32, #tpu.memory_space<vmem>>, vector<16xi32>,
          %parallel_loop3A_510 = vector.shape_cast %parallel_loop3A_509 : vector<16xi32> to vector<16xi32>
          %parallel_loop3A_511 = vector.shape_cast %parallel_loop3A_505 : vector<16xi32> to vector<16xi32>
          tpu.vector_store %arg18[%parallel_loop3A_508], %parallel_loop3A_511 {strides = array<i32>} : memref<4096xi32, #tpu.memory_space<vmem>>, vector<16xi32>,
          %parallel_loop3A_512 = arith.xori %parallel_loop3A_458, %parallel_loop3A_466 : vector<16xi32>
          %parallel_loop3A_513 = arith.constant 80 : i32
          %parallel_loop3A_514 = arith.addi %parallel_loop3A_476, %parallel_loop3A_513 : i32
          %parallel_loop3A_515 = arith.index_cast %parallel_loop3A_514 : i32 to index
          %parallel_loop3A_516 = tpu.vector_load %arg18[%parallel_loop3A_515] {strides = array<i32>} : memref<4096xi32, #tpu.memory_space<vmem>>, vector<16xi32>,
          %parallel_loop3A_517 = vector.shape_cast %parallel_loop3A_516 : vector<16xi32> to vector<16xi32>
          %parallel_loop3A_518 = vector.shape_cast %parallel_loop3A_512 : vector<16xi32> to vector<16xi32>
          tpu.vector_store %arg18[%parallel_loop3A_515], %parallel_loop3A_518 {strides = array<i32>} : memref<4096xi32, #tpu.memory_space<vmem>>, vector<16xi32>,
          %parallel_loop3A_519 = arith.xori %parallel_loop3A_458, %parallel_loop3A_470 : vector<16xi32>
          %parallel_loop3A_520 = arith.constant 96 : i32
          %parallel_loop3A_521 = arith.addi %parallel_loop3A_476, %parallel_loop3A_520 : i32
          %parallel_loop3A_522 = arith.index_cast %parallel_loop3A_521 : i32 to index
          %parallel_loop3A_523 = tpu.vector_load %arg18[%parallel_loop3A_522] {strides = array<i32>} : memref<4096xi32, #tpu.memory_space<vmem>>, vector<16xi32>,
          %parallel_loop3A_524 = vector.shape_cast %parallel_loop3A_523 : vector<16xi32> to vector<16xi32>
          %parallel_loop3A_525 = vector.shape_cast %parallel_loop3A_519 : vector<16xi32> to vector<16xi32>
          tpu.vector_store %arg18[%parallel_loop3A_522], %parallel_loop3A_525 {strides = array<i32>} : memref<4096xi32, #tpu.memory_space<vmem>>, vector<16xi32>,
          %parallel_loop3A_526 = arith.xori %parallel_loop3A_458, %parallel_loop3A_474 : vector<16xi32>
          %parallel_loop3A_527 = arith.constant 112 : i32
          %parallel_loop3A_528 = arith.addi %parallel_loop3A_476, %parallel_loop3A_527 : i32
          %parallel_loop3A_529 = arith.index_cast %parallel_loop3A_528 : i32 to index
          %parallel_loop3A_530 = tpu.vector_load %arg18[%parallel_loop3A_529] {strides = array<i32>} : memref<4096xi32, #tpu.memory_space<vmem>>, vector<16xi32>,
          %parallel_loop3A_531 = vector.shape_cast %parallel_loop3A_530 : vector<16xi32> to vector<16xi32>
          %parallel_loop3A_532 = vector.shape_cast %parallel_loop3A_526 : vector<16xi32> to vector<16xi32>
          tpu.vector_store %arg18[%parallel_loop3A_529], %parallel_loop3A_532 {strides = array<i32>} : memref<4096xi32, #tpu.memory_space<vmem>>, vector<16xi32>,
        } {sc.loop_unroll_factor = 2 : i64, sc.parallel_access}
        %dma_start3A_340 = arith.constant 0 : i32
        %dma_start3A_341 = tpu.memref_slice %arg27[%dma_start3A_340] : memref<524288xf32, #tpu.memory_space<vmem_shared>> -> memref<524288xf32, #tpu.memory_space<vmem_shared>>
        tpu.enqueue_indirect_dma source(%dma_start3A_341 : memref<524288xf32, #tpu.memory_space<vmem_shared>>) target(%arg20 : memref<4096xf32, #tpu.memory_space<vmem>>) offsets(%arg18 : memref<4096xi32, #tpu.memory_space<vmem>>) semaphore(%arg29 : memref<!tpu.dma_semaphore, #tpu.memory_space<semaphore_mem>>)
        %dma_start3A_342 = arith.constant 0 : i32
        %dma_start3A_343 = tpu.memref_slice %arg28[%dma_start3A_342] : memref<524288xf32, #tpu.memory_space<vmem_shared>> -> memref<524288xf32, #tpu.memory_space<vmem_shared>>
        tpu.enqueue_indirect_dma source(%dma_start3A_343 : memref<524288xf32, #tpu.memory_space<vmem_shared>>) target(%arg21 : memref<4096xf32, #tpu.memory_space<vmem>>) offsets(%arg18 : memref<4096xi32, #tpu.memory_space<vmem>>) semaphore(%arg30 : memref<!tpu.dma_semaphore, #tpu.memory_space<semaphore_mem>>)
        %dma_wait3A_344 = arith.constant 0 : i32
        %dma_wait3A_345 = tpu.memref_slice %arg27[%dma_wait3A_344] : memref<524288xf32, #tpu.memory_space<vmem_shared>> -> memref<524288xf32, #tpu.memory_space<vmem_shared>>
        tpu.wait_indirect_dma semaphore(%arg31 : memref<!tpu.dma_semaphore, #tpu.memory_space<semaphore_mem>>) src(%dma_wait3A_345 : memref<524288xf32, #tpu.memory_space<vmem_shared>>) dst(%arg22 : memref<4096xf32, #tpu.memory_space<vmem>>)
        %dma_wait3A_346 = arith.constant 0 : i32
        %dma_wait3A_347 = tpu.memref_slice %arg28[%dma_wait3A_346] : memref<524288xf32, #tpu.memory_space<vmem_shared>> -> memref<524288xf32, #tpu.memory_space<vmem_shared>>
        tpu.wait_indirect_dma semaphore(%arg32 : memref<!tpu.dma_semaphore, #tpu.memory_space<semaphore_mem>>) src(%dma_wait3A_347 : memref<524288xf32, #tpu.memory_space<vmem_shared>>) dst(%arg23 : memref<4096xf32, #tpu.memory_space<vmem>>)
        %dma_wait3A_348 = arith.constant 0 : i32
        %dma_wait3A_349 = arith.constant 0 : i32
        %dma_wait3A_350 = tpu.memref_slice %arg25[%dma_wait3A_348, %dma_wait3A_349] : memref<2x512xf32, #tpu.memory_space<vmem>> -> memref<1x512xf32, #tpu.memory_space<vmem>>
        %dma_wait3A_351 = tpu.memref_squeeze %dma_wait3A_350 : memref<1x512xf32, #tpu.memory_space<vmem>> -> memref<512xf32, #tpu.memory_space<vmem>>
        %dma_wait3A_352 = arith.constant 0 : i32
        %dma_wait3A_353 = tpu.memref_slice %arg8[%dma_wait3A_352] : memref<8388608xf32, #tpu.memory_space<hbm>> -> memref<512xf32, #tpu.memory_space<hbm>>
        %dma_wait3A_354 = arith.constant 0 : i32
        %dma_wait3A_355 = tpu.memref_slice %arg8[%dma_wait3A_354] : memref<8388608xf32, #tpu.memory_space<hbm>> -> memref<512xf32, #tpu.memory_space<hbm>>
        %dma_wait3A_356 = arith.constant 0 : i32
        %dma_wait3A_357 = tpu.memref_slice %arg25[%dma_wait3A_348, %dma_wait3A_356] : memref<2x512xf32, #tpu.memory_space<vmem>> -> memref<1x512xf32, #tpu.memory_space<vmem>>
        %dma_wait3A_358 = tpu.memref_squeeze %dma_wait3A_357 : memref<1x512xf32, #tpu.memory_space<vmem>> -> memref<512xf32, #tpu.memory_space<vmem>>
        tpu.wait_dma2 semaphore(%arg34 : memref<!tpu.dma_semaphore, #tpu.memory_space<semaphore_mem>>) src(%dma_wait3A_358 : memref<512xf32, #tpu.memory_space<vmem>>) dst(%dma_wait3A_355 : memref<512xf32, #tpu.memory_space<hbm>>)
        %dma_wait3A_359 = arith.constant 1 : i32
        %dma_wait3A_360 = arith.constant 0 : i32
        %dma_wait3A_361 = tpu.memref_slice %arg25[%dma_wait3A_359, %dma_wait3A_360] : memref<2x512xf32, #tpu.memory_space<vmem>> -> memref<1x512xf32, #tpu.memory_space<vmem>>
        %dma_wait3A_362 = tpu.memref_squeeze %dma_wait3A_361 : memref<1x512xf32, #tpu.memory_space<vmem>> -> memref<512xf32, #tpu.memory_space<vmem>>
        %dma_wait3A_363 = arith.constant 0 : i32
        %dma_wait3A_364 = tpu.memref_slice %arg8[%dma_wait3A_363] : memref<8388608xf32, #tpu.memory_space<hbm>> -> memref<512xf32, #tpu.memory_space<hbm>>
        %dma_wait3A_365 = arith.constant 0 : i32
        %dma_wait3A_366 = tpu.memref_slice %arg8[%dma_wait3A_365] : memref<8388608xf32, #tpu.memory_space<hbm>> -> memref<512xf32, #tpu.memory_space<hbm>>
        %dma_wait3A_367 = arith.constant 0 : i32
        %dma_wait3A_368 = tpu.memref_slice %arg25[%dma_wait3A_359, %dma_wait3A_367] : memref<2x512xf32, #tpu.memory_space<vmem>> -> memref<1x512xf32, #tpu.memory_space<vmem>>
        %dma_wait3A_369 = tpu.memref_squeeze %dma_wait3A_368 : memref<1x512xf32, #tpu.memory_space<vmem>> -> memref<512xf32, #tpu.memory_space<vmem>>
        tpu.wait_dma2 semaphore(%arg34 : memref<!tpu.dma_semaphore, #tpu.memory_space<semaphore_mem>>) src(%dma_wait3A_369 : memref<512xf32, #tpu.memory_space<vmem>>) dst(%dma_wait3A_366 : memref<512xf32, #tpu.memory_space<hbm>>)
        %parallel_loop3A_370 = arith.constant 0 : i32
        %parallel_loop3A_371 = arith.constant 32 : i32
        %parallel_loop3A_372 = arith.constant 1 : i32
        scf.for %parallel_loop3A_399 = %parallel_loop3A_370 to %parallel_loop3A_371 step %parallel_loop3A_372  : i32 {
          %parallel_loop3A_400 = arith.constant 16 : i32
          %parallel_loop3A_401 = arith.muli %parallel_loop3A_399, %parallel_loop3A_400 : i32
          %parallel_loop3A_402 = arith.index_cast %parallel_loop3A_401 : i32 to index
          %parallel_loop3A_403 = tpu.vector_load %arg15[%parallel_loop3A_402] {strides = array<i32>} : memref<512xf32, #tpu.memory_space<vmem>>, vector<16xf32>,
          %parallel_loop3A_404 = vector.shape_cast %parallel_loop3A_403 : vector<16xf32> to vector<16xf32>
          %parallel_loop3A_405 = arith.index_cast %parallel_loop3A_401 : i32 to index
          %parallel_loop3A_406 = tpu.vector_load %arg16[%parallel_loop3A_405] {strides = array<i32>} : memref<512xf32, #tpu.memory_space<vmem>>, vector<16xf32>,
          %parallel_loop3A_407 = vector.shape_cast %parallel_loop3A_406 : vector<16xf32> to vector<16xf32>
          %parallel_loop3A_408 = arith.index_cast %parallel_loop3A_401 : i32 to index
          %parallel_loop3A_409 = tpu.vector_load %arg17[%parallel_loop3A_408] {strides = array<i32>} : memref<512xf32, #tpu.memory_space<vmem>>, vector<16xf32>,
          %parallel_loop3A_410 = vector.shape_cast %parallel_loop3A_409 : vector<16xf32> to vector<16xf32>
          %parallel_loop3A_411 = arith.constant 1.000000e+00 : f32
          %parallel_loop3A_412 = vector.broadcast %parallel_loop3A_411 : f32 to vector<16xf32>
          %parallel_loop3A_413 = arith.subf %parallel_loop3A_412, %parallel_loop3A_404 : vector<16xf32>
          %parallel_loop3A_414 = arith.constant 1.000000e+00 : f32
          %parallel_loop3A_415 = vector.broadcast %parallel_loop3A_414 : f32 to vector<16xf32>
          %parallel_loop3A_416 = arith.subf %parallel_loop3A_415, %parallel_loop3A_407 : vector<16xf32>
          %parallel_loop3A_417 = arith.constant 1.000000e+00 : f32
          %parallel_loop3A_418 = vector.broadcast %parallel_loop3A_417 : f32 to vector<16xf32>
          %parallel_loop3A_419 = arith.subf %parallel_loop3A_418, %parallel_loop3A_410 : vector<16xf32>
          %parallel_loop3A_420 = arith.mulf %parallel_loop3A_413, %parallel_loop3A_416 : vector<16xf32>
          %parallel_loop3A_421 = arith.mulf %parallel_loop3A_413, %parallel_loop3A_407 : vector<16xf32>
          %parallel_loop3A_422 = arith.mulf %parallel_loop3A_404, %parallel_loop3A_416 : vector<16xf32>
          %parallel_loop3A_423 = arith.mulf %parallel_loop3A_404, %parallel_loop3A_407 : vector<16xf32>
          %parallel_loop3A_424 = arith.mulf %parallel_loop3A_420, %parallel_loop3A_419 : vector<16xf32>
          %parallel_loop3A_425 = arith.mulf %parallel_loop3A_420, %parallel_loop3A_410 : vector<16xf32>
          %parallel_loop3A_426 = arith.mulf %parallel_loop3A_421, %parallel_loop3A_419 : vector<16xf32>
          %parallel_loop3A_427 = arith.mulf %parallel_loop3A_421, %parallel_loop3A_410 : vector<16xf32>
          %parallel_loop3A_428 = arith.mulf %parallel_loop3A_422, %parallel_loop3A_419 : vector<16xf32>
          %parallel_loop3A_429 = arith.mulf %parallel_loop3A_422, %parallel_loop3A_410 : vector<16xf32>
          %parallel_loop3A_430 = arith.mulf %parallel_loop3A_423, %parallel_loop3A_419 : vector<16xf32>
          %parallel_loop3A_431 = arith.mulf %parallel_loop3A_423, %parallel_loop3A_410 : vector<16xf32>
          %parallel_loop3A_432 = arith.constant 128 : i32
          %parallel_loop3A_433 = arith.muli %parallel_loop3A_399, %parallel_loop3A_432 : i32
          %parallel_loop3A_434 = arith.constant 0 : i32
          %parallel_loop3A_435 = arith.addi %parallel_loop3A_433, %parallel_loop3A_434 : i32
          %parallel_loop3A_436 = arith.index_cast %parallel_loop3A_435 : i32 to index
          %parallel_loop3A_437 = tpu.vector_load %arg22[%parallel_loop3A_436] {strides = array<i32>} : memref<4096xf32, #tpu.memory_space<vmem>>, vector<16xf32>,
          %parallel_loop3A_438 = vector.shape_cast %parallel_loop3A_437 : vector<16xf32> to vector<16xf32>
          %parallel_loop3A_439 = arith.constant 0 : i32
          %parallel_loop3A_440 = arith.addi %parallel_loop3A_433, %parallel_loop3A_439 : i32
          %parallel_loop3A_441 = arith.index_cast %parallel_loop3A_440 : i32 to index
          %parallel_loop3A_442 = tpu.vector_load %arg23[%parallel_loop3A_441] {strides = array<i32>} : memref<4096xf32, #tpu.memory_space<vmem>>, vector<16xf32>,
          %parallel_loop3A_443 = vector.shape_cast %parallel_loop3A_442 : vector<16xf32> to vector<16xf32>
          %parallel_loop3A_444 = arith.mulf %parallel_loop3A_424, %parallel_loop3A_438 : vector<16xf32>
          %parallel_loop3A_445 = arith.mulf %parallel_loop3A_424, %parallel_loop3A_443 : vector<16xf32>
          %parallel_loop3A_446 = arith.constant 16 : i32
          %parallel_loop3A_447 = arith.addi %parallel_loop3A_433, %parallel_loop3A_446 : i32
          %parallel_loop3A_448 = arith.index_cast %parallel_loop3A_447 : i32 to index
          %parallel_loop3A_449 = tpu.vector_load %arg22[%parallel_loop3A_448] {strides = array<i32>} : memref<4096xf32, #tpu.memory_space<vmem>>, vector<16xf32>,
          %parallel_loop3A_450 = vector.shape_cast %parallel_loop3A_449 : vector<16xf32> to vector<16xf32>
          %parallel_loop3A_451 = arith.constant 16 : i32
          %parallel_loop3A_452 = arith.addi %parallel_loop3A_433, %parallel_loop3A_451 : i32
          %parallel_loop3A_453 = arith.index_cast %parallel_loop3A_452 : i32 to index
          %parallel_loop3A_454 = tpu.vector_load %arg23[%parallel_loop3A_453] {strides = array<i32>} : memref<4096xf32, #tpu.memory_space<vmem>>, vector<16xf32>,
          %parallel_loop3A_455 = vector.shape_cast %parallel_loop3A_454 : vector<16xf32> to vector<16xf32>
          %parallel_loop3A_456 = arith.mulf %parallel_loop3A_425, %parallel_loop3A_450 : vector<16xf32>
          %parallel_loop3A_457 = arith.addf %parallel_loop3A_444, %parallel_loop3A_456 : vector<16xf32>
          %parallel_loop3A_458 = arith.mulf %parallel_loop3A_425, %parallel_loop3A_455 : vector<16xf32>
          %parallel_loop3A_459 = arith.addf %parallel_loop3A_445, %parallel_loop3A_458 : vector<16xf32>
          %parallel_loop3A_460 = arith.constant 32 : i32
          %parallel_loop3A_461 = arith.addi %parallel_loop3A_433, %parallel_loop3A_460 : i32
          %parallel_loop3A_462 = arith.index_cast %parallel_loop3A_461 : i32 to index
          %parallel_loop3A_463 = tpu.vector_load %arg22[%parallel_loop3A_462] {strides = array<i32>} : memref<4096xf32, #tpu.memory_space<vmem>>, vector<16xf32>,
          %parallel_loop3A_464 = vector.shape_cast %parallel_loop3A_463 : vector<16xf32> to vector<16xf32>
          %parallel_loop3A_465 = arith.constant 32 : i32
          %parallel_loop3A_466 = arith.addi %parallel_loop3A_433, %parallel_loop3A_465 : i32
          %parallel_loop3A_467 = arith.index_cast %parallel_loop3A_466 : i32 to index
          %parallel_loop3A_468 = tpu.vector_load %arg23[%parallel_loop3A_467] {strides = array<i32>} : memref<4096xf32, #tpu.memory_space<vmem>>, vector<16xf32>,
          %parallel_loop3A_469 = vector.shape_cast %parallel_loop3A_468 : vector<16xf32> to vector<16xf32>
          %parallel_loop3A_470 = arith.mulf %parallel_loop3A_426, %parallel_loop3A_464 : vector<16xf32>
          %parallel_loop3A_471 = arith.addf %parallel_loop3A_457, %parallel_loop3A_470 : vector<16xf32>
          %parallel_loop3A_472 = arith.mulf %parallel_loop3A_426, %parallel_loop3A_469 : vector<16xf32>
          %parallel_loop3A_473 = arith.addf %parallel_loop3A_459, %parallel_loop3A_472 : vector<16xf32>
          %parallel_loop3A_474 = arith.constant 48 : i32
          %parallel_loop3A_475 = arith.addi %parallel_loop3A_433, %parallel_loop3A_474 : i32
          %parallel_loop3A_476 = arith.index_cast %parallel_loop3A_475 : i32 to index
          %parallel_loop3A_477 = tpu.vector_load %arg22[%parallel_loop3A_476] {strides = array<i32>} : memref<4096xf32, #tpu.memory_space<vmem>>, vector<16xf32>,
          %parallel_loop3A_478 = vector.shape_cast %parallel_loop3A_477 : vector<16xf32> to vector<16xf32>
          %parallel_loop3A_479 = arith.constant 48 : i32
          %parallel_loop3A_480 = arith.addi %parallel_loop3A_433, %parallel_loop3A_479 : i32
          %parallel_loop3A_481 = arith.index_cast %parallel_loop3A_480 : i32 to index
          %parallel_loop3A_482 = tpu.vector_load %arg23[%parallel_loop3A_481] {strides = array<i32>} : memref<4096xf32, #tpu.memory_space<vmem>>, vector<16xf32>,
          %parallel_loop3A_483 = vector.shape_cast %parallel_loop3A_482 : vector<16xf32> to vector<16xf32>
          %parallel_loop3A_484 = arith.mulf %parallel_loop3A_427, %parallel_loop3A_478 : vector<16xf32>
          %parallel_loop3A_485 = arith.addf %parallel_loop3A_471, %parallel_loop3A_484 : vector<16xf32>
          %parallel_loop3A_486 = arith.mulf %parallel_loop3A_427, %parallel_loop3A_483 : vector<16xf32>
          %parallel_loop3A_487 = arith.addf %parallel_loop3A_473, %parallel_loop3A_486 : vector<16xf32>
          %parallel_loop3A_488 = arith.constant 64 : i32
          %parallel_loop3A_489 = arith.addi %parallel_loop3A_433, %parallel_loop3A_488 : i32
          %parallel_loop3A_490 = arith.index_cast %parallel_loop3A_489 : i32 to index
          %parallel_loop3A_491 = tpu.vector_load %arg22[%parallel_loop3A_490] {strides = array<i32>} : memref<4096xf32, #tpu.memory_space<vmem>>, vector<16xf32>,
          %parallel_loop3A_492 = vector.shape_cast %parallel_loop3A_491 : vector<16xf32> to vector<16xf32>
          %parallel_loop3A_493 = arith.constant 64 : i32
          %parallel_loop3A_494 = arith.addi %parallel_loop3A_433, %parallel_loop3A_493 : i32
          %parallel_loop3A_495 = arith.index_cast %parallel_loop3A_494 : i32 to index
          %parallel_loop3A_496 = tpu.vector_load %arg23[%parallel_loop3A_495] {strides = array<i32>} : memref<4096xf32, #tpu.memory_space<vmem>>, vector<16xf32>,
          %parallel_loop3A_497 = vector.shape_cast %parallel_loop3A_496 : vector<16xf32> to vector<16xf32>
          %parallel_loop3A_498 = arith.mulf %parallel_loop3A_428, %parallel_loop3A_492 : vector<16xf32>
          %parallel_loop3A_499 = arith.addf %parallel_loop3A_485, %parallel_loop3A_498 : vector<16xf32>
          %parallel_loop3A_500 = arith.mulf %parallel_loop3A_428, %parallel_loop3A_497 : vector<16xf32>
          %parallel_loop3A_501 = arith.addf %parallel_loop3A_487, %parallel_loop3A_500 : vector<16xf32>
          %parallel_loop3A_502 = arith.constant 80 : i32
          %parallel_loop3A_503 = arith.addi %parallel_loop3A_433, %parallel_loop3A_502 : i32
          %parallel_loop3A_504 = arith.index_cast %parallel_loop3A_503 : i32 to index
          %parallel_loop3A_505 = tpu.vector_load %arg22[%parallel_loop3A_504] {strides = array<i32>} : memref<4096xf32, #tpu.memory_space<vmem>>, vector<16xf32>,
          %parallel_loop3A_506 = vector.shape_cast %parallel_loop3A_505 : vector<16xf32> to vector<16xf32>
          %parallel_loop3A_507 = arith.constant 80 : i32
          %parallel_loop3A_508 = arith.addi %parallel_loop3A_433, %parallel_loop3A_507 : i32
          %parallel_loop3A_509 = arith.index_cast %parallel_loop3A_508 : i32 to index
          %parallel_loop3A_510 = tpu.vector_load %arg23[%parallel_loop3A_509] {strides = array<i32>} : memref<4096xf32, #tpu.memory_space<vmem>>, vector<16xf32>,
          %parallel_loop3A_511 = vector.shape_cast %parallel_loop3A_510 : vector<16xf32> to vector<16xf32>
          %parallel_loop3A_512 = arith.mulf %parallel_loop3A_429, %parallel_loop3A_506 : vector<16xf32>
          %parallel_loop3A_513 = arith.addf %parallel_loop3A_499, %parallel_loop3A_512 : vector<16xf32>
          %parallel_loop3A_514 = arith.mulf %parallel_loop3A_429, %parallel_loop3A_511 : vector<16xf32>
          %parallel_loop3A_515 = arith.addf %parallel_loop3A_501, %parallel_loop3A_514 : vector<16xf32>
          %parallel_loop3A_516 = arith.constant 96 : i32
          %parallel_loop3A_517 = arith.addi %parallel_loop3A_433, %parallel_loop3A_516 : i32
          %parallel_loop3A_518 = arith.index_cast %parallel_loop3A_517 : i32 to index
          %parallel_loop3A_519 = tpu.vector_load %arg22[%parallel_loop3A_518] {strides = array<i32>} : memref<4096xf32, #tpu.memory_space<vmem>>, vector<16xf32>,
          %parallel_loop3A_520 = vector.shape_cast %parallel_loop3A_519 : vector<16xf32> to vector<16xf32>
          %parallel_loop3A_521 = arith.constant 96 : i32
          %parallel_loop3A_522 = arith.addi %parallel_loop3A_433, %parallel_loop3A_521 : i32
          %parallel_loop3A_523 = arith.index_cast %parallel_loop3A_522 : i32 to index
          %parallel_loop3A_524 = tpu.vector_load %arg23[%parallel_loop3A_523] {strides = array<i32>} : memref<4096xf32, #tpu.memory_space<vmem>>, vector<16xf32>,
          %parallel_loop3A_525 = vector.shape_cast %parallel_loop3A_524 : vector<16xf32> to vector<16xf32>
          %parallel_loop3A_526 = arith.mulf %parallel_loop3A_430, %parallel_loop3A_520 : vector<16xf32>
          %parallel_loop3A_527 = arith.addf %parallel_loop3A_513, %parallel_loop3A_526 : vector<16xf32>
          %parallel_loop3A_528 = arith.mulf %parallel_loop3A_430, %parallel_loop3A_525 : vector<16xf32>
          %parallel_loop3A_529 = arith.addf %parallel_loop3A_515, %parallel_loop3A_528 : vector<16xf32>
          %parallel_loop3A_530 = arith.constant 112 : i32
          %parallel_loop3A_531 = arith.addi %parallel_loop3A_433, %parallel_loop3A_530 : i32
          %parallel_loop3A_532 = arith.index_cast %parallel_loop3A_531 : i32 to index
          %parallel_loop3A_533 = tpu.vector_load %arg22[%parallel_loop3A_532] {strides = array<i32>} : memref<4096xf32, #tpu.memory_space<vmem>>, vector<16xf32>,
          %parallel_loop3A_534 = vector.shape_cast %parallel_loop3A_533 : vector<16xf32> to vector<16xf32>
          %parallel_loop3A_535 = arith.constant 112 : i32
          %parallel_loop3A_536 = arith.addi %parallel_loop3A_433, %parallel_loop3A_535 : i32
          %parallel_loop3A_537 = arith.index_cast %parallel_loop3A_536 : i32 to index
          %parallel_loop3A_538 = tpu.vector_load %arg23[%parallel_loop3A_537] {strides = array<i32>} : memref<4096xf32, #tpu.memory_space<vmem>>, vector<16xf32>,
          %parallel_loop3A_539 = vector.shape_cast %parallel_loop3A_538 : vector<16xf32> to vector<16xf32>
          %parallel_loop3A_540 = arith.mulf %parallel_loop3A_431, %parallel_loop3A_534 : vector<16xf32>
          %parallel_loop3A_541 = arith.addf %parallel_loop3A_527, %parallel_loop3A_540 : vector<16xf32>
          %parallel_loop3A_542 = arith.mulf %parallel_loop3A_431, %parallel_loop3A_539 : vector<16xf32>
          %parallel_loop3A_543 = arith.addf %parallel_loop3A_529, %parallel_loop3A_542 : vector<16xf32>
          %parallel_loop3A_544 = arith.constant 0 : i32
          %parallel_loop3A_545 = arith.index_cast %parallel_loop3A_544 : i32 to index
          %parallel_loop3A_546 = arith.index_cast %parallel_loop3A_401 : i32 to index
          %parallel_loop3A_547 = tpu.vector_load %arg25[%parallel_loop3A_545, %parallel_loop3A_546] {strides = array<i32>} : memref<2x512xf32, #tpu.memory_space<vmem>>, vector<1x16xf32>,
          %parallel_loop3A_548 = vector.shape_cast %parallel_loop3A_547 : vector<1x16xf32> to vector<16xf32>
          %parallel_loop3A_549 = vector.shape_cast %parallel_loop3A_541 : vector<16xf32> to vector<1x16xf32>
          tpu.vector_store %arg25[%parallel_loop3A_545, %parallel_loop3A_546], %parallel_loop3A_549 {strides = array<i32>} : memref<2x512xf32, #tpu.memory_space<vmem>>, vector<1x16xf32>,
          %parallel_loop3A_550 = arith.constant 1 : i32
          %parallel_loop3A_551 = arith.index_cast %parallel_loop3A_550 : i32 to index
          %parallel_loop3A_552 = arith.index_cast %parallel_loop3A_401 : i32 to index
          %parallel_loop3A_553 = tpu.vector_load %arg25[%parallel_loop3A_551, %parallel_loop3A_552] {strides = array<i32>} : memref<2x512xf32, #tpu.memory_space<vmem>>, vector<1x16xf32>,
          %parallel_loop3A_554 = vector.shape_cast %parallel_loop3A_553 : vector<1x16xf32> to vector<16xf32>
          %parallel_loop3A_555 = vector.shape_cast %parallel_loop3A_543 : vector<16xf32> to vector<1x16xf32>
          tpu.vector_store %arg25[%parallel_loop3A_551, %parallel_loop3A_552], %parallel_loop3A_555 {strides = array<i32>} : memref<2x512xf32, #tpu.memory_space<vmem>>, vector<1x16xf32>,
        } {sc.loop_unroll_factor = 2 : i64, sc.parallel_access}
        %add3A_373 = arith.constant 1 : i32
        %add3A_374 = arith.addi %mul3A_268, %add3A_373 : i32
        %add3A_375 = arith.addi %mul3A_25, %mul3A_2 : i32
        %mul3A_376 = arith.constant 512 : i32
        %mul3A_377 = arith.muli %add3A_374, %mul3A_376 : i32
        %add3A_378 = arith.addi %add3A_375, %mul3A_377 : i32
        %dma_start3A_379 = arith.constant 0 : i32
        %dma_start3A_380 = arith.constant 0 : i32
        %dma_start3A_381 = tpu.memref_slice %arg25[%dma_start3A_379, %dma_start3A_380] : memref<2x512xf32, #tpu.memory_space<vmem>> -> memref<1x512xf32, #tpu.memory_space<vmem>>
        %dma_start3A_382 = tpu.memref_squeeze %dma_start3A_381 : memref<1x512xf32, #tpu.memory_space<vmem>> -> memref<512xf32, #tpu.memory_space<vmem>>
        %dma_start3A_383 = tpu.memref_slice %arg8[%add3A_378] : memref<8388608xf32, #tpu.memory_space<hbm>> -> memref<512xf32, #tpu.memory_space<hbm>>
        %dma_start3A_384 = tpu.memref_slice %arg8[%add3A_378] : memref<8388608xf32, #tpu.memory_space<hbm>> -> memref<512xf32, #tpu.memory_space<hbm>>
        %dma_start3A_385 = arith.constant 0 : i32
        %dma_start3A_386 = tpu.memref_slice %arg25[%dma_start3A_379, %dma_start3A_385] : memref<2x512xf32, #tpu.memory_space<vmem>> -> memref<1x512xf32, #tpu.memory_space<vmem>>
        %dma_start3A_387 = tpu.memref_squeeze %dma_start3A_386 : memref<1x512xf32, #tpu.memory_space<vmem>> -> memref<512xf32, #tpu.memory_space<vmem>>
        tpu.enqueue_dma source(%dma_start3A_387 : memref<512xf32, #tpu.memory_space<vmem>>) target(%dma_start3A_384 : memref<512xf32, #tpu.memory_space<hbm>>) target_semaphore(%arg34 : memref<!tpu.dma_semaphore, #tpu.memory_space<semaphore_mem>>)
        %add3A_388 = arith.constant 262144 : i32
        %add3A_389 = arith.addi %add3A_378, %add3A_388 : i32
        %dma_start3A_390 = arith.constant 1 : i32
        %dma_start3A_391 = arith.constant 0 : i32
        %dma_start3A_392 = tpu.memref_slice %arg25[%dma_start3A_390, %dma_start3A_391] : memref<2x512xf32, #tpu.memory_space<vmem>> -> memref<1x512xf32, #tpu.memory_space<vmem>>
        %dma_start3A_393 = tpu.memref_squeeze %dma_start3A_392 : memref<1x512xf32, #tpu.memory_space<vmem>> -> memref<512xf32, #tpu.memory_space<vmem>>
        %dma_start3A_394 = tpu.memref_slice %arg8[%add3A_389] : memref<8388608xf32, #tpu.memory_space<hbm>> -> memref<512xf32, #tpu.memory_space<hbm>>
        %dma_start3A_395 = tpu.memref_slice %arg8[%add3A_389] : memref<8388608xf32, #tpu.memory_space<hbm>> -> memref<512xf32, #tpu.memory_space<hbm>>
        %dma_start3A_396 = arith.constant 0 : i32
        %dma_start3A_397 = tpu.memref_slice %arg25[%dma_start3A_390, %dma_start3A_396] : memref<2x512xf32, #tpu.memory_space<vmem>> -> memref<1x512xf32, #tpu.memory_space<vmem>>
        %dma_start3A_398 = tpu.memref_squeeze %dma_start3A_397 : memref<1x512xf32, #tpu.memory_space<vmem>> -> memref<512xf32, #tpu.memory_space<vmem>>
        tpu.enqueue_dma source(%dma_start3A_398 : memref<512xf32, #tpu.memory_space<vmem>>) target(%dma_start3A_395 : memref<512xf32, #tpu.memory_space<hbm>>) target_semaphore(%arg34 : memref<!tpu.dma_semaphore, #tpu.memory_space<semaphore_mem>>)
      }
      %scan3A_109 = arith.constant 6 : i32
      %parallel_loop3A_110 = arith.constant 0 : i32
      %parallel_loop3A_111 = arith.constant 32 : i32
      %parallel_loop3A_112 = arith.constant 1 : i32
      scf.for %parallel_loop3A_266 = %parallel_loop3A_110 to %parallel_loop3A_111 step %parallel_loop3A_112  : i32 {
        %parallel_loop3A_267 = arith.constant 16 : i32
        %parallel_loop3A_268 = arith.muli %parallel_loop3A_266, %parallel_loop3A_267 : i32
        %parallel_loop3A_269 = arith.constant 16 : i32
        %parallel_loop3A_270 = arith.muli %parallel_loop3A_266, %parallel_loop3A_269 : i32
        %parallel_loop3A_271 = arith.constant 7680 : i32
        %parallel_loop3A_272 = arith.addi %parallel_loop3A_271, %parallel_loop3A_270 : i32
        %parallel_loop3A_273 = arith.index_cast %parallel_loop3A_272 : i32 to index
        %parallel_loop3A_274 = tpu.vector_load %arg9[%parallel_loop3A_273] {strides = array<i32>} : memref<8192xf32, #tpu.memory_space<vmem>>, vector<16xf32>,
        %parallel_loop3A_275 = vector.shape_cast %parallel_loop3A_274 : vector<16xf32> to vector<16xf32>
        %parallel_loop3A_276 = arith.mulf %parallel_loop3A_275, %get3A_21 : vector<16xf32>
        %parallel_loop3A_277 = arith.index_cast %parallel_loop3A_272 : i32 to index
        %parallel_loop3A_278 = tpu.vector_load %arg10[%parallel_loop3A_277] {strides = array<i32>} : memref<8192xf32, #tpu.memory_space<vmem>>, vector<16xf32>,
        %parallel_loop3A_279 = vector.shape_cast %parallel_loop3A_278 : vector<16xf32> to vector<16xf32>
        %parallel_loop3A_280 = arith.mulf %parallel_loop3A_279, %get3A_21 : vector<16xf32>
        %parallel_loop3A_281 = arith.index_cast %parallel_loop3A_272 : i32 to index
        %parallel_loop3A_282 = tpu.vector_load %arg11[%parallel_loop3A_281] {strides = array<i32>} : memref<8192xf32, #tpu.memory_space<vmem>>, vector<16xf32>,
        %parallel_loop3A_283 = vector.shape_cast %parallel_loop3A_282 : vector<16xf32> to vector<16xf32>
        %parallel_loop3A_284 = arith.mulf %parallel_loop3A_283, %get3A_21 : vector<16xf32>
        %parallel_loop3A_285 = arith.fptosi %parallel_loop3A_276 : vector<16xf32> to vector<16xi32>
        %parallel_loop3A_286 = arith.fptosi %parallel_loop3A_280 : vector<16xf32> to vector<16xi32>
        %parallel_loop3A_287 = arith.fptosi %parallel_loop3A_284 : vector<16xf32> to vector<16xi32>
        %parallel_loop3A_288 = arith.sitofp %parallel_loop3A_285 : vector<16xi32> to vector<16xf32>
        %parallel_loop3A_289 = arith.subf %parallel_loop3A_276, %parallel_loop3A_288 : vector<16xf32>
        %parallel_loop3A_290 = arith.index_cast %parallel_loop3A_268 : i32 to index
        %parallel_loop3A_291 = tpu.vector_load %arg15[%parallel_loop3A_290] {strides = array<i32>} : memref<512xf32, #tpu.memory_space<vmem>>, vector<16xf32>,
        %parallel_loop3A_292 = vector.shape_cast %parallel_loop3A_291 : vector<16xf32> to vector<16xf32>
        %parallel_loop3A_293 = vector.shape_cast %parallel_loop3A_289 : vector<16xf32> to vector<16xf32>
        tpu.vector_store %arg15[%parallel_loop3A_290], %parallel_loop3A_293 {strides = array<i32>} : memref<512xf32, #tpu.memory_space<vmem>>, vector<16xf32>,
        %parallel_loop3A_294 = arith.sitofp %parallel_loop3A_286 : vector<16xi32> to vector<16xf32>
        %parallel_loop3A_295 = arith.subf %parallel_loop3A_280, %parallel_loop3A_294 : vector<16xf32>
        %parallel_loop3A_296 = arith.index_cast %parallel_loop3A_268 : i32 to index
        %parallel_loop3A_297 = tpu.vector_load %arg16[%parallel_loop3A_296] {strides = array<i32>} : memref<512xf32, #tpu.memory_space<vmem>>, vector<16xf32>,
        %parallel_loop3A_298 = vector.shape_cast %parallel_loop3A_297 : vector<16xf32> to vector<16xf32>
        %parallel_loop3A_299 = vector.shape_cast %parallel_loop3A_295 : vector<16xf32> to vector<16xf32>
        tpu.vector_store %arg16[%parallel_loop3A_296], %parallel_loop3A_299 {strides = array<i32>} : memref<512xf32, #tpu.memory_space<vmem>>, vector<16xf32>,
        %parallel_loop3A_300 = arith.sitofp %parallel_loop3A_287 : vector<16xi32> to vector<16xf32>
        %parallel_loop3A_301 = arith.subf %parallel_loop3A_284, %parallel_loop3A_300 : vector<16xf32>
        %parallel_loop3A_302 = arith.index_cast %parallel_loop3A_268 : i32 to index
        %parallel_loop3A_303 = tpu.vector_load %arg17[%parallel_loop3A_302] {strides = array<i32>} : memref<512xf32, #tpu.memory_space<vmem>>, vector<16xf32>,
        %parallel_loop3A_304 = vector.shape_cast %parallel_loop3A_303 : vector<16xf32> to vector<16xf32>
        %parallel_loop3A_305 = vector.shape_cast %parallel_loop3A_301 : vector<16xf32> to vector<16xf32>
        tpu.vector_store %arg17[%parallel_loop3A_302], %parallel_loop3A_305 {strides = array<i32>} : memref<512xf32, #tpu.memory_space<vmem>>, vector<16xf32>,
        %parallel_loop3A_306 = arith.constant -1640531535 : i32
        %parallel_loop3A_307 = vector.broadcast %parallel_loop3A_306 : i32 to vector<16xi32>
        %parallel_loop3A_308 = arith.muli %parallel_loop3A_286, %parallel_loop3A_307 : vector<16xi32>
        %parallel_loop3A_309 = arith.constant 805459861 : i32
        %parallel_loop3A_310 = vector.broadcast %parallel_loop3A_309 : i32 to vector<16xi32>
        %parallel_loop3A_311 = arith.muli %parallel_loop3A_287, %parallel_loop3A_310 : vector<16xi32>
        %parallel_loop3A_312 = arith.constant -1640531535 : i32
        %parallel_loop3A_313 = vector.broadcast %parallel_loop3A_312 : i32 to vector<16xi32>
        %parallel_loop3A_314 = arith.addi %parallel_loop3A_308, %parallel_loop3A_313 : vector<16xi32>
        %parallel_loop3A_315 = arith.constant 805459861 : i32
        %parallel_loop3A_316 = vector.broadcast %parallel_loop3A_315 : i32 to vector<16xi32>
        %parallel_loop3A_317 = arith.addi %parallel_loop3A_311, %parallel_loop3A_316 : vector<16xi32>
        %parallel_loop3A_318 = arith.constant 524287 : i32
        %parallel_loop3A_319 = vector.broadcast %parallel_loop3A_318 : i32 to vector<16xi32>
        %parallel_loop3A_320 = arith.andi %parallel_loop3A_285, %parallel_loop3A_319 : vector<16xi32>
        %parallel_loop3A_321 = arith.constant 1 : i32
        %parallel_loop3A_322 = vector.broadcast %parallel_loop3A_321 : i32 to vector<16xi32>
        %parallel_loop3A_323 = arith.addi %parallel_loop3A_285, %parallel_loop3A_322 : vector<16xi32>
        %parallel_loop3A_324 = arith.constant 524287 : i32
        %parallel_loop3A_325 = vector.broadcast %parallel_loop3A_324 : i32 to vector<16xi32>
        %parallel_loop3A_326 = arith.andi %parallel_loop3A_323, %parallel_loop3A_325 : vector<16xi32>
        %parallel_loop3A_327 = arith.xori %parallel_loop3A_308, %parallel_loop3A_311 : vector<16xi32>
        %parallel_loop3A_328 = arith.constant 524287 : i32
        %parallel_loop3A_329 = vector.broadcast %parallel_loop3A_328 : i32 to vector<16xi32>
        %parallel_loop3A_330 = arith.andi %parallel_loop3A_327, %parallel_loop3A_329 : vector<16xi32>
        %parallel_loop3A_331 = arith.xori %parallel_loop3A_308, %parallel_loop3A_317 : vector<16xi32>
        %parallel_loop3A_332 = arith.constant 524287 : i32
        %parallel_loop3A_333 = vector.broadcast %parallel_loop3A_332 : i32 to vector<16xi32>
        %parallel_loop3A_334 = arith.andi %parallel_loop3A_331, %parallel_loop3A_333 : vector<16xi32>
        %parallel_loop3A_335 = arith.xori %parallel_loop3A_314, %parallel_loop3A_311 : vector<16xi32>
        %parallel_loop3A_336 = arith.constant 524287 : i32
        %parallel_loop3A_337 = vector.broadcast %parallel_loop3A_336 : i32 to vector<16xi32>
        %parallel_loop3A_338 = arith.andi %parallel_loop3A_335, %parallel_loop3A_337 : vector<16xi32>
        %parallel_loop3A_339 = arith.xori %parallel_loop3A_314, %parallel_loop3A_317 : vector<16xi32>
        %parallel_loop3A_340 = arith.constant 524287 : i32
        %parallel_loop3A_341 = vector.broadcast %parallel_loop3A_340 : i32 to vector<16xi32>
        %parallel_loop3A_342 = arith.andi %parallel_loop3A_339, %parallel_loop3A_341 : vector<16xi32>
        %parallel_loop3A_343 = arith.constant 128 : i32
        %parallel_loop3A_344 = arith.muli %parallel_loop3A_266, %parallel_loop3A_343 : i32
        %parallel_loop3A_345 = arith.xori %parallel_loop3A_320, %parallel_loop3A_330 : vector<16xi32>
        %parallel_loop3A_346 = arith.constant 0 : i32
        %parallel_loop3A_347 = arith.addi %parallel_loop3A_344, %parallel_loop3A_346 : i32
        %parallel_loop3A_348 = arith.index_cast %parallel_loop3A_347 : i32 to index
        %parallel_loop3A_349 = tpu.vector_load %arg19[%parallel_loop3A_348] {strides = array<i32>} : memref<4096xi32, #tpu.memory_space<vmem>>, vector<16xi32>,
        %parallel_loop3A_350 = vector.shape_cast %parallel_loop3A_349 : vector<16xi32> to vector<16xi32>
        %parallel_loop3A_351 = vector.shape_cast %parallel_loop3A_345 : vector<16xi32> to vector<16xi32>
        tpu.vector_store %arg19[%parallel_loop3A_348], %parallel_loop3A_351 {strides = array<i32>} : memref<4096xi32, #tpu.memory_space<vmem>>, vector<16xi32>,
        %parallel_loop3A_352 = arith.xori %parallel_loop3A_320, %parallel_loop3A_334 : vector<16xi32>
        %parallel_loop3A_353 = arith.constant 16 : i32
        %parallel_loop3A_354 = arith.addi %parallel_loop3A_344, %parallel_loop3A_353 : i32
        %parallel_loop3A_355 = arith.index_cast %parallel_loop3A_354 : i32 to index
        %parallel_loop3A_356 = tpu.vector_load %arg19[%parallel_loop3A_355] {strides = array<i32>} : memref<4096xi32, #tpu.memory_space<vmem>>, vector<16xi32>,
        %parallel_loop3A_357 = vector.shape_cast %parallel_loop3A_356 : vector<16xi32> to vector<16xi32>
        %parallel_loop3A_358 = vector.shape_cast %parallel_loop3A_352 : vector<16xi32> to vector<16xi32>
        tpu.vector_store %arg19[%parallel_loop3A_355], %parallel_loop3A_358 {strides = array<i32>} : memref<4096xi32, #tpu.memory_space<vmem>>, vector<16xi32>,
        %parallel_loop3A_359 = arith.xori %parallel_loop3A_320, %parallel_loop3A_338 : vector<16xi32>
        %parallel_loop3A_360 = arith.constant 32 : i32
        %parallel_loop3A_361 = arith.addi %parallel_loop3A_344, %parallel_loop3A_360 : i32
        %parallel_loop3A_362 = arith.index_cast %parallel_loop3A_361 : i32 to index
        %parallel_loop3A_363 = tpu.vector_load %arg19[%parallel_loop3A_362] {strides = array<i32>} : memref<4096xi32, #tpu.memory_space<vmem>>, vector<16xi32>,
        %parallel_loop3A_364 = vector.shape_cast %parallel_loop3A_363 : vector<16xi32> to vector<16xi32>
        %parallel_loop3A_365 = vector.shape_cast %parallel_loop3A_359 : vector<16xi32> to vector<16xi32>
        tpu.vector_store %arg19[%parallel_loop3A_362], %parallel_loop3A_365 {strides = array<i32>} : memref<4096xi32, #tpu.memory_space<vmem>>, vector<16xi32>,
        %parallel_loop3A_366 = arith.xori %parallel_loop3A_320, %parallel_loop3A_342 : vector<16xi32>
        %parallel_loop3A_367 = arith.constant 48 : i32
        %parallel_loop3A_368 = arith.addi %parallel_loop3A_344, %parallel_loop3A_367 : i32
        %parallel_loop3A_369 = arith.index_cast %parallel_loop3A_368 : i32 to index
        %parallel_loop3A_370 = tpu.vector_load %arg19[%parallel_loop3A_369] {strides = array<i32>} : memref<4096xi32, #tpu.memory_space<vmem>>, vector<16xi32>,
        %parallel_loop3A_371 = vector.shape_cast %parallel_loop3A_370 : vector<16xi32> to vector<16xi32>
        %parallel_loop3A_372 = vector.shape_cast %parallel_loop3A_366 : vector<16xi32> to vector<16xi32>
        tpu.vector_store %arg19[%parallel_loop3A_369], %parallel_loop3A_372 {strides = array<i32>} : memref<4096xi32, #tpu.memory_space<vmem>>, vector<16xi32>,
        %parallel_loop3A_373 = arith.xori %parallel_loop3A_326, %parallel_loop3A_330 : vector<16xi32>
        %parallel_loop3A_374 = arith.constant 64 : i32
        %parallel_loop3A_375 = arith.addi %parallel_loop3A_344, %parallel_loop3A_374 : i32
        %parallel_loop3A_376 = arith.index_cast %parallel_loop3A_375 : i32 to index
        %parallel_loop3A_377 = tpu.vector_load %arg19[%parallel_loop3A_376] {strides = array<i32>} : memref<4096xi32, #tpu.memory_space<vmem>>, vector<16xi32>,
        %parallel_loop3A_378 = vector.shape_cast %parallel_loop3A_377 : vector<16xi32> to vector<16xi32>
        %parallel_loop3A_379 = vector.shape_cast %parallel_loop3A_373 : vector<16xi32> to vector<16xi32>
        tpu.vector_store %arg19[%parallel_loop3A_376], %parallel_loop3A_379 {strides = array<i32>} : memref<4096xi32, #tpu.memory_space<vmem>>, vector<16xi32>,
        %parallel_loop3A_380 = arith.xori %parallel_loop3A_326, %parallel_loop3A_334 : vector<16xi32>
        %parallel_loop3A_381 = arith.constant 80 : i32
        %parallel_loop3A_382 = arith.addi %parallel_loop3A_344, %parallel_loop3A_381 : i32
        %parallel_loop3A_383 = arith.index_cast %parallel_loop3A_382 : i32 to index
        %parallel_loop3A_384 = tpu.vector_load %arg19[%parallel_loop3A_383] {strides = array<i32>} : memref<4096xi32, #tpu.memory_space<vmem>>, vector<16xi32>,
        %parallel_loop3A_385 = vector.shape_cast %parallel_loop3A_384 : vector<16xi32> to vector<16xi32>
        %parallel_loop3A_386 = vector.shape_cast %parallel_loop3A_380 : vector<16xi32> to vector<16xi32>
        tpu.vector_store %arg19[%parallel_loop3A_383], %parallel_loop3A_386 {strides = array<i32>} : memref<4096xi32, #tpu.memory_space<vmem>>, vector<16xi32>,
        %parallel_loop3A_387 = arith.xori %parallel_loop3A_326, %parallel_loop3A_338 : vector<16xi32>
        %parallel_loop3A_388 = arith.constant 96 : i32
        %parallel_loop3A_389 = arith.addi %parallel_loop3A_344, %parallel_loop3A_388 : i32
        %parallel_loop3A_390 = arith.index_cast %parallel_loop3A_389 : i32 to index
        %parallel_loop3A_391 = tpu.vector_load %arg19[%parallel_loop3A_390] {strides = array<i32>} : memref<4096xi32, #tpu.memory_space<vmem>>, vector<16xi32>,
        %parallel_loop3A_392 = vector.shape_cast %parallel_loop3A_391 : vector<16xi32> to vector<16xi32>
        %parallel_loop3A_393 = vector.shape_cast %parallel_loop3A_387 : vector<16xi32> to vector<16xi32>
        tpu.vector_store %arg19[%parallel_loop3A_390], %parallel_loop3A_393 {strides = array<i32>} : memref<4096xi32, #tpu.memory_space<vmem>>, vector<16xi32>,
        %parallel_loop3A_394 = arith.xori %parallel_loop3A_326, %parallel_loop3A_342 : vector<16xi32>
        %parallel_loop3A_395 = arith.constant 112 : i32
        %parallel_loop3A_396 = arith.addi %parallel_loop3A_344, %parallel_loop3A_395 : i32
        %parallel_loop3A_397 = arith.index_cast %parallel_loop3A_396 : i32 to index
        %parallel_loop3A_398 = tpu.vector_load %arg19[%parallel_loop3A_397] {strides = array<i32>} : memref<4096xi32, #tpu.memory_space<vmem>>, vector<16xi32>,
        %parallel_loop3A_399 = vector.shape_cast %parallel_loop3A_398 : vector<16xi32> to vector<16xi32>
        %parallel_loop3A_400 = vector.shape_cast %parallel_loop3A_394 : vector<16xi32> to vector<16xi32>
        tpu.vector_store %arg19[%parallel_loop3A_397], %parallel_loop3A_400 {strides = array<i32>} : memref<4096xi32, #tpu.memory_space<vmem>>, vector<16xi32>,
      } {sc.loop_unroll_factor = 2 : i64, sc.parallel_access}
      %dma_start3A_113 = arith.constant 0 : i32
      %dma_start3A_114 = tpu.memref_slice %arg27[%dma_start3A_113] : memref<524288xf32, #tpu.memory_space<vmem_shared>> -> memref<524288xf32, #tpu.memory_space<vmem_shared>>
      tpu.enqueue_indirect_dma source(%dma_start3A_114 : memref<524288xf32, #tpu.memory_space<vmem_shared>>) target(%arg22 : memref<4096xf32, #tpu.memory_space<vmem>>) offsets(%arg19 : memref<4096xi32, #tpu.memory_space<vmem>>) semaphore(%arg31 : memref<!tpu.dma_semaphore, #tpu.memory_space<semaphore_mem>>)
      %dma_start3A_115 = arith.constant 0 : i32
      %dma_start3A_116 = tpu.memref_slice %arg28[%dma_start3A_115] : memref<524288xf32, #tpu.memory_space<vmem_shared>> -> memref<524288xf32, #tpu.memory_space<vmem_shared>>
      tpu.enqueue_indirect_dma source(%dma_start3A_116 : memref<524288xf32, #tpu.memory_space<vmem_shared>>) target(%arg23 : memref<4096xf32, #tpu.memory_space<vmem>>) offsets(%arg19 : memref<4096xi32, #tpu.memory_space<vmem>>) semaphore(%arg32 : memref<!tpu.dma_semaphore, #tpu.memory_space<semaphore_mem>>)
      %dma_wait3A_117 = arith.constant 0 : i32
      %dma_wait3A_118 = tpu.memref_slice %arg27[%dma_wait3A_117] : memref<524288xf32, #tpu.memory_space<vmem_shared>> -> memref<524288xf32, #tpu.memory_space<vmem_shared>>
      tpu.wait_indirect_dma semaphore(%arg29 : memref<!tpu.dma_semaphore, #tpu.memory_space<semaphore_mem>>) src(%dma_wait3A_118 : memref<524288xf32, #tpu.memory_space<vmem_shared>>) dst(%arg20 : memref<4096xf32, #tpu.memory_space<vmem>>)
      %dma_wait3A_119 = arith.constant 0 : i32
      %dma_wait3A_120 = tpu.memref_slice %arg28[%dma_wait3A_119] : memref<524288xf32, #tpu.memory_space<vmem_shared>> -> memref<524288xf32, #tpu.memory_space<vmem_shared>>
      tpu.wait_indirect_dma semaphore(%arg30 : memref<!tpu.dma_semaphore, #tpu.memory_space<semaphore_mem>>) src(%dma_wait3A_120 : memref<524288xf32, #tpu.memory_space<vmem_shared>>) dst(%arg21 : memref<4096xf32, #tpu.memory_space<vmem>>)
      %dma_wait3A_121 = arith.constant 0 : i32
      %dma_wait3A_122 = arith.constant 0 : i32
      %dma_wait3A_123 = tpu.memref_slice %arg24[%dma_wait3A_121, %dma_wait3A_122] : memref<2x512xf32, #tpu.memory_space<vmem>> -> memref<1x512xf32, #tpu.memory_space<vmem>>
      %dma_wait3A_124 = tpu.memref_squeeze %dma_wait3A_123 : memref<1x512xf32, #tpu.memory_space<vmem>> -> memref<512xf32, #tpu.memory_space<vmem>>
      %dma_wait3A_125 = arith.constant 0 : i32
      %dma_wait3A_126 = tpu.memref_slice %arg8[%dma_wait3A_125] : memref<8388608xf32, #tpu.memory_space<hbm>> -> memref<512xf32, #tpu.memory_space<hbm>>
      %dma_wait3A_127 = arith.constant 0 : i32
      %dma_wait3A_128 = tpu.memref_slice %arg8[%dma_wait3A_127] : memref<8388608xf32, #tpu.memory_space<hbm>> -> memref<512xf32, #tpu.memory_space<hbm>>
      %dma_wait3A_129 = arith.constant 0 : i32
      %dma_wait3A_130 = tpu.memref_slice %arg24[%dma_wait3A_121, %dma_wait3A_129] : memref<2x512xf32, #tpu.memory_space<vmem>> -> memref<1x512xf32, #tpu.memory_space<vmem>>
      %dma_wait3A_131 = tpu.memref_squeeze %dma_wait3A_130 : memref<1x512xf32, #tpu.memory_space<vmem>> -> memref<512xf32, #tpu.memory_space<vmem>>
      tpu.wait_dma2 semaphore(%arg33 : memref<!tpu.dma_semaphore, #tpu.memory_space<semaphore_mem>>) src(%dma_wait3A_131 : memref<512xf32, #tpu.memory_space<vmem>>) dst(%dma_wait3A_128 : memref<512xf32, #tpu.memory_space<hbm>>)
      %dma_wait3A_132 = arith.constant 1 : i32
      %dma_wait3A_133 = arith.constant 0 : i32
      %dma_wait3A_134 = tpu.memref_slice %arg24[%dma_wait3A_132, %dma_wait3A_133] : memref<2x512xf32, #tpu.memory_space<vmem>> -> memref<1x512xf32, #tpu.memory_space<vmem>>
      %dma_wait3A_135 = tpu.memref_squeeze %dma_wait3A_134 : memref<1x512xf32, #tpu.memory_space<vmem>> -> memref<512xf32, #tpu.memory_space<vmem>>
      %dma_wait3A_136 = arith.constant 0 : i32
      %dma_wait3A_137 = tpu.memref_slice %arg8[%dma_wait3A_136] : memref<8388608xf32, #tpu.memory_space<hbm>> -> memref<512xf32, #tpu.memory_space<hbm>>
      %dma_wait3A_138 = arith.constant 0 : i32
      %dma_wait3A_139 = tpu.memref_slice %arg8[%dma_wait3A_138] : memref<8388608xf32, #tpu.memory_space<hbm>> -> memref<512xf32, #tpu.memory_space<hbm>>
      %dma_wait3A_140 = arith.constant 0 : i32
      %dma_wait3A_141 = tpu.memref_slice %arg24[%dma_wait3A_132, %dma_wait3A_140] : memref<2x512xf32, #tpu.memory_space<vmem>> -> memref<1x512xf32, #tpu.memory_space<vmem>>
      %dma_wait3A_142 = tpu.memref_squeeze %dma_wait3A_141 : memref<1x512xf32, #tpu.memory_space<vmem>> -> memref<512xf32, #tpu.memory_space<vmem>>
      tpu.wait_dma2 semaphore(%arg33 : memref<!tpu.dma_semaphore, #tpu.memory_space<semaphore_mem>>) src(%dma_wait3A_142 : memref<512xf32, #tpu.memory_space<vmem>>) dst(%dma_wait3A_139 : memref<512xf32, #tpu.memory_space<hbm>>)
      %parallel_loop3A_143 = arith.constant 0 : i32
      %parallel_loop3A_144 = arith.constant 32 : i32
      %parallel_loop3A_145 = arith.constant 1 : i32
      scf.for %parallel_loop3A_266 = %parallel_loop3A_143 to %parallel_loop3A_144 step %parallel_loop3A_145  : i32 {
        %parallel_loop3A_267 = arith.constant 16 : i32
        %parallel_loop3A_268 = arith.muli %parallel_loop3A_266, %parallel_loop3A_267 : i32
        %parallel_loop3A_269 = arith.index_cast %parallel_loop3A_268 : i32 to index
        %parallel_loop3A_270 = tpu.vector_load %arg12[%parallel_loop3A_269] {strides = array<i32>} : memref<512xf32, #tpu.memory_space<vmem>>, vector<16xf32>,
        %parallel_loop3A_271 = vector.shape_cast %parallel_loop3A_270 : vector<16xf32> to vector<16xf32>
        %parallel_loop3A_272 = arith.index_cast %parallel_loop3A_268 : i32 to index
        %parallel_loop3A_273 = tpu.vector_load %arg13[%parallel_loop3A_272] {strides = array<i32>} : memref<512xf32, #tpu.memory_space<vmem>>, vector<16xf32>,
        %parallel_loop3A_274 = vector.shape_cast %parallel_loop3A_273 : vector<16xf32> to vector<16xf32>
        %parallel_loop3A_275 = arith.index_cast %parallel_loop3A_268 : i32 to index
        %parallel_loop3A_276 = tpu.vector_load %arg14[%parallel_loop3A_275] {strides = array<i32>} : memref<512xf32, #tpu.memory_space<vmem>>, vector<16xf32>,
        %parallel_loop3A_277 = vector.shape_cast %parallel_loop3A_276 : vector<16xf32> to vector<16xf32>
        %parallel_loop3A_278 = arith.constant 1.000000e+00 : f32
        %parallel_loop3A_279 = vector.broadcast %parallel_loop3A_278 : f32 to vector<16xf32>
        %parallel_loop3A_280 = arith.subf %parallel_loop3A_279, %parallel_loop3A_271 : vector<16xf32>
        %parallel_loop3A_281 = arith.constant 1.000000e+00 : f32
        %parallel_loop3A_282 = vector.broadcast %parallel_loop3A_281 : f32 to vector<16xf32>
        %parallel_loop3A_283 = arith.subf %parallel_loop3A_282, %parallel_loop3A_274 : vector<16xf32>
        %parallel_loop3A_284 = arith.constant 1.000000e+00 : f32
        %parallel_loop3A_285 = vector.broadcast %parallel_loop3A_284 : f32 to vector<16xf32>
        %parallel_loop3A_286 = arith.subf %parallel_loop3A_285, %parallel_loop3A_277 : vector<16xf32>
        %parallel_loop3A_287 = arith.mulf %parallel_loop3A_280, %parallel_loop3A_283 : vector<16xf32>
        %parallel_loop3A_288 = arith.mulf %parallel_loop3A_280, %parallel_loop3A_274 : vector<16xf32>
        %parallel_loop3A_289 = arith.mulf %parallel_loop3A_271, %parallel_loop3A_283 : vector<16xf32>
        %parallel_loop3A_290 = arith.mulf %parallel_loop3A_271, %parallel_loop3A_274 : vector<16xf32>
        %parallel_loop3A_291 = arith.mulf %parallel_loop3A_287, %parallel_loop3A_286 : vector<16xf32>
        %parallel_loop3A_292 = arith.mulf %parallel_loop3A_287, %parallel_loop3A_277 : vector<16xf32>
        %parallel_loop3A_293 = arith.mulf %parallel_loop3A_288, %parallel_loop3A_286 : vector<16xf32>
        %parallel_loop3A_294 = arith.mulf %parallel_loop3A_288, %parallel_loop3A_277 : vector<16xf32>
        %parallel_loop3A_295 = arith.mulf %parallel_loop3A_289, %parallel_loop3A_286 : vector<16xf32>
        %parallel_loop3A_296 = arith.mulf %parallel_loop3A_289, %parallel_loop3A_277 : vector<16xf32>
        %parallel_loop3A_297 = arith.mulf %parallel_loop3A_290, %parallel_loop3A_286 : vector<16xf32>
        %parallel_loop3A_298 = arith.mulf %parallel_loop3A_290, %parallel_loop3A_277 : vector<16xf32>
        %parallel_loop3A_299 = arith.constant 128 : i32
        %parallel_loop3A_300 = arith.muli %parallel_loop3A_266, %parallel_loop3A_299 : i32
        %parallel_loop3A_301 = arith.constant 0 : i32
        %parallel_loop3A_302 = arith.addi %parallel_loop3A_300, %parallel_loop3A_301 : i32
        %parallel_loop3A_303 = arith.index_cast %parallel_loop3A_302 : i32 to index
        %parallel_loop3A_304 = tpu.vector_load %arg20[%parallel_loop3A_303] {strides = array<i32>} : memref<4096xf32, #tpu.memory_space<vmem>>, vector<16xf32>,
        %parallel_loop3A_305 = vector.shape_cast %parallel_loop3A_304 : vector<16xf32> to vector<16xf32>
        %parallel_loop3A_306 = arith.constant 0 : i32
        %parallel_loop3A_307 = arith.addi %parallel_loop3A_300, %parallel_loop3A_306 : i32
        %parallel_loop3A_308 = arith.index_cast %parallel_loop3A_307 : i32 to index
        %parallel_loop3A_309 = tpu.vector_load %arg21[%parallel_loop3A_308] {strides = array<i32>} : memref<4096xf32, #tpu.memory_space<vmem>>, vector<16xf32>,
        %parallel_loop3A_310 = vector.shape_cast %parallel_loop3A_309 : vector<16xf32> to vector<16xf32>
        %parallel_loop3A_311 = arith.mulf %parallel_loop3A_291, %parallel_loop3A_305 : vector<16xf32>
        %parallel_loop3A_312 = arith.mulf %parallel_loop3A_291, %parallel_loop3A_310 : vector<16xf32>
        %parallel_loop3A_313 = arith.constant 16 : i32
        %parallel_loop3A_314 = arith.addi %parallel_loop3A_300, %parallel_loop3A_313 : i32
        %parallel_loop3A_315 = arith.index_cast %parallel_loop3A_314 : i32 to index
        %parallel_loop3A_316 = tpu.vector_load %arg20[%parallel_loop3A_315] {strides = array<i32>} : memref<4096xf32, #tpu.memory_space<vmem>>, vector<16xf32>,
        %parallel_loop3A_317 = vector.shape_cast %parallel_loop3A_316 : vector<16xf32> to vector<16xf32>
        %parallel_loop3A_318 = arith.constant 16 : i32
        %parallel_loop3A_319 = arith.addi %parallel_loop3A_300, %parallel_loop3A_318 : i32
        %parallel_loop3A_320 = arith.index_cast %parallel_loop3A_319 : i32 to index
        %parallel_loop3A_321 = tpu.vector_load %arg21[%parallel_loop3A_320] {strides = array<i32>} : memref<4096xf32, #tpu.memory_space<vmem>>, vector<16xf32>,
        %parallel_loop3A_322 = vector.shape_cast %parallel_loop3A_321 : vector<16xf32> to vector<16xf32>
        %parallel_loop3A_323 = arith.mulf %parallel_loop3A_292, %parallel_loop3A_317 : vector<16xf32>
        %parallel_loop3A_324 = arith.addf %parallel_loop3A_311, %parallel_loop3A_323 : vector<16xf32>
        %parallel_loop3A_325 = arith.mulf %parallel_loop3A_292, %parallel_loop3A_322 : vector<16xf32>
        %parallel_loop3A_326 = arith.addf %parallel_loop3A_312, %parallel_loop3A_325 : vector<16xf32>
        %parallel_loop3A_327 = arith.constant 32 : i32
        %parallel_loop3A_328 = arith.addi %parallel_loop3A_300, %parallel_loop3A_327 : i32
        %parallel_loop3A_329 = arith.index_cast %parallel_loop3A_328 : i32 to index
        %parallel_loop3A_330 = tpu.vector_load %arg20[%parallel_loop3A_329] {strides = array<i32>} : memref<4096xf32, #tpu.memory_space<vmem>>, vector<16xf32>,
        %parallel_loop3A_331 = vector.shape_cast %parallel_loop3A_330 : vector<16xf32> to vector<16xf32>
        %parallel_loop3A_332 = arith.constant 32 : i32
        %parallel_loop3A_333 = arith.addi %parallel_loop3A_300, %parallel_loop3A_332 : i32
        %parallel_loop3A_334 = arith.index_cast %parallel_loop3A_333 : i32 to index
        %parallel_loop3A_335 = tpu.vector_load %arg21[%parallel_loop3A_334] {strides = array<i32>} : memref<4096xf32, #tpu.memory_space<vmem>>, vector<16xf32>,
        %parallel_loop3A_336 = vector.shape_cast %parallel_loop3A_335 : vector<16xf32> to vector<16xf32>
        %parallel_loop3A_337 = arith.mulf %parallel_loop3A_293, %parallel_loop3A_331 : vector<16xf32>
        %parallel_loop3A_338 = arith.addf %parallel_loop3A_324, %parallel_loop3A_337 : vector<16xf32>
        %parallel_loop3A_339 = arith.mulf %parallel_loop3A_293, %parallel_loop3A_336 : vector<16xf32>
        %parallel_loop3A_340 = arith.addf %parallel_loop3A_326, %parallel_loop3A_339 : vector<16xf32>
        %parallel_loop3A_341 = arith.constant 48 : i32
        %parallel_loop3A_342 = arith.addi %parallel_loop3A_300, %parallel_loop3A_341 : i32
        %parallel_loop3A_343 = arith.index_cast %parallel_loop3A_342 : i32 to index
        %parallel_loop3A_344 = tpu.vector_load %arg20[%parallel_loop3A_343] {strides = array<i32>} : memref<4096xf32, #tpu.memory_space<vmem>>, vector<16xf32>,
        %parallel_loop3A_345 = vector.shape_cast %parallel_loop3A_344 : vector<16xf32> to vector<16xf32>
        %parallel_loop3A_346 = arith.constant 48 : i32
        %parallel_loop3A_347 = arith.addi %parallel_loop3A_300, %parallel_loop3A_346 : i32
        %parallel_loop3A_348 = arith.index_cast %parallel_loop3A_347 : i32 to index
        %parallel_loop3A_349 = tpu.vector_load %arg21[%parallel_loop3A_348] {strides = array<i32>} : memref<4096xf32, #tpu.memory_space<vmem>>, vector<16xf32>,
        %parallel_loop3A_350 = vector.shape_cast %parallel_loop3A_349 : vector<16xf32> to vector<16xf32>
        %parallel_loop3A_351 = arith.mulf %parallel_loop3A_294, %parallel_loop3A_345 : vector<16xf32>
        %parallel_loop3A_352 = arith.addf %parallel_loop3A_338, %parallel_loop3A_351 : vector<16xf32>
        %parallel_loop3A_353 = arith.mulf %parallel_loop3A_294, %parallel_loop3A_350 : vector<16xf32>
        %parallel_loop3A_354 = arith.addf %parallel_loop3A_340, %parallel_loop3A_353 : vector<16xf32>
        %parallel_loop3A_355 = arith.constant 64 : i32
        %parallel_loop3A_356 = arith.addi %parallel_loop3A_300, %parallel_loop3A_355 : i32
        %parallel_loop3A_357 = arith.index_cast %parallel_loop3A_356 : i32 to index
        %parallel_loop3A_358 = tpu.vector_load %arg20[%parallel_loop3A_357] {strides = array<i32>} : memref<4096xf32, #tpu.memory_space<vmem>>, vector<16xf32>,
        %parallel_loop3A_359 = vector.shape_cast %parallel_loop3A_358 : vector<16xf32> to vector<16xf32>
        %parallel_loop3A_360 = arith.constant 64 : i32
        %parallel_loop3A_361 = arith.addi %parallel_loop3A_300, %parallel_loop3A_360 : i32
        %parallel_loop3A_362 = arith.index_cast %parallel_loop3A_361 : i32 to index
        %parallel_loop3A_363 = tpu.vector_load %arg21[%parallel_loop3A_362] {strides = array<i32>} : memref<4096xf32, #tpu.memory_space<vmem>>, vector<16xf32>,
        %parallel_loop3A_364 = vector.shape_cast %parallel_loop3A_363 : vector<16xf32> to vector<16xf32>
        %parallel_loop3A_365 = arith.mulf %parallel_loop3A_295, %parallel_loop3A_359 : vector<16xf32>
        %parallel_loop3A_366 = arith.addf %parallel_loop3A_352, %parallel_loop3A_365 : vector<16xf32>
        %parallel_loop3A_367 = arith.mulf %parallel_loop3A_295, %parallel_loop3A_364 : vector<16xf32>
        %parallel_loop3A_368 = arith.addf %parallel_loop3A_354, %parallel_loop3A_367 : vector<16xf32>
        %parallel_loop3A_369 = arith.constant 80 : i32
        %parallel_loop3A_370 = arith.addi %parallel_loop3A_300, %parallel_loop3A_369 : i32
        %parallel_loop3A_371 = arith.index_cast %parallel_loop3A_370 : i32 to index
        %parallel_loop3A_372 = tpu.vector_load %arg20[%parallel_loop3A_371] {strides = array<i32>} : memref<4096xf32, #tpu.memory_space<vmem>>, vector<16xf32>,
        %parallel_loop3A_373 = vector.shape_cast %parallel_loop3A_372 : vector<16xf32> to vector<16xf32>
        %parallel_loop3A_374 = arith.constant 80 : i32
        %parallel_loop3A_375 = arith.addi %parallel_loop3A_300, %parallel_loop3A_374 : i32
        %parallel_loop3A_376 = arith.index_cast %parallel_loop3A_375 : i32 to index
        %parallel_loop3A_377 = tpu.vector_load %arg21[%parallel_loop3A_376] {strides = array<i32>} : memref<4096xf32, #tpu.memory_space<vmem>>, vector<16xf32>,
        %parallel_loop3A_378 = vector.shape_cast %parallel_loop3A_377 : vector<16xf32> to vector<16xf32>
        %parallel_loop3A_379 = arith.mulf %parallel_loop3A_296, %parallel_loop3A_373 : vector<16xf32>
        %parallel_loop3A_380 = arith.addf %parallel_loop3A_366, %parallel_loop3A_379 : vector<16xf32>
        %parallel_loop3A_381 = arith.mulf %parallel_loop3A_296, %parallel_loop3A_378 : vector<16xf32>
        %parallel_loop3A_382 = arith.addf %parallel_loop3A_368, %parallel_loop3A_381 : vector<16xf32>
        %parallel_loop3A_383 = arith.constant 96 : i32
        %parallel_loop3A_384 = arith.addi %parallel_loop3A_300, %parallel_loop3A_383 : i32
        %parallel_loop3A_385 = arith.index_cast %parallel_loop3A_384 : i32 to index
        %parallel_loop3A_386 = tpu.vector_load %arg20[%parallel_loop3A_385] {strides = array<i32>} : memref<4096xf32, #tpu.memory_space<vmem>>, vector<16xf32>,
        %parallel_loop3A_387 = vector.shape_cast %parallel_loop3A_386 : vector<16xf32> to vector<16xf32>
        %parallel_loop3A_388 = arith.constant 96 : i32
        %parallel_loop3A_389 = arith.addi %parallel_loop3A_300, %parallel_loop3A_388 : i32
        %parallel_loop3A_390 = arith.index_cast %parallel_loop3A_389 : i32 to index
        %parallel_loop3A_391 = tpu.vector_load %arg21[%parallel_loop3A_390] {strides = array<i32>} : memref<4096xf32, #tpu.memory_space<vmem>>, vector<16xf32>,
        %parallel_loop3A_392 = vector.shape_cast %parallel_loop3A_391 : vector<16xf32> to vector<16xf32>
        %parallel_loop3A_393 = arith.mulf %parallel_loop3A_297, %parallel_loop3A_387 : vector<16xf32>
        %parallel_loop3A_394 = arith.addf %parallel_loop3A_380, %parallel_loop3A_393 : vector<16xf32>
        %parallel_loop3A_395 = arith.mulf %parallel_loop3A_297, %parallel_loop3A_392 : vector<16xf32>
        %parallel_loop3A_396 = arith.addf %parallel_loop3A_382, %parallel_loop3A_395 : vector<16xf32>
        %parallel_loop3A_397 = arith.constant 112 : i32
        %parallel_loop3A_398 = arith.addi %parallel_loop3A_300, %parallel_loop3A_397 : i32
        %parallel_loop3A_399 = arith.index_cast %parallel_loop3A_398 : i32 to index
        %parallel_loop3A_400 = tpu.vector_load %arg20[%parallel_loop3A_399] {strides = array<i32>} : memref<4096xf32, #tpu.memory_space<vmem>>, vector<16xf32>,
        %parallel_loop3A_401 = vector.shape_cast %parallel_loop3A_400 : vector<16xf32> to vector<16xf32>
        %parallel_loop3A_402 = arith.constant 112 : i32
        %parallel_loop3A_403 = arith.addi %parallel_loop3A_300, %parallel_loop3A_402 : i32
        %parallel_loop3A_404 = arith.index_cast %parallel_loop3A_403 : i32 to index
        %parallel_loop3A_405 = tpu.vector_load %arg21[%parallel_loop3A_404] {strides = array<i32>} : memref<4096xf32, #tpu.memory_space<vmem>>, vector<16xf32>,
        %parallel_loop3A_406 = vector.shape_cast %parallel_loop3A_405 : vector<16xf32> to vector<16xf32>
        %parallel_loop3A_407 = arith.mulf %parallel_loop3A_298, %parallel_loop3A_401 : vector<16xf32>
        %parallel_loop3A_408 = arith.addf %parallel_loop3A_394, %parallel_loop3A_407 : vector<16xf32>
        %parallel_loop3A_409 = arith.mulf %parallel_loop3A_298, %parallel_loop3A_406 : vector<16xf32>
        %parallel_loop3A_410 = arith.addf %parallel_loop3A_396, %parallel_loop3A_409 : vector<16xf32>
        %parallel_loop3A_411 = arith.constant 0 : i32
        %parallel_loop3A_412 = arith.index_cast %parallel_loop3A_411 : i32 to index
        %parallel_loop3A_413 = arith.index_cast %parallel_loop3A_268 : i32 to index
        %parallel_loop3A_414 = tpu.vector_load %arg24[%parallel_loop3A_412, %parallel_loop3A_413] {strides = array<i32>} : memref<2x512xf32, #tpu.memory_space<vmem>>, vector<1x16xf32>,
        %parallel_loop3A_415 = vector.shape_cast %parallel_loop3A_414 : vector<1x16xf32> to vector<16xf32>
        %parallel_loop3A_416 = vector.shape_cast %parallel_loop3A_408 : vector<16xf32> to vector<1x16xf32>
        tpu.vector_store %arg24[%parallel_loop3A_412, %parallel_loop3A_413], %parallel_loop3A_416 {strides = array<i32>} : memref<2x512xf32, #tpu.memory_space<vmem>>, vector<1x16xf32>,
        %parallel_loop3A_417 = arith.constant 1 : i32
        %parallel_loop3A_418 = arith.index_cast %parallel_loop3A_417 : i32 to index
        %parallel_loop3A_419 = arith.index_cast %parallel_loop3A_268 : i32 to index
        %parallel_loop3A_420 = tpu.vector_load %arg24[%parallel_loop3A_418, %parallel_loop3A_419] {strides = array<i32>} : memref<2x512xf32, #tpu.memory_space<vmem>>, vector<1x16xf32>,
        %parallel_loop3A_421 = vector.shape_cast %parallel_loop3A_420 : vector<1x16xf32> to vector<16xf32>
        %parallel_loop3A_422 = vector.shape_cast %parallel_loop3A_410 : vector<16xf32> to vector<1x16xf32>
        tpu.vector_store %arg24[%parallel_loop3A_418, %parallel_loop3A_419], %parallel_loop3A_422 {strides = array<i32>} : memref<2x512xf32, #tpu.memory_space<vmem>>, vector<1x16xf32>,
      } {sc.loop_unroll_factor = 2 : i64, sc.parallel_access}
      %add3A_146 = arith.addi %mul3A_25, %mul3A_2 : i32
      %add3A_147 = arith.constant 7168 : i32
      %add3A_148 = arith.addi %add3A_146, %add3A_147 : i32
      %dma_start3A_149 = arith.constant 0 : i32
      %dma_start3A_150 = arith.constant 0 : i32
      %dma_start3A_151 = tpu.memref_slice %arg24[%dma_start3A_149, %dma_start3A_150] : memref<2x512xf32, #tpu.memory_space<vmem>> -> memref<1x512xf32, #tpu.memory_space<vmem>>
      %dma_start3A_152 = tpu.memref_squeeze %dma_start3A_151 : memref<1x512xf32, #tpu.memory_space<vmem>> -> memref<512xf32, #tpu.memory_space<vmem>>
      %dma_start3A_153 = tpu.memref_slice %arg8[%add3A_148] : memref<8388608xf32, #tpu.memory_space<hbm>> -> memref<512xf32, #tpu.memory_space<hbm>>
      %dma_start3A_154 = tpu.memref_slice %arg8[%add3A_148] : memref<8388608xf32, #tpu.memory_space<hbm>> -> memref<512xf32, #tpu.memory_space<hbm>>
      %dma_start3A_155 = arith.constant 0 : i32
      %dma_start3A_156 = tpu.memref_slice %arg24[%dma_start3A_149, %dma_start3A_155] : memref<2x512xf32, #tpu.memory_space<vmem>> -> memref<1x512xf32, #tpu.memory_space<vmem>>
      %dma_start3A_157 = tpu.memref_squeeze %dma_start3A_156 : memref<1x512xf32, #tpu.memory_space<vmem>> -> memref<512xf32, #tpu.memory_space<vmem>>
      tpu.enqueue_dma source(%dma_start3A_157 : memref<512xf32, #tpu.memory_space<vmem>>) target(%dma_start3A_154 : memref<512xf32, #tpu.memory_space<hbm>>) target_semaphore(%arg33 : memref<!tpu.dma_semaphore, #tpu.memory_space<semaphore_mem>>)
      %add3A_158 = arith.constant 262144 : i32
      %add3A_159 = arith.addi %add3A_148, %add3A_158 : i32
      %dma_start3A_160 = arith.constant 1 : i32
      %dma_start3A_161 = arith.constant 0 : i32
      %dma_start3A_162 = tpu.memref_slice %arg24[%dma_start3A_160, %dma_start3A_161] : memref<2x512xf32, #tpu.memory_space<vmem>> -> memref<1x512xf32, #tpu.memory_space<vmem>>
      %dma_start3A_163 = tpu.memref_squeeze %dma_start3A_162 : memref<1x512xf32, #tpu.memory_space<vmem>> -> memref<512xf32, #tpu.memory_space<vmem>>
      %dma_start3A_164 = tpu.memref_slice %arg8[%add3A_159] : memref<8388608xf32, #tpu.memory_space<hbm>> -> memref<512xf32, #tpu.memory_space<hbm>>
      %dma_start3A_165 = tpu.memref_slice %arg8[%add3A_159] : memref<8388608xf32, #tpu.memory_space<hbm>> -> memref<512xf32, #tpu.memory_space<hbm>>
      %dma_start3A_166 = arith.constant 0 : i32
      %dma_start3A_167 = tpu.memref_slice %arg24[%dma_start3A_160, %dma_start3A_166] : memref<2x512xf32, #tpu.memory_space<vmem>> -> memref<1x512xf32, #tpu.memory_space<vmem>>
      %dma_start3A_168 = tpu.memref_squeeze %dma_start3A_167 : memref<1x512xf32, #tpu.memory_space<vmem>> -> memref<512xf32, #tpu.memory_space<vmem>>
      tpu.enqueue_dma source(%dma_start3A_168 : memref<512xf32, #tpu.memory_space<vmem>>) target(%dma_start3A_165 : memref<512xf32, #tpu.memory_space<hbm>>) target_semaphore(%arg33 : memref<!tpu.dma_semaphore, #tpu.memory_space<semaphore_mem>>)
      %dma_wait3A_169 = arith.constant 0 : i32
      %dma_wait3A_170 = tpu.memref_slice %arg27[%dma_wait3A_169] : memref<524288xf32, #tpu.memory_space<vmem_shared>> -> memref<524288xf32, #tpu.memory_space<vmem_shared>>
      tpu.wait_indirect_dma semaphore(%arg31 : memref<!tpu.dma_semaphore, #tpu.memory_space<semaphore_mem>>) src(%dma_wait3A_170 : memref<524288xf32, #tpu.memory_space<vmem_shared>>) dst(%arg22 : memref<4096xf32, #tpu.memory_space<vmem>>)
      %dma_wait3A_171 = arith.constant 0 : i32
      %dma_wait3A_172 = tpu.memref_slice %arg28[%dma_wait3A_171] : memref<524288xf32, #tpu.memory_space<vmem_shared>> -> memref<524288xf32, #tpu.memory_space<vmem_shared>>
      tpu.wait_indirect_dma semaphore(%arg32 : memref<!tpu.dma_semaphore, #tpu.memory_space<semaphore_mem>>) src(%dma_wait3A_172 : memref<524288xf32, #tpu.memory_space<vmem_shared>>) dst(%arg23 : memref<4096xf32, #tpu.memory_space<vmem>>)
      %dma_wait3A_173 = arith.constant 0 : i32
      %dma_wait3A_174 = arith.constant 0 : i32
      %dma_wait3A_175 = tpu.memref_slice %arg25[%dma_wait3A_173, %dma_wait3A_174] : memref<2x512xf32, #tpu.memory_space<vmem>> -> memref<1x512xf32, #tpu.memory_space<vmem>>
      %dma_wait3A_176 = tpu.memref_squeeze %dma_wait3A_175 : memref<1x512xf32, #tpu.memory_space<vmem>> -> memref<512xf32, #tpu.memory_space<vmem>>
      %dma_wait3A_177 = arith.constant 0 : i32
      %dma_wait3A_178 = tpu.memref_slice %arg8[%dma_wait3A_177] : memref<8388608xf32, #tpu.memory_space<hbm>> -> memref<512xf32, #tpu.memory_space<hbm>>
      %dma_wait3A_179 = arith.constant 0 : i32
      %dma_wait3A_180 = tpu.memref_slice %arg8[%dma_wait3A_179] : memref<8388608xf32, #tpu.memory_space<hbm>> -> memref<512xf32, #tpu.memory_space<hbm>>
      %dma_wait3A_181 = arith.constant 0 : i32
      %dma_wait3A_182 = tpu.memref_slice %arg25[%dma_wait3A_173, %dma_wait3A_181] : memref<2x512xf32, #tpu.memory_space<vmem>> -> memref<1x512xf32, #tpu.memory_space<vmem>>
      %dma_wait3A_183 = tpu.memref_squeeze %dma_wait3A_182 : memref<1x512xf32, #tpu.memory_space<vmem>> -> memref<512xf32, #tpu.memory_space<vmem>>
      tpu.wait_dma2 semaphore(%arg34 : memref<!tpu.dma_semaphore, #tpu.memory_space<semaphore_mem>>) src(%dma_wait3A_183 : memref<512xf32, #tpu.memory_space<vmem>>) dst(%dma_wait3A_180 : memref<512xf32, #tpu.memory_space<hbm>>)
      %dma_wait3A_184 = arith.constant 1 : i32
      %dma_wait3A_185 = arith.constant 0 : i32
      %dma_wait3A_186 = tpu.memref_slice %arg25[%dma_wait3A_184, %dma_wait3A_185] : memref<2x512xf32, #tpu.memory_space<vmem>> -> memref<1x512xf32, #tpu.memory_space<vmem>>
      %dma_wait3A_187 = tpu.memref_squeeze %dma_wait3A_186 : memref<1x512xf32, #tpu.memory_space<vmem>> -> memref<512xf32, #tpu.memory_space<vmem>>
      %dma_wait3A_188 = arith.constant 0 : i32
      %dma_wait3A_189 = tpu.memref_slice %arg8[%dma_wait3A_188] : memref<8388608xf32, #tpu.memory_space<hbm>> -> memref<512xf32, #tpu.memory_space<hbm>>
      %dma_wait3A_190 = arith.constant 0 : i32
      %dma_wait3A_191 = tpu.memref_slice %arg8[%dma_wait3A_190] : memref<8388608xf32, #tpu.memory_space<hbm>> -> memref<512xf32, #tpu.memory_space<hbm>>
      %dma_wait3A_192 = arith.constant 0 : i32
      %dma_wait3A_193 = tpu.memref_slice %arg25[%dma_wait3A_184, %dma_wait3A_192] : memref<2x512xf32, #tpu.memory_space<vmem>> -> memref<1x512xf32, #tpu.memory_space<vmem>>
      %dma_wait3A_194 = tpu.memref_squeeze %dma_wait3A_193 : memref<1x512xf32, #tpu.memory_space<vmem>> -> memref<512xf32, #tpu.memory_space<vmem>>
      tpu.wait_dma2 semaphore(%arg34 : memref<!tpu.dma_semaphore, #tpu.memory_space<semaphore_mem>>) src(%dma_wait3A_194 : memref<512xf32, #tpu.memory_space<vmem>>) dst(%dma_wait3A_191 : memref<512xf32, #tpu.memory_space<hbm>>)
      %parallel_loop3A_195 = arith.constant 0 : i32
      %parallel_loop3A_196 = arith.constant 32 : i32
      %parallel_loop3A_197 = arith.constant 1 : i32
      scf.for %parallel_loop3A_266 = %parallel_loop3A_195 to %parallel_loop3A_196 step %parallel_loop3A_197  : i32 {
        %parallel_loop3A_267 = arith.constant 16 : i32
        %parallel_loop3A_268 = arith.muli %parallel_loop3A_266, %parallel_loop3A_267 : i32
        %parallel_loop3A_269 = arith.index_cast %parallel_loop3A_268 : i32 to index
        %parallel_loop3A_270 = tpu.vector_load %arg15[%parallel_loop3A_269] {strides = array<i32>} : memref<512xf32, #tpu.memory_space<vmem>>, vector<16xf32>,
        %parallel_loop3A_271 = vector.shape_cast %parallel_loop3A_270 : vector<16xf32> to vector<16xf32>
        %parallel_loop3A_272 = arith.index_cast %parallel_loop3A_268 : i32 to index
        %parallel_loop3A_273 = tpu.vector_load %arg16[%parallel_loop3A_272] {strides = array<i32>} : memref<512xf32, #tpu.memory_space<vmem>>, vector<16xf32>,
        %parallel_loop3A_274 = vector.shape_cast %parallel_loop3A_273 : vector<16xf32> to vector<16xf32>
        %parallel_loop3A_275 = arith.index_cast %parallel_loop3A_268 : i32 to index
        %parallel_loop3A_276 = tpu.vector_load %arg17[%parallel_loop3A_275] {strides = array<i32>} : memref<512xf32, #tpu.memory_space<vmem>>, vector<16xf32>,
        %parallel_loop3A_277 = vector.shape_cast %parallel_loop3A_276 : vector<16xf32> to vector<16xf32>
        %parallel_loop3A_278 = arith.constant 1.000000e+00 : f32
        %parallel_loop3A_279 = vector.broadcast %parallel_loop3A_278 : f32 to vector<16xf32>
        %parallel_loop3A_280 = arith.subf %parallel_loop3A_279, %parallel_loop3A_271 : vector<16xf32>
        %parallel_loop3A_281 = arith.constant 1.000000e+00 : f32
        %parallel_loop3A_282 = vector.broadcast %parallel_loop3A_281 : f32 to vector<16xf32>
        %parallel_loop3A_283 = arith.subf %parallel_loop3A_282, %parallel_loop3A_274 : vector<16xf32>
        %parallel_loop3A_284 = arith.constant 1.000000e+00 : f32
        %parallel_loop3A_285 = vector.broadcast %parallel_loop3A_284 : f32 to vector<16xf32>
        %parallel_loop3A_286 = arith.subf %parallel_loop3A_285, %parallel_loop3A_277 : vector<16xf32>
        %parallel_loop3A_287 = arith.mulf %parallel_loop3A_280, %parallel_loop3A_283 : vector<16xf32>
        %parallel_loop3A_288 = arith.mulf %parallel_loop3A_280, %parallel_loop3A_274 : vector<16xf32>
        %parallel_loop3A_289 = arith.mulf %parallel_loop3A_271, %parallel_loop3A_283 : vector<16xf32>
        %parallel_loop3A_290 = arith.mulf %parallel_loop3A_271, %parallel_loop3A_274 : vector<16xf32>
        %parallel_loop3A_291 = arith.mulf %parallel_loop3A_287, %parallel_loop3A_286 : vector<16xf32>
        %parallel_loop3A_292 = arith.mulf %parallel_loop3A_287, %parallel_loop3A_277 : vector<16xf32>
        %parallel_loop3A_293 = arith.mulf %parallel_loop3A_288, %parallel_loop3A_286 : vector<16xf32>
        %parallel_loop3A_294 = arith.mulf %parallel_loop3A_288, %parallel_loop3A_277 : vector<16xf32>
        %parallel_loop3A_295 = arith.mulf %parallel_loop3A_289, %parallel_loop3A_286 : vector<16xf32>
        %parallel_loop3A_296 = arith.mulf %parallel_loop3A_289, %parallel_loop3A_277 : vector<16xf32>
        %parallel_loop3A_297 = arith.mulf %parallel_loop3A_290, %parallel_loop3A_286 : vector<16xf32>
        %parallel_loop3A_298 = arith.mulf %parallel_loop3A_290, %parallel_loop3A_277 : vector<16xf32>
        %parallel_loop3A_299 = arith.constant 128 : i32
        %parallel_loop3A_300 = arith.muli %parallel_loop3A_266, %parallel_loop3A_299 : i32
        %parallel_loop3A_301 = arith.constant 0 : i32
        %parallel_loop3A_302 = arith.addi %parallel_loop3A_300, %parallel_loop3A_301 : i32
        %parallel_loop3A_303 = arith.index_cast %parallel_loop3A_302 : i32 to index
        %parallel_loop3A_304 = tpu.vector_load %arg22[%parallel_loop3A_303] {strides = array<i32>} : memref<4096xf32, #tpu.memory_space<vmem>>, vector<16xf32>,
        %parallel_loop3A_305 = vector.shape_cast %parallel_loop3A_304 : vector<16xf32> to vector<16xf32>
        %parallel_loop3A_306 = arith.constant 0 : i32
        %parallel_loop3A_307 = arith.addi %parallel_loop3A_300, %parallel_loop3A_306 : i32
        %parallel_loop3A_308 = arith.index_cast %parallel_loop3A_307 : i32 to index
        %parallel_loop3A_309 = tpu.vector_load %arg23[%parallel_loop3A_308] {strides = array<i32>} : memref<4096xf32, #tpu.memory_space<vmem>>, vector<16xf32>,
        %parallel_loop3A_310 = vector.shape_cast %parallel_loop3A_309 : vector<16xf32> to vector<16xf32>
        %parallel_loop3A_311 = arith.mulf %parallel_loop3A_291, %parallel_loop3A_305 : vector<16xf32>
        %parallel_loop3A_312 = arith.mulf %parallel_loop3A_291, %parallel_loop3A_310 : vector<16xf32>
        %parallel_loop3A_313 = arith.constant 16 : i32
        %parallel_loop3A_314 = arith.addi %parallel_loop3A_300, %parallel_loop3A_313 : i32
        %parallel_loop3A_315 = arith.index_cast %parallel_loop3A_314 : i32 to index
        %parallel_loop3A_316 = tpu.vector_load %arg22[%parallel_loop3A_315] {strides = array<i32>} : memref<4096xf32, #tpu.memory_space<vmem>>, vector<16xf32>,
        %parallel_loop3A_317 = vector.shape_cast %parallel_loop3A_316 : vector<16xf32> to vector<16xf32>
        %parallel_loop3A_318 = arith.constant 16 : i32
        %parallel_loop3A_319 = arith.addi %parallel_loop3A_300, %parallel_loop3A_318 : i32
        %parallel_loop3A_320 = arith.index_cast %parallel_loop3A_319 : i32 to index
        %parallel_loop3A_321 = tpu.vector_load %arg23[%parallel_loop3A_320] {strides = array<i32>} : memref<4096xf32, #tpu.memory_space<vmem>>, vector<16xf32>,
        %parallel_loop3A_322 = vector.shape_cast %parallel_loop3A_321 : vector<16xf32> to vector<16xf32>
        %parallel_loop3A_323 = arith.mulf %parallel_loop3A_292, %parallel_loop3A_317 : vector<16xf32>
        %parallel_loop3A_324 = arith.addf %parallel_loop3A_311, %parallel_loop3A_323 : vector<16xf32>
        %parallel_loop3A_325 = arith.mulf %parallel_loop3A_292, %parallel_loop3A_322 : vector<16xf32>
        %parallel_loop3A_326 = arith.addf %parallel_loop3A_312, %parallel_loop3A_325 : vector<16xf32>
        %parallel_loop3A_327 = arith.constant 32 : i32
        %parallel_loop3A_328 = arith.addi %parallel_loop3A_300, %parallel_loop3A_327 : i32
        %parallel_loop3A_329 = arith.index_cast %parallel_loop3A_328 : i32 to index
        %parallel_loop3A_330 = tpu.vector_load %arg22[%parallel_loop3A_329] {strides = array<i32>} : memref<4096xf32, #tpu.memory_space<vmem>>, vector<16xf32>,
        %parallel_loop3A_331 = vector.shape_cast %parallel_loop3A_330 : vector<16xf32> to vector<16xf32>
        %parallel_loop3A_332 = arith.constant 32 : i32
        %parallel_loop3A_333 = arith.addi %parallel_loop3A_300, %parallel_loop3A_332 : i32
        %parallel_loop3A_334 = arith.index_cast %parallel_loop3A_333 : i32 to index
        %parallel_loop3A_335 = tpu.vector_load %arg23[%parallel_loop3A_334] {strides = array<i32>} : memref<4096xf32, #tpu.memory_space<vmem>>, vector<16xf32>,
        %parallel_loop3A_336 = vector.shape_cast %parallel_loop3A_335 : vector<16xf32> to vector<16xf32>
        %parallel_loop3A_337 = arith.mulf %parallel_loop3A_293, %parallel_loop3A_331 : vector<16xf32>
        %parallel_loop3A_338 = arith.addf %parallel_loop3A_324, %parallel_loop3A_337 : vector<16xf32>
        %parallel_loop3A_339 = arith.mulf %parallel_loop3A_293, %parallel_loop3A_336 : vector<16xf32>
        %parallel_loop3A_340 = arith.addf %parallel_loop3A_326, %parallel_loop3A_339 : vector<16xf32>
        %parallel_loop3A_341 = arith.constant 48 : i32
        %parallel_loop3A_342 = arith.addi %parallel_loop3A_300, %parallel_loop3A_341 : i32
        %parallel_loop3A_343 = arith.index_cast %parallel_loop3A_342 : i32 to index
        %parallel_loop3A_344 = tpu.vector_load %arg22[%parallel_loop3A_343] {strides = array<i32>} : memref<4096xf32, #tpu.memory_space<vmem>>, vector<16xf32>,
        %parallel_loop3A_345 = vector.shape_cast %parallel_loop3A_344 : vector<16xf32> to vector<16xf32>
        %parallel_loop3A_346 = arith.constant 48 : i32
        %parallel_loop3A_347 = arith.addi %parallel_loop3A_300, %parallel_loop3A_346 : i32
        %parallel_loop3A_348 = arith.index_cast %parallel_loop3A_347 : i32 to index
        %parallel_loop3A_349 = tpu.vector_load %arg23[%parallel_loop3A_348] {strides = array<i32>} : memref<4096xf32, #tpu.memory_space<vmem>>, vector<16xf32>,
        %parallel_loop3A_350 = vector.shape_cast %parallel_loop3A_349 : vector<16xf32> to vector<16xf32>
        %parallel_loop3A_351 = arith.mulf %parallel_loop3A_294, %parallel_loop3A_345 : vector<16xf32>
        %parallel_loop3A_352 = arith.addf %parallel_loop3A_338, %parallel_loop3A_351 : vector<16xf32>
        %parallel_loop3A_353 = arith.mulf %parallel_loop3A_294, %parallel_loop3A_350 : vector<16xf32>
        %parallel_loop3A_354 = arith.addf %parallel_loop3A_340, %parallel_loop3A_353 : vector<16xf32>
        %parallel_loop3A_355 = arith.constant 64 : i32
        %parallel_loop3A_356 = arith.addi %parallel_loop3A_300, %parallel_loop3A_355 : i32
        %parallel_loop3A_357 = arith.index_cast %parallel_loop3A_356 : i32 to index
        %parallel_loop3A_358 = tpu.vector_load %arg22[%parallel_loop3A_357] {strides = array<i32>} : memref<4096xf32, #tpu.memory_space<vmem>>, vector<16xf32>,
        %parallel_loop3A_359 = vector.shape_cast %parallel_loop3A_358 : vector<16xf32> to vector<16xf32>
        %parallel_loop3A_360 = arith.constant 64 : i32
        %parallel_loop3A_361 = arith.addi %parallel_loop3A_300, %parallel_loop3A_360 : i32
        %parallel_loop3A_362 = arith.index_cast %parallel_loop3A_361 : i32 to index
        %parallel_loop3A_363 = tpu.vector_load %arg23[%parallel_loop3A_362] {strides = array<i32>} : memref<4096xf32, #tpu.memory_space<vmem>>, vector<16xf32>,
        %parallel_loop3A_364 = vector.shape_cast %parallel_loop3A_363 : vector<16xf32> to vector<16xf32>
        %parallel_loop3A_365 = arith.mulf %parallel_loop3A_295, %parallel_loop3A_359 : vector<16xf32>
        %parallel_loop3A_366 = arith.addf %parallel_loop3A_352, %parallel_loop3A_365 : vector<16xf32>
        %parallel_loop3A_367 = arith.mulf %parallel_loop3A_295, %parallel_loop3A_364 : vector<16xf32>
        %parallel_loop3A_368 = arith.addf %parallel_loop3A_354, %parallel_loop3A_367 : vector<16xf32>
        %parallel_loop3A_369 = arith.constant 80 : i32
        %parallel_loop3A_370 = arith.addi %parallel_loop3A_300, %parallel_loop3A_369 : i32
        %parallel_loop3A_371 = arith.index_cast %parallel_loop3A_370 : i32 to index
        %parallel_loop3A_372 = tpu.vector_load %arg22[%parallel_loop3A_371] {strides = array<i32>} : memref<4096xf32, #tpu.memory_space<vmem>>, vector<16xf32>,
        %parallel_loop3A_373 = vector.shape_cast %parallel_loop3A_372 : vector<16xf32> to vector<16xf32>
        %parallel_loop3A_374 = arith.constant 80 : i32
        %parallel_loop3A_375 = arith.addi %parallel_loop3A_300, %parallel_loop3A_374 : i32
        %parallel_loop3A_376 = arith.index_cast %parallel_loop3A_375 : i32 to index
        %parallel_loop3A_377 = tpu.vector_load %arg23[%parallel_loop3A_376] {strides = array<i32>} : memref<4096xf32, #tpu.memory_space<vmem>>, vector<16xf32>,
        %parallel_loop3A_378 = vector.shape_cast %parallel_loop3A_377 : vector<16xf32> to vector<16xf32>
        %parallel_loop3A_379 = arith.mulf %parallel_loop3A_296, %parallel_loop3A_373 : vector<16xf32>
        %parallel_loop3A_380 = arith.addf %parallel_loop3A_366, %parallel_loop3A_379 : vector<16xf32>
        %parallel_loop3A_381 = arith.mulf %parallel_loop3A_296, %parallel_loop3A_378 : vector<16xf32>
        %parallel_loop3A_382 = arith.addf %parallel_loop3A_368, %parallel_loop3A_381 : vector<16xf32>
        %parallel_loop3A_383 = arith.constant 96 : i32
        %parallel_loop3A_384 = arith.addi %parallel_loop3A_300, %parallel_loop3A_383 : i32
        %parallel_loop3A_385 = arith.index_cast %parallel_loop3A_384 : i32 to index
        %parallel_loop3A_386 = tpu.vector_load %arg22[%parallel_loop3A_385] {strides = array<i32>} : memref<4096xf32, #tpu.memory_space<vmem>>, vector<16xf32>,
        %parallel_loop3A_387 = vector.shape_cast %parallel_loop3A_386 : vector<16xf32> to vector<16xf32>
        %parallel_loop3A_388 = arith.constant 96 : i32
        %parallel_loop3A_389 = arith.addi %parallel_loop3A_300, %parallel_loop3A_388 : i32
        %parallel_loop3A_390 = arith.index_cast %parallel_loop3A_389 : i32 to index
        %parallel_loop3A_391 = tpu.vector_load %arg23[%parallel_loop3A_390] {strides = array<i32>} : memref<4096xf32, #tpu.memory_space<vmem>>, vector<16xf32>,
        %parallel_loop3A_392 = vector.shape_cast %parallel_loop3A_391 : vector<16xf32> to vector<16xf32>
        %parallel_loop3A_393 = arith.mulf %parallel_loop3A_297, %parallel_loop3A_387 : vector<16xf32>
        %parallel_loop3A_394 = arith.addf %parallel_loop3A_380, %parallel_loop3A_393 : vector<16xf32>
        %parallel_loop3A_395 = arith.mulf %parallel_loop3A_297, %parallel_loop3A_392 : vector<16xf32>
        %parallel_loop3A_396 = arith.addf %parallel_loop3A_382, %parallel_loop3A_395 : vector<16xf32>
        %parallel_loop3A_397 = arith.constant 112 : i32
        %parallel_loop3A_398 = arith.addi %parallel_loop3A_300, %parallel_loop3A_397 : i32
        %parallel_loop3A_399 = arith.index_cast %parallel_loop3A_398 : i32 to index
        %parallel_loop3A_400 = tpu.vector_load %arg22[%parallel_loop3A_399] {strides = array<i32>} : memref<4096xf32, #tpu.memory_space<vmem>>, vector<16xf32>,
        %parallel_loop3A_401 = vector.shape_cast %parallel_loop3A_400 : vector<16xf32> to vector<16xf32>
        %parallel_loop3A_402 = arith.constant 112 : i32
        %parallel_loop3A_403 = arith.addi %parallel_loop3A_300, %parallel_loop3A_402 : i32
        %parallel_loop3A_404 = arith.index_cast %parallel_loop3A_403 : i32 to index
        %parallel_loop3A_405 = tpu.vector_load %arg23[%parallel_loop3A_404] {strides = array<i32>} : memref<4096xf32, #tpu.memory_space<vmem>>, vector<16xf32>,
        %parallel_loop3A_406 = vector.shape_cast %parallel_loop3A_405 : vector<16xf32> to vector<16xf32>
        %parallel_loop3A_407 = arith.mulf %parallel_loop3A_298, %parallel_loop3A_401 : vector<16xf32>
        %parallel_loop3A_408 = arith.addf %parallel_loop3A_394, %parallel_loop3A_407 : vector<16xf32>
        %parallel_loop3A_409 = arith.mulf %parallel_loop3A_298, %parallel_loop3A_406 : vector<16xf32>
        %parallel_loop3A_410 = arith.addf %parallel_loop3A_396, %parallel_loop3A_409 : vector<16xf32>
        %parallel_loop3A_411 = arith.constant 0 : i32
        %parallel_loop3A_412 = arith.index_cast %parallel_loop3A_411 : i32 to index
        %parallel_loop3A_413 = arith.index_cast %parallel_loop3A_268 : i32 to index
        %parallel_loop3A_414 = tpu.vector_load %arg25[%parallel_loop3A_412, %parallel_loop3A_413] {strides = array<i32>} : memref<2x512xf32, #tpu.memory_space<vmem>>, vector<1x16xf32>,
        %parallel_loop3A_415 = vector.shape_cast %parallel_loop3A_414 : vector<1x16xf32> to vector<16xf32>
        %parallel_loop3A_416 = vector.shape_cast %parallel_loop3A_408 : vector<16xf32> to vector<1x16xf32>
        tpu.vector_store %arg25[%parallel_loop3A_412, %parallel_loop3A_413], %parallel_loop3A_416 {strides = array<i32>} : memref<2x512xf32, #tpu.memory_space<vmem>>, vector<1x16xf32>,
        %parallel_loop3A_417 = arith.constant 1 : i32
        %parallel_loop3A_418 = arith.index_cast %parallel_loop3A_417 : i32 to index
        %parallel_loop3A_419 = arith.index_cast %parallel_loop3A_268 : i32 to index
        %parallel_loop3A_420 = tpu.vector_load %arg25[%parallel_loop3A_418, %parallel_loop3A_419] {strides = array<i32>} : memref<2x512xf32, #tpu.memory_space<vmem>>, vector<1x16xf32>,
        %parallel_loop3A_421 = vector.shape_cast %parallel_loop3A_420 : vector<1x16xf32> to vector<16xf32>
        %parallel_loop3A_422 = vector.shape_cast %parallel_loop3A_410 : vector<16xf32> to vector<1x16xf32>
        tpu.vector_store %arg25[%parallel_loop3A_418, %parallel_loop3A_419], %parallel_loop3A_422 {strides = array<i32>} : memref<2x512xf32, #tpu.memory_space<vmem>>, vector<1x16xf32>,
      } {sc.loop_unroll_factor = 2 : i64, sc.parallel_access}
      %add3A_198 = arith.addi %mul3A_25, %mul3A_2 : i32
      %add3A_199 = arith.constant 7680 : i32
      %add3A_200 = arith.addi %add3A_198, %add3A_199 : i32
      %dma_start3A_201 = arith.constant 0 : i32
      %dma_start3A_202 = arith.constant 0 : i32
      %dma_start3A_203 = tpu.memref_slice %arg25[%dma_start3A_201, %dma_start3A_202] : memref<2x512xf32, #tpu.memory_space<vmem>> -> memref<1x512xf32, #tpu.memory_space<vmem>>
      %dma_start3A_204 = tpu.memref_squeeze %dma_start3A_203 : memref<1x512xf32, #tpu.memory_space<vmem>> -> memref<512xf32, #tpu.memory_space<vmem>>
      %dma_start3A_205 = tpu.memref_slice %arg8[%add3A_200] : memref<8388608xf32, #tpu.memory_space<hbm>> -> memref<512xf32, #tpu.memory_space<hbm>>
      %dma_start3A_206 = tpu.memref_slice %arg8[%add3A_200] : memref<8388608xf32, #tpu.memory_space<hbm>> -> memref<512xf32, #tpu.memory_space<hbm>>
      %dma_start3A_207 = arith.constant 0 : i32
      %dma_start3A_208 = tpu.memref_slice %arg25[%dma_start3A_201, %dma_start3A_207] : memref<2x512xf32, #tpu.memory_space<vmem>> -> memref<1x512xf32, #tpu.memory_space<vmem>>
      %dma_start3A_209 = tpu.memref_squeeze %dma_start3A_208 : memref<1x512xf32, #tpu.memory_space<vmem>> -> memref<512xf32, #tpu.memory_space<vmem>>
      tpu.enqueue_dma source(%dma_start3A_209 : memref<512xf32, #tpu.memory_space<vmem>>) target(%dma_start3A_206 : memref<512xf32, #tpu.memory_space<hbm>>) target_semaphore(%arg34 : memref<!tpu.dma_semaphore, #tpu.memory_space<semaphore_mem>>)
      %add3A_210 = arith.constant 262144 : i32
      %add3A_211 = arith.addi %add3A_200, %add3A_210 : i32
      %dma_start3A_212 = arith.constant 1 : i32
      %dma_start3A_213 = arith.constant 0 : i32
      %dma_start3A_214 = tpu.memref_slice %arg25[%dma_start3A_212, %dma_start3A_213] : memref<2x512xf32, #tpu.memory_space<vmem>> -> memref<1x512xf32, #tpu.memory_space<vmem>>
      %dma_start3A_215 = tpu.memref_squeeze %dma_start3A_214 : memref<1x512xf32, #tpu.memory_space<vmem>> -> memref<512xf32, #tpu.memory_space<vmem>>
      %dma_start3A_216 = tpu.memref_slice %arg8[%add3A_211] : memref<8388608xf32, #tpu.memory_space<hbm>> -> memref<512xf32, #tpu.memory_space<hbm>>
      %dma_start3A_217 = tpu.memref_slice %arg8[%add3A_211] : memref<8388608xf32, #tpu.memory_space<hbm>> -> memref<512xf32, #tpu.memory_space<hbm>>
      %dma_start3A_218 = arith.constant 0 : i32
      %dma_start3A_219 = tpu.memref_slice %arg25[%dma_start3A_212, %dma_start3A_218] : memref<2x512xf32, #tpu.memory_space<vmem>> -> memref<1x512xf32, #tpu.memory_space<vmem>>
      %dma_start3A_220 = tpu.memref_squeeze %dma_start3A_219 : memref<1x512xf32, #tpu.memory_space<vmem>> -> memref<512xf32, #tpu.memory_space<vmem>>
      tpu.enqueue_dma source(%dma_start3A_220 : memref<512xf32, #tpu.memory_space<vmem>>) target(%dma_start3A_217 : memref<512xf32, #tpu.memory_space<hbm>>) target_semaphore(%arg34 : memref<!tpu.dma_semaphore, #tpu.memory_space<semaphore_mem>>)
      %dma_wait3A_221 = arith.constant 0 : i32
      %dma_wait3A_222 = arith.constant 0 : i32
      %dma_wait3A_223 = tpu.memref_slice %arg24[%dma_wait3A_221, %dma_wait3A_222] : memref<2x512xf32, #tpu.memory_space<vmem>> -> memref<1x512xf32, #tpu.memory_space<vmem>>
      %dma_wait3A_224 = tpu.memref_squeeze %dma_wait3A_223 : memref<1x512xf32, #tpu.memory_space<vmem>> -> memref<512xf32, #tpu.memory_space<vmem>>
      %dma_wait3A_225 = arith.constant 0 : i32
      %dma_wait3A_226 = tpu.memref_slice %arg8[%dma_wait3A_225] : memref<8388608xf32, #tpu.memory_space<hbm>> -> memref<512xf32, #tpu.memory_space<hbm>>
      %dma_wait3A_227 = arith.constant 0 : i32
      %dma_wait3A_228 = tpu.memref_slice %arg8[%dma_wait3A_227] : memref<8388608xf32, #tpu.memory_space<hbm>> -> memref<512xf32, #tpu.memory_space<hbm>>
      %dma_wait3A_229 = arith.constant 0 : i32
      %dma_wait3A_230 = tpu.memref_slice %arg24[%dma_wait3A_221, %dma_wait3A_229] : memref<2x512xf32, #tpu.memory_space<vmem>> -> memref<1x512xf32, #tpu.memory_space<vmem>>
      %dma_wait3A_231 = tpu.memref_squeeze %dma_wait3A_230 : memref<1x512xf32, #tpu.memory_space<vmem>> -> memref<512xf32, #tpu.memory_space<vmem>>
      tpu.wait_dma2 semaphore(%arg33 : memref<!tpu.dma_semaphore, #tpu.memory_space<semaphore_mem>>) src(%dma_wait3A_231 : memref<512xf32, #tpu.memory_space<vmem>>) dst(%dma_wait3A_228 : memref<512xf32, #tpu.memory_space<hbm>>)
      %dma_wait3A_232 = arith.constant 1 : i32
      %dma_wait3A_233 = arith.constant 0 : i32
      %dma_wait3A_234 = tpu.memref_slice %arg24[%dma_wait3A_232, %dma_wait3A_233] : memref<2x512xf32, #tpu.memory_space<vmem>> -> memref<1x512xf32, #tpu.memory_space<vmem>>
      %dma_wait3A_235 = tpu.memref_squeeze %dma_wait3A_234 : memref<1x512xf32, #tpu.memory_space<vmem>> -> memref<512xf32, #tpu.memory_space<vmem>>
      %dma_wait3A_236 = arith.constant 0 : i32
      %dma_wait3A_237 = tpu.memref_slice %arg8[%dma_wait3A_236] : memref<8388608xf32, #tpu.memory_space<hbm>> -> memref<512xf32, #tpu.memory_space<hbm>>
      %dma_wait3A_238 = arith.constant 0 : i32
      %dma_wait3A_239 = tpu.memref_slice %arg8[%dma_wait3A_238] : memref<8388608xf32, #tpu.memory_space<hbm>> -> memref<512xf32, #tpu.memory_space<hbm>>
      %dma_wait3A_240 = arith.constant 0 : i32
      %dma_wait3A_241 = tpu.memref_slice %arg24[%dma_wait3A_232, %dma_wait3A_240] : memref<2x512xf32, #tpu.memory_space<vmem>> -> memref<1x512xf32, #tpu.memory_space<vmem>>
      %dma_wait3A_242 = tpu.memref_squeeze %dma_wait3A_241 : memref<1x512xf32, #tpu.memory_space<vmem>> -> memref<512xf32, #tpu.memory_space<vmem>>
      tpu.wait_dma2 semaphore(%arg33 : memref<!tpu.dma_semaphore, #tpu.memory_space<semaphore_mem>>) src(%dma_wait3A_242 : memref<512xf32, #tpu.memory_space<vmem>>) dst(%dma_wait3A_239 : memref<512xf32, #tpu.memory_space<hbm>>)
      %dma_wait3A_243 = arith.constant 0 : i32
      %dma_wait3A_244 = arith.constant 0 : i32
      %dma_wait3A_245 = tpu.memref_slice %arg25[%dma_wait3A_243, %dma_wait3A_244] : memref<2x512xf32, #tpu.memory_space<vmem>> -> memref<1x512xf32, #tpu.memory_space<vmem>>
      %dma_wait3A_246 = tpu.memref_squeeze %dma_wait3A_245 : memref<1x512xf32, #tpu.memory_space<vmem>> -> memref<512xf32, #tpu.memory_space<vmem>>
      %dma_wait3A_247 = arith.constant 0 : i32
      %dma_wait3A_248 = tpu.memref_slice %arg8[%dma_wait3A_247] : memref<8388608xf32, #tpu.memory_space<hbm>> -> memref<512xf32, #tpu.memory_space<hbm>>
      %dma_wait3A_249 = arith.constant 0 : i32
      %dma_wait3A_250 = tpu.memref_slice %arg8[%dma_wait3A_249] : memref<8388608xf32, #tpu.memory_space<hbm>> -> memref<512xf32, #tpu.memory_space<hbm>>
      %dma_wait3A_251 = arith.constant 0 : i32
      %dma_wait3A_252 = tpu.memref_slice %arg25[%dma_wait3A_243, %dma_wait3A_251] : memref<2x512xf32, #tpu.memory_space<vmem>> -> memref<1x512xf32, #tpu.memory_space<vmem>>
      %dma_wait3A_253 = tpu.memref_squeeze %dma_wait3A_252 : memref<1x512xf32, #tpu.memory_space<vmem>> -> memref<512xf32, #tpu.memory_space<vmem>>
      tpu.wait_dma2 semaphore(%arg34 : memref<!tpu.dma_semaphore, #tpu.memory_space<semaphore_mem>>) src(%dma_wait3A_253 : memref<512xf32, #tpu.memory_space<vmem>>) dst(%dma_wait3A_250 : memref<512xf32, #tpu.memory_space<hbm>>)
      %dma_wait3A_254 = arith.constant 1 : i32
      %dma_wait3A_255 = arith.constant 0 : i32
      %dma_wait3A_256 = tpu.memref_slice %arg25[%dma_wait3A_254, %dma_wait3A_255] : memref<2x512xf32, #tpu.memory_space<vmem>> -> memref<1x512xf32, #tpu.memory_space<vmem>>
      %dma_wait3A_257 = tpu.memref_squeeze %dma_wait3A_256 : memref<1x512xf32, #tpu.memory_space<vmem>> -> memref<512xf32, #tpu.memory_space<vmem>>
      %dma_wait3A_258 = arith.constant 0 : i32
      %dma_wait3A_259 = tpu.memref_slice %arg8[%dma_wait3A_258] : memref<8388608xf32, #tpu.memory_space<hbm>> -> memref<512xf32, #tpu.memory_space<hbm>>
      %dma_wait3A_260 = arith.constant 0 : i32
      %dma_wait3A_261 = tpu.memref_slice %arg8[%dma_wait3A_260] : memref<8388608xf32, #tpu.memory_space<hbm>> -> memref<512xf32, #tpu.memory_space<hbm>>
      %dma_wait3A_262 = arith.constant 0 : i32
      %dma_wait3A_263 = tpu.memref_slice %arg25[%dma_wait3A_254, %dma_wait3A_262] : memref<2x512xf32, #tpu.memory_space<vmem>> -> memref<1x512xf32, #tpu.memory_space<vmem>>
      %dma_wait3A_264 = tpu.memref_squeeze %dma_wait3A_263 : memref<1x512xf32, #tpu.memory_space<vmem>> -> memref<512xf32, #tpu.memory_space<vmem>>
      tpu.wait_dma2 semaphore(%arg34 : memref<!tpu.dma_semaphore, #tpu.memory_space<semaphore_mem>>) src(%dma_wait3A_264 : memref<512xf32, #tpu.memory_space<vmem>>) dst(%dma_wait3A_261 : memref<512xf32, #tpu.memory_space<hbm>>)
      %barrier3A_265 = arith.constant 0 : index
      tpu.barrier barrier_id(%barrier3A_265)
    }
    %scan3A_7 = arith.constant 16 : i32
    return
  }
}

</mosaic_0001>

<sc_bundles>
// kernel: _encode_sc.3.cloned.1.call-start
scs
__scs_entry_jumppad:
0x0: {  	(pc) =	sbr.rel $0x88, $3  }
0x1: {  	(tag) =	ssettag $0x0;
	lr =	simm.s32 $0x1  }
0x2: {  	[smem:$0x3F9B] =	sst lr;
	_ =	strace $0xD0000000  }
0x3: {  	_ = 	snop  }
0x4: {  	_ = 	snop  }
0x5: {  	_ = 	snop  }
0x6: {  	_ = 	snop  }
0x7: {  	_ = 	snop  }
__scs_overlays_trampoline_lowered:
0x8: {  	[smem:$0x3FAA] =	sst s0  }
0x9: {  	[smem:$0x3FAB] =	sst s1  }
0xa: {  	[smem:$0x3FAC] =	sst s2  }
0xb: {  	[smem:$0x3FAD] =	sst s3  }
0xc: {  	[smem:$0x3FAE] =	sst s4  }
0xd: {  	[smem:$0x3FAF] =	sst s5  }
0xe: {  	[smem:$0x3FB0] =	sst s6  }
0xf: {  	[smem:$0x3FB1] =	sst s7  }
0x10: {  	[smem:$0x3FB2] =	sst s8  }
0x11: {  	[smem:$0x3FB3] =	sst s9;
	s0 =	simm.s32 @!p0 $0x0  }
0x12: {  	s1 =	sld [smem:$0x3F99];
	s0 =	simm.s32 @p0 $0x1  }
0x13: {  	[smem:$0x3FB4] =	sst s0;
	s0 =	simm.s32 @!p1 $0x0  }
0x14: {  	s2 =	sld [smem:$0x3F98];
	s0 =	simm.s32 @p1 $0x1  }
0x15: {  	[smem:$0x3FB5] =	sst s0;
	s0 =	simm.s32 @!p2 $0x0  }
0x16: {  	s3 =	sld [smem:$0x3FDB];
	s0 =	simm.s32 @p2 $0x1  }
0x17: {  	s4 =	simm.s32 $0x1BF5;
	[smem:$0x3FB7] =	sst s0  }
0x18: {  	s0 =	sld [smem:$0x3F9A];
	_ =	swait.ge [sflag:s4], $0x0  }
0x19: {  	s7 =	sld [smem:$0x3F9B]  }
0x1a: {  	s8 =	sadd.s32 $0xFFFFE003, lr  }
0x1b: {  	s9 =	sadd.s32 $0xFFFFFEF7, lr;
	s5 =	simm.s32 $0xFFFFFFFF;
	p2 =	slt.u32 s8, $0xFFFFF086  }
0x1c: {  	p1 =	slt.u32 s9, $0xF7A;
	s5 =	simm.s32 @!p2 $0x0  }
0x1d: {  	s5 =	simm.s32 @p1 $0x1;
	p0 =	seq.s32 s7, s2  }
0x1e: {  	s7 =	smul.u32 @!p0 $0xF7A, s2;
	p2 =	seq.s32 @!p0 s5, $0x0  }
0x1f: {  	s9 =	smul.u32 $0xF7A, s1;
	s8 =	simm.s32 @!p0 $0x1BF5;
	p2 =	por !p2, p0  }
0x20: {  	[sflag:s8] =	ssyncset.s32 @!p0 $0xFFFFF086;
	s6 =	sadd.s32 @!p0 s3, s7;
	s7 =	simm.s32 @!p0 $0x108  }
0x21: {  	s3 =	sadd.s32 s3, s9;
	s6 =	sadd.s32 @!p0 $0x88, s6;
	s7 =	simm.s32 @p2 $0x1082  }
0x22: {  	[simem:s7], [sflag:s8] =	dma.local @!p0 [hbm:s6], $0xF7A  }
0x23: {  	s9 =	sor.u32 $0xD0000000, s2;
	s6 =	simm.s32 $0x108;
	_ =	swait.ge @!p0 [sflag:s8], $0x0  }
0x24: {  	s3 =	sadd.s32 $0x88, s3;
	s6 =	simm.s32 @!p1 $0x1082;
	[sflag:s4] =	ssyncset.s32 $0xFFFFF086  }
0x25: {  	[simem:s6], [sflag:s4] =	dma.local [hbm:s3], $0xF7A  }
0x26: {  	[smem:$0x3F9B] =	sst s1;
	(tag) =	ssettag s2;
	_ =	strace s9  }
0x27: {  	s1 =	sld [smem:$0x3FAB]  }
0x28: {  	s2 =	sld [smem:$0x3FAC]  }
0x29: {  	s4 =	sld [smem:$0x3FAE]  }
0x2a: {  	p0 =	seq.s32 s5, $0x0;
	s5 =	sld [smem:$0x3FAF]  }
0x2b: {  	s6 =	sld [smem:$0x3FB0]  }
0x2c: {  	s7 =	sld [smem:$0x3FB1]  }
0x2d: {  	s3 =	simm.s32 $0x108;
	s8 =	sld [smem:$0x3FB2]  }
0x2e: {  	s3 =	simm.s32 @!p0 $0x1082;
	s9 =	sld [smem:$0x3FB3]  }
0x2f: {  	lr =	sadd.s32 s0, s3;
	s0 =	sld [smem:$0x3FAA]  }
0x30: {  	s3 =	sld [smem:$0x3FAD]  }
0x31: {  	[smem:$0x3FB6] =	sst s10  }
0x32: {  	s10 =	sld [smem:$0x3FB4];
	_ =	sdelay $0x3  }
0x33: {  	p0 =	seq.s32 s10, $0x1;
	s10 =	sld [smem:$0x3FB6];
	_ =	sdelay $0x3  }
0x34: {  	[smem:$0x3FB6] =	sst s10  }
0x35: {  	s10 =	sld [smem:$0x3FB5];
	_ =	sdelay $0x3  }
0x36: {  	p1 =	seq.s32 s10, $0x1;
	s10 =	sld [smem:$0x3FB6];
	_ =	sdelay $0x3  }
0x37: {  	[smem:$0x3FB6] =	sst s10  }
0x38: {  	s10 =	sld [smem:$0x3FB7]  }
0x39: {  	_ = 	snop;
	(pc) =	sbr.ind lr, $3  }
0x3a: {  	_ = 	snop  }
0x3b: {  	_ = 	snop  }
0x3c: {  	p2 =	seq.s32 s10, $0x1;
	s10 =	sld [smem:$0x3FB6]  }
0x3d: {  	_ =	shalt  }
0x3e: {  	_ =	shalt  }
0x3f: {  	_ =	shalt  }
0x40: {  	_ =	shalt  }
0x41: {  	_ =	shalt  }
0x42: {  	_ =	shalt  }
0x43: {  	_ =	shalt  }
0x44: {  	_ =	shalt  }
0x45: {  	_ =	shalt  }
0x46: {  	_ =	shalt  }
0x47: {  	_ =	shalt  }
0x48: {  	_ =	shalt  }
0x49: {  	_ =	shalt  }
0x4a: {  	_ =	shalt  }
0x4b: {  	_ =	shalt  }
0x4c: {  	_ =	shalt  }
0x4d: {  	_ =	shalt  }
0x4e: {  	_ =	shalt  }
0x4f: {  	_ =	shalt  }
0x50: {  	_ =	shalt  }
0x51: {  	_ =	shalt  }
0x52: {  	_ =	shalt  }
0x53: {  	_ =	shalt  }
0x54: {  	_ =	shalt  }
0x55: {  	_ =	shalt  }
0x56: {  	_ =	shalt  }
0x57: {  	_ =	shalt  }
0x58: {  	_ =	shalt  }
0x59: {  	_ =	shalt  }
0x5a: {  	_ =	shalt  }
0x5b: {  	_ =	shalt  }
0x5c: {  	_ =	shalt  }
0x5d: {  	_ =	shalt  }
0x5e: {  	_ =	shalt  }
0x5f: {  	_ =	shalt  }
0x60: {  	_ =	shalt  }
0x61: {  	_ =	shalt  }
0x62: {  	_ =	shalt  }
0x63: {  	_ =	shalt  }
0x64: {  	_ =	shalt  }
0x65: {  	_ =	shalt  }
0x66: {  	_ =	shalt  }
0x67: {  	_ =	shalt  }
0x68: {  	_ =	shalt  }
0x69: {  	_ =	shalt  }
0x6a: {  	_ =	shalt  }
0x6b: {  	_ =	shalt  }
0x6c: {  	_ =	shalt  }
0x6d: {  	_ =	shalt  }
0x6e: {  	_ =	shalt  }
0x6f: {  	_ =	shalt  }
0x70: {  	_ =	shalt  }
0x71: {  	_ =	shalt  }
0x72: {  	_ =	shalt  }
0x73: {  	_ =	shalt  }
0x74: {  	_ =	shalt  }
0x75: {  	_ =	shalt  }
0x76: {  	_ =	shalt  }
0x77: {  	_ =	shalt  }
0x78: {  	_ =	shalt  }
0x79: {  	_ =	shalt  }
0x7a: {  	_ =	shalt  }
0x7b: {  	_ =	shalt  }
0x7c: {  	_ =	shalt  }
0x7d: {  	_ =	shalt  }
0x7e: {  	_ =	shalt  }
0x7f: {  	_ =	shalt  }
0x80: {  	_ =	shalt  }
0x81: {  	_ =	shalt  }
0x82: {  	_ =	shalt  }
0x83: {  	_ =	shalt  }
0x84: {  	_ =	shalt  }
0x85: {  	_ =	shalt  }
0x86: {  	_ =	shalt  }
0x87: {  	_ =	shalt  }
.Lfunc_end0:
.L_simem_size_0:
called_computation_lowered:
.L_overlay_start_0:
0x88: {  	s2 =	sld [smem:$0x3FD9]  }
0x89: {  	s3 =	sld [smem:$0x3FFE];
	_ =	sdelay $0x1  }
0x8a: {  	s1 =	srdreg.scid  }
0x8b: {  	s0 =	sand.u32 $0x1, s1  }
0x8c: {  	s18 =	sshll.u32 s0, $0xA;
	s2 =	sadd.s32 s3, s2  }
0x8d: {  	s2 =	sadd.s32 s2, s18  }
0x8e: {  	[smem:$0x3FC2] =	sst s2  }
0x8f: {  	_ = 	snop  }
0x90: {  	s2 =	sld [smem:$0x3FC9]  }
0x91: {  	s19 =	sld [smem:$0x3FC8]  }
0x92: {  	s4 =	sld [smem:$0x3FC7]  }
0x93: {  	s5 =	sld [smem:$0x3FC6]  }
0x94: {  	s6 =	sld [smem:$0x3FC5]  }
0x95: {  	s7 =	sld [smem:$0x3FC4]  }
0x96: {  	s8 =	sld [smem:$0x3FD0];
	(tm) =	ssettm $0x1  }
0x97: {  	s9 =	sld [smem:$0x3FFB];
	_ =	sdelay $0x3  }
0x98: {  	_ =	strace s9  }
0x99: {  	s9 =	sld [smem:$0x3FFC];
	_ =	sdelay $0x3  }
0x9a: {  	_ =	strace s9  }
0x9b: {  	s9 =	sld [smem:$0x3FFD];
	_ =	sdelay $0x3  }
0x9c: {  	_ =	strace s9  }
0x9d: {  	_ =	strace $0x8FFFFFFF  }
0x9e: {  	s20 =	sld [smem:$0x3FDB];
	_ =	sdelay $0x1  }
0x9f: {  	s10 =	simm.s32 $_scs_section_size  }
0xa0: {  	s11 =	simm.s32 $_size__tile_overlayer_lowered;
	s12 =	simm.s32 $_tile_overlayer_lowered  }
0xa1: {  	s23 =	simm.s32 $0x1BFF;
	s22 =	sshll.u32 s12, $0x1;
	s9 =	sadd.s32 s10, s20  }
0xa2: {  	s13 =	simm.s32 $0x0;
	s21 =	sshll.u32 s11, $0x1;
	s11 =	sadd.s32 s22, s9  }
0xa3: {  	[timem:s13], [sflag:s23] =	dma.local [hbm:s11], s21  }
0xa4: {  	_ =	swait.ge [sflag:s23], s21  }
0xa5: {  	s10 =	ssub.s32 $0x0, s21;
	[sflag:s23] =	ssyncset.done $0x0  }
0xa6: {  	[sflag:s23] =	ssyncadd.s32 s10;
	_ =	sdelay $0x1  }
0xa7: {  	s24 =	simm.s32 $0x1B8B  }
0xa8: {  	_ =	swait.ge [sflag:s24], $0x1  }
0xa9: {  	[sflag:s24] =	ssyncset.done $0x0  }
0xaa: {  	s25 =	simm.s32 $0x1B8E;
	[sflag:s24] =	ssyncadd.s32 $0xFFFFFFFF  }
0xab: {  	s26 =	simm.s32 $execute0_lowered;
	[smem:$0x3FD2] =	sst s25  }
0xac: {  	s10 =	sshll.u32 s26, $0x1;
	_ =	strace $0x80000046;
	[dreg:$0x1] =	wrdreg $0xFFFFFFFF  }
0xad: {  	s28 =	simm.s32 $_size_execute0_lowered;
	s9 =	sadd.s32 s9, s10;
	[dreg:$0x0] =	wrdreg $0x0  }
0xae: {  	s10 =	sshll.u32 s28, $0x1;
	[dreg:$0x2] =	wrdreg s9  }
0xaf: {  	[dreg:$0x3] =	wrdreg s10  }
0xb0: {  	[dreg:$0x4] =	wrdreg $0xC0  }
0xb1: {  	_ =	task [dreg:s13], $0x5FFFF  }
0xb2: {  	[dreg:$0x1] =	wrdreg $0xFFFFFFFF  }
0xb3: {  	[dreg:$0x0] =	wrdreg $0x60  }
0xb4: {  	[dreg:$0x2] =	wrdreg s2  }
0xb5: {  	[dreg:$0x3] =	wrdreg s19  }
0xb6: {  	[dreg:$0x4] =	wrdreg s4  }
0xb7: {  	[dreg:$0x5] =	wrdreg s5  }
0xb8: {  	[dreg:$0x6] =	wrdreg s6  }
0xb9: {  	[dreg:$0x7] =	wrdreg s7  }
0xba: {  	[dreg:$0x8] =	wrdreg s8  }
0xbb: {  	[dreg:$0x9] =	wrdreg $0xD5000  }
0xbc: {  	[dreg:$0xa] =	wrdreg $0x155000  }
0xbd: {  	[dreg:$0xb] =	wrdreg $0x9  }
0xbe: {  	_ =	task.clear_ibuf [dreg:s13], $0xCFFFF;
	_ =	strace $0x90000046  }
0xbf: {  	s29 =	simm.s32 $0x9;
	_ =	strace $0x80000048  }
0xc0: {  	_ =	swait.ge [sflag:s29], $0x1  }
0xc1: {  	[sflag:s29] =	ssyncadd.s32 $0xFFFFFFFF  }
0xc2: {  	_ =	strace $0x90000048  }
0xc3: {  	_ =	sfence  }
0xc4: {  	s30 =	sld [smem:$0x0];
	_ =	sdelay $0x2  }
0xc5: {  	s31 =	sshll.u32 s1, $0xD;
	s1 =	sshrl.u32 s1, $0x2  }
0xc6: {  	s3 =	sand.u32 $0x4000, s31;
	s1 =	sadd.s32 s1, s30  }
0xc7: {  	s0 =	sor.u32 s3, s0;
	s1 =	sshll.u32 s1, $0x11  }
0xc8: {  	s0 =	sor.u32 s1, s0  }
0xc9: {  	s0 =	sadd.s32 $0x8F2B, s0  }
0xca: {  	[sflag:s0] =	ssyncadd.remote.s32 $0x1  }
0xcb: {  	_ =	sfence.sel $0xFFFF  }
0xcc: {  	[dreg:$0x0] =	wrdreg $0xFFFFFFFF;
	(pc) =	sbr.abs _section_cstart, $3  }
0xcd: {  	[dreg:$0x1] =	wrdreg $0xFFFFFFFF  }
0xce: {  	_ =	task.clear_ibuf [dreg:s13], $0x2FFFF;
	_ =	strace $0x9FFFFFFF  }
0xcf: {  	(tm) =	ssettm $0x7FFFFFFF  }
tec
execute0_lowered:
.L_overlay_start_1:
0x0: {  	(tag) =	ssettag $0x1  }
0x1: {  	s0 =	rddreg [dreg:$0x0]  }
0x2: {  	s1 =	rddreg [dreg:$0x1]  }
0x3: {  	s2 =	rddreg [dreg:$0x2]  }
0x4: {  	s4 =	rddreg [dreg:$0x6]  }
0x5: {  	s30 =	rddreg [dreg:$0x7]  }
0x6: {  	s9 =	rddreg [dreg:$0x8]  }
0x7: {  	s3 =	srdreg.scid;
	s7 =	stileid.u32;
	s8 =	simm.s32 $0x0  }
0x8: {  	s29 =	simm.s32 $0x1000;
	[smem:$0x7FF] =	sst s8;
	s14 =	sshll.u32 s7, $0xF  }
0x9: {  	s19 =	sadd.s32 $0x8000, s4;
	_ =	strace $0x80000047;
	[dreg:$0xc] =	wrdreg s14  }
0xa: {  	s10 =	simm.s32 $0x2;
	s20 =	sadd.s32 $0x40, s4;
	[dreg:$0xf] =	wrdreg s19  }
0xb: {  	s31 =	simm.s32 $0x5;
	s21 =	sadd.s32 $0x8040, s4;
	[dreg:$0x10] =	wrdreg s20  }
0xc: {  	s3 =	sand.u32 $0x1, s3;
	s22 =	sadd.s32 $0x380, s4;
	[dreg:$0x11] =	wrdreg s21  }
0xd: {  	s5 =	sshll.u32 s7, $0xE;
	s23 =	sadd.s32 $0x8380, s4;
	[dreg:$0x12] =	wrdreg s22  }
0xe: {  	s24 =	sadd.s32 $0x3C0, s4;
	s25 =	sadd.s32 $0x83C0, s4;
	[dreg:$0x13] =	wrdreg s23  }
0xf: {  	s6 =	sshll.u32 s3, $0xD;
	s3 =	ssub.s32 $0x2, s3;
	[dreg:$0x14] =	wrdreg s24  }
0x10: {  	s18 =	sadd.s32 s14, s9;
	[dreg:$0x15] =	wrdreg s25;
	s6 =	sor.u32 s6, s5  }
0x11: {  	s28 =	sshrl.u32 s18, $0x3;
	[dreg:$0xa] =	wrdreg s6;
	s6 =	sshrl.u32 s6, $0x3  }
0x12: {  	s17 =	sadd.s32 s14, s30;
	[dreg:$0x18] =	wrdreg s28;
	s0 =	sadd.s32 s0, s6  }
0x13: {  	s13 =	sshrl.u32 s3, $0x1;
	s15 =	sadd.s32 s1, s6;
	[dreg:$0xb] =	wrdreg s0  }
0x14: {  	s3 =	ssub.s32 s3, s13;
	s16 =	sadd.s32 s2, s6;
	[dreg:$0xd] =	wrdreg s15  }
0x15: {  	s26 =	smax.u32 s3, $0x1;
	s1 =	simm.s32 $0x6;
	[dreg:$0xe] =	wrdreg s16  }
0x16: {  	s2 =	simm.s32 $0x0;
	[dreg:$0x16] =	wrdreg s26;
	s0 =	sshrl.u32 s17, $0x3  }
0x17: {  	s15 =	simm.s32 $0x3;
	s16 =	simm.s32 $0x4;
	[dreg:$0x17] =	wrdreg s0  }
.LBB2_1:
0x18: {  	[dreg:$0x19] =	wrdreg s2  }
0x19: {  	s0 =	rddreg [dreg:$0xb];
	s22 =	simm.s32 $0x7  }
0x1a: {  	[tilespmem:s8], [sflag:$0x7] =	stream.linear.gather [hbm4b:s0+s8], $0x2000, $0x38;
	[tilespmem:$0x1D500] =	vst v63  }
0x1b: {  	_ =	swait.ge [sflag:s22], $0x2000  }
0x1c: {  	[sflag:s22] =	ssyncset.done $0x0  }
0x1d: {  	s3 =	simm.s32 $0x2000;
	s23 =	rddreg [dreg:$0xd];
	[sflag:s22] =	ssyncadd.s32 $0xFFFFE000  }
0x1e: {  	[tilespmem:s3], [sflag:$0x7] =	stream.linear.gather [hbm4b:s23+s8], $0x2000, $0x38;
	[tilespmem:$0x1D500] =	vst v63  }
0x1f: {  	_ =	swait.ge [sflag:s22], $0x2000  }
0x20: {  	[sflag:s22] =	ssyncset.done $0x0  }
0x21: {  	s25 =	simm.s32 $0x4000;
	s24 =	rddreg [dreg:$0xe];
	[sflag:s22] =	ssyncadd.s32 $0xFFFFE000  }
0x22: {  	[tilespmem:s25], [sflag:$0x7] =	stream.linear.gather [hbm4b:s24+s8], $0x2000, $0x38;
	[tilespmem:$0x1D500] =	vst v63  }
0x23: {  	_ =	swait.ge [sflag:s22], $0x2000  }
0x24: {  	[sflag:s22] =	ssyncset.done $0x0  }
0x25: {  	[sflag:s22] =	ssyncadd.s32 $0xFFFFE000  }
0x26: {  	s28 =	simm.s32 $0xD400;
	s26 =	rddreg [dreg:$0x5]  }
0x27: {  	[tilespmem:s28], [sflag:$0x7] =	stream.linear.gather [hbm4b:s26+s8], $0x100, $0x38;
	[tilespmem:$0x1D500] =	vst v63  }
0x28: {  	_ =	swait.ge [sflag:s22], $0x100  }
0x29: {  	[sflag:s22] =	ssyncset.done $0x0  }
0x2a: {  	s7 =	simm.s32 $0x0;
	[sflag:s22] =	ssyncadd.s32 $0xFFFFFF00  }
.LBB2_2:
0x2b: {  	s0 =	sshll.u32 s7, $0x13;
	s2 =	rddreg [dreg:$0xc]  }
0x2c: {  	s3 =	stileid.u32;
	s21 =	rddreg [dreg:$0x3];
	s2 =	sor.u32 s2, s0  }
0x2d: {  	s22 =	rddreg [dreg:$0x17];
	s5 =	sshll.u32 s3, $0x6;
	s2 =	sshrl.u32 s2, $0x3  }
0x2e: {  	s23 =	simm.s32 $0x7;
	s5 =	sor.u32 $0x1C07, s5;
	s6 =	sadd.s32 s21, s2  }
0x2f: {  	[spmem:s22], [sflag:s5] =	dma.local [hbm:s6], $0x1000  }
0x30: {  	_ =	swait.ge [sflag:s23], $0x1000  }
0x31: {  	[sflag:s23] =	ssyncset.done $0x0  }
0x32: {  	[sflag:s23] =	ssyncadd.s32 $0xFFFFF000  }
0x33: {  	s24 =	rddreg [dreg:$0x4]  }
0x34: {  	s25 =	rddreg [dreg:$0x18];
	s2 =	sadd.s32 s24, s2  }
0x35: {  	[spmem:s25], [sflag:s5] =	dma.local [hbm:s2], $0x1000  }
0x36: {  	_ =	swait.ge [sflag:s23], $0x1000  }
0x37: {  	[sflag:s23] =	ssyncset.done $0x0  }
0x38: {  	s26 =	sshll.u32 s7, $0x4;
	[dreg:$0x1a] =	wrdreg s7;
	[sflag:s23] =	ssyncadd.s32 $0xFFFFF000  }
0x39: {  	s2 =	sand.u32 $0x3FFFFFF0, s26;
	[bflag:$0x0] =	sbarrier.arrive $0xFFFF  }
0x3a: {  	s28 =	simm.s32 $0x10;
	v0 =	vld [tilespmem:s2+$0xD400]  }
0x3b: {  	s5 =	simm.s32 $0x4010;
	v1 =	vld [tilespmem:s28+$0x0]  }
0x3c: {  	s2 =	simm.s32 $0x2010;
	v3 =	vld [tilespmem:s5+$0x0]  }
0x3d: {  	v2 =	vld [tilespmem:s2+$0x0]  }
0x3e: {  	v5 =	vld [tilespmem:s5+$0xFFFFFFF0];
	_ =	sdelay $0x3  }
0x3f: {  	v4 =	vld [tilespmem:s2+$0xFFFFFFF0];
	v6 =	vmul.f32 v1, v0;
	v2 =	vmul.f32 v2, v0  }
0x40: {  	v3 =	vmul.f32 v3, v0;
	v5 =	vmul.f32 v5, v0  }
0x41: {  	v1 =	vtrunc.f32 v6;
	v7 =	vtrunc.f32 v2  }
0x42: {  	v8 =	vcvt.f32.s32 v1;
	v1 =	vtrunc.f32 v3  }
0x43: {  	v11 =	vld [tilespmem:s28+$0xFFFFFFF0];
	v7 =	vcvt.f32.s32 v7;
	v9 =	vcvt.f32.s32 v1  }
0x44: {  	v4 =	vmul.f32 v4, v0;
	v10 =	vcvt.s32.f32 v8  }
0x45: {  	v12 =	vcvt.s32.f32 v7;
	v7 =	vmul.u32 $0x9E3779B1, v7;
	v13 =	vmul.u32 $0x30025795, v9  }
0x46: {  	v1 =	vand.u32 $0x7FFFF, v8;
	v10 =	vsub.f32 v6, v10;
	v6 =	vcvt.s32.f32 v9  }
0x47: {  	v14 =	vsub.f32 v2, v12;
	v9 =	vadd.s32 $0x9E3779B1, v7;
	v12 =	vadd.s32 $0x30025795, v13  }
0x48: {  	v2 =	vadd.s32 $0x1, v8;
	v8 =	vmul.f32 v11, v0;
	v11 =	vtrunc.f32 v5  }
0x49: {  	v15 =	vsub.f32 v3, v6;
	v3 =	vxor.u32 v9, v12;
	v6 =	vtrunc.f32 v4  }
0x4a: {  	v2 =	vand.u32 $0x7FFFF, v2;
	v16 =	vcvt.f32.s32 v11;
	v17 =	vxor.u32 v7, v12  }
0x4b: {  	v7 =	vxor.u32 v7, v13;
	v3 =	vand.u32 $0x7FFFF, v3;
	v6 =	vcvt.f32.s32 v6  }
0x4c: {  	v20 =	vxor.u32 v13, v9;
	v11 =	vtrunc.f32 v8;
	v19 =	vxor.u32 v2, v3  }
0x4d: {  	v9 =	vcvt.f32.s32 v11;
	v18 =	vmul.u32 $0x30025795, v16;
	v13 =	vmul.u32 $0x9E3779B1, v6  }
0x4e: {  	s12 =	simm.s32 $0x6010;
	v12 =	vcvt.s32.f32 v16;
	v11 =	vcvt.s32.f32 v6;
	v6 =	vand.u32 $0x7FFFF, v17  }
0x4f: {  	s13 =	simm.s32 $0x6210;
	[tilespmem:s12+$0x0] =	vst v10;
	v17 =	vcvt.s32.f32 v9;
	v16 =	vadd.s32 $0x30025795, v18;
	v10 =	vadd.s32 $0x9E3779B1, v13  }
0x50: {  	s14 =	simm.s32 $0x6410;
	[tilespmem:s13+$0x0] =	vst v14;
	v14 =	vxor.u32 v13, v16;
	v21 =	vxor.u32 v10, v16;
	v10 =	vxor.u32 v18, v10  }
0x51: {  	s9 =	simm.s32 $0x6C80;
	[tilespmem:s14+$0x0] =	vst v15;
	v16 =	vxor.u32 v13, v18;
	v18 =	vadd.s32 $0x1, v9;
	v14 =	vand.u32 $0x7FFFF, v14  }
0x52: {  	s11 =	simm.s32 $0x6C80;
	s6 =	simm.s32 $0x0;
	s7 =	simm.s32 $0x30;
	[tilespmem:s9+$0x70] =	vst v19;
	v15 =	vand.u32 $0x7FFFF, v10;
	v13 =	vand.u32 $0x7FFFF, v21;
	v10 =	vand.u32 $0x7FFFF, v20  }
.LBB2_3:
0x53: {  	v19 =	vld [tilespmem:s7+$0x0];
	v8 =	vsub.f32 v8, v17;
	v16 =	vand.u32 $0x7FFFF, v16;
	v7 =	vand.u32 $0x7FFFF, v7;
	s2 =	sadd.s32 $0x20, s2  }
0x54: {  	v4 =	vsub.f32 v4, v11;
	v5 =	vsub.f32 v5, v12;
	v11 =	vand.u32 $0x7FFFF, v18;
	s5 =	sadd.s32 $0x20, s5;
	v17 =	vld [tilespmem:s2+$0x0]  }
0x55: {  	s6 =	sadd.s32 $0x2, s6;
	v18 =	vxor.u32 v11, v15;
	v12 =	vld [tilespmem:s5+$0x0];
	[tilespmem:s12+$0xFFFFFFF0] =	vst v8;
	v8 =	vand.u32 $0x7FFFF, v9;
	v9 =	vxor.u32 v11, v14  }
0x56: {  	p0 =	slt.u32 s6, $0x1E;
	v20 =	vld [tilespmem:s2+$0xFFFFFFF0];
	[tilespmem:s13+$0xFFFFFFF0] =	vst v4;
	v4 =	vxor.u32 v8, v14;
	v14 =	vxor.u32 v8, v15;
	v15 =	vxor.u32 v8, v13  }
0x57: {  	v22 =	vxor.u32 v1, v10;
	v21 =	vld [tilespmem:s5+$0xFFFFFFF0];
	[tilespmem:s14+$0xFFFFFFF0] =	vst v5;
	v5 =	vxor.u32 v11, v13;
	v13 =	vxor.u32 v1, v6  }
0x58: {  	v3 =	vxor.u32 v1, v3;
	v10 =	vxor.u32 v2, v10;
	v6 =	vxor.u32 v2, v6;
	v23 =	vld [tilespmem:s7+$0xFFFFFFF0];
	[tilespmem:s9+$0xFFFFFF90] =	vst v4  }
0x59: {  	v24 =	vxor.u32 v8, v16;
	v19 =	vmul.f32 v19, v0;
	v17 =	vmul.f32 v17, v0;
	[tilespmem:s9+$0xFFFFFFA0] =	vst v14  }
0x5a: {  	v14 =	vxor.u32 v11, v16;
	v8 =	vmul.f32 v12, v0;
	[tilespmem:s9+$0xFFFFFFB0] =	vst v15;
	v15 =	vxor.u32 v1, v7  }
0x5b: {  	v16 =	vxor.u32 v2, v7;
	v1 =	vtrunc.f32 v19;
	v4 =	vtrunc.f32 v17;
	[tilespmem:s9+$0xFFFFFFD0] =	vst v9  }
0x5c: {  	v2 =	vcvt.f32.s32 v1;
	v1 =	vtrunc.f32 v8;
	[tilespmem:s9+$0xFFFFFFE0] =	vst v18  }
0x5d: {  	v7 =	vcvt.f32.s32 v4;
	v9 =	vcvt.f32.s32 v1;
	[tilespmem:s9+$0xFFFFFFF0] =	vst v5  }
0x5e: {  	v4 =	vmul.f32 v20, v0;
	v11 =	vcvt.s32.f32 v2;
	v1 =	vand.u32 $0x7FFFF, v2;
	[tilespmem:s9+$0x10] =	vst v13  }
0x5f: {  	v12 =	vcvt.s32.f32 v7;
	v7 =	vmul.u32 $0x9E3779B1, v7;
	v13 =	vmul.u32 $0x30025795, v9;
	[tilespmem:s9+$0x20] =	vst v22  }
0x60: {  	v5 =	vmul.f32 v21, v0;
	v11 =	vsub.f32 v19, v11;
	v9 =	vcvt.s32.f32 v9;
	[tilespmem:s9+$0x30] =	vst v3  }
0x61: {  	s12 =	sadd.s32 $0x20, s12;
	v3 =	vsub.f32 v17, v12;
	v12 =	vadd.s32 $0x9E3779B1, v7;
	v17 =	vadd.s32 $0x30025795, v13;
	[tilespmem:s9+$0x50] =	vst v6  }
0x62: {  	s13 =	sadd.s32 $0x20, s13;
	v2 =	vadd.s32 $0x1, v2;
	v6 =	vsub.f32 v8, v9;
	[tilespmem:s12+$0x0] =	vst v11;
	v8 =	vxor.u32 v12, v17  }
0x63: {  	s14 =	sadd.s32 $0x20, s14;
	v2 =	vand.u32 $0x7FFFF, v2;
	v9 =	vtrunc.f32 v4;
	[tilespmem:s13+$0x0] =	vst v3;
	v3 =	vand.u32 $0x7FFFF, v8  }
0x64: {  	s9 =	sadd.s32 $0x100, s9;
	v11 =	vtrunc.f32 v5;
	v8 =	vmul.f32 v23, v0;
	[tilespmem:s14+$0x0] =	vst v6;
	v6 =	vxor.u32 v2, v3  }
0x65: {  	v18 =	vcvt.f32.s32 v9;
	v17 =	vxor.u32 v7, v17;
	v19 =	vcvt.f32.s32 v11;
	[tilespmem:s9+$0x70] =	vst v6  }
0x66: {  	v20 =	vxor.u32 v13, v12;
	v7 =	vxor.u32 v7, v13;
	v6 =	vtrunc.f32 v8;
	[tilespmem:s11+$0x60] =	vst v10  }
0x67: {  	v13 =	vmul.u32 $0x30025795, v19;
	v9 =	vcvt.f32.s32 v6;
	v10 =	vmul.u32 $0x9E3779B1, v18;
	[tilespmem:s11+$0xFFFFFF80] =	vst v24  }
.Ltmp0:
0x68: {  	v11 =	vcvt.s32.f32 v18;
	v12 =	vcvt.s32.f32 v19;
	v6 =	vand.u32 $0x7FFFF, v17;
	[tilespmem:s11+$0xFFFFFFC0] =	vst v14;
	(pc) =	sbr.rel @p0 .LBB2_3-.Ltmp0, $4  }
0x69: {  	v18 =	vadd.s32 $0x30025795, v13;
	v17 =	vcvt.s32.f32 v9;
	v14 =	vadd.s32 $0x9E3779B1, v10;
	[tilespmem:s11+$0x0] =	vst v15  }
0x6a: {  	v15 =	vxor.u32 v10, v18;
	v19 =	vxor.u32 v13, v14;
	v21 =	vxor.u32 v14, v18;
	[tilespmem:s11+$0x40] =	vst v16;
	s11 =	smov.u32 s9  }
0x6b: {  	v18 =	vadd.s32 $0x1, v9;
	v16 =	vxor.u32 v10, v13;
	v14 =	vand.u32 $0x7FFFF, v15  }
0x6c: {  	s7 =	sadd.s32 $0x20, s7;
	v15 =	vand.u32 $0x7FFFF, v19;
	v13 =	vand.u32 $0x7FFFF, v21;
	v10 =	vand.u32 $0x7FFFF, v20  }
0x6d: {  	v8 =	vsub.f32 v8, v17;
	v3 =	vxor.u32 v1, v3  }
0x6e: {  	v4 =	vsub.f32 v4, v11;
	[tilespmem:s9+$0x30] =	vst v3  }
0x6f: {  	v5 =	vsub.f32 v5, v12;
	[tilespmem:s12+$0xFFFFFFF0] =	vst v8  }
0x70: {  	v8 =	vand.u32 $0x7FFFF, v9;
	[tilespmem:s13+$0xFFFFFFF0] =	vst v4  }
0x71: {  	v4 =	vxor.u32 v8, v14;
	[tilespmem:s14+$0xFFFFFFF0] =	vst v5  }
0x72: {  	v5 =	vxor.u32 v8, v15;
	[tilespmem:s9+$0xFFFFFF90] =	vst v4  }
0x73: {  	v9 =	vxor.u32 v8, v13;
	v4 =	vand.u32 $0x7FFFF, v18;
	[tilespmem:s9+$0xFFFFFFA0] =	vst v5  }
0x74: {  	[tilespmem:s9+$0xFFFFFFB0] =	vst v9;
	v5 =	vxor.u32 v4, v14  }
0x75: {  	v9 =	vxor.u32 v4, v15;
	[tilespmem:s9+$0xFFFFFFD0] =	vst v5  }
0x76: {  	v5 =	vxor.u32 v4, v13;
	[tilespmem:s9+$0xFFFFFFE0] =	vst v9  }
0x77: {  	v9 =	vxor.u32 v1, v6;
	[tilespmem:s9+$0xFFFFFFF0] =	vst v5  }
0x78: {  	v5 =	vxor.u32 v1, v10;
	[tilespmem:s9+$0x10] =	vst v9  }
0x79: {  	[tilespmem:s9+$0x20] =	vst v5;
	v5 =	vxor.u32 v2, v6  }
0x7a: {  	v3 =	vand.u32 $0x7FFFF, v16;
	v6 =	vxor.u32 v2, v10;
	[tilespmem:s9+$0x50] =	vst v5  }
0x7b: {  	v5 =	vxor.u32 v8, v3;
	[tilespmem:s11+$0x60] =	vst v6  }
0x7c: {  	v3 =	vxor.u32 v4, v3;
	v6 =	vand.u32 $0x7FFFF, v7;
	[tilespmem:s11+$0xFFFFFF80] =	vst v5  }
0x7d: {  	[tilespmem:s11+$0xFFFFFFC0] =	vst v3;
	v1 =	vxor.u32 v1, v6  }
0x7e: {  	v2 =	vxor.u32 v2, v6;
	[tilespmem:s11+$0x0] =	vst v1  }
0x7f: {  	s3 =	simm.s32 $0x6C00;
	s2 =	simm.s32 $0x8C00;
	[tilespmem:s11+$0x40] =	vst v2  }
0x80: {  	[tilespmem:s2], [sflag:$0x1] =	stream.indirect.gather [spmem:s30], $0x1, s3, s29, $0xb8;
	[tilespmem:$0x1D500] =	vst v63  }
0x81: {  	s28 =	rddreg [dreg:$0x8];
	s5 =	simm.s32 $0x9C00;
	s6 =	simm.s32 $0x210  }
0x82: {  	[tilespmem:s5], [sflag:$0x2] =	stream.indirect.gather [spmem:s28], $0x1, s3, s29, $0xb8;
	[tilespmem:$0x1D500] =	vst v63  }
0x83: {  	s2 =	simm.s32 $0x2210;
	v1 =	vld [tilespmem:s6+$0x0]  }
0x84: {  	s5 =	simm.s32 $0x4210;
	v2 =	vld [tilespmem:s2+$0x0]  }
0x85: {  	v3 =	vld [tilespmem:s5+$0x0]  }
0x86: {  	v4 =	vld [tilespmem:s2+$0xFFFFFFF0]  }
0x87: {  	v5 =	vld [tilespmem:s5+$0xFFFFFFF0];
	_ =	sdelay $0x2  }
0x88: {  	v6 =	vmul.f32 v1, v0;
	v2 =	vmul.f32 v2, v0  }
0x89: {  	v3 =	vmul.f32 v3, v0;
	v4 =	vmul.f32 v4, v0  }
0x8a: {  	v5 =	vmul.f32 v5, v0;
	v1 =	vtrunc.f32 v6  }
0x8b: {  	v7 =	vtrunc.f32 v2;
	v8 =	vcvt.f32.s32 v1  }
0x8c: {  	v11 =	vld [tilespmem:s6+$0xFFFFFFF0];
	v1 =	vtrunc.f32 v3;
	v7 =	vcvt.f32.s32 v7  }
0x8d: {  	v9 =	vcvt.f32.s32 v1;
	v10 =	vcvt.s32.f32 v8  }
0x8e: {  	v1 =	vand.u32 $0x7FFFF, v8;
	v12 =	vcvt.s32.f32 v7;
	v7 =	vmul.u32 $0x9E3779B1, v7  }
0x8f: {  	v13 =	vmul.u32 $0x30025795, v9;
	v10 =	vsub.f32 v6, v10;
	v6 =	vcvt.s32.f32 v9  }
0x90: {  	v14 =	vsub.f32 v2, v12;
	v9 =	vadd.s32 $0x9E3779B1, v7;
	v2 =	vadd.s32 $0x1, v8  }
0x91: {  	v8 =	vmul.f32 v11, v0;
	v11 =	vtrunc.f32 v5;
	v12 =	vadd.s32 $0x30025795, v13  }
0x92: {  	v2 =	vand.u32 $0x7FFFF, v2;
	v16 =	vcvt.f32.s32 v11;
	v20 =	vxor.u32 v13, v9  }
0x93: {  	v15 =	vsub.f32 v3, v6;
	v3 =	vxor.u32 v9, v12;
	v6 =	vtrunc.f32 v4  }
0x94: {  	v17 =	vxor.u32 v7, v12;
	v11 =	vtrunc.f32 v8;
	v6 =	vcvt.f32.s32 v6  }
0x95: {  	v7 =	vxor.u32 v7, v13;
	v3 =	vand.u32 $0x7FFFF, v3;
	v9 =	vcvt.f32.s32 v11  }
0x96: {  	v18 =	vmul.u32 $0x30025795, v16;
	v12 =	vcvt.s32.f32 v16;
	v13 =	vmul.u32 $0x9E3779B1, v6  }
0x97: {  	s12 =	simm.s32 $0x6610;
	v19 =	vxor.u32 v2, v3;
	v11 =	vcvt.s32.f32 v6;
	v6 =	vand.u32 $0x7FFFF, v17  }
0x98: {  	s13 =	simm.s32 $0x6810;
	[tilespmem:s12+$0x0] =	vst v10;
	v17 =	vcvt.s32.f32 v9;
	v16 =	vadd.s32 $0x30025795, v18;
	v10 =	vadd.s32 $0x9E3779B1, v13  }
0x99: {  	s14 =	simm.s32 $0x6A10;
	[tilespmem:s13+$0x0] =	vst v14;
	v14 =	vxor.u32 v13, v16;
	v21 =	vxor.u32 v10, v16;
	v10 =	vxor.u32 v18, v10  }
0x9a: {  	s9 =	simm.s32 $0x7C80;
	[tilespmem:s14+$0x0] =	vst v15;
	v16 =	vxor.u32 v13, v18;
	v18 =	vadd.s32 $0x1, v9;
	v14 =	vand.u32 $0x7FFFF, v14  }
0x9b: {  	s7 =	simm.s32 $0x230;
	s11 =	simm.s32 $0x7C80;
	s6 =	simm.s32 $0x0;
	[tilespmem:s9+$0x70] =	vst v19;
	v15 =	vand.u32 $0x7FFFF, v10;
	v13 =	vand.u32 $0x7FFFF, v21;
	v10 =	vand.u32 $0x7FFFF, v20  }
.LBB2_5:
0x9c: {  	v19 =	vld [tilespmem:s7+$0x0];
	v8 =	vsub.f32 v8, v17;
	v16 =	vand.u32 $0x7FFFF, v16;
	v7 =	vand.u32 $0x7FFFF, v7;
	s2 =	sadd.s32 $0x20, s2  }
0x9d: {  	v4 =	vsub.f32 v4, v11;
	v5 =	vsub.f32 v5, v12;
	v11 =	vand.u32 $0x7FFFF, v18;
	s5 =	sadd.s32 $0x20, s5;
	v17 =	vld [tilespmem:s2+$0x0]  }
0x9e: {  	s6 =	sadd.s32 $0x2, s6;
	v18 =	vxor.u32 v11, v15;
	v12 =	vld [tilespmem:s5+$0x0];
	[tilespmem:s12+$0xFFFFFFF0] =	vst v8;
	v8 =	vand.u32 $0x7FFFF, v9;
	v9 =	vxor.u32 v11, v14  }
0x9f: {  	p0 =	slt.u32 s6, $0x1E;
	v20 =	vld [tilespmem:s2+$0xFFFFFFF0];
	[tilespmem:s13+$0xFFFFFFF0] =	vst v4;
	v4 =	vxor.u32 v8, v14;
	v14 =	vxor.u32 v8, v15;
	v15 =	vxor.u32 v8, v13  }
0xa0: {  	v22 =	vxor.u32 v1, v10;
	v21 =	vld [tilespmem:s5+$0xFFFFFFF0];
	[tilespmem:s14+$0xFFFFFFF0] =	vst v5;
	v5 =	vxor.u32 v11, v13;
	v13 =	vxor.u32 v1, v6  }
0xa1: {  	v3 =	vxor.u32 v1, v3;
	v10 =	vxor.u32 v2, v10;
	v6 =	vxor.u32 v2, v6;
	v23 =	vld [tilespmem:s7+$0xFFFFFFF0];
	[tilespmem:s9+$0xFFFFFF90] =	vst v4  }
0xa2: {  	v24 =	vxor.u32 v8, v16;
	v19 =	vmul.f32 v19, v0;
	v17 =	vmul.f32 v17, v0;
	[tilespmem:s9+$0xFFFFFFA0] =	vst v14  }
0xa3: {  	v14 =	vxor.u32 v11, v16;
	v8 =	vmul.f32 v12, v0;
	[tilespmem:s9+$0xFFFFFFB0] =	vst v15;
	v15 =	vxor.u32 v1, v7  }
0xa4: {  	v16 =	vxor.u32 v2, v7;
	v1 =	vtrunc.f32 v19;
	v4 =	vtrunc.f32 v17;
	[tilespmem:s9+$0xFFFFFFD0] =	vst v9  }
0xa5: {  	v2 =	vcvt.f32.s32 v1;
	v1 =	vtrunc.f32 v8;
	[tilespmem:s9+$0xFFFFFFE0] =	vst v18  }
0xa6: {  	v7 =	vcvt.f32.s32 v4;
	v9 =	vcvt.f32.s32 v1;
	[tilespmem:s9+$0xFFFFFFF0] =	vst v5  }
0xa7: {  	v4 =	vmul.f32 v20, v0;
	v11 =	vcvt.s32.f32 v2;
	v1 =	vand.u32 $0x7FFFF, v2;
	[tilespmem:s9+$0x10] =	vst v13  }
0xa8: {  	v12 =	vcvt.s32.f32 v7;
	v7 =	vmul.u32 $0x9E3779B1, v7;
	v13 =	vmul.u32 $0x30025795, v9;
	[tilespmem:s9+$0x20] =	vst v22  }
0xa9: {  	v5 =	vmul.f32 v21, v0;
	v11 =	vsub.f32 v19, v11;
	v9 =	vcvt.s32.f32 v9;
	[tilespmem:s9+$0x30] =	vst v3  }
0xaa: {  	s12 =	sadd.s32 $0x20, s12;
	v3 =	vsub.f32 v17, v12;
	v12 =	vadd.s32 $0x9E3779B1, v7;
	v17 =	vadd.s32 $0x30025795, v13;
	[tilespmem:s9+$0x50] =	vst v6  }
0xab: {  	s13 =	sadd.s32 $0x20, s13;
	v2 =	vadd.s32 $0x1, v2;
	v6 =	vsub.f32 v8, v9;
	[tilespmem:s12+$0x0] =	vst v11;
	v8 =	vxor.u32 v12, v17  }
0xac: {  	s14 =	sadd.s32 $0x20, s14;
	v2 =	vand.u32 $0x7FFFF, v2;
	v9 =	vtrunc.f32 v4;
	[tilespmem:s13+$0x0] =	vst v3;
	v3 =	vand.u32 $0x7FFFF, v8  }
0xad: {  	s9 =	sadd.s32 $0x100, s9;
	v11 =	vtrunc.f32 v5;
	v8 =	vmul.f32 v23, v0;
	[tilespmem:s14+$0x0] =	vst v6;
	v6 =	vxor.u32 v2, v3  }
0xae: {  	v18 =	vcvt.f32.s32 v9;
	v17 =	vxor.u32 v7, v17;
	v19 =	vcvt.f32.s32 v11;
	[tilespmem:s9+$0x70] =	vst v6  }
0xaf: {  	v20 =	vxor.u32 v13, v12;
	v7 =	vxor.u32 v7, v13;
	v6 =	vtrunc.f32 v8;
	[tilespmem:s11+$0x60] =	vst v10  }
0xb0: {  	v13 =	vmul.u32 $0x30025795, v19;
	v9 =	vcvt.f32.s32 v6;
	v10 =	vmul.u32 $0x9E3779B1, v18;
	[tilespmem:s11+$0xFFFFFF80] =	vst v24  }
.Ltmp1:
0xb1: {  	v11 =	vcvt.s32.f32 v18;
	v12 =	vcvt.s32.f32 v19;
	v6 =	vand.u32 $0x7FFFF, v17;
	[tilespmem:s11+$0xFFFFFFC0] =	vst v14;
	(pc) =	sbr.rel @p0 .LBB2_5-.Ltmp1, $4  }
0xb2: {  	v18 =	vadd.s32 $0x30025795, v13;
	v17 =	vcvt.s32.f32 v9;
	v14 =	vadd.s32 $0x9E3779B1, v10;
	[tilespmem:s11+$0x0] =	vst v15  }
0xb3: {  	v15 =	vxor.u32 v10, v18;
	v19 =	vxor.u32 v13, v14;
	v21 =	vxor.u32 v14, v18;
	[tilespmem:s11+$0x40] =	vst v16;
	s11 =	smov.u32 s9  }
0xb4: {  	v18 =	vadd.s32 $0x1, v9;
	v16 =	vxor.u32 v10, v13;
	v14 =	vand.u32 $0x7FFFF, v15  }
0xb5: {  	s7 =	sadd.s32 $0x20, s7;
	v15 =	vand.u32 $0x7FFFF, v19;
	v13 =	vand.u32 $0x7FFFF, v21;
	v10 =	vand.u32 $0x7FFFF, v20  }
0xb6: {  	v8 =	vsub.f32 v8, v17;
	v3 =	vxor.u32 v1, v3  }
0xb7: {  	v4 =	vsub.f32 v4, v11;
	[tilespmem:s9+$0x30] =	vst v3  }
0xb8: {  	v5 =	vsub.f32 v5, v12;
	[tilespmem:s12+$0xFFFFFFF0] =	vst v8  }
0xb9: {  	v8 =	vand.u32 $0x7FFFF, v9;
	[tilespmem:s13+$0xFFFFFFF0] =	vst v4  }
0xba: {  	v4 =	vxor.u32 v8, v14;
	[tilespmem:s14+$0xFFFFFFF0] =	vst v5  }
0xbb: {  	v5 =	vxor.u32 v8, v15;
	[tilespmem:s9+$0xFFFFFF90] =	vst v4  }
0xbc: {  	v9 =	vxor.u32 v8, v13;
	v4 =	vand.u32 $0x7FFFF, v18;
	[tilespmem:s9+$0xFFFFFFA0] =	vst v5  }
0xbd: {  	[tilespmem:s9+$0xFFFFFFB0] =	vst v9;
	v5 =	vxor.u32 v4, v14  }
0xbe: {  	v9 =	vxor.u32 v4, v15;
	[tilespmem:s9+$0xFFFFFFD0] =	vst v5  }
0xbf: {  	v5 =	vxor.u32 v4, v13;
	[tilespmem:s9+$0xFFFFFFE0] =	vst v9  }
0xc0: {  	v9 =	vxor.u32 v1, v6;
	[tilespmem:s9+$0xFFFFFFF0] =	vst v5  }
0xc1: {  	v5 =	vxor.u32 v1, v10;
	[tilespmem:s9+$0x10] =	vst v9  }
0xc2: {  	[tilespmem:s9+$0x20] =	vst v5;
	v5 =	vxor.u32 v2, v6  }
0xc3: {  	v3 =	vand.u32 $0x7FFFF, v16;
	v6 =	vxor.u32 v2, v10;
	[tilespmem:s9+$0x50] =	vst v5  }
0xc4: {  	v5 =	vxor.u32 v8, v3;
	[tilespmem:s11+$0x60] =	vst v6  }
0xc5: {  	v3 =	vxor.u32 v4, v3;
	v6 =	vand.u32 $0x7FFFF, v7;
	[tilespmem:s11+$0xFFFFFF80] =	vst v5  }
0xc6: {  	[tilespmem:s11+$0xFFFFFFC0] =	vst v3;
	v1 =	vxor.u32 v1, v6  }
0xc7: {  	v2 =	vxor.u32 v2, v6;
	[tilespmem:s11+$0x0] =	vst v1  }
0xc8: {  	s3 =	simm.s32 $0x7C00;
	s2 =	simm.s32 $0xAC00;
	[tilespmem:s11+$0x40] =	vst v2  }
0xc9: {  	[tilespmem:s2], [sflag:$0x3] =	stream.indirect.gather [spmem:s30], $0x1, s3, s29, $0xb8;
	[tilespmem:$0x1D500] =	vst v63  }
0xca: {  	s24 =	rddreg [dreg:$0x8];
	s5 =	simm.s32 $0xBC00;
	s25 =	simm.s32 $0x1  }
0xcb: {  	[tilespmem:s5], [sflag:$0x4] =	stream.indirect.gather [spmem:s24], $0x1, s3, s29, $0xb8;
	[tilespmem:$0x1D500] =	vst v63  }
0xcc: {  	_ =	swait.ge [sflag:s25], $0x1000  }
0xcd: {  	[sflag:s25] =	ssyncset.done $0x0  }
0xce: {  	[sflag:s25] =	ssyncadd.s32 $0xFFFFF000  }
0xcf: {  	_ =	swait.ge [sflag:s10], $0x1000  }
0xd0: {  	[sflag:s10] =	ssyncset.done $0x0  }
0xd1: {  	s6 =	simm.s32 $0x6010;
	[sflag:s10] =	ssyncadd.s32 $0xFFFFF000  }
0xd2: {  	s2 =	simm.s32 $0x6210;
	v1 =	vld [tilespmem:s6+$0x0]  }
0xd3: {  	v2 =	vld [tilespmem:s2+$0x0]  }
0xd4: {  	s5 =	simm.s32 $0x6410;
	v5 =	vld [tilespmem:s6+$0xFFFFFFF0]  }
0xd5: {  	v3 =	vld [tilespmem:s5+$0x0]  }
0xd6: {  	v6 =	vld [tilespmem:s2+$0xFFFFFFF0]  }
0xd7: {  	s9 =	simm.s32 $0x9C80;
	v8 =	vld [tilespmem:s5+$0xFFFFFFF0]  }
0xd8: {  	v4 =	vld [tilespmem:s9+$0x0]  }
0xd9: {  	v7 =	vld [tilespmem:s9+$0x10]  }
0xda: {  	v9 =	vld [tilespmem:s9+$0xFFFFFF80]  }
0xdb: {  	v12 =	vld [tilespmem:s9+$0x20];
	v10 =	vsub.f32 $1.000000000e+00, v1  }
0xdc: {  	v14 =	vld [tilespmem:s9+$0xFFFFFF90];
	v11 =	vsub.f32 $1.000000000e+00, v2;
	v13 =	vsub.f32 $1.000000000e+00, v5  }
0xdd: {  	v17 =	vld [tilespmem:s9+$0x30];
	v18 =	vsub.f32 $1.000000000e+00, v6  }
0xde: {  	v20 =	vld [tilespmem:s9+$0xFFFFFFA0];
	v16 =	vmul.f32 v11, v10;
	v19 =	vmul.f32 v6, v13  }
0xdf: {  	v22 =	vld [tilespmem:s9+$0x40];
	v10 =	vmul.f32 v2, v10;
	v13 =	vmul.f32 v18, v13  }
0xe0: {  	v24 =	vld [tilespmem:s9+$0xFFFFFFB0];
	v15 =	vsub.f32 $1.000000000e+00, v3;
	v11 =	vmul.f32 v11, v1;
	v1 =	vmul.f32 v2, v1  }
0xe1: {  	v26 =	vld [tilespmem:s9+$0x50];
	v23 =	vsub.f32 $1.000000000e+00, v8;
	v18 =	vmul.f32 v18, v5;
	v5 =	vmul.f32 v6, v5  }
0xe2: {  	v28 =	vld [tilespmem:s9+$0xFFFFFFC0];
	v21 =	vmul.f32 v15, v16;
	v16 =	vmul.f32 v16, v3  }
0xe3: {  	v29 =	vld [tilespmem:s9+$0x60];
	v25 =	vmul.f32 v15, v10;
	v27 =	vmul.f32 v23, v13  }
0xe4: {  	v30 =	vld [tilespmem:s9+$0xFFFFFFD0];
	v10 =	vmul.f32 v3, v10;
	v13 =	vmul.f32 v13, v8  }
0xe5: {  	s11 =	simm.s32 $0x8C80;
	v32 =	vld [tilespmem:s9+$0x70];
	v4 =	vmul.f32 v4, v21;
	v7 =	vmul.f32 v7, v16  }
0xe6: {  	v56 =	vld [tilespmem:s11+$0x20];
	v31 =	vmul.f32 v15, v11;
	v11 =	vmul.f32 v11, v3  }
0xe7: {  	v33 =	vld [tilespmem:s9+$0xFFFFFFE0];
	v55 =	vmul.f32 v23, v19;
	v12 =	vmul.f32 v12, v25;
	v4 =	vadd.f32 v7, v4  }
0xe8: {  	v34 =	vld [tilespmem:s11+$0x60];
	v19 =	vmul.f32 v8, v19;
	v9 =	vmul.f32 v9, v27  }
0xe9: {  	v6 =	vld [tilespmem:s11+$0x10];
	v17 =	vmul.f32 v17, v10;
	v14 =	vmul.f32 v14, v13;
	v4 =	vadd.f32 v12, v4  }
0xea: {  	v35 =	vld [tilespmem:s11+$0x40];
	v26 =	vmul.f32 v26, v11;
	v24 =	vmul.f32 v24, v19  }
0xeb: {  	v2 =	vld [tilespmem:s11+$0x70];
	v62 =	vmul.f32 v56, v25;
	v7 =	vmul.f32 v22, v31;
	v4 =	vadd.f32 v17, v4  }
0xec: {  	v57 =	vld [tilespmem:s11+$0xFFFFFF80];
	v9 =	vadd.f32 v14, v9;
	v12 =	vmul.f32 v15, v1;
	v17 =	vmul.f32 v20, v55  }
0xed: {  	v15 =	vld [tilespmem:s11+$0x50];
	v1 =	vmul.f32 v3, v1;
	v3 =	vmul.f32 v23, v18;
	v7 =	vadd.f32 v7, v4  }
0xee: {  	v6 =	vmul.f32 v6, v16;
	v4 =	vmul.f32 v18, v8;
	v18 =	vld [tilespmem:s11+$0x0];
	v9 =	vadd.f32 v17, v9  }
0xef: {  	v58 =	vld [tilespmem:s11+$0xFFFFFF90];
	v14 =	vmul.f32 v29, v12;
	v28 =	vmul.f32 v28, v3;
	v26 =	vadd.f32 v26, v7  }
0xf0: {  	v20 =	vld [tilespmem:s11+$0x30];
	v17 =	vmul.f32 v32, v1;
	v1 =	vmul.f32 v2, v1;
	v9 =	vadd.f32 v24, v9  }
0xf1: {  	v59 =	vld [tilespmem:s11+$0xFFFFFFA0];
	v2 =	vmul.f32 v34, v12;
	v7 =	vmul.f32 v23, v5;
	v12 =	vadd.f32 v14, v26  }
0xf2: {  	v60 =	vld [tilespmem:s11+$0xFFFFFFB0];
	v5 =	vmul.f32 v8, v5;
	v14 =	vmul.f32 v30, v4;
	v9 =	vadd.f32 v28, v9  }
0xf3: {  	s12 =	simm.s32 $0x0;
	v8 =	vmul.f32 v15, v11;
	v11 =	vld [tilespmem:s11+$0xFFFFFFC0];
	v61 =	vadd.f32 v17, v12;
	v17 =	vmul.f32 v21, v18  }
0xf4: {  	s7 =	simm.s32 $0x10;
	s26 =	sand.u32 $0x300, s12;
	v16 =	vmul.f32 v27, v57;
	v15 =	vmul.f32 v33, v7;
	v14 =	vadd.f32 v14, v9;
	v12 =	vld [tilespmem:s11+$0xFFFFFFD0]  }
0xf5: {  	s7 =	sand.u32 $0x70, s7;
	s6 =	sor.u32 $0xCC00, s26;
	v10 =	vmul.f32 v20, v10;
	v18 =	vmul.f32 v58, v13;
	v13 =	vld [tilespmem:s11+$0xFFFFFFE0];
	v63 =	vadd.f32 v6, v17  }
0xf6: {  	s17 =	simm.s32 $0x0;
	s28 =	sand.u32 $0x60, s12;
	s18 =	sor.u32 s7, s6;
	v9 =	vmul.f32 v35, v31;
	v6 =	vadd.f32 v15, v14;
	v17 =	vmul.f32 v59, v55;
	v14 =	vld [tilespmem:s11+$0xFFFFFFF0]  }
0xf7: {  	s13 =	simm.s32 $0x0;
	s14 =	simm.s32 $0x6030;
	s6 =	sor.u32 s28, s6;
	[tilespmem:s18+$0x80] =	vst v61;
	v18 =	vadd.f32 v18, v16;
	v16 =	vmul.f32 v60, v19;
	v15 =	vld [tilespmem:s9+$0xFFFFFFF0];
	v19 =	vadd.f32 v62, v63  }
.LBB2_7:
0xf8: {  	v20 =	vld [tilespmem:s14+$0x0];
	v3 =	vmul.f32 v11, v3;
	s2 =	sadd.s32 $0x20, s2  }
0xf9: {  	s13 =	sadd.s32 $0x2, s13;
	v11 =	vld [tilespmem:s2+$0x0];
	v17 =	vadd.f32 v17, v18;
	v4 =	vmul.f32 v12, v4;
	v10 =	vadd.f32 v10, v19  }
0xfa: {  	s5 =	sadd.s32 $0x20, s5;
	p0 =	slt.u32 s13, $0x1E;
	v12 =	vld [tilespmem:s14+$0xFFFFFFF0];
	v7 =	vmul.f32 v13, v7  }
0xfb: {  	v13 =	vld [tilespmem:s5+$0x0];
	v16 =	vadd.f32 v16, v17;
	v14 =	vmul.f32 v14, v5;
	v9 =	vadd.f32 v9, v10  }
0xfc: {  	v10 =	vld [tilespmem:s2+$0xFFFFFFF0];
	v5 =	vmul.f32 v15, v5  }
0xfd: {  	s9 =	sadd.s32 $0x100, s9;
	v15 =	vld [tilespmem:s5+$0xFFFFFFF0];
	v3 =	vadd.f32 v3, v16;
	v8 =	vadd.f32 v8, v9  }
0xfe: {  	v9 =	vsub.f32 $1.000000000e+00, v20;
	v16 =	vsub.f32 $1.000000000e+00, v11;
	v17 =	vld [tilespmem:s9+$0x0]  }
0xff: {  	v18 =	vsub.f32 $1.000000000e+00, v12;
	v19 =	vld [tilespmem:s9+$0x10];
	v3 =	vadd.f32 v4, v3  }
0x100: {  	v2 =	vadd.f32 v2, v8;
	v4 =	vld [tilespmem:s9+$0xFFFFFF80];
	v21 =	vsub.f32 $1.000000000e+00, v13;
	v22 =	vmul.f32 v16, v9  }
0x101: {  	v9 =	vmul.f32 v11, v9;
	v8 =	vsub.f32 $1.000000000e+00, v10;
	v23 =	vmul.f32 v10, v18;
	v24 =	vld [tilespmem:s9+$0x20]  }
0x102: {  	v25 =	vsub.f32 $1.000000000e+00, v15;
	v26 =	vld [tilespmem:s9+$0xFFFFFF90];
	v27 =	vmul.f32 v21, v22;
	v22 =	vmul.f32 v22, v13  }
0x103: {  	v3 =	vadd.f32 v7, v3;
	v28 =	vmul.f32 v21, v9;
	v18 =	vmul.f32 v8, v18;
	v29 =	vld [tilespmem:s9+$0x30]  }
0x104: {  	v5 =	vadd.f32 v5, v6;
	v7 =	vld [tilespmem:s9+$0xFFFFFFA0];
	v17 =	vmul.f32 v17, v27;
	v19 =	vmul.f32 v19, v22  }
0x105: {  	v6 =	vmul.f32 v16, v20;
	v3 =	vadd.f32 v14, v3;
	v30 =	vmul.f32 v25, v18;
	v16 =	vld [tilespmem:s9+$0x40]  }
0x106: {  	v31 =	vmul.f32 v13, v9;
	v14 =	vld [tilespmem:s9+$0xFFFFFFB0];
	v9 =	vadd.f32 v19, v17;
	v17 =	vmul.f32 v24, v28;
	[tilespmem:s6+$0x80] =	vst v5  }
0x107: {  	v1 =	vadd.f32 v1, v2;
	v18 =	vmul.f32 v18, v15;
	v4 =	vmul.f32 v4, v30;
	v5 =	vld [tilespmem:s9+$0x50];
	[tilespmem:s6+$0x0] =	vst v3  }
0x108: {  	v19 =	vmul.f32 v21, v6;
	v2 =	vld [tilespmem:s9+$0xFFFFFFC0];
	v3 =	vadd.f32 v17, v9;
	v9 =	vmul.f32 v29, v31  }
0x109: {  	v11 =	vmul.f32 v11, v20;
	v17 =	vmul.f32 v26, v18;
	v20 =	vld [tilespmem:s9+$0x60];
	[tilespmem:s18+$0x0] =	vst v1  }
0x10a: {  	v6 =	vmul.f32 v6, v13;
	v1 =	vld [tilespmem:s9+$0xFFFFFFD0];
	v3 =	vadd.f32 v9, v3;
	v9 =	vmul.f32 v16, v19  }
0x10b: {  	v16 =	vmul.f32 v25, v23;
	v23 =	vmul.f32 v15, v23;
	v4 =	vadd.f32 v17, v4;
	v17 =	vld [tilespmem:s9+$0x70]  }
0x10c: {  	s11 =	sadd.s32 $0x100, s11;
	v21 =	vmul.f32 v21, v11;
	v24 =	vld [tilespmem:s9+$0xFFFFFFE0];
	v3 =	vadd.f32 v9, v3;
	v5 =	vmul.f32 v5, v6  }
0x10d: {  	v8 =	vmul.f32 v8, v12;
	v7 =	vmul.f32 v7, v16;
	v9 =	vld [tilespmem:s11+$0x70]  }
0x10e: {  	v11 =	vmul.f32 v13, v11;
	v5 =	vadd.f32 v5, v3;
	v13 =	vld [tilespmem:s11+$0x60];
	v20 =	vmul.f32 v20, v21  }
0x10f: {  	v14 =	vmul.f32 v14, v23;
	v3 =	vmul.f32 v25, v8;
	v7 =	vadd.f32 v7, v4;
	v26 =	vld [tilespmem:s11+$0x50]  }
0x110: {  	s12 =	sadd.s32 $0x20, s12;
	s17 =	sadd.s32 $0x40, s17;
	v4 =	vmul.f32 v8, v15;
	v29 =	vld [tilespmem:s11+$0x40];
	v5 =	vadd.f32 v20, v5;
	v8 =	vmul.f32 v17, v11  }
0x111: {  	s7 =	sand.u32 $0x300, s17;
	v10 =	vmul.f32 v10, v12;
	s6 =	sand.u32 $0x60, s12;
	s18 =	sadd.s32 $0x10, s12;
	v12 =	vadd.f32 v14, v7;
	v2 =	vmul.f32 v2, v3;
	v14 =	vld [tilespmem:s11+$0x30]  }
0x112: {  	s7 =	sor.u32 $0xCC00, s7;
	s18 =	sand.u32 $0x70, s18;
	v17 =	vmul.f32 v1, v4;
	v20 =	vld [tilespmem:s11+$0x20];
	v1 =	vmul.f32 v9, v11;
	v9 =	vadd.f32 v8, v5  }
0x113: {  	s6 =	sor.u32 s6, s7;
	s18 =	sor.u32 s18, s7;
	v7 =	vmul.f32 v25, v10;
	v11 =	vadd.f32 v2, v12;
	v12 =	vld [tilespmem:s11+$0x0];
	v2 =	vmul.f32 v13, v21  }
0x114: {  	v5 =	vmul.f32 v15, v10;
	v13 =	vld [tilespmem:s11+$0x10];
	v8 =	vmul.f32 v26, v6;
	[tilespmem:s18+$0x80] =	vst v9  }
0x115: {  	v6 =	vadd.f32 v17, v11;
	v11 =	vmul.f32 v24, v7;
	v15 =	vld [tilespmem:s11+$0xFFFFFF80];
	v9 =	vmul.f32 v29, v19  }
0x116: {  	v17 =	vld [tilespmem:s11+$0xFFFFFF90];
	v10 =	vmul.f32 v14, v31  }
0x117: {  	v6 =	vadd.f32 v11, v6;
	v14 =	vld [tilespmem:s11+$0xFFFFFFA0];
	v19 =	vmul.f32 v20, v28  }
0x118: {  	v20 =	vld [tilespmem:s11+$0xFFFFFFB0];
	v21 =	vmul.f32 v27, v12  }
.Ltmp2:
0x119: {  	v11 =	vld [tilespmem:s11+$0xFFFFFFC0];
	v22 =	vmul.f32 v13, v22;
	(pc) =	sbr.rel @p0 .LBB2_7-.Ltmp2, $4  }
0x11a: {  	v15 =	vmul.f32 v30, v15;
	v12 =	vld [tilespmem:s11+$0xFFFFFFD0]  }
0x11b: {  	v18 =	vmul.f32 v17, v18;
	v13 =	vld [tilespmem:s11+$0xFFFFFFE0];
	v21 =	vadd.f32 v22, v21  }
0x11c: {  	v17 =	vmul.f32 v14, v16;
	v14 =	vld [tilespmem:s11+$0xFFFFFFF0]  }
0x11d: {  	s14 =	sadd.s32 $0x20, s14;
	v18 =	vadd.f32 v18, v15;
	v16 =	vmul.f32 v20, v23;
	v15 =	vld [tilespmem:s9+$0xFFFFFFF0];
	v19 =	vadd.f32 v19, v21  }
0x11e: {  	_ = 	snop  }
0x11f: {  	v17 =	vadd.f32 v17, v18;
	_ =	sdelay $0x1  }
0x120: {  	v3 =	vmul.f32 v11, v3;
	v11 =	vadd.f32 v16, v17  }
0x121: {  	v10 =	vadd.f32 v10, v19  }
0x122: {  	v4 =	vmul.f32 v12, v4;
	v3 =	vadd.f32 v3, v11  }
0x123: {  	v9 =	vadd.f32 v9, v10  }
0x124: {  	v3 =	vadd.f32 v4, v3;
	v4 =	vmul.f32 v15, v5  }
0x125: {  	v8 =	vadd.f32 v8, v9  }
0x126: {  	v7 =	vmul.f32 v13, v7;
	v4 =	vadd.f32 v4, v6  }
0x127: {  	v2 =	vadd.f32 v2, v8  }
0x128: {  	v5 =	vmul.f32 v14, v5;
	v3 =	vadd.f32 v7, v3;
	[tilespmem:s6+$0x80] =	vst v4  }
0x129: {  	v1 =	vadd.f32 v1, v2;
	s2 =	rddreg [dreg:$0xa]  }
0x12a: {  	v3 =	vadd.f32 v5, v3;
	s23 =	sor.u32 s2, s0  }
0x12b: {  	[tilespmem:s18+$0x0] =	vst v1;
	s19 =	sshrl.u32 s23, $0x3  }
0x12c: {  	s12 =	simm.s32 $0xCC00;
	[tilespmem:s6+$0x0] =	vst v3;
	s11 =	sadd.s32 s4, s19  }
0x12d: {  	[hbm4b:s11+s8] =	stream.linear.scatter [tilespmem:s12], [sflag:$0x5], $0x80, $0x38;
	[tilespmem:$0x1D500] =	vst v63  }
0x12e: {  	s3 =	simm.s32 $0xCD00;
	s13 =	sadd.s32 $0x10, s11  }
0x12f: {  	[hbm4b:s13+s8] =	stream.linear.scatter [tilespmem:s3], [sflag:$0x5], $0x80, $0x38;
	[tilespmem:$0x1D500] =	vst v63  }
0x130: {  	s17 =	simm.s32 $0xCE00;
	s14 =	sadd.s32 $0x20, s11  }
0x131: {  	[hbm4b:s14+s8] =	stream.linear.scatter [tilespmem:s17], [sflag:$0x5], $0x80, $0x38;
	[tilespmem:$0x1D500] =	vst v63  }
0x132: {  	s18 =	simm.s32 $0xCF00;
	s20 =	rddreg [dreg:$0xf];
	s0 =	sadd.s32 $0x30, s11  }
0x133: {  	[hbm4b:s0+s8] =	stream.linear.scatter [tilespmem:s18], [sflag:$0x5], $0x80, $0x38;
	[tilespmem:$0x1D500] =	vst v63  }
0x134: {  	s21 =	simm.s32 $0xCC80;
	s0 =	sadd.s32 s19, s20  }
0x135: {  	[hbm4b:s0+s8] =	stream.linear.scatter [tilespmem:s21], [sflag:$0x5], $0x80, $0x38;
	[tilespmem:$0x1D500] =	vst v63  }
0x136: {  	s24 =	simm.s32 $0xCD80;
	s22 =	sadd.s32 $0x10, s0  }
0x137: {  	[hbm4b:s22+s8] =	stream.linear.scatter [tilespmem:s24], [sflag:$0x5], $0x80, $0x38;
	[tilespmem:$0x1D500] =	vst v63  }
0x138: {  	s26 =	simm.s32 $0xCE80;
	s25 =	sadd.s32 $0x20, s0  }
0x139: {  	[hbm4b:s25+s8] =	stream.linear.scatter [tilespmem:s26], [sflag:$0x5], $0x80, $0x38;
	[tilespmem:$0x1D500] =	vst v63  }
0x13a: {  	s28 =	simm.s32 $0xCF80;
	s5 =	simm.s32 $0x410;
	s0 =	sadd.s32 $0x30, s0  }
0x13b: {  	[hbm4b:s0+s8] =	stream.linear.scatter [tilespmem:s28], [sflag:$0x5], $0x80, $0x38;
	[tilespmem:$0x1D500] =	vst v63  }
0x13c: {  	s0 =	simm.s32 $0x2410;
	v1 =	vld [tilespmem:s5+$0x0]  }
0x13d: {  	s2 =	simm.s32 $0x4410;
	v2 =	vld [tilespmem:s0+$0x0]  }
0x13e: {  	v3 =	vld [tilespmem:s2+$0x0]  }
0x13f: {  	v4 =	vld [tilespmem:s0+$0xFFFFFFF0]  }
0x140: {  	v5 =	vld [tilespmem:s2+$0xFFFFFFF0];
	_ =	sdelay $0x2  }
0x141: {  	v6 =	vmul.f32 v1, v0;
	v2 =	vmul.f32 v2, v0  }
0x142: {  	v3 =	vmul.f32 v3, v0;
	v4 =	vmul.f32 v4, v0  }
0x143: {  	v5 =	vmul.f32 v5, v0;
	v1 =	vtrunc.f32 v6  }
0x144: {  	v7 =	vtrunc.f32 v2;
	v8 =	vcvt.f32.s32 v1  }
0x145: {  	v11 =	vld [tilespmem:s5+$0xFFFFFFF0];
	v1 =	vtrunc.f32 v3;
	v7 =	vcvt.f32.s32 v7  }
0x146: {  	v9 =	vcvt.f32.s32 v1;
	v10 =	vcvt.s32.f32 v8  }
0x147: {  	v1 =	vand.u32 $0x7FFFF, v8;
	v12 =	vcvt.s32.f32 v7;
	v7 =	vmul.u32 $0x9E3779B1, v7  }
0x148: {  	v13 =	vmul.u32 $0x30025795, v9;
	v10 =	vsub.f32 v6, v10;
	v6 =	vcvt.s32.f32 v9  }
0x149: {  	v14 =	vsub.f32 v2, v12;
	v9 =	vadd.s32 $0x9E3779B1, v7;
	v2 =	vadd.s32 $0x1, v8  }
0x14a: {  	v8 =	vmul.f32 v11, v0;
	v11 =	vtrunc.f32 v5;
	v12 =	vadd.s32 $0x30025795, v13  }
0x14b: {  	v2 =	vand.u32 $0x7FFFF, v2;
	v16 =	vcvt.f32.s32 v11;
	v20 =	vxor.u32 v13, v9  }
0x14c: {  	v15 =	vsub.f32 v3, v6;
	v3 =	vxor.u32 v9, v12;
	v6 =	vtrunc.f32 v4  }
0x14d: {  	v17 =	vxor.u32 v7, v12;
	v11 =	vtrunc.f32 v8;
	v6 =	vcvt.f32.s32 v6  }
0x14e: {  	v7 =	vxor.u32 v7, v13;
	v3 =	vand.u32 $0x7FFFF, v3;
	v9 =	vcvt.f32.s32 v11  }
0x14f: {  	v18 =	vmul.u32 $0x30025795, v16;
	v12 =	vcvt.s32.f32 v16;
	v13 =	vmul.u32 $0x9E3779B1, v6  }
0x150: {  	s11 =	simm.s32 $0x6010;
	v19 =	vxor.u32 v2, v3;
	v11 =	vcvt.s32.f32 v6;
	v6 =	vand.u32 $0x7FFFF, v17  }
0x151: {  	s12 =	simm.s32 $0x6210;
	[tilespmem:s11+$0x0] =	vst v10;
	v17 =	vcvt.s32.f32 v9;
	v16 =	vadd.s32 $0x30025795, v18;
	v10 =	vadd.s32 $0x9E3779B1, v13  }
0x152: {  	s13 =	simm.s32 $0x6410;
	[tilespmem:s12+$0x0] =	vst v14;
	v14 =	vxor.u32 v13, v16;
	v21 =	vxor.u32 v10, v16;
	v10 =	vxor.u32 v18, v10  }
0x153: {  	s5 =	simm.s32 $0x6C80;
	[tilespmem:s13+$0x0] =	vst v15;
	v16 =	vxor.u32 v13, v18;
	v18 =	vadd.s32 $0x1, v9;
	v14 =	vand.u32 $0x7FFFF, v14  }
0x154: {  	s7 =	simm.s32 $0x430;
	s9 =	simm.s32 $0x6C80;
	s6 =	simm.s32 $0x0;
	[tilespmem:s5+$0x70] =	vst v19;
	v15 =	vand.u32 $0x7FFFF, v10;
	v13 =	vand.u32 $0x7FFFF, v21;
	v10 =	vand.u32 $0x7FFFF, v20  }
.LBB2_9:
0x155: {  	v19 =	vld [tilespmem:s7+$0x0];
	v8 =	vsub.f32 v8, v17;
	v16 =	vand.u32 $0x7FFFF, v16;
	v7 =	vand.u32 $0x7FFFF, v7;
	s0 =	sadd.s32 $0x20, s0  }
0x156: {  	v4 =	vsub.f32 v4, v11;
	v5 =	vsub.f32 v5, v12;
	v11 =	vand.u32 $0x7FFFF, v18;
	s2 =	sadd.s32 $0x20, s2;
	v17 =	vld [tilespmem:s0+$0x0]  }
0x157: {  	s6 =	sadd.s32 $0x2, s6;
	v18 =	vxor.u32 v11, v15;
	v12 =	vld [tilespmem:s2+$0x0];
	[tilespmem:s11+$0xFFFFFFF0] =	vst v8;
	v8 =	vand.u32 $0x7FFFF, v9;
	v9 =	vxor.u32 v11, v14  }
0x158: {  	p0 =	slt.u32 s6, $0x1E;
	v20 =	vld [tilespmem:s0+$0xFFFFFFF0];
	[tilespmem:s12+$0xFFFFFFF0] =	vst v4;
	v4 =	vxor.u32 v8, v14;
	v14 =	vxor.u32 v8, v15;
	v15 =	vxor.u32 v8, v13  }
0x159: {  	v22 =	vxor.u32 v1, v10;
	v21 =	vld [tilespmem:s2+$0xFFFFFFF0];
	[tilespmem:s13+$0xFFFFFFF0] =	vst v5;
	v5 =	vxor.u32 v11, v13;
	v13 =	vxor.u32 v1, v6  }
0x15a: {  	v3 =	vxor.u32 v1, v3;
	v10 =	vxor.u32 v2, v10;
	v6 =	vxor.u32 v2, v6;
	v23 =	vld [tilespmem:s7+$0xFFFFFFF0];
	[tilespmem:s5+$0xFFFFFF90] =	vst v4  }
0x15b: {  	v24 =	vxor.u32 v8, v16;
	v19 =	vmul.f32 v19, v0;
	v17 =	vmul.f32 v17, v0;
	[tilespmem:s5+$0xFFFFFFA0] =	vst v14  }
0x15c: {  	v14 =	vxor.u32 v11, v16;
	v8 =	vmul.f32 v12, v0;
	[tilespmem:s5+$0xFFFFFFB0] =	vst v15;
	v15 =	vxor.u32 v1, v7  }
0x15d: {  	v16 =	vxor.u32 v2, v7;
	v1 =	vtrunc.f32 v19;
	v4 =	vtrunc.f32 v17;
	[tilespmem:s5+$0xFFFFFFD0] =	vst v9  }
0x15e: {  	v2 =	vcvt.f32.s32 v1;
	v1 =	vtrunc.f32 v8;
	[tilespmem:s5+$0xFFFFFFE0] =	vst v18  }
0x15f: {  	v7 =	vcvt.f32.s32 v4;
	v9 =	vcvt.f32.s32 v1;
	[tilespmem:s5+$0xFFFFFFF0] =	vst v5  }
0x160: {  	v4 =	vmul.f32 v20, v0;
	v11 =	vcvt.s32.f32 v2;
	v1 =	vand.u32 $0x7FFFF, v2;
	[tilespmem:s5+$0x10] =	vst v13  }
0x161: {  	v12 =	vcvt.s32.f32 v7;
	v7 =	vmul.u32 $0x9E3779B1, v7;
	v13 =	vmul.u32 $0x30025795, v9;
	[tilespmem:s5+$0x20] =	vst v22  }
0x162: {  	v5 =	vmul.f32 v21, v0;
	v11 =	vsub.f32 v19, v11;
	v9 =	vcvt.s32.f32 v9;
	[tilespmem:s5+$0x30] =	vst v3  }
0x163: {  	s11 =	sadd.s32 $0x20, s11;
	v3 =	vsub.f32 v17, v12;
	v12 =	vadd.s32 $0x9E3779B1, v7;
	v17 =	vadd.s32 $0x30025795, v13;
	[tilespmem:s5+$0x50] =	vst v6  }
0x164: {  	s12 =	sadd.s32 $0x20, s12;
	v2 =	vadd.s32 $0x1, v2;
	v6 =	vsub.f32 v8, v9;
	[tilespmem:s11+$0x0] =	vst v11;
	v8 =	vxor.u32 v12, v17  }
0x165: {  	s13 =	sadd.s32 $0x20, s13;
	v2 =	vand.u32 $0x7FFFF, v2;
	v9 =	vtrunc.f32 v4;
	[tilespmem:s12+$0x0] =	vst v3;
	v3 =	vand.u32 $0x7FFFF, v8  }
0x166: {  	s5 =	sadd.s32 $0x100, s5;
	v11 =	vtrunc.f32 v5;
	v8 =	vmul.f32 v23, v0;
	[tilespmem:s13+$0x0] =	vst v6;
	v6 =	vxor.u32 v2, v3  }
0x167: {  	v18 =	vcvt.f32.s32 v9;
	v17 =	vxor.u32 v7, v17;
	v19 =	vcvt.f32.s32 v11;
	[tilespmem:s5+$0x70] =	vst v6  }
0x168: {  	v20 =	vxor.u32 v13, v12;
	v7 =	vxor.u32 v7, v13;
	v6 =	vtrunc.f32 v8;
	[tilespmem:s9+$0x60] =	vst v10  }
0x169: {  	v13 =	vmul.u32 $0x30025795, v19;
	v9 =	vcvt.f32.s32 v6;
	v10 =	vmul.u32 $0x9E3779B1, v18;
	[tilespmem:s9+$0xFFFFFF80] =	vst v24  }
.Ltmp3:
0x16a: {  	v11 =	vcvt.s32.f32 v18;
	v12 =	vcvt.s32.f32 v19;
	v6 =	vand.u32 $0x7FFFF, v17;
	[tilespmem:s9+$0xFFFFFFC0] =	vst v14;
	(pc) =	sbr.rel @p0 .LBB2_9-.Ltmp3, $4  }
0x16b: {  	v18 =	vadd.s32 $0x30025795, v13;
	v17 =	vcvt.s32.f32 v9;
	v14 =	vadd.s32 $0x9E3779B1, v10;
	[tilespmem:s9+$0x0] =	vst v15  }
0x16c: {  	v15 =	vxor.u32 v10, v18;
	v19 =	vxor.u32 v13, v14;
	v21 =	vxor.u32 v14, v18;
	[tilespmem:s9+$0x40] =	vst v16;
	s9 =	smov.u32 s5  }
0x16d: {  	v18 =	vadd.s32 $0x1, v9;
	v16 =	vxor.u32 v10, v13;
	v14 =	vand.u32 $0x7FFFF, v15  }
0x16e: {  	s7 =	sadd.s32 $0x20, s7;
	v15 =	vand.u32 $0x7FFFF, v19;
	v13 =	vand.u32 $0x7FFFF, v21;
	v10 =	vand.u32 $0x7FFFF, v20  }
0x16f: {  	v8 =	vsub.f32 v8, v17;
	v3 =	vxor.u32 v1, v3  }
0x170: {  	v4 =	vsub.f32 v4, v11;
	[tilespmem:s5+$0x30] =	vst v3  }
0x171: {  	v5 =	vsub.f32 v5, v12;
	[tilespmem:s11+$0xFFFFFFF0] =	vst v8  }
0x172: {  	v8 =	vand.u32 $0x7FFFF, v9;
	[tilespmem:s12+$0xFFFFFFF0] =	vst v4  }
0x173: {  	v4 =	vxor.u32 v8, v14;
	[tilespmem:s13+$0xFFFFFFF0] =	vst v5  }
0x174: {  	v5 =	vxor.u32 v8, v15;
	[tilespmem:s5+$0xFFFFFF90] =	vst v4  }
0x175: {  	v9 =	vxor.u32 v8, v13;
	v4 =	vand.u32 $0x7FFFF, v18;
	[tilespmem:s5+$0xFFFFFFA0] =	vst v5  }
0x176: {  	[tilespmem:s5+$0xFFFFFFB0] =	vst v9;
	v5 =	vxor.u32 v4, v14  }
0x177: {  	v9 =	vxor.u32 v4, v15;
	[tilespmem:s5+$0xFFFFFFD0] =	vst v5  }
0x178: {  	v5 =	vxor.u32 v4, v13;
	[tilespmem:s5+$0xFFFFFFE0] =	vst v9  }
0x179: {  	v9 =	vxor.u32 v1, v6;
	[tilespmem:s5+$0xFFFFFFF0] =	vst v5  }
0x17a: {  	v5 =	vxor.u32 v1, v10;
	[tilespmem:s5+$0x10] =	vst v9  }
0x17b: {  	[tilespmem:s5+$0x20] =	vst v5;
	v5 =	vxor.u32 v2, v6  }
0x17c: {  	v3 =	vand.u32 $0x7FFFF, v16;
	v6 =	vxor.u32 v2, v10;
	[tilespmem:s5+$0x50] =	vst v5  }
0x17d: {  	v5 =	vxor.u32 v8, v3;
	[tilespmem:s9+$0x60] =	vst v6  }
0x17e: {  	v3 =	vxor.u32 v4, v3;
	v6 =	vand.u32 $0x7FFFF, v7;
	[tilespmem:s9+$0xFFFFFF80] =	vst v5  }
0x17f: {  	[tilespmem:s9+$0xFFFFFFC0] =	vst v3;
	v1 =	vxor.u32 v1, v6  }
0x180: {  	v2 =	vxor.u32 v2, v6;
	[tilespmem:s9+$0x0] =	vst v1  }
0x181: {  	s2 =	simm.s32 $0x6C00;
	s0 =	simm.s32 $0x8C00;
	[tilespmem:s9+$0x40] =	vst v2  }
0x182: {  	[tilespmem:s0], [sflag:$0x1] =	stream.indirect.gather [spmem:s30], $0x1, s2, s29, $0xb8;
	[tilespmem:$0x1D500] =	vst v63  }
0x183: {  	s22 =	rddreg [dreg:$0x8];
	s3 =	simm.s32 $0x9C00  }
0x184: {  	[tilespmem:s3], [sflag:$0x2] =	stream.indirect.gather [spmem:s22], $0x1, s2, s29, $0xb8;
	[tilespmem:$0x1D500] =	vst v63  }
0x185: {  	_ =	swait.ge [sflag:s15], $0x1000  }
0x186: {  	[sflag:s15] =	ssyncset.done $0x0  }
0x187: {  	[sflag:s15] =	ssyncadd.s32 $0xFFFFF000  }
0x188: {  	_ =	swait.ge [sflag:s16], $0x1000  }
0x189: {  	[sflag:s16] =	ssyncset.done $0x0  }
0x18a: {  	s24 =	simm.s32 $0x6610;
	[sflag:s16] =	ssyncadd.s32 $0xFFFFF000  }
0x18b: {  	s0 =	simm.s32 $0x6810;
	v1 =	vld [tilespmem:s24+$0x0]  }
0x18c: {  	v2 =	vld [tilespmem:s0+$0x0]  }
0x18d: {  	s2 =	simm.s32 $0x6A10;
	v5 =	vld [tilespmem:s24+$0xFFFFFFF0]  }
0x18e: {  	v3 =	vld [tilespmem:s2+$0x0]  }
0x18f: {  	v6 =	vld [tilespmem:s0+$0xFFFFFFF0]  }
0x190: {  	s5 =	simm.s32 $0xBC80;
	v8 =	vld [tilespmem:s2+$0xFFFFFFF0]  }
0x191: {  	v4 =	vld [tilespmem:s5+$0x0]  }
0x192: {  	v7 =	vld [tilespmem:s5+$0x10]  }
0x193: {  	v9 =	vld [tilespmem:s5+$0xFFFFFF80]  }
0x194: {  	v12 =	vld [tilespmem:s5+$0x20];
	v10 =	vsub.f32 $1.000000000e+00, v1  }
0x195: {  	v14 =	vld [tilespmem:s5+$0xFFFFFF90];
	v11 =	vsub.f32 $1.000000000e+00, v2;
	v13 =	vsub.f32 $1.000000000e+00, v5  }
0x196: {  	v17 =	vld [tilespmem:s5+$0x30];
	v18 =	vsub.f32 $1.000000000e+00, v6  }
0x197: {  	v20 =	vld [tilespmem:s5+$0xFFFFFFA0];
	v16 =	vmul.f32 v11, v10;
	v19 =	vmul.f32 v6, v13  }
0x198: {  	v22 =	vld [tilespmem:s5+$0x40];
	v10 =	vmul.f32 v2, v10;
	v13 =	vmul.f32 v18, v13  }
0x199: {  	v24 =	vld [tilespmem:s5+$0xFFFFFFB0];
	v15 =	vsub.f32 $1.000000000e+00, v3;
	v11 =	vmul.f32 v11, v1;
	v1 =	vmul.f32 v2, v1  }
0x19a: {  	v26 =	vld [tilespmem:s5+$0x50];
	v23 =	vsub.f32 $1.000000000e+00, v8;
	v18 =	vmul.f32 v18, v5;
	v5 =	vmul.f32 v6, v5  }
0x19b: {  	v28 =	vld [tilespmem:s5+$0xFFFFFFC0];
	v21 =	vmul.f32 v15, v16;
	v16 =	vmul.f32 v16, v3  }
0x19c: {  	v29 =	vld [tilespmem:s5+$0x60];
	v25 =	vmul.f32 v15, v10;
	v27 =	vmul.f32 v23, v13  }
0x19d: {  	v30 =	vld [tilespmem:s5+$0xFFFFFFD0];
	v10 =	vmul.f32 v3, v10;
	v13 =	vmul.f32 v13, v8  }
0x19e: {  	s9 =	simm.s32 $0xAC80;
	v32 =	vld [tilespmem:s5+$0x70];
	v4 =	vmul.f32 v4, v21;
	v7 =	vmul.f32 v7, v16  }
0x19f: {  	v56 =	vld [tilespmem:s9+$0x20];
	v31 =	vmul.f32 v15, v11;
	v11 =	vmul.f32 v11, v3  }
0x1a0: {  	v33 =	vld [tilespmem:s5+$0xFFFFFFE0];
	v55 =	vmul.f32 v23, v19;
	v12 =	vmul.f32 v12, v25;
	v4 =	vadd.f32 v7, v4  }
0x1a1: {  	v34 =	vld [tilespmem:s9+$0x60];
	v19 =	vmul.f32 v8, v19;
	v9 =	vmul.f32 v9, v27  }
0x1a2: {  	v6 =	vld [tilespmem:s9+$0x10];
	v17 =	vmul.f32 v17, v10;
	v14 =	vmul.f32 v14, v13;
	v4 =	vadd.f32 v12, v4  }
0x1a3: {  	v35 =	vld [tilespmem:s9+$0x40];
	v26 =	vmul.f32 v26, v11;
	v24 =	vmul.f32 v24, v19  }
0x1a4: {  	v2 =	vld [tilespmem:s9+$0x70];
	v62 =	vmul.f32 v56, v25;
	v7 =	vmul.f32 v22, v31;
	v4 =	vadd.f32 v17, v4  }
0x1a5: {  	v57 =	vld [tilespmem:s9+$0xFFFFFF80];
	v9 =	vadd.f32 v14, v9;
	v12 =	vmul.f32 v15, v1;
	v17 =	vmul.f32 v20, v55  }
0x1a6: {  	v15 =	vld [tilespmem:s9+$0x50];
	v1 =	vmul.f32 v3, v1;
	v3 =	vmul.f32 v23, v18;
	v7 =	vadd.f32 v7, v4  }
0x1a7: {  	v6 =	vmul.f32 v6, v16;
	v4 =	vmul.f32 v18, v8;
	v18 =	vld [tilespmem:s9+$0x0];
	v9 =	vadd.f32 v17, v9  }
0x1a8: {  	v58 =	vld [tilespmem:s9+$0xFFFFFF90];
	v14 =	vmul.f32 v29, v12;
	v28 =	vmul.f32 v28, v3;
	v26 =	vadd.f32 v26, v7  }
0x1a9: {  	v20 =	vld [tilespmem:s9+$0x30];
	v17 =	vmul.f32 v32, v1;
	v1 =	vmul.f32 v2, v1;
	v9 =	vadd.f32 v24, v9  }
0x1aa: {  	v59 =	vld [tilespmem:s9+$0xFFFFFFA0];
	v2 =	vmul.f32 v34, v12;
	v7 =	vmul.f32 v23, v5;
	v12 =	vadd.f32 v14, v26  }
0x1ab: {  	v60 =	vld [tilespmem:s9+$0xFFFFFFB0];
	v5 =	vmul.f32 v8, v5;
	v14 =	vmul.f32 v30, v4;
	v9 =	vadd.f32 v28, v9  }
0x1ac: {  	s11 =	simm.s32 $0x0;
	v8 =	vmul.f32 v15, v11;
	v11 =	vld [tilespmem:s9+$0xFFFFFFC0];
	v61 =	vadd.f32 v17, v12;
	v17 =	vmul.f32 v21, v18  }
0x1ad: {  	s7 =	simm.s32 $0x10;
	s6 =	sand.u32 $0x300, s11;
	v16 =	vmul.f32 v27, v57;
	v15 =	vmul.f32 v33, v7;
	v14 =	vadd.f32 v14, v9;
	v12 =	vld [tilespmem:s9+$0xFFFFFFD0]  }
0x1ae: {  	s26 =	sand.u32 $0x70, s7;
	s25 =	sor.u32 $0xD000, s6;
	v10 =	vmul.f32 v20, v10;
	v18 =	vmul.f32 v58, v13;
	v13 =	vld [tilespmem:s9+$0xFFFFFFE0];
	v63 =	vadd.f32 v6, v17  }
0x1af: {  	s14 =	simm.s32 $0x0;
	s28 =	sand.u32 $0x60, s11;
	s6 =	sor.u32 s26, s25;
	v9 =	vmul.f32 v35, v31;
	v6 =	vadd.f32 v15, v14;
	v17 =	vmul.f32 v59, v55;
	v14 =	vld [tilespmem:s9+$0xFFFFFFF0]  }
0x1b0: {  	s12 =	simm.s32 $0x0;
	s13 =	simm.s32 $0x6630;
	s7 =	sor.u32 s28, s25;
	[tilespmem:s6+$0x80] =	vst v61;
	v18 =	vadd.f32 v18, v16;
	v16 =	vmul.f32 v60, v19;
	v15 =	vld [tilespmem:s5+$0xFFFFFFF0];
	v19 =	vadd.f32 v62, v63  }
.LBB2_11:
0x1b1: {  	v20 =	vld [tilespmem:s13+$0x0];
	v3 =	vmul.f32 v11, v3;
	s0 =	sadd.s32 $0x20, s0  }
0x1b2: {  	s12 =	sadd.s32 $0x2, s12;
	v11 =	vld [tilespmem:s0+$0x0];
	v17 =	vadd.f32 v17, v18;
	v4 =	vmul.f32 v12, v4;
	v10 =	vadd.f32 v10, v19  }
0x1b3: {  	s2 =	sadd.s32 $0x20, s2;
	p0 =	slt.u32 s12, $0x1E;
	v12 =	vld [tilespmem:s13+$0xFFFFFFF0];
	v7 =	vmul.f32 v13, v7  }
0x1b4: {  	v13 =	vld [tilespmem:s2+$0x0];
	v16 =	vadd.f32 v16, v17;
	v14 =	vmul.f32 v14, v5;
	v9 =	vadd.f32 v9, v10  }
0x1b5: {  	v10 =	vld [tilespmem:s0+$0xFFFFFFF0];
	v5 =	vmul.f32 v15, v5  }
0x1b6: {  	s5 =	sadd.s32 $0x100, s5;
	v15 =	vld [tilespmem:s2+$0xFFFFFFF0];
	v3 =	vadd.f32 v3, v16;
	v8 =	vadd.f32 v8, v9  }
0x1b7: {  	v9 =	vsub.f32 $1.000000000e+00, v20;
	v16 =	vsub.f32 $1.000000000e+00, v11;
	v17 =	vld [tilespmem:s5+$0x0]  }
0x1b8: {  	v18 =	vsub.f32 $1.000000000e+00, v12;
	v19 =	vld [tilespmem:s5+$0x10];
	v3 =	vadd.f32 v4, v3  }
0x1b9: {  	v2 =	vadd.f32 v2, v8;
	v4 =	vld [tilespmem:s5+$0xFFFFFF80];
	v21 =	vsub.f32 $1.000000000e+00, v13;
	v22 =	vmul.f32 v16, v9  }
0x1ba: {  	v9 =	vmul.f32 v11, v9;
	v8 =	vsub.f32 $1.000000000e+00, v10;
	v23 =	vmul.f32 v10, v18;
	v24 =	vld [tilespmem:s5+$0x20]  }
0x1bb: {  	v25 =	vsub.f32 $1.000000000e+00, v15;
	v26 =	vld [tilespmem:s5+$0xFFFFFF90];
	v27 =	vmul.f32 v21, v22;
	v22 =	vmul.f32 v22, v13  }
0x1bc: {  	v3 =	vadd.f32 v7, v3;
	v28 =	vmul.f32 v21, v9;
	v18 =	vmul.f32 v8, v18;
	v29 =	vld [tilespmem:s5+$0x30]  }
0x1bd: {  	v5 =	vadd.f32 v5, v6;
	v7 =	vld [tilespmem:s5+$0xFFFFFFA0];
	v17 =	vmul.f32 v17, v27;
	v19 =	vmul.f32 v19, v22  }
0x1be: {  	v6 =	vmul.f32 v16, v20;
	v3 =	vadd.f32 v14, v3;
	v30 =	vmul.f32 v25, v18;
	v16 =	vld [tilespmem:s5+$0x40]  }
0x1bf: {  	v31 =	vmul.f32 v13, v9;
	v14 =	vld [tilespmem:s5+$0xFFFFFFB0];
	v9 =	vadd.f32 v19, v17;
	v17 =	vmul.f32 v24, v28;
	[tilespmem:s7+$0x80] =	vst v5  }
0x1c0: {  	v1 =	vadd.f32 v1, v2;
	v18 =	vmul.f32 v18, v15;
	v4 =	vmul.f32 v4, v30;
	v5 =	vld [tilespmem:s5+$0x50];
	[tilespmem:s7+$0x0] =	vst v3  }
0x1c1: {  	v19 =	vmul.f32 v21, v6;
	v2 =	vld [tilespmem:s5+$0xFFFFFFC0];
	v3 =	vadd.f32 v17, v9;
	v9 =	vmul.f32 v29, v31  }
0x1c2: {  	v11 =	vmul.f32 v11, v20;
	v17 =	vmul.f32 v26, v18;
	v20 =	vld [tilespmem:s5+$0x60];
	[tilespmem:s6+$0x0] =	vst v1  }
0x1c3: {  	v6 =	vmul.f32 v6, v13;
	v1 =	vld [tilespmem:s5+$0xFFFFFFD0];
	v3 =	vadd.f32 v9, v3;
	v9 =	vmul.f32 v16, v19  }
0x1c4: {  	v16 =	vmul.f32 v25, v23;
	v23 =	vmul.f32 v15, v23;
	v4 =	vadd.f32 v17, v4;
	v17 =	vld [tilespmem:s5+$0x70]  }
0x1c5: {  	s9 =	sadd.s32 $0x100, s9;
	v21 =	vmul.f32 v21, v11;
	v24 =	vld [tilespmem:s5+$0xFFFFFFE0];
	v3 =	vadd.f32 v9, v3;
	v5 =	vmul.f32 v5, v6  }
0x1c6: {  	v8 =	vmul.f32 v8, v12;
	v7 =	vmul.f32 v7, v16;
	v9 =	vld [tilespmem:s9+$0x70]  }
0x1c7: {  	v11 =	vmul.f32 v13, v11;
	v5 =	vadd.f32 v5, v3;
	v13 =	vld [tilespmem:s9+$0x60];
	v20 =	vmul.f32 v20, v21  }
0x1c8: {  	v14 =	vmul.f32 v14, v23;
	v3 =	vmul.f32 v25, v8;
	v7 =	vadd.f32 v7, v4;
	v26 =	vld [tilespmem:s9+$0x50]  }
0x1c9: {  	s11 =	sadd.s32 $0x20, s11;
	s14 =	sadd.s32 $0x40, s14;
	v4 =	vmul.f32 v8, v15;
	v29 =	vld [tilespmem:s9+$0x40];
	v5 =	vadd.f32 v20, v5;
	v8 =	vmul.f32 v17, v11  }
0x1ca: {  	s17 =	sadd.s32 $0x10, s11;
	v10 =	vmul.f32 v10, v12;
	s7 =	sand.u32 $0x300, s14;
	s6 =	sand.u32 $0x60, s11;
	v12 =	vadd.f32 v14, v7;
	v2 =	vmul.f32 v2, v3;
	v14 =	vld [tilespmem:s9+$0x30]  }
0x1cb: {  	s17 =	sand.u32 $0x70, s17;
	s18 =	sor.u32 $0xD000, s7;
	v17 =	vmul.f32 v1, v4;
	v20 =	vld [tilespmem:s9+$0x20];
	v1 =	vmul.f32 v9, v11;
	v9 =	vadd.f32 v8, v5  }
0x1cc: {  	s7 =	sor.u32 s6, s18;
	s6 =	sor.u32 s17, s18;
	v7 =	vmul.f32 v25, v10;
	v11 =	vadd.f32 v2, v12;
	v12 =	vld [tilespmem:s9+$0x0];
	v2 =	vmul.f32 v13, v21  }
0x1cd: {  	v5 =	vmul.f32 v15, v10;
	v13 =	vld [tilespmem:s9+$0x10];
	v8 =	vmul.f32 v26, v6;
	[tilespmem:s6+$0x80] =	vst v9  }
0x1ce: {  	v6 =	vadd.f32 v17, v11;
	v11 =	vmul.f32 v24, v7;
	v15 =	vld [tilespmem:s9+$0xFFFFFF80];
	v9 =	vmul.f32 v29, v19  }
0x1cf: {  	v17 =	vld [tilespmem:s9+$0xFFFFFF90];
	v10 =	vmul.f32 v14, v31  }
0x1d0: {  	v6 =	vadd.f32 v11, v6;
	v14 =	vld [tilespmem:s9+$0xFFFFFFA0];
	v19 =	vmul.f32 v20, v28  }
0x1d1: {  	v20 =	vld [tilespmem:s9+$0xFFFFFFB0];
	v21 =	vmul.f32 v27, v12  }
.Ltmp4:
0x1d2: {  	v11 =	vld [tilespmem:s9+$0xFFFFFFC0];
	v22 =	vmul.f32 v13, v22;
	(pc) =	sbr.rel @p0 .LBB2_11-.Ltmp4, $4  }
0x1d3: {  	v15 =	vmul.f32 v30, v15;
	v12 =	vld [tilespmem:s9+$0xFFFFFFD0]  }
0x1d4: {  	v18 =	vmul.f32 v17, v18;
	v13 =	vld [tilespmem:s9+$0xFFFFFFE0];
	v21 =	vadd.f32 v22, v21  }
0x1d5: {  	v17 =	vmul.f32 v14, v16;
	v14 =	vld [tilespmem:s9+$0xFFFFFFF0]  }
0x1d6: {  	s13 =	sadd.s32 $0x20, s13;
	v18 =	vadd.f32 v18, v15;
	v16 =	vmul.f32 v20, v23;
	v15 =	vld [tilespmem:s5+$0xFFFFFFF0];
	v19 =	vadd.f32 v19, v21  }
0x1d7: {  	_ = 	snop  }
0x1d8: {  	v17 =	vadd.f32 v17, v18  }
0x1d9: {  	v10 =	vadd.f32 v10, v19  }
0x1da: {  	v3 =	vmul.f32 v11, v3;
	v61 =	vadd.f32 v16, v17  }
0x1db: {  	v9 =	vadd.f32 v9, v10  }
0x1dc: {  	v4 =	vmul.f32 v12, v4;
	v3 =	vadd.f32 v3, v61  }
0x1dd: {  	v8 =	vadd.f32 v8, v9  }
0x1de: {  	v7 =	vmul.f32 v13, v7;
	v62 =	vmul.f32 v15, v5;
	v3 =	vadd.f32 v4, v3  }
0x1df: {  	v2 =	vadd.f32 v2, v8  }
0x1e0: {  	v63 =	vmul.f32 v14, v5;
	v4 =	vadd.f32 v62, v6;
	v3 =	vadd.f32 v7, v3  }
0x1e1: {  	v1 =	vadd.f32 v1, v2  }
0x1e2: {  	[tilespmem:s7+$0x80] =	vst v4;
	v3 =	vadd.f32 v63, v3  }
0x1e3: {  	[tilespmem:s6+$0x0] =	vst v1  }
0x1e4: {  	[tilespmem:s7+$0x0] =	vst v3  }
0x1e5: {  	s0 =	rddreg [dreg:$0x10]  }
0x1e6: {  	s2 =	simm.s32 $0xD000;
	s0 =	sadd.s32 s19, s0  }
0x1e7: {  	[hbm4b:s0+s8] =	stream.linear.scatter [tilespmem:s2], [sflag:$0x6], $0x80, $0x38;
	[tilespmem:$0x1D500] =	vst v63  }
0x1e8: {  	s3 =	simm.s32 $0xD100;
	s13 =	sadd.s32 $0x10, s0  }
0x1e9: {  	[hbm4b:s13+s8] =	stream.linear.scatter [tilespmem:s3], [sflag:$0x6], $0x80, $0x38;
	[tilespmem:$0x1D500] =	vst v63  }
0x1ea: {  	s17 =	simm.s32 $0xD200;
	s18 =	simm.s32 $0xD300;
	s14 =	sadd.s32 $0x20, s0  }
0x1eb: {  	[hbm4b:s14+s8] =	stream.linear.scatter [tilespmem:s17], [sflag:$0x6], $0x80, $0x38;
	[tilespmem:$0x1D500] =	vst v63  }
0x1ec: {  	s21 =	simm.s32 $0xD080;
	s20 =	rddreg [dreg:$0x11];
	s0 =	sadd.s32 $0x30, s0  }
0x1ed: {  	[hbm4b:s0+s8] =	stream.linear.scatter [tilespmem:s18], [sflag:$0x6], $0x80, $0x38;
	[tilespmem:$0x1D500] =	vst v63  }
0x1ee: {  	s24 =	simm.s32 $0xD180;
	s26 =	simm.s32 $0xD280;
	s0 =	sadd.s32 s19, s20  }
0x1ef: {  	[hbm4b:s0+s8] =	stream.linear.scatter [tilespmem:s21], [sflag:$0x6], $0x80, $0x38;
	[tilespmem:$0x1D500] =	vst v63  }
0x1f0: {  	s28 =	simm.s32 $0xD380;
	s12 =	simm.s32 $0x610;
	s22 =	sadd.s32 $0x10, s0  }
0x1f1: {  	[hbm4b:s22+s8] =	stream.linear.scatter [tilespmem:s24], [sflag:$0x6], $0x80, $0x38;
	[tilespmem:$0x1D500] =	vst v63  }
0x1f2: {  	s5 =	simm.s32 $0x4810;
	[dreg:$0x1b] =	wrdreg s19;
	s25 =	sadd.s32 $0x20, s0  }
0x1f3: {  	[hbm4b:s25+s8] =	stream.linear.scatter [tilespmem:s26], [sflag:$0x6], $0x80, $0x38;
	[tilespmem:$0x1D500] =	vst v63  }
0x1f4: {  	s2 =	simm.s32 $0x2810;
	s13 =	simm.s32 $0x2610;
	s0 =	sadd.s32 $0x30, s0  }
0x1f5: {  	[hbm4b:s0+s8] =	stream.linear.scatter [tilespmem:s28], [sflag:$0x6], $0x80, $0x38;
	[tilespmem:$0x1D500] =	vst v63  }
0x1f6: {  	s21 =	simm.s32 $0x4610;
	s26 =	simm.s32 $0x1;
	s0 =	simm.s32 $0x810  }
.LBB2_13:
0x1f7: {  	v1 =	vld [tilespmem:s12+$0x0]  }
0x1f8: {  	v2 =	vld [tilespmem:s13+$0x0]  }
0x1f9: {  	v3 =	vld [tilespmem:s21+$0x0]  }
0x1fa: {  	v4 =	vld [tilespmem:s13+$0xFFFFFFF0]  }
0x1fb: {  	v5 =	vld [tilespmem:s21+$0xFFFFFFF0];
	_ =	sdelay $0x2  }
0x1fc: {  	v6 =	vmul.f32 v1, v0;
	v2 =	vmul.f32 v2, v0  }
0x1fd: {  	v3 =	vmul.f32 v3, v0;
	v4 =	vmul.f32 v4, v0  }
0x1fe: {  	v5 =	vmul.f32 v5, v0;
	v1 =	vtrunc.f32 v6  }
0x1ff: {  	v7 =	vtrunc.f32 v2;
	v8 =	vcvt.f32.s32 v1  }
0x200: {  	v11 =	vld [tilespmem:s12+$0xFFFFFFF0];
	v1 =	vtrunc.f32 v3;
	v7 =	vcvt.f32.s32 v7  }
0x201: {  	v9 =	vcvt.f32.s32 v1;
	v10 =	vcvt.s32.f32 v8  }
0x202: {  	v1 =	vand.u32 $0x7FFFF, v8;
	v12 =	vcvt.s32.f32 v7;
	v7 =	vmul.u32 $0x9E3779B1, v7  }
0x203: {  	v13 =	vmul.u32 $0x30025795, v9;
	v10 =	vsub.f32 v6, v10;
	v6 =	vcvt.s32.f32 v9  }
0x204: {  	v14 =	vsub.f32 v2, v12;
	v9 =	vadd.s32 $0x9E3779B1, v7;
	v2 =	vadd.s32 $0x1, v8  }
0x205: {  	v8 =	vmul.f32 v11, v0;
	v11 =	vtrunc.f32 v5;
	v12 =	vadd.s32 $0x30025795, v13  }
0x206: {  	v2 =	vand.u32 $0x7FFFF, v2;
	v16 =	vcvt.f32.s32 v11;
	v20 =	vxor.u32 v13, v9  }
0x207: {  	v15 =	vsub.f32 v3, v6;
	v3 =	vxor.u32 v9, v12;
	v6 =	vtrunc.f32 v4  }
0x208: {  	v17 =	vxor.u32 v7, v12;
	v11 =	vtrunc.f32 v8;
	v6 =	vcvt.f32.s32 v6  }
0x209: {  	v7 =	vxor.u32 v7, v13;
	v3 =	vand.u32 $0x7FFFF, v3;
	v9 =	vcvt.f32.s32 v11  }
0x20a: {  	v18 =	vmul.u32 $0x30025795, v16;
	v12 =	vcvt.s32.f32 v16;
	v13 =	vmul.u32 $0x9E3779B1, v6  }
0x20b: {  	s18 =	simm.s32 $0x6610;
	v19 =	vxor.u32 v2, v3;
	v11 =	vcvt.s32.f32 v6;
	v6 =	vand.u32 $0x7FFFF, v17  }
0x20c: {  	s19 =	simm.s32 $0x6810;
	[tilespmem:s18+$0x0] =	vst v10;
	v17 =	vcvt.s32.f32 v9;
	v16 =	vadd.s32 $0x30025795, v18;
	v10 =	vadd.s32 $0x9E3779B1, v13  }
0x20d: {  	s14 =	sshll.u32 s26, $0xA;
	s20 =	simm.s32 $0x6A10;
	s11 =	simm.s32 $0x7C80;
	[tilespmem:s19+$0x0] =	vst v14;
	v14 =	vxor.u32 v13, v16;
	v21 =	vxor.u32 v10, v16;
	v10 =	vxor.u32 v18, v10  }
0x20e: {  	s6 =	simm.s32 $0x0;
	s7 =	sadd.s32 $0x20, s12;
	s22 =	smov.u32 s13;
	[tilespmem:s20+$0x0] =	vst v15;
	v16 =	vxor.u32 v13, v18;
	v18 =	vadd.s32 $0x1, v9;
	v14 =	vand.u32 $0x7FFFF, v14  }
0x20f: {  	s24 =	smov.u32 s21;
	s17 =	simm.s32 $0x7C80;
	s9 =	sor.u32 $0x200, s14;
	[tilespmem:s11+$0x70] =	vst v19;
	v15 =	vand.u32 $0x7FFFF, v10;
	v13 =	vand.u32 $0x7FFFF, v21;
	v10 =	vand.u32 $0x7FFFF, v20  }
.LBB2_14:
0x210: {  	v19 =	vld [tilespmem:s7+$0x0];
	v8 =	vsub.f32 v8, v17;
	v16 =	vand.u32 $0x7FFFF, v16;
	v7 =	vand.u32 $0x7FFFF, v7;
	s22 =	sadd.s32 $0x20, s22  }
0x211: {  	v4 =	vsub.f32 v4, v11;
	v5 =	vsub.f32 v5, v12;
	v11 =	vand.u32 $0x7FFFF, v18;
	s24 =	sadd.s32 $0x20, s24;
	v17 =	vld [tilespmem:s22+$0x0]  }
0x212: {  	s6 =	sadd.s32 $0x2, s6;
	v18 =	vxor.u32 v11, v15;
	v12 =	vld [tilespmem:s24+$0x0];
	[tilespmem:s18+$0xFFFFFFF0] =	vst v8;
	v8 =	vand.u32 $0x7FFFF, v9;
	v9 =	vxor.u32 v11, v14  }
0x213: {  	p0 =	slt.u32 s6, $0x1E;
	v20 =	vld [tilespmem:s22+$0xFFFFFFF0];
	[tilespmem:s19+$0xFFFFFFF0] =	vst v4;
	v4 =	vxor.u32 v8, v14;
	v14 =	vxor.u32 v8, v15;
	v15 =	vxor.u32 v8, v13  }
0x214: {  	v22 =	vxor.u32 v1, v10;
	v21 =	vld [tilespmem:s24+$0xFFFFFFF0];
	[tilespmem:s20+$0xFFFFFFF0] =	vst v5;
	v5 =	vxor.u32 v11, v13;
	v13 =	vxor.u32 v1, v6  }
0x215: {  	v3 =	vxor.u32 v1, v3;
	v10 =	vxor.u32 v2, v10;
	v6 =	vxor.u32 v2, v6;
	v23 =	vld [tilespmem:s7+$0xFFFFFFF0];
	[tilespmem:s11+$0xFFFFFF90] =	vst v4  }
0x216: {  	v24 =	vxor.u32 v8, v16;
	v19 =	vmul.f32 v19, v0;
	v17 =	vmul.f32 v17, v0;
	[tilespmem:s11+$0xFFFFFFA0] =	vst v14  }
0x217: {  	v14 =	vxor.u32 v11, v16;
	v8 =	vmul.f32 v12, v0;
	[tilespmem:s11+$0xFFFFFFB0] =	vst v15;
	v15 =	vxor.u32 v1, v7  }
0x218: {  	v16 =	vxor.u32 v2, v7;
	v1 =	vtrunc.f32 v19;
	v4 =	vtrunc.f32 v17;
	[tilespmem:s11+$0xFFFFFFD0] =	vst v9  }
0x219: {  	v2 =	vcvt.f32.s32 v1;
	v1 =	vtrunc.f32 v8;
	[tilespmem:s11+$0xFFFFFFE0] =	vst v18  }
0x21a: {  	v7 =	vcvt.f32.s32 v4;
	v9 =	vcvt.f32.s32 v1;
	[tilespmem:s11+$0xFFFFFFF0] =	vst v5  }
0x21b: {  	v4 =	vmul.f32 v20, v0;
	v11 =	vcvt.s32.f32 v2;
	v1 =	vand.u32 $0x7FFFF, v2;
	[tilespmem:s11+$0x10] =	vst v13  }
0x21c: {  	v12 =	vcvt.s32.f32 v7;
	v7 =	vmul.u32 $0x9E3779B1, v7;
	v13 =	vmul.u32 $0x30025795, v9;
	[tilespmem:s11+$0x20] =	vst v22  }
0x21d: {  	v5 =	vmul.f32 v21, v0;
	v11 =	vsub.f32 v19, v11;
	v9 =	vcvt.s32.f32 v9;
	[tilespmem:s11+$0x30] =	vst v3  }
0x21e: {  	s18 =	sadd.s32 $0x20, s18;
	v3 =	vsub.f32 v17, v12;
	v12 =	vadd.s32 $0x9E3779B1, v7;
	v17 =	vadd.s32 $0x30025795, v13;
	[tilespmem:s11+$0x50] =	vst v6  }
0x21f: {  	s19 =	sadd.s32 $0x20, s19;
	v2 =	vadd.s32 $0x1, v2;
	v6 =	vsub.f32 v8, v9;
	[tilespmem:s18+$0x0] =	vst v11;
	v8 =	vxor.u32 v12, v17  }
0x220: {  	s20 =	sadd.s32 $0x20, s20;
	v2 =	vand.u32 $0x7FFFF, v2;
	v9 =	vtrunc.f32 v4;
	[tilespmem:s19+$0x0] =	vst v3;
	v3 =	vand.u32 $0x7FFFF, v8  }
0x221: {  	s11 =	sadd.s32 $0x100, s11;
	v11 =	vtrunc.f32 v5;
	v8 =	vmul.f32 v23, v0;
	[tilespmem:s20+$0x0] =	vst v6;
	v6 =	vxor.u32 v2, v3  }
0x222: {  	v18 =	vcvt.f32.s32 v9;
	v17 =	vxor.u32 v7, v17;
	v19 =	vcvt.f32.s32 v11;
	[tilespmem:s11+$0x70] =	vst v6  }
0x223: {  	v20 =	vxor.u32 v13, v12;
	v7 =	vxor.u32 v7, v13;
	v6 =	vtrunc.f32 v8;
	[tilespmem:s17+$0x60] =	vst v10  }
0x224: {  	v13 =	vmul.u32 $0x30025795, v19;
	v9 =	vcvt.f32.s32 v6;
	v10 =	vmul.u32 $0x9E3779B1, v18;
	[tilespmem:s17+$0xFFFFFF80] =	vst v24  }
.Ltmp5:
0x225: {  	v11 =	vcvt.s32.f32 v18;
	v12 =	vcvt.s32.f32 v19;
	v6 =	vand.u32 $0x7FFFF, v17;
	[tilespmem:s17+$0xFFFFFFC0] =	vst v14;
	(pc) =	sbr.rel @p0 .LBB2_14-.Ltmp5, $4  }
0x226: {  	v18 =	vadd.s32 $0x30025795, v13;
	v17 =	vcvt.s32.f32 v9;
	v14 =	vadd.s32 $0x9E3779B1, v10;
	[tilespmem:s17+$0x0] =	vst v15  }
0x227: {  	v15 =	vxor.u32 v10, v18;
	v19 =	vxor.u32 v13, v14;
	v21 =	vxor.u32 v14, v18;
	[tilespmem:s17+$0x40] =	vst v16;
	s17 =	smov.u32 s11  }
0x228: {  	v18 =	vadd.s32 $0x1, v9;
	v16 =	vxor.u32 v10, v13;
	v14 =	vand.u32 $0x7FFFF, v15  }
0x229: {  	s7 =	sadd.s32 $0x20, s7;
	v15 =	vand.u32 $0x7FFFF, v19;
	v13 =	vand.u32 $0x7FFFF, v21;
	v10 =	vand.u32 $0x7FFFF, v20  }
0x22a: {  	v8 =	vsub.f32 v8, v17;
	v3 =	vxor.u32 v1, v3  }
0x22b: {  	v4 =	vsub.f32 v4, v11;
	[tilespmem:s11+$0x30] =	vst v3  }
0x22c: {  	v5 =	vsub.f32 v5, v12;
	[tilespmem:s18+$0xFFFFFFF0] =	vst v8  }
0x22d: {  	v8 =	vand.u32 $0x7FFFF, v9;
	[tilespmem:s19+$0xFFFFFFF0] =	vst v4  }
0x22e: {  	v4 =	vxor.u32 v8, v14;
	[tilespmem:s20+$0xFFFFFFF0] =	vst v5  }
0x22f: {  	v5 =	vxor.u32 v8, v15;
	[tilespmem:s11+$0xFFFFFF90] =	vst v4  }
0x230: {  	v9 =	vxor.u32 v8, v13;
	v4 =	vand.u32 $0x7FFFF, v18;
	[tilespmem:s11+$0xFFFFFFA0] =	vst v5  }
0x231: {  	[tilespmem:s11+$0xFFFFFFB0] =	vst v9;
	v5 =	vxor.u32 v4, v14  }
0x232: {  	v9 =	vxor.u32 v4, v15;
	[tilespmem:s11+$0xFFFFFFD0] =	vst v5  }
0x233: {  	v5 =	vxor.u32 v4, v13;
	[tilespmem:s11+$0xFFFFFFE0] =	vst v9  }
0x234: {  	v9 =	vxor.u32 v1, v6;
	[tilespmem:s11+$0xFFFFFFF0] =	vst v5  }
0x235: {  	v5 =	vxor.u32 v1, v10;
	[tilespmem:s11+$0x10] =	vst v9  }
0x236: {  	[tilespmem:s11+$0x20] =	vst v5;
	v5 =	vxor.u32 v2, v6  }
0x237: {  	v3 =	vand.u32 $0x7FFFF, v16;
	v6 =	vxor.u32 v2, v10;
	[tilespmem:s11+$0x50] =	vst v5  }
0x238: {  	v5 =	vxor.u32 v8, v3;
	[tilespmem:s17+$0x60] =	vst v6  }
0x239: {  	v3 =	vxor.u32 v4, v3;
	v6 =	vand.u32 $0x7FFFF, v7;
	[tilespmem:s17+$0xFFFFFF80] =	vst v5  }
0x23a: {  	[tilespmem:s17+$0xFFFFFFC0] =	vst v3;
	v1 =	vxor.u32 v1, v6  }
0x23b: {  	v2 =	vxor.u32 v2, v6;
	[tilespmem:s17+$0x0] =	vst v1  }
0x23c: {  	s6 =	simm.s32 $0x7C00;
	s3 =	simm.s32 $0xAC00;
	[tilespmem:s17+$0x40] =	vst v2  }
0x23d: {  	[tilespmem:s3], [sflag:$0x3] =	stream.indirect.gather [spmem:s30], $0x1, s6, s29, $0xb8;
	[tilespmem:$0x1D500] =	vst v63  }
0x23e: {  	s7 =	simm.s32 $0xBC00;
	s18 =	rddreg [dreg:$0x8];
	s19 =	simm.s32 $0x1  }
0x23f: {  	[tilespmem:s7], [sflag:$0x4] =	stream.indirect.gather [spmem:s18], $0x1, s6, s29, $0xb8;
	[tilespmem:$0x1D500] =	vst v63  }
0x240: {  	_ =	swait.ge [sflag:s19], $0x1000  }
0x241: {  	[sflag:s19] =	ssyncset.done $0x0  }
0x242: {  	[sflag:s19] =	ssyncadd.s32 $0xFFFFF000  }
0x243: {  	_ =	swait.ge [sflag:s10], $0x1000  }
0x244: {  	[sflag:s10] =	ssyncset.done $0x0  }
0x245: {  	[sflag:s10] =	ssyncadd.s32 $0xFFFFF000  }
0x246: {  	_ =	swait.ge [sflag:s31], $0x200  }
0x247: {  	[sflag:s31] =	ssyncset.done $0x0  }
0x248: {  	[sflag:s31] =	ssyncadd.s32 $0xFFFFFE00  }
0x249: {  	_ =	swait.ge [sflag:s31], $0x200  }
0x24a: {  	[sflag:s31] =	ssyncset.done $0x0  }
0x24b: {  	s20 =	simm.s32 $0x6010;
	[sflag:s31] =	ssyncadd.s32 $0xFFFFFE00  }
0x24c: {  	s11 =	simm.s32 $0x6210;
	v1 =	vld [tilespmem:s20+$0x0]  }
0x24d: {  	v2 =	vld [tilespmem:s11+$0x0]  }
0x24e: {  	s17 =	simm.s32 $0x6410;
	v5 =	vld [tilespmem:s20+$0xFFFFFFF0]  }
0x24f: {  	v3 =	vld [tilespmem:s17+$0x0]  }
0x250: {  	v6 =	vld [tilespmem:s11+$0xFFFFFFF0]  }
0x251: {  	s18 =	simm.s32 $0x9C80;
	v8 =	vld [tilespmem:s17+$0xFFFFFFF0]  }
0x252: {  	v4 =	vld [tilespmem:s18+$0x0]  }
0x253: {  	v7 =	vld [tilespmem:s18+$0x10]  }
0x254: {  	v9 =	vld [tilespmem:s18+$0xFFFFFF80]  }
0x255: {  	v12 =	vld [tilespmem:s18+$0x20];
	v10 =	vsub.f32 $1.000000000e+00, v1  }
0x256: {  	v14 =	vld [tilespmem:s18+$0xFFFFFF90];
	v11 =	vsub.f32 $1.000000000e+00, v2;
	v13 =	vsub.f32 $1.000000000e+00, v5  }
0x257: {  	v17 =	vld [tilespmem:s18+$0x30];
	v18 =	vsub.f32 $1.000000000e+00, v6  }
0x258: {  	v20 =	vld [tilespmem:s18+$0xFFFFFFA0];
	v16 =	vmul.f32 v11, v10;
	v19 =	vmul.f32 v6, v13  }
0x259: {  	v22 =	vld [tilespmem:s18+$0x40];
	v10 =	vmul.f32 v2, v10;
	v13 =	vmul.f32 v18, v13  }
0x25a: {  	v24 =	vld [tilespmem:s18+$0xFFFFFFB0];
	v15 =	vsub.f32 $1.000000000e+00, v3;
	v11 =	vmul.f32 v11, v1;
	v1 =	vmul.f32 v2, v1  }
0x25b: {  	v26 =	vld [tilespmem:s18+$0x50];
	v23 =	vsub.f32 $1.000000000e+00, v8;
	v18 =	vmul.f32 v18, v5;
	v5 =	vmul.f32 v6, v5  }
0x25c: {  	v28 =	vld [tilespmem:s18+$0xFFFFFFC0];
	v21 =	vmul.f32 v15, v16;
	v16 =	vmul.f32 v16, v3  }
0x25d: {  	v29 =	vld [tilespmem:s18+$0x60];
	v25 =	vmul.f32 v15, v10;
	v27 =	vmul.f32 v23, v13  }
0x25e: {  	v30 =	vld [tilespmem:s18+$0xFFFFFFD0];
	v10 =	vmul.f32 v3, v10;
	v13 =	vmul.f32 v13, v8  }
0x25f: {  	s19 =	simm.s32 $0x8C80;
	v32 =	vld [tilespmem:s18+$0x70];
	v4 =	vmul.f32 v4, v21;
	v7 =	vmul.f32 v7, v16  }
0x260: {  	v56 =	vld [tilespmem:s19+$0x20];
	v31 =	vmul.f32 v15, v11;
	v11 =	vmul.f32 v11, v3  }
0x261: {  	v33 =	vld [tilespmem:s18+$0xFFFFFFE0];
	v55 =	vmul.f32 v23, v19;
	v12 =	vmul.f32 v12, v25;
	v4 =	vadd.f32 v7, v4  }
0x262: {  	v34 =	vld [tilespmem:s19+$0x60];
	v19 =	vmul.f32 v8, v19;
	v9 =	vmul.f32 v9, v27  }
0x263: {  	v6 =	vld [tilespmem:s19+$0x10];
	v17 =	vmul.f32 v17, v10;
	v14 =	vmul.f32 v14, v13;
	v4 =	vadd.f32 v12, v4  }
0x264: {  	v35 =	vld [tilespmem:s19+$0x40];
	v26 =	vmul.f32 v26, v11;
	v24 =	vmul.f32 v24, v19  }
0x265: {  	v2 =	vld [tilespmem:s19+$0x70];
	v62 =	vmul.f32 v56, v25;
	v7 =	vmul.f32 v22, v31;
	v4 =	vadd.f32 v17, v4  }
0x266: {  	v57 =	vld [tilespmem:s19+$0xFFFFFF80];
	v9 =	vadd.f32 v14, v9;
	v12 =	vmul.f32 v15, v1;
	v17 =	vmul.f32 v20, v55  }
0x267: {  	v15 =	vld [tilespmem:s19+$0x50];
	v1 =	vmul.f32 v3, v1;
	v3 =	vmul.f32 v23, v18;
	v7 =	vadd.f32 v7, v4  }
0x268: {  	v6 =	vmul.f32 v6, v16;
	v4 =	vmul.f32 v18, v8;
	v18 =	vld [tilespmem:s19+$0x0];
	v9 =	vadd.f32 v17, v9  }
0x269: {  	v58 =	vld [tilespmem:s19+$0xFFFFFF90];
	v14 =	vmul.f32 v29, v12;
	v28 =	vmul.f32 v28, v3;
	v26 =	vadd.f32 v26, v7  }
0x26a: {  	v20 =	vld [tilespmem:s19+$0x30];
	v17 =	vmul.f32 v32, v1;
	v1 =	vmul.f32 v2, v1;
	v9 =	vadd.f32 v24, v9  }
0x26b: {  	v59 =	vld [tilespmem:s19+$0xFFFFFFA0];
	v2 =	vmul.f32 v34, v12;
	v7 =	vmul.f32 v23, v5;
	v12 =	vadd.f32 v14, v26  }
0x26c: {  	v60 =	vld [tilespmem:s19+$0xFFFFFFB0];
	v5 =	vmul.f32 v8, v5;
	v14 =	vmul.f32 v30, v4;
	v9 =	vadd.f32 v28, v9  }
0x26d: {  	s20 =	simm.s32 $0x0;
	v8 =	vmul.f32 v15, v11;
	v11 =	vld [tilespmem:s19+$0xFFFFFFC0];
	v61 =	vadd.f32 v17, v12;
	v17 =	vmul.f32 v21, v18  }
0x26e: {  	s24 =	simm.s32 $0x10;
	s22 =	sand.u32 $0x300, s20;
	v16 =	vmul.f32 v27, v57;
	v15 =	vmul.f32 v33, v7;
	v14 =	vadd.f32 v14, v9;
	v12 =	vld [tilespmem:s19+$0xFFFFFFD0]  }
0x26f: {  	s28 =	smov.u32 s30;
	s25 =	sand.u32 $0x70, s24;
	s22 =	sor.u32 $0xCC00, s22;
	v10 =	vmul.f32 v20, v10;
	v18 =	vmul.f32 v58, v13;
	v13 =	vld [tilespmem:s19+$0xFFFFFFE0];
	v63 =	vadd.f32 v6, v17  }
0x270: {  	s24 =	simm.s32 $0x0;
	s30 =	sand.u32 $0x60, s20;
	s6 =	sor.u32 s25, s22;
	v9 =	vmul.f32 v35, v31;
	v6 =	vadd.f32 v15, v14;
	v17 =	vmul.f32 v59, v55;
	v14 =	vld [tilespmem:s19+$0xFFFFFFF0]  }
0x271: {  	s7 =	sor.u32 s30, s22;
	s25 =	simm.s32 $0x6030;
	s22 =	simm.s32 $0x0;
	[tilespmem:s6+$0x80] =	vst v61;
	v18 =	vadd.f32 v18, v16;
	v16 =	vmul.f32 v60, v19;
	v15 =	vld [tilespmem:s18+$0xFFFFFFF0];
	v19 =	vadd.f32 v62, v63  }
.LBB2_16:
0x272: {  	v20 =	vld [tilespmem:s25+$0x0];
	v3 =	vmul.f32 v11, v3;
	s11 =	sadd.s32 $0x20, s11  }
0x273: {  	s24 =	sadd.s32 $0x2, s24;
	v11 =	vld [tilespmem:s11+$0x0];
	v17 =	vadd.f32 v17, v18;
	v4 =	vmul.f32 v12, v4;
	v10 =	vadd.f32 v10, v19  }
0x274: {  	s17 =	sadd.s32 $0x20, s17;
	p0 =	slt.u32 s24, $0x1E;
	v12 =	vld [tilespmem:s25+$0xFFFFFFF0];
	v7 =	vmul.f32 v13, v7  }
0x275: {  	v13 =	vld [tilespmem:s17+$0x0];
	v16 =	vadd.f32 v16, v17;
	v14 =	vmul.f32 v14, v5;
	v9 =	vadd.f32 v9, v10  }
0x276: {  	v10 =	vld [tilespmem:s11+$0xFFFFFFF0];
	v5 =	vmul.f32 v15, v5  }
0x277: {  	s18 =	sadd.s32 $0x100, s18;
	v15 =	vld [tilespmem:s17+$0xFFFFFFF0];
	v3 =	vadd.f32 v3, v16;
	v8 =	vadd.f32 v8, v9  }
0x278: {  	v9 =	vsub.f32 $1.000000000e+00, v20;
	v16 =	vsub.f32 $1.000000000e+00, v11;
	v17 =	vld [tilespmem:s18+$0x0]  }
0x279: {  	v18 =	vsub.f32 $1.000000000e+00, v12;
	v19 =	vld [tilespmem:s18+$0x10];
	v3 =	vadd.f32 v4, v3  }
0x27a: {  	v2 =	vadd.f32 v2, v8;
	v4 =	vld [tilespmem:s18+$0xFFFFFF80];
	v21 =	vsub.f32 $1.000000000e+00, v13;
	v22 =	vmul.f32 v16, v9  }
0x27b: {  	v9 =	vmul.f32 v11, v9;
	v8 =	vsub.f32 $1.000000000e+00, v10;
	v23 =	vmul.f32 v10, v18;
	v24 =	vld [tilespmem:s18+$0x20]  }
0x27c: {  	v25 =	vsub.f32 $1.000000000e+00, v15;
	v26 =	vld [tilespmem:s18+$0xFFFFFF90];
	v27 =	vmul.f32 v21, v22;
	v22 =	vmul.f32 v22, v13  }
0x27d: {  	v3 =	vadd.f32 v7, v3;
	v28 =	vmul.f32 v21, v9;
	v18 =	vmul.f32 v8, v18;
	v29 =	vld [tilespmem:s18+$0x30]  }
0x27e: {  	v5 =	vadd.f32 v5, v6;
	v7 =	vld [tilespmem:s18+$0xFFFFFFA0];
	v17 =	vmul.f32 v17, v27;
	v19 =	vmul.f32 v19, v22  }
0x27f: {  	v6 =	vmul.f32 v16, v20;
	v3 =	vadd.f32 v14, v3;
	v30 =	vmul.f32 v25, v18;
	v16 =	vld [tilespmem:s18+$0x40]  }
0x280: {  	v31 =	vmul.f32 v13, v9;
	v14 =	vld [tilespmem:s18+$0xFFFFFFB0];
	v9 =	vadd.f32 v19, v17;
	v17 =	vmul.f32 v24, v28;
	[tilespmem:s7+$0x80] =	vst v5  }
0x281: {  	v1 =	vadd.f32 v1, v2;
	v18 =	vmul.f32 v18, v15;
	v4 =	vmul.f32 v4, v30;
	v5 =	vld [tilespmem:s18+$0x50];
	[tilespmem:s7+$0x0] =	vst v3  }
0x282: {  	v19 =	vmul.f32 v21, v6;
	v2 =	vld [tilespmem:s18+$0xFFFFFFC0];
	v3 =	vadd.f32 v17, v9;
	v9 =	vmul.f32 v29, v31  }
0x283: {  	v11 =	vmul.f32 v11, v20;
	v17 =	vmul.f32 v26, v18;
	v20 =	vld [tilespmem:s18+$0x60];
	[tilespmem:s6+$0x0] =	vst v1  }
0x284: {  	v6 =	vmul.f32 v6, v13;
	v1 =	vld [tilespmem:s18+$0xFFFFFFD0];
	v3 =	vadd.f32 v9, v3;
	v9 =	vmul.f32 v16, v19  }
0x285: {  	v16 =	vmul.f32 v25, v23;
	v23 =	vmul.f32 v15, v23;
	v4 =	vadd.f32 v17, v4;
	v17 =	vld [tilespmem:s18+$0x70]  }
0x286: {  	s19 =	sadd.s32 $0x100, s19;
	v21 =	vmul.f32 v21, v11;
	v24 =	vld [tilespmem:s18+$0xFFFFFFE0];
	v3 =	vadd.f32 v9, v3;
	v5 =	vmul.f32 v5, v6  }
0x287: {  	v8 =	vmul.f32 v8, v12;
	v7 =	vmul.f32 v7, v16;
	v9 =	vld [tilespmem:s19+$0x70]  }
0x288: {  	v11 =	vmul.f32 v13, v11;
	v5 =	vadd.f32 v5, v3;
	v13 =	vld [tilespmem:s19+$0x60];
	v20 =	vmul.f32 v20, v21  }
0x289: {  	v14 =	vmul.f32 v14, v23;
	v3 =	vmul.f32 v25, v8;
	v7 =	vadd.f32 v7, v4;
	v26 =	vld [tilespmem:s19+$0x50]  }
0x28a: {  	s20 =	sadd.s32 $0x20, s20;
	s22 =	sadd.s32 $0x40, s22;
	v4 =	vmul.f32 v8, v15;
	v29 =	vld [tilespmem:s19+$0x40];
	v5 =	vadd.f32 v20, v5;
	v8 =	vmul.f32 v17, v11  }
0x28b: {  	s30 =	sadd.s32 $0x10, s20;
	v10 =	vmul.f32 v10, v12;
	s7 =	sand.u32 $0x300, s22;
	s6 =	sand.u32 $0x60, s20;
	v12 =	vadd.f32 v14, v7;
	v2 =	vmul.f32 v2, v3;
	v14 =	vld [tilespmem:s19+$0x30]  }
0x28c: {  	s30 =	sand.u32 $0x70, s30;
	s3 =	sor.u32 $0xCC00, s7;
	v17 =	vmul.f32 v1, v4;
	v20 =	vld [tilespmem:s19+$0x20];
	v1 =	vmul.f32 v9, v11;
	v9 =	vadd.f32 v8, v5  }
0x28d: {  	s7 =	sor.u32 s6, s3;
	s6 =	sor.u32 s30, s3;
	v7 =	vmul.f32 v25, v10;
	v11 =	vadd.f32 v2, v12;
	v12 =	vld [tilespmem:s19+$0x0];
	v2 =	vmul.f32 v13, v21  }
0x28e: {  	v5 =	vmul.f32 v15, v10;
	v13 =	vld [tilespmem:s19+$0x10];
	v8 =	vmul.f32 v26, v6;
	[tilespmem:s6+$0x80] =	vst v9  }
0x28f: {  	v6 =	vadd.f32 v17, v11;
	v11 =	vmul.f32 v24, v7;
	v15 =	vld [tilespmem:s19+$0xFFFFFF80];
	v9 =	vmul.f32 v29, v19  }
0x290: {  	v17 =	vld [tilespmem:s19+$0xFFFFFF90];
	v10 =	vmul.f32 v14, v31  }
0x291: {  	v6 =	vadd.f32 v11, v6;
	v14 =	vld [tilespmem:s19+$0xFFFFFFA0];
	v19 =	vmul.f32 v20, v28  }
0x292: {  	v20 =	vld [tilespmem:s19+$0xFFFFFFB0];
	v21 =	vmul.f32 v27, v12  }
.Ltmp6:
0x293: {  	v11 =	vld [tilespmem:s19+$0xFFFFFFC0];
	v22 =	vmul.f32 v13, v22;
	(pc) =	sbr.rel @p0 .LBB2_16-.Ltmp6, $4  }
0x294: {  	v15 =	vmul.f32 v30, v15;
	v12 =	vld [tilespmem:s19+$0xFFFFFFD0]  }
0x295: {  	v18 =	vmul.f32 v17, v18;
	v13 =	vld [tilespmem:s19+$0xFFFFFFE0];
	v21 =	vadd.f32 v22, v21  }
0x296: {  	v17 =	vmul.f32 v14, v16;
	v14 =	vld [tilespmem:s19+$0xFFFFFFF0]  }
0x297: {  	s25 =	sadd.s32 $0x20, s25;
	v18 =	vadd.f32 v18, v15;
	v16 =	vmul.f32 v20, v23;
	v15 =	vld [tilespmem:s18+$0xFFFFFFF0];
	v19 =	vadd.f32 v19, v21  }
0x298: {  	_ = 	snop  }
0x299: {  	v17 =	vadd.f32 v17, v18  }
0x29a: {  	v10 =	vadd.f32 v10, v19  }
0x29b: {  	v3 =	vmul.f32 v11, v3;
	v11 =	vadd.f32 v16, v17  }
0x29c: {  	v9 =	vadd.f32 v9, v10  }
0x29d: {  	v4 =	vmul.f32 v12, v4;
	v3 =	vadd.f32 v3, v11  }
0x29e: {  	v8 =	vadd.f32 v8, v9  }
0x29f: {  	v7 =	vmul.f32 v13, v7;
	v3 =	vadd.f32 v4, v3;
	v4 =	vmul.f32 v15, v5  }
0x2a0: {  	v2 =	vadd.f32 v2, v8  }
0x2a1: {  	v5 =	vmul.f32 v14, v5;
	v3 =	vadd.f32 v7, v3;
	v4 =	vadd.f32 v4, v6  }
0x2a2: {  	v1 =	vadd.f32 v1, v2  }
0x2a3: {  	s3 =	sor.u32 s23, s14;
	v3 =	vadd.f32 v5, v3;
	[tilespmem:s7+$0x80] =	vst v4  }
0x2a4: {  	s3 =	sshrl.u32 s3, $0x3;
	[tilespmem:s6+$0x0] =	vst v1  }
0x2a5: {  	s25 =	simm.s32 $0xCC00;
	s24 =	sadd.s32 s4, s3;
	[tilespmem:s7+$0x0] =	vst v3  }
0x2a6: {  	[hbm4b:s24+s8] =	stream.linear.scatter [tilespmem:s25], [sflag:$0x5], $0x80, $0x38;
	[tilespmem:$0x1D500] =	vst v63  }
0x2a7: {  	s11 =	simm.s32 $0xCD00;
	s30 =	sadd.s32 $0x10, s24  }
0x2a8: {  	[hbm4b:s30+s8] =	stream.linear.scatter [tilespmem:s11], [sflag:$0x5], $0x80, $0x38;
	[tilespmem:$0x1D500] =	vst v63  }
0x2a9: {  	s17 =	simm.s32 $0xCE00;
	s14 =	sadd.s32 $0x20, s24  }
0x2aa: {  	[hbm4b:s14+s8] =	stream.linear.scatter [tilespmem:s17], [sflag:$0x5], $0x80, $0x38;
	[tilespmem:$0x1D500] =	vst v63  }
0x2ab: {  	s18 =	simm.s32 $0xCF00;
	s3 =	sor.u32 $0x8000, s3;
	s6 =	sadd.s32 $0x30, s24  }
0x2ac: {  	[hbm4b:s6+s8] =	stream.linear.scatter [tilespmem:s18], [sflag:$0x5], $0x80, $0x38;
	[tilespmem:$0x1D500] =	vst v63  }
0x2ad: {  	s19 =	simm.s32 $0xCC80;
	s3 =	sadd.s32 s4, s3  }
0x2ae: {  	[hbm4b:s3+s8] =	stream.linear.scatter [tilespmem:s19], [sflag:$0x5], $0x80, $0x38;
	[tilespmem:$0x1D500] =	vst v63  }
0x2af: {  	s22 =	simm.s32 $0xCD80;
	s20 =	sadd.s32 $0x10, s3  }
0x2b0: {  	[hbm4b:s20+s8] =	stream.linear.scatter [tilespmem:s22], [sflag:$0x5], $0x80, $0x38;
	[tilespmem:$0x1D500] =	vst v63  }
0x2b1: {  	s24 =	sadd.s32 $0x20, s3;
	s25 =	simm.s32 $0xCE80  }
0x2b2: {  	[hbm4b:s24+s8] =	stream.linear.scatter [tilespmem:s25], [sflag:$0x5], $0x80, $0x38;
	[tilespmem:$0x1D500] =	vst v63  }
0x2b3: {  	s30 =	simm.s32 $0xCF80;
	s3 =	sadd.s32 $0x30, s3  }
0x2b4: {  	[hbm4b:s3+s8] =	stream.linear.scatter [tilespmem:s30], [sflag:$0x5], $0x80, $0x38;
	[tilespmem:$0x1D500] =	vst v63  }
0x2b5: {  	v1 =	vld [tilespmem:s0+$0x0]  }
0x2b6: {  	v2 =	vld [tilespmem:s2+$0x0]  }
0x2b7: {  	v3 =	vld [tilespmem:s5+$0x0]  }
0x2b8: {  	v4 =	vld [tilespmem:s2+$0xFFFFFFF0]  }
0x2b9: {  	v5 =	vld [tilespmem:s5+$0xFFFFFFF0];
	_ =	sdelay $0x2  }
0x2ba: {  	v6 =	vmul.f32 v1, v0;
	v2 =	vmul.f32 v2, v0  }
0x2bb: {  	v3 =	vmul.f32 v3, v0;
	v4 =	vmul.f32 v4, v0  }
0x2bc: {  	v5 =	vmul.f32 v5, v0;
	v1 =	vtrunc.f32 v6  }
0x2bd: {  	v7 =	vtrunc.f32 v2;
	v8 =	vcvt.f32.s32 v1  }
0x2be: {  	v11 =	vld [tilespmem:s0+$0xFFFFFFF0];
	v1 =	vtrunc.f32 v3;
	v7 =	vcvt.f32.s32 v7  }
0x2bf: {  	v9 =	vcvt.f32.s32 v1;
	v10 =	vcvt.s32.f32 v8  }
0x2c0: {  	v1 =	vand.u32 $0x7FFFF, v8;
	v12 =	vcvt.s32.f32 v7;
	v7 =	vmul.u32 $0x9E3779B1, v7  }
0x2c1: {  	v13 =	vmul.u32 $0x30025795, v9;
	v10 =	vsub.f32 v6, v10;
	v6 =	vcvt.s32.f32 v9  }
0x2c2: {  	v14 =	vsub.f32 v2, v12;
	v9 =	vadd.s32 $0x9E3779B1, v7;
	v2 =	vadd.s32 $0x1, v8  }
0x2c3: {  	v8 =	vmul.f32 v11, v0;
	v11 =	vtrunc.f32 v5;
	v12 =	vadd.s32 $0x30025795, v13  }
0x2c4: {  	v2 =	vand.u32 $0x7FFFF, v2;
	v16 =	vcvt.f32.s32 v11;
	v20 =	vxor.u32 v13, v9  }
0x2c5: {  	v15 =	vsub.f32 v3, v6;
	v3 =	vxor.u32 v9, v12;
	v6 =	vtrunc.f32 v4  }
0x2c6: {  	v17 =	vxor.u32 v7, v12;
	v11 =	vtrunc.f32 v8;
	v6 =	vcvt.f32.s32 v6  }
0x2c7: {  	v7 =	vxor.u32 v7, v13;
	v3 =	vand.u32 $0x7FFFF, v3;
	v9 =	vcvt.f32.s32 v11  }
0x2c8: {  	v18 =	vmul.u32 $0x30025795, v16;
	v12 =	vcvt.s32.f32 v16;
	v13 =	vmul.u32 $0x9E3779B1, v6  }
0x2c9: {  	s17 =	simm.s32 $0x6010;
	v19 =	vxor.u32 v2, v3;
	v11 =	vcvt.s32.f32 v6;
	v6 =	vand.u32 $0x7FFFF, v17  }
0x2ca: {  	s18 =	simm.s32 $0x6210;
	[tilespmem:s17+$0x0] =	vst v10;
	v17 =	vcvt.s32.f32 v9;
	v16 =	vadd.s32 $0x30025795, v18;
	v10 =	vadd.s32 $0x9E3779B1, v13  }
0x2cb: {  	s19 =	simm.s32 $0x6410;
	[tilespmem:s18+$0x0] =	vst v14;
	v14 =	vxor.u32 v13, v16;
	v21 =	vxor.u32 v10, v16;
	v10 =	vxor.u32 v18, v10  }
0x2cc: {  	s7 =	sadd.s32 $0x20, s0;
	s11 =	simm.s32 $0x6C80;
	s14 =	simm.s32 $0x6C80;
	[tilespmem:s19+$0x0] =	vst v15;
	v16 =	vxor.u32 v13, v18;
	v18 =	vadd.s32 $0x1, v9;
	v14 =	vand.u32 $0x7FFFF, v14  }
0x2cd: {  	s6 =	simm.s32 $0x0;
	s20 =	smov.u32 s2;
	s22 =	smov.u32 s5;
	[tilespmem:s11+$0x70] =	vst v19;
	v15 =	vand.u32 $0x7FFFF, v10;
	v13 =	vand.u32 $0x7FFFF, v21;
	v10 =	vand.u32 $0x7FFFF, v20  }
.LBB2_18:
0x2ce: {  	v19 =	vld [tilespmem:s7+$0x0];
	v8 =	vsub.f32 v8, v17;
	v16 =	vand.u32 $0x7FFFF, v16;
	v7 =	vand.u32 $0x7FFFF, v7;
	s20 =	sadd.s32 $0x20, s20  }
0x2cf: {  	v4 =	vsub.f32 v4, v11;
	v5 =	vsub.f32 v5, v12;
	v11 =	vand.u32 $0x7FFFF, v18;
	s22 =	sadd.s32 $0x20, s22;
	v17 =	vld [tilespmem:s20+$0x0]  }
0x2d0: {  	s6 =	sadd.s32 $0x2, s6;
	v18 =	vxor.u32 v11, v15;
	v12 =	vld [tilespmem:s22+$0x0];
	[tilespmem:s17+$0xFFFFFFF0] =	vst v8;
	v8 =	vand.u32 $0x7FFFF, v9;
	v9 =	vxor.u32 v11, v14  }
0x2d1: {  	p0 =	slt.u32 s6, $0x1E;
	v20 =	vld [tilespmem:s20+$0xFFFFFFF0];
	[tilespmem:s18+$0xFFFFFFF0] =	vst v4;
	v4 =	vxor.u32 v8, v14;
	v14 =	vxor.u32 v8, v15;
	v15 =	vxor.u32 v8, v13  }
0x2d2: {  	v22 =	vxor.u32 v1, v10;
	v21 =	vld [tilespmem:s22+$0xFFFFFFF0];
	[tilespmem:s19+$0xFFFFFFF0] =	vst v5;
	v5 =	vxor.u32 v11, v13;
	v13 =	vxor.u32 v1, v6  }
0x2d3: {  	v3 =	vxor.u32 v1, v3;
	v10 =	vxor.u32 v2, v10;
	v6 =	vxor.u32 v2, v6;
	v23 =	vld [tilespmem:s7+$0xFFFFFFF0];
	[tilespmem:s11+$0xFFFFFF90] =	vst v4  }
0x2d4: {  	v24 =	vxor.u32 v8, v16;
	v19 =	vmul.f32 v19, v0;
	v17 =	vmul.f32 v17, v0;
	[tilespmem:s11+$0xFFFFFFA0] =	vst v14  }
0x2d5: {  	v14 =	vxor.u32 v11, v16;
	v8 =	vmul.f32 v12, v0;
	[tilespmem:s11+$0xFFFFFFB0] =	vst v15;
	v15 =	vxor.u32 v1, v7  }
0x2d6: {  	v16 =	vxor.u32 v2, v7;
	v1 =	vtrunc.f32 v19;
	v4 =	vtrunc.f32 v17;
	[tilespmem:s11+$0xFFFFFFD0] =	vst v9  }
0x2d7: {  	v2 =	vcvt.f32.s32 v1;
	v1 =	vtrunc.f32 v8;
	[tilespmem:s11+$0xFFFFFFE0] =	vst v18  }
0x2d8: {  	v7 =	vcvt.f32.s32 v4;
	v9 =	vcvt.f32.s32 v1;
	[tilespmem:s11+$0xFFFFFFF0] =	vst v5  }
0x2d9: {  	v4 =	vmul.f32 v20, v0;
	v11 =	vcvt.s32.f32 v2;
	v1 =	vand.u32 $0x7FFFF, v2;
	[tilespmem:s11+$0x10] =	vst v13  }
0x2da: {  	v12 =	vcvt.s32.f32 v7;
	v7 =	vmul.u32 $0x9E3779B1, v7;
	v13 =	vmul.u32 $0x30025795, v9;
	[tilespmem:s11+$0x20] =	vst v22  }
0x2db: {  	v5 =	vmul.f32 v21, v0;
	v11 =	vsub.f32 v19, v11;
	v9 =	vcvt.s32.f32 v9;
	[tilespmem:s11+$0x30] =	vst v3  }
0x2dc: {  	s17 =	sadd.s32 $0x20, s17;
	v3 =	vsub.f32 v17, v12;
	v12 =	vadd.s32 $0x9E3779B1, v7;
	v17 =	vadd.s32 $0x30025795, v13;
	[tilespmem:s11+$0x50] =	vst v6  }
0x2dd: {  	s18 =	sadd.s32 $0x20, s18;
	v2 =	vadd.s32 $0x1, v2;
	v6 =	vsub.f32 v8, v9;
	[tilespmem:s17+$0x0] =	vst v11;
	v8 =	vxor.u32 v12, v17  }
0x2de: {  	s19 =	sadd.s32 $0x20, s19;
	v2 =	vand.u32 $0x7FFFF, v2;
	v9 =	vtrunc.f32 v4;
	[tilespmem:s18+$0x0] =	vst v3;
	v3 =	vand.u32 $0x7FFFF, v8  }
0x2df: {  	s11 =	sadd.s32 $0x100, s11;
	v11 =	vtrunc.f32 v5;
	v8 =	vmul.f32 v23, v0;
	[tilespmem:s19+$0x0] =	vst v6;
	v6 =	vxor.u32 v2, v3  }
0x2e0: {  	v18 =	vcvt.f32.s32 v9;
	v17 =	vxor.u32 v7, v17;
	v19 =	vcvt.f32.s32 v11;
	[tilespmem:s11+$0x70] =	vst v6  }
0x2e1: {  	v20 =	vxor.u32 v13, v12;
	v7 =	vxor.u32 v7, v13;
	v6 =	vtrunc.f32 v8;
	[tilespmem:s14+$0x60] =	vst v10  }
0x2e2: {  	v13 =	vmul.u32 $0x30025795, v19;
	v9 =	vcvt.f32.s32 v6;
	v10 =	vmul.u32 $0x9E3779B1, v18;
	[tilespmem:s14+$0xFFFFFF80] =	vst v24  }
.Ltmp7:
0x2e3: {  	v11 =	vcvt.s32.f32 v18;
	v12 =	vcvt.s32.f32 v19;
	v6 =	vand.u32 $0x7FFFF, v17;
	[tilespmem:s14+$0xFFFFFFC0] =	vst v14;
	(pc) =	sbr.rel @p0 .LBB2_18-.Ltmp7, $4  }
0x2e4: {  	v18 =	vadd.s32 $0x30025795, v13;
	v17 =	vcvt.s32.f32 v9;
	v14 =	vadd.s32 $0x9E3779B1, v10;
	[tilespmem:s14+$0x0] =	vst v15  }
0x2e5: {  	v15 =	vxor.u32 v10, v18;
	v19 =	vxor.u32 v13, v14;
	v21 =	vxor.u32 v14, v18;
	[tilespmem:s14+$0x40] =	vst v16;
	s14 =	smov.u32 s11  }
0x2e6: {  	v18 =	vadd.s32 $0x1, v9;
	v16 =	vxor.u32 v10, v13;
	v14 =	vand.u32 $0x7FFFF, v15  }
0x2e7: {  	s7 =	sadd.s32 $0x20, s7;
	v15 =	vand.u32 $0x7FFFF, v19;
	v13 =	vand.u32 $0x7FFFF, v21;
	v10 =	vand.u32 $0x7FFFF, v20  }
0x2e8: {  	v8 =	vsub.f32 v8, v17;
	v3 =	vxor.u32 v1, v3  }
0x2e9: {  	v4 =	vsub.f32 v4, v11;
	[tilespmem:s11+$0x30] =	vst v3  }
0x2ea: {  	v5 =	vsub.f32 v5, v12;
	[tilespmem:s17+$0xFFFFFFF0] =	vst v8  }
0x2eb: {  	v8 =	vand.u32 $0x7FFFF, v9;
	[tilespmem:s18+$0xFFFFFFF0] =	vst v4  }
0x2ec: {  	v4 =	vxor.u32 v8, v14;
	[tilespmem:s19+$0xFFFFFFF0] =	vst v5  }
0x2ed: {  	v5 =	vxor.u32 v8, v15;
	[tilespmem:s11+$0xFFFFFF90] =	vst v4  }
0x2ee: {  	v9 =	vxor.u32 v8, v13;
	v4 =	vand.u32 $0x7FFFF, v18;
	[tilespmem:s11+$0xFFFFFFA0] =	vst v5  }
0x2ef: {  	[tilespmem:s11+$0xFFFFFFB0] =	vst v9;
	v5 =	vxor.u32 v4, v14  }
0x2f0: {  	v9 =	vxor.u32 v4, v15;
	[tilespmem:s11+$0xFFFFFFD0] =	vst v5  }
0x2f1: {  	v5 =	vxor.u32 v4, v13;
	[tilespmem:s11+$0xFFFFFFE0] =	vst v9  }
0x2f2: {  	v9 =	vxor.u32 v1, v6;
	[tilespmem:s11+$0xFFFFFFF0] =	vst v5  }
0x2f3: {  	v5 =	vxor.u32 v1, v10;
	[tilespmem:s11+$0x10] =	vst v9  }
0x2f4: {  	[tilespmem:s11+$0x20] =	vst v5;
	v5 =	vxor.u32 v2, v6  }
0x2f5: {  	v3 =	vand.u32 $0x7FFFF, v16;
	v6 =	vxor.u32 v2, v10;
	[tilespmem:s11+$0x50] =	vst v5  }
0x2f6: {  	v5 =	vxor.u32 v8, v3;
	[tilespmem:s14+$0x60] =	vst v6  }
0x2f7: {  	v3 =	vxor.u32 v4, v3;
	v6 =	vand.u32 $0x7FFFF, v7;
	[tilespmem:s14+$0xFFFFFF80] =	vst v5  }
0x2f8: {  	[tilespmem:s14+$0xFFFFFFC0] =	vst v3;
	v1 =	vxor.u32 v1, v6  }
0x2f9: {  	v2 =	vxor.u32 v2, v6;
	[tilespmem:s14+$0x0] =	vst v1  }
0x2fa: {  	s6 =	simm.s32 $0x6C00;
	s3 =	simm.s32 $0x8C00;
	[tilespmem:s14+$0x40] =	vst v2  }
0x2fb: {  	[tilespmem:s3], [sflag:$0x1] =	stream.indirect.gather [spmem:s28], $0x1, s6, s29, $0xb8;
	[tilespmem:$0x1D500] =	vst v63  }
0x2fc: {  	s20 =	rddreg [dreg:$0x8];
	s7 =	simm.s32 $0x9C00  }
0x2fd: {  	[tilespmem:s7], [sflag:$0x2] =	stream.indirect.gather [spmem:s20], $0x1, s6, s29, $0xb8;
	[tilespmem:$0x1D500] =	vst v63  }
0x2fe: {  	_ =	swait.ge [sflag:s15], $0x1000  }
0x2ff: {  	[sflag:s15] =	ssyncset.done $0x0  }
0x300: {  	[sflag:s15] =	ssyncadd.s32 $0xFFFFF000  }
0x301: {  	_ =	swait.ge [sflag:s16], $0x1000  }
0x302: {  	[sflag:s16] =	ssyncset.done $0x0  }
0x303: {  	[sflag:s16] =	ssyncadd.s32 $0xFFFFF000  }
0x304: {  	_ =	swait.ge [sflag:s1], $0x200  }
0x305: {  	[sflag:s1] =	ssyncset.done $0x0  }
0x306: {  	[sflag:s1] =	ssyncadd.s32 $0xFFFFFE00  }
0x307: {  	_ =	swait.ge [sflag:s1], $0x200  }
0x308: {  	[sflag:s1] =	ssyncset.done $0x0  }
0x309: {  	s22 =	simm.s32 $0x6610;
	[sflag:s1] =	ssyncadd.s32 $0xFFFFFE00  }
0x30a: {  	s11 =	simm.s32 $0x6810;
	v1 =	vld [tilespmem:s22+$0x0]  }
0x30b: {  	v2 =	vld [tilespmem:s11+$0x0]  }
0x30c: {  	s14 =	simm.s32 $0x6A10;
	v5 =	vld [tilespmem:s22+$0xFFFFFFF0]  }
0x30d: {  	v3 =	vld [tilespmem:s14+$0x0]  }
0x30e: {  	v6 =	vld [tilespmem:s11+$0xFFFFFFF0]  }
0x30f: {  	s17 =	simm.s32 $0xBC80;
	v8 =	vld [tilespmem:s14+$0xFFFFFFF0]  }
0x310: {  	v4 =	vld [tilespmem:s17+$0x0]  }
0x311: {  	v7 =	vld [tilespmem:s17+$0x10]  }
0x312: {  	v9 =	vld [tilespmem:s17+$0xFFFFFF80]  }
0x313: {  	v12 =	vld [tilespmem:s17+$0x20];
	v10 =	vsub.f32 $1.000000000e+00, v1  }
0x314: {  	v14 =	vld [tilespmem:s17+$0xFFFFFF90];
	v11 =	vsub.f32 $1.000000000e+00, v2;
	v13 =	vsub.f32 $1.000000000e+00, v5  }
0x315: {  	v17 =	vld [tilespmem:s17+$0x30];
	v18 =	vsub.f32 $1.000000000e+00, v6  }
0x316: {  	v20 =	vld [tilespmem:s17+$0xFFFFFFA0];
	v16 =	vmul.f32 v11, v10;
	v19 =	vmul.f32 v6, v13  }
0x317: {  	v22 =	vld [tilespmem:s17+$0x40];
	v10 =	vmul.f32 v2, v10;
	v13 =	vmul.f32 v18, v13  }
0x318: {  	v24 =	vld [tilespmem:s17+$0xFFFFFFB0];
	v15 =	vsub.f32 $1.000000000e+00, v3;
	v11 =	vmul.f32 v11, v1;
	v1 =	vmul.f32 v2, v1  }
0x319: {  	v26 =	vld [tilespmem:s17+$0x50];
	v23 =	vsub.f32 $1.000000000e+00, v8;
	v18 =	vmul.f32 v18, v5;
	v5 =	vmul.f32 v6, v5  }
0x31a: {  	v28 =	vld [tilespmem:s17+$0xFFFFFFC0];
	v21 =	vmul.f32 v15, v16;
	v16 =	vmul.f32 v16, v3  }
0x31b: {  	v29 =	vld [tilespmem:s17+$0x60];
	v25 =	vmul.f32 v15, v10;
	v27 =	vmul.f32 v23, v13  }
0x31c: {  	v30 =	vld [tilespmem:s17+$0xFFFFFFD0];
	v10 =	vmul.f32 v3, v10;
	v13 =	vmul.f32 v13, v8  }
0x31d: {  	s18 =	simm.s32 $0xAC80;
	v32 =	vld [tilespmem:s17+$0x70];
	v4 =	vmul.f32 v4, v21;
	v7 =	vmul.f32 v7, v16  }
0x31e: {  	v56 =	vld [tilespmem:s18+$0x20];
	v31 =	vmul.f32 v15, v11;
	v11 =	vmul.f32 v11, v3  }
0x31f: {  	v33 =	vld [tilespmem:s17+$0xFFFFFFE0];
	v55 =	vmul.f32 v23, v19;
	v12 =	vmul.f32 v12, v25;
	v4 =	vadd.f32 v7, v4  }
0x320: {  	v34 =	vld [tilespmem:s18+$0x60];
	v19 =	vmul.f32 v8, v19;
	v9 =	vmul.f32 v9, v27  }
0x321: {  	v6 =	vld [tilespmem:s18+$0x10];
	v17 =	vmul.f32 v17, v10;
	v14 =	vmul.f32 v14, v13;
	v4 =	vadd.f32 v12, v4  }
0x322: {  	v35 =	vld [tilespmem:s18+$0x40];
	v26 =	vmul.f32 v26, v11;
	v24 =	vmul.f32 v24, v19  }
0x323: {  	v2 =	vld [tilespmem:s18+$0x70];
	v62 =	vmul.f32 v56, v25;
	v7 =	vmul.f32 v22, v31;
	v4 =	vadd.f32 v17, v4  }
0x324: {  	v57 =	vld [tilespmem:s18+$0xFFFFFF80];
	v9 =	vadd.f32 v14, v9;
	v12 =	vmul.f32 v15, v1;
	v17 =	vmul.f32 v20, v55  }
0x325: {  	v15 =	vld [tilespmem:s18+$0x50];
	v1 =	vmul.f32 v3, v1;
	v3 =	vmul.f32 v23, v18;
	v7 =	vadd.f32 v7, v4  }
0x326: {  	v6 =	vmul.f32 v6, v16;
	v4 =	vmul.f32 v18, v8;
	v18 =	vld [tilespmem:s18+$0x0];
	v9 =	vadd.f32 v17, v9  }
0x327: {  	v58 =	vld [tilespmem:s18+$0xFFFFFF90];
	v14 =	vmul.f32 v29, v12;
	v28 =	vmul.f32 v28, v3;
	v26 =	vadd.f32 v26, v7  }
0x328: {  	v20 =	vld [tilespmem:s18+$0x30];
	v17 =	vmul.f32 v32, v1;
	v1 =	vmul.f32 v2, v1;
	v9 =	vadd.f32 v24, v9  }
0x329: {  	v59 =	vld [tilespmem:s18+$0xFFFFFFA0];
	v2 =	vmul.f32 v34, v12;
	v7 =	vmul.f32 v23, v5;
	v12 =	vadd.f32 v14, v26  }
0x32a: {  	v60 =	vld [tilespmem:s18+$0xFFFFFFB0];
	v5 =	vmul.f32 v8, v5;
	v14 =	vmul.f32 v30, v4;
	v9 =	vadd.f32 v28, v9  }
0x32b: {  	s19 =	simm.s32 $0x0;
	v8 =	vmul.f32 v15, v11;
	v11 =	vld [tilespmem:s18+$0xFFFFFFC0];
	v61 =	vadd.f32 v17, v12;
	v17 =	vmul.f32 v21, v18  }
0x32c: {  	s25 =	simm.s32 $0x10;
	s24 =	sand.u32 $0x300, s19;
	v16 =	vmul.f32 v27, v57;
	v15 =	vmul.f32 v33, v7;
	v14 =	vadd.f32 v14, v9;
	v12 =	vld [tilespmem:s18+$0xFFFFFFD0]  }
0x32d: {  	s30 =	smov.u32 s28;
	s3 =	sor.u32 $0xD000, s24;
	s6 =	sand.u32 $0x70, s25;
	v10 =	vmul.f32 v20, v10;
	v18 =	vmul.f32 v58, v13;
	v13 =	vld [tilespmem:s18+$0xFFFFFFE0];
	v63 =	vadd.f32 v6, v17  }
0x32e: {  	s28 =	sand.u32 $0x60, s19;
	s24 =	simm.s32 $0x6630;
	s6 =	sor.u32 s6, s3;
	v9 =	vmul.f32 v35, v31;
	v6 =	vadd.f32 v15, v14;
	v17 =	vmul.f32 v59, v55;
	v14 =	vld [tilespmem:s18+$0xFFFFFFF0]  }
0x32f: {  	s20 =	simm.s32 $0x0;
	s7 =	sor.u32 s28, s3;
	s22 =	simm.s32 $0x0;
	[tilespmem:s6+$0x80] =	vst v61;
	v18 =	vadd.f32 v18, v16;
	v16 =	vmul.f32 v60, v19;
	v15 =	vld [tilespmem:s17+$0xFFFFFFF0];
	v19 =	vadd.f32 v62, v63  }
.LBB2_20:
0x330: {  	v20 =	vld [tilespmem:s24+$0x0];
	v3 =	vmul.f32 v11, v3;
	s11 =	sadd.s32 $0x20, s11  }
0x331: {  	s20 =	sadd.s32 $0x2, s20;
	v11 =	vld [tilespmem:s11+$0x0];
	v17 =	vadd.f32 v17, v18;
	v4 =	vmul.f32 v12, v4;
	v10 =	vadd.f32 v10, v19  }
0x332: {  	s14 =	sadd.s32 $0x20, s14;
	p0 =	slt.u32 s20, $0x1E;
	v12 =	vld [tilespmem:s24+$0xFFFFFFF0];
	v7 =	vmul.f32 v13, v7  }
0x333: {  	v13 =	vld [tilespmem:s14+$0x0];
	v16 =	vadd.f32 v16, v17;
	v14 =	vmul.f32 v14, v5;
	v9 =	vadd.f32 v9, v10  }
0x334: {  	v10 =	vld [tilespmem:s11+$0xFFFFFFF0];
	v5 =	vmul.f32 v15, v5  }
0x335: {  	s17 =	sadd.s32 $0x100, s17;
	v15 =	vld [tilespmem:s14+$0xFFFFFFF0];
	v3 =	vadd.f32 v3, v16;
	v8 =	vadd.f32 v8, v9  }
0x336: {  	v9 =	vsub.f32 $1.000000000e+00, v20;
	v16 =	vsub.f32 $1.000000000e+00, v11;
	v17 =	vld [tilespmem:s17+$0x0]  }
0x337: {  	v18 =	vsub.f32 $1.000000000e+00, v12;
	v19 =	vld [tilespmem:s17+$0x10];
	v3 =	vadd.f32 v4, v3  }
0x338: {  	v2 =	vadd.f32 v2, v8;
	v4 =	vld [tilespmem:s17+$0xFFFFFF80];
	v21 =	vsub.f32 $1.000000000e+00, v13;
	v22 =	vmul.f32 v16, v9  }
0x339: {  	v9 =	vmul.f32 v11, v9;
	v8 =	vsub.f32 $1.000000000e+00, v10;
	v23 =	vmul.f32 v10, v18;
	v24 =	vld [tilespmem:s17+$0x20]  }
0x33a: {  	v25 =	vsub.f32 $1.000000000e+00, v15;
	v26 =	vld [tilespmem:s17+$0xFFFFFF90];
	v27 =	vmul.f32 v21, v22;
	v22 =	vmul.f32 v22, v13  }
0x33b: {  	v3 =	vadd.f32 v7, v3;
	v28 =	vmul.f32 v21, v9;
	v18 =	vmul.f32 v8, v18;
	v29 =	vld [tilespmem:s17+$0x30]  }
0x33c: {  	v5 =	vadd.f32 v5, v6;
	v7 =	vld [tilespmem:s17+$0xFFFFFFA0];
	v17 =	vmul.f32 v17, v27;
	v19 =	vmul.f32 v19, v22  }
0x33d: {  	v6 =	vmul.f32 v16, v20;
	v3 =	vadd.f32 v14, v3;
	v30 =	vmul.f32 v25, v18;
	v16 =	vld [tilespmem:s17+$0x40]  }
0x33e: {  	v31 =	vmul.f32 v13, v9;
	v14 =	vld [tilespmem:s17+$0xFFFFFFB0];
	v9 =	vadd.f32 v19, v17;
	v17 =	vmul.f32 v24, v28;
	[tilespmem:s7+$0x80] =	vst v5  }
0x33f: {  	v1 =	vadd.f32 v1, v2;
	v18 =	vmul.f32 v18, v15;
	v4 =	vmul.f32 v4, v30;
	v5 =	vld [tilespmem:s17+$0x50];
	[tilespmem:s7+$0x0] =	vst v3  }
0x340: {  	v19 =	vmul.f32 v21, v6;
	v2 =	vld [tilespmem:s17+$0xFFFFFFC0];
	v3 =	vadd.f32 v17, v9;
	v9 =	vmul.f32 v29, v31  }
0x341: {  	v11 =	vmul.f32 v11, v20;
	v17 =	vmul.f32 v26, v18;
	v20 =	vld [tilespmem:s17+$0x60];
	[tilespmem:s6+$0x0] =	vst v1  }
0x342: {  	v6 =	vmul.f32 v6, v13;
	v1 =	vld [tilespmem:s17+$0xFFFFFFD0];
	v3 =	vadd.f32 v9, v3;
	v9 =	vmul.f32 v16, v19  }
0x343: {  	v16 =	vmul.f32 v25, v23;
	v23 =	vmul.f32 v15, v23;
	v4 =	vadd.f32 v17, v4;
	v17 =	vld [tilespmem:s17+$0x70]  }
0x344: {  	s18 =	sadd.s32 $0x100, s18;
	v21 =	vmul.f32 v21, v11;
	v24 =	vld [tilespmem:s17+$0xFFFFFFE0];
	v3 =	vadd.f32 v9, v3;
	v5 =	vmul.f32 v5, v6  }
0x345: {  	v8 =	vmul.f32 v8, v12;
	v7 =	vmul.f32 v7, v16;
	v9 =	vld [tilespmem:s18+$0x70]  }
0x346: {  	v11 =	vmul.f32 v13, v11;
	v5 =	vadd.f32 v5, v3;
	v13 =	vld [tilespmem:s18+$0x60];
	v20 =	vmul.f32 v20, v21  }
0x347: {  	v14 =	vmul.f32 v14, v23;
	v3 =	vmul.f32 v25, v8;
	v7 =	vadd.f32 v7, v4;
	v26 =	vld [tilespmem:s18+$0x50]  }
0x348: {  	s19 =	sadd.s32 $0x20, s19;
	s22 =	sadd.s32 $0x40, s22;
	v4 =	vmul.f32 v8, v15;
	v29 =	vld [tilespmem:s18+$0x40];
	v5 =	vadd.f32 v20, v5;
	v8 =	vmul.f32 v17, v11  }
0x349: {  	s3 =	sand.u32 $0x60, s19;
	v10 =	vmul.f32 v10, v12;
	s7 =	sadd.s32 $0x10, s19;
	s6 =	sand.u32 $0x300, s22;
	v12 =	vadd.f32 v14, v7;
	v2 =	vmul.f32 v2, v3;
	v14 =	vld [tilespmem:s18+$0x30]  }
0x34a: {  	s25 =	sand.u32 $0x70, s7;
	s6 =	sor.u32 $0xD000, s6;
	v17 =	vmul.f32 v1, v4;
	v20 =	vld [tilespmem:s18+$0x20];
	v1 =	vmul.f32 v9, v11;
	v9 =	vadd.f32 v8, v5  }
0x34b: {  	s7 =	sor.u32 s3, s6;
	s6 =	sor.u32 s25, s6;
	v7 =	vmul.f32 v25, v10;
	v11 =	vadd.f32 v2, v12;
	v12 =	vld [tilespmem:s18+$0x0];
	v2 =	vmul.f32 v13, v21  }
0x34c: {  	v5 =	vmul.f32 v15, v10;
	v13 =	vld [tilespmem:s18+$0x10];
	v8 =	vmul.f32 v26, v6;
	[tilespmem:s6+$0x80] =	vst v9  }
0x34d: {  	v6 =	vadd.f32 v17, v11;
	v11 =	vmul.f32 v24, v7;
	v15 =	vld [tilespmem:s18+$0xFFFFFF80];
	v9 =	vmul.f32 v29, v19  }
0x34e: {  	v17 =	vld [tilespmem:s18+$0xFFFFFF90];
	v10 =	vmul.f32 v14, v31  }
0x34f: {  	v6 =	vadd.f32 v11, v6;
	v14 =	vld [tilespmem:s18+$0xFFFFFFA0];
	v19 =	vmul.f32 v20, v28  }
0x350: {  	v20 =	vld [tilespmem:s18+$0xFFFFFFB0];
	v21 =	vmul.f32 v27, v12  }
.Ltmp8:
0x351: {  	v11 =	vld [tilespmem:s18+$0xFFFFFFC0];
	v22 =	vmul.f32 v13, v22;
	(pc) =	sbr.rel @p0 .LBB2_20-.Ltmp8, $4  }
0x352: {  	v15 =	vmul.f32 v30, v15;
	v12 =	vld [tilespmem:s18+$0xFFFFFFD0]  }
0x353: {  	v18 =	vmul.f32 v17, v18;
	v13 =	vld [tilespmem:s18+$0xFFFFFFE0];
	v21 =	vadd.f32 v22, v21  }
0x354: {  	v17 =	vmul.f32 v14, v16;
	v14 =	vld [tilespmem:s18+$0xFFFFFFF0]  }
0x355: {  	s24 =	sadd.s32 $0x20, s24;
	v18 =	vadd.f32 v18, v15;
	v16 =	vmul.f32 v20, v23;
	v15 =	vld [tilespmem:s17+$0xFFFFFFF0];
	v19 =	vadd.f32 v19, v21  }
0x356: {  	_ = 	snop  }
0x357: {  	v17 =	vadd.f32 v17, v18  }
0x358: {  	v10 =	vadd.f32 v10, v19  }
0x359: {  	v3 =	vmul.f32 v11, v3;
	v61 =	vadd.f32 v16, v17  }
0x35a: {  	v9 =	vadd.f32 v9, v10  }
0x35b: {  	v4 =	vmul.f32 v12, v4;
	v3 =	vadd.f32 v3, v61  }
0x35c: {  	v8 =	vadd.f32 v8, v9  }
0x35d: {  	v7 =	vmul.f32 v13, v7;
	v62 =	vmul.f32 v15, v5;
	v3 =	vadd.f32 v4, v3  }
0x35e: {  	v2 =	vadd.f32 v2, v8  }
0x35f: {  	v63 =	vmul.f32 v14, v5;
	v4 =	vadd.f32 v62, v6;
	v3 =	vadd.f32 v7, v3  }
0x360: {  	v1 =	vadd.f32 v1, v2  }
0x361: {  	s3 =	sor.u32 s23, s9;
	[tilespmem:s7+$0x80] =	vst v4;
	v3 =	vadd.f32 v63, v3  }
0x362: {  	s3 =	sshrl.u32 s3, $0x3;
	[tilespmem:s6+$0x0] =	vst v1  }
0x363: {  	s28 =	simm.s32 $0xD000;
	s25 =	sadd.s32 s4, s3;
	[tilespmem:s7+$0x0] =	vst v3  }
0x364: {  	[hbm4b:s25+s8] =	stream.linear.scatter [tilespmem:s28], [sflag:$0x6], $0x80, $0x38;
	[tilespmem:$0x1D500] =	vst v63  }
0x365: {  	s11 =	simm.s32 $0xD100;
	s17 =	simm.s32 $0xD200;
	s9 =	sadd.s32 $0x10, s25  }
0x366: {  	[hbm4b:s9+s8] =	stream.linear.scatter [tilespmem:s11], [sflag:$0x6], $0x80, $0x38;
	[tilespmem:$0x1D500] =	vst v63  }
0x367: {  	s18 =	simm.s32 $0xD300;
	s19 =	simm.s32 $0xD080;
	s14 =	sadd.s32 $0x20, s25  }
0x368: {  	[hbm4b:s14+s8] =	stream.linear.scatter [tilespmem:s17], [sflag:$0x6], $0x80, $0x38;
	[tilespmem:$0x1D500] =	vst v63  }
0x369: {  	s22 =	simm.s32 $0xD180;
	s3 =	sor.u32 $0x8000, s3;
	s6 =	sadd.s32 $0x30, s25  }
0x36a: {  	[hbm4b:s6+s8] =	stream.linear.scatter [tilespmem:s18], [sflag:$0x6], $0x80, $0x38;
	[tilespmem:$0x1D500] =	vst v63  }
0x36b: {  	s26 =	sadd.s32 $0x1, s26;
	s12 =	sadd.s32 $0x400, s12;
	s3 =	sadd.s32 s4, s3  }
0x36c: {  	[hbm4b:s3+s8] =	stream.linear.scatter [tilespmem:s19], [sflag:$0x6], $0x80, $0x38;
	[tilespmem:$0x1D500] =	vst v63  }
0x36d: {  	s13 =	sadd.s32 $0x400, s13;
	p0 =	sne.s32 s26, $0x7;
	s20 =	sadd.s32 $0x10, s3  }
0x36e: {  	[hbm4b:s20+s8] =	stream.linear.scatter [tilespmem:s22], [sflag:$0x6], $0x80, $0x38;
	[tilespmem:$0x1D500] =	vst v63  }
.Ltmp9:
0x36f: {  	s21 =	sadd.s32 $0x400, s21;
	s0 =	sadd.s32 $0x400, s0;
	(pc) =	sbr.rel @p0 .LBB2_13-.Ltmp9, $4  }
0x370: {  	s2 =	sadd.s32 $0x400, s2;
	s24 =	sadd.s32 $0x20, s3;
	s25 =	simm.s32 $0xD280  }
0x371: {  	[hbm4b:s24+s8] =	stream.linear.scatter [tilespmem:s25], [sflag:$0x6], $0x80, $0x38;
	[tilespmem:$0x1D500] =	vst v63  }
0x372: {  	s5 =	sadd.s32 $0x400, s5;
	s28 =	simm.s32 $0xD380;
	s3 =	sadd.s32 $0x30, s3  }
0x373: {  	[hbm4b:s3+s8] =	stream.linear.scatter [tilespmem:s28], [sflag:$0x6], $0x80, $0x38;
	[tilespmem:$0x1D500] =	vst v63  }
0x374: {  	s3 =	simm.s32 $0x1E10  }
0x375: {  	s0 =	simm.s32 $0x3E10;
	v1 =	vld [tilespmem:s3+$0x0]  }
0x376: {  	s2 =	simm.s32 $0x5E10;
	v2 =	vld [tilespmem:s0+$0x0]  }
0x377: {  	v3 =	vld [tilespmem:s2+$0x0]  }
0x378: {  	v4 =	vld [tilespmem:s0+$0xFFFFFFF0]  }
0x379: {  	v5 =	vld [tilespmem:s2+$0xFFFFFFF0];
	_ =	sdelay $0x2  }
0x37a: {  	v6 =	vmul.f32 v1, v0;
	v2 =	vmul.f32 v2, v0  }
0x37b: {  	v3 =	vmul.f32 v3, v0;
	v4 =	vmul.f32 v4, v0  }
0x37c: {  	v5 =	vmul.f32 v5, v0;
	v1 =	vtrunc.f32 v6  }
0x37d: {  	v7 =	vtrunc.f32 v2;
	v8 =	vcvt.f32.s32 v1  }
0x37e: {  	v11 =	vld [tilespmem:s3+$0xFFFFFFF0];
	v1 =	vtrunc.f32 v3;
	v7 =	vcvt.f32.s32 v7  }
0x37f: {  	v9 =	vcvt.f32.s32 v1;
	v10 =	vcvt.s32.f32 v8  }
0x380: {  	v1 =	vand.u32 $0x7FFFF, v8;
	v12 =	vcvt.s32.f32 v7;
	v7 =	vmul.u32 $0x9E3779B1, v7  }
0x381: {  	v13 =	vmul.u32 $0x30025795, v9;
	v10 =	vsub.f32 v6, v10;
	v6 =	vcvt.s32.f32 v9  }
0x382: {  	v14 =	vsub.f32 v2, v12;
	v9 =	vadd.s32 $0x9E3779B1, v7;
	v2 =	vadd.s32 $0x1, v8  }
0x383: {  	v8 =	vmul.f32 v11, v0;
	v11 =	vtrunc.f32 v5;
	v12 =	vadd.s32 $0x30025795, v13  }
0x384: {  	v2 =	vand.u32 $0x7FFFF, v2;
	v16 =	vcvt.f32.s32 v11;
	v20 =	vxor.u32 v13, v9  }
0x385: {  	v15 =	vsub.f32 v3, v6;
	v3 =	vxor.u32 v9, v12;
	v6 =	vtrunc.f32 v4  }
0x386: {  	v17 =	vxor.u32 v7, v12;
	v11 =	vtrunc.f32 v8;
	v6 =	vcvt.f32.s32 v6  }
0x387: {  	v7 =	vxor.u32 v7, v13;
	v3 =	vand.u32 $0x7FFFF, v3;
	v9 =	vcvt.f32.s32 v11  }
0x388: {  	v18 =	vmul.u32 $0x30025795, v16;
	v12 =	vcvt.s32.f32 v16;
	v13 =	vmul.u32 $0x9E3779B1, v6  }
0x389: {  	s11 =	simm.s32 $0x6610;
	v19 =	vxor.u32 v2, v3;
	v11 =	vcvt.s32.f32 v6;
	v6 =	vand.u32 $0x7FFFF, v17  }
0x38a: {  	s12 =	simm.s32 $0x6810;
	[tilespmem:s11+$0x0] =	vst v10;
	v17 =	vcvt.s32.f32 v9;
	v16 =	vadd.s32 $0x30025795, v18;
	v10 =	vadd.s32 $0x9E3779B1, v13  }
0x38b: {  	s13 =	simm.s32 $0x6A10;
	[tilespmem:s12+$0x0] =	vst v14;
	v14 =	vxor.u32 v13, v16;
	v21 =	vxor.u32 v10, v16;
	v10 =	vxor.u32 v18, v10  }
0x38c: {  	s5 =	simm.s32 $0x7C80;
	[tilespmem:s13+$0x0] =	vst v15;
	v16 =	vxor.u32 v13, v18;
	v18 =	vadd.s32 $0x1, v9;
	v14 =	vand.u32 $0x7FFFF, v14  }
0x38d: {  	s6 =	simm.s32 $0x0;
	s7 =	simm.s32 $0x1E30;
	s9 =	simm.s32 $0x7C80;
	[tilespmem:s5+$0x70] =	vst v19;
	v15 =	vand.u32 $0x7FFFF, v10;
	v13 =	vand.u32 $0x7FFFF, v21;
	v10 =	vand.u32 $0x7FFFF, v20  }
.LBB2_23:
0x38e: {  	v19 =	vld [tilespmem:s7+$0x0];
	v8 =	vsub.f32 v8, v17;
	v16 =	vand.u32 $0x7FFFF, v16;
	v7 =	vand.u32 $0x7FFFF, v7;
	s0 =	sadd.s32 $0x20, s0  }
0x38f: {  	v4 =	vsub.f32 v4, v11;
	v5 =	vsub.f32 v5, v12;
	v11 =	vand.u32 $0x7FFFF, v18;
	s2 =	sadd.s32 $0x20, s2;
	v17 =	vld [tilespmem:s0+$0x0]  }
0x390: {  	s6 =	sadd.s32 $0x2, s6;
	v18 =	vxor.u32 v11, v15;
	v12 =	vld [tilespmem:s2+$0x0];
	[tilespmem:s11+$0xFFFFFFF0] =	vst v8;
	v8 =	vand.u32 $0x7FFFF, v9;
	v9 =	vxor.u32 v11, v14  }
0x391: {  	p0 =	slt.u32 s6, $0x1E;
	v20 =	vld [tilespmem:s0+$0xFFFFFFF0];
	[tilespmem:s12+$0xFFFFFFF0] =	vst v4;
	v4 =	vxor.u32 v8, v14;
	v14 =	vxor.u32 v8, v15;
	v15 =	vxor.u32 v8, v13  }
0x392: {  	v22 =	vxor.u32 v1, v10;
	v21 =	vld [tilespmem:s2+$0xFFFFFFF0];
	[tilespmem:s13+$0xFFFFFFF0] =	vst v5;
	v5 =	vxor.u32 v11, v13;
	v13 =	vxor.u32 v1, v6  }
0x393: {  	v3 =	vxor.u32 v1, v3;
	v10 =	vxor.u32 v2, v10;
	v6 =	vxor.u32 v2, v6;
	v23 =	vld [tilespmem:s7+$0xFFFFFFF0];
	[tilespmem:s5+$0xFFFFFF90] =	vst v4  }
0x394: {  	v24 =	vxor.u32 v8, v16;
	v19 =	vmul.f32 v19, v0;
	v17 =	vmul.f32 v17, v0;
	[tilespmem:s5+$0xFFFFFFA0] =	vst v14  }
0x395: {  	v14 =	vxor.u32 v11, v16;
	v8 =	vmul.f32 v12, v0;
	[tilespmem:s5+$0xFFFFFFB0] =	vst v15;
	v15 =	vxor.u32 v1, v7  }
0x396: {  	v16 =	vxor.u32 v2, v7;
	v1 =	vtrunc.f32 v19;
	v4 =	vtrunc.f32 v17;
	[tilespmem:s5+$0xFFFFFFD0] =	vst v9  }
0x397: {  	v2 =	vcvt.f32.s32 v1;
	v1 =	vtrunc.f32 v8;
	[tilespmem:s5+$0xFFFFFFE0] =	vst v18  }
0x398: {  	v7 =	vcvt.f32.s32 v4;
	v9 =	vcvt.f32.s32 v1;
	[tilespmem:s5+$0xFFFFFFF0] =	vst v5  }
0x399: {  	v4 =	vmul.f32 v20, v0;
	v11 =	vcvt.s32.f32 v2;
	v1 =	vand.u32 $0x7FFFF, v2;
	[tilespmem:s5+$0x10] =	vst v13  }
0x39a: {  	v12 =	vcvt.s32.f32 v7;
	v7 =	vmul.u32 $0x9E3779B1, v7;
	v13 =	vmul.u32 $0x30025795, v9;
	[tilespmem:s5+$0x20] =	vst v22  }
0x39b: {  	v5 =	vmul.f32 v21, v0;
	v11 =	vsub.f32 v19, v11;
	v9 =	vcvt.s32.f32 v9;
	[tilespmem:s5+$0x30] =	vst v3  }
0x39c: {  	s11 =	sadd.s32 $0x20, s11;
	v3 =	vsub.f32 v17, v12;
	v12 =	vadd.s32 $0x9E3779B1, v7;
	v17 =	vadd.s32 $0x30025795, v13;
	[tilespmem:s5+$0x50] =	vst v6  }
0x39d: {  	s12 =	sadd.s32 $0x20, s12;
	v2 =	vadd.s32 $0x1, v2;
	v6 =	vsub.f32 v8, v9;
	[tilespmem:s11+$0x0] =	vst v11;
	v8 =	vxor.u32 v12, v17  }
0x39e: {  	s13 =	sadd.s32 $0x20, s13;
	v2 =	vand.u32 $0x7FFFF, v2;
	v9 =	vtrunc.f32 v4;
	[tilespmem:s12+$0x0] =	vst v3;
	v3 =	vand.u32 $0x7FFFF, v8  }
0x39f: {  	s5 =	sadd.s32 $0x100, s5;
	v11 =	vtrunc.f32 v5;
	v8 =	vmul.f32 v23, v0;
	[tilespmem:s13+$0x0] =	vst v6;
	v6 =	vxor.u32 v2, v3  }
0x3a0: {  	v18 =	vcvt.f32.s32 v9;
	v17 =	vxor.u32 v7, v17;
	v19 =	vcvt.f32.s32 v11;
	[tilespmem:s5+$0x70] =	vst v6  }
0x3a1: {  	v20 =	vxor.u32 v13, v12;
	v7 =	vxor.u32 v7, v13;
	v6 =	vtrunc.f32 v8;
	[tilespmem:s9+$0x60] =	vst v10  }
0x3a2: {  	v13 =	vmul.u32 $0x30025795, v19;
	v9 =	vcvt.f32.s32 v6;
	v10 =	vmul.u32 $0x9E3779B1, v18;
	[tilespmem:s9+$0xFFFFFF80] =	vst v24  }
.Ltmp10:
0x3a3: {  	v11 =	vcvt.s32.f32 v18;
	v12 =	vcvt.s32.f32 v19;
	v6 =	vand.u32 $0x7FFFF, v17;
	[tilespmem:s9+$0xFFFFFFC0] =	vst v14;
	(pc) =	sbr.rel @p0 .LBB2_23-.Ltmp10, $4  }
0x3a4: {  	v18 =	vadd.s32 $0x30025795, v13;
	v17 =	vcvt.s32.f32 v9;
	v14 =	vadd.s32 $0x9E3779B1, v10;
	[tilespmem:s9+$0x0] =	vst v15  }
0x3a5: {  	v15 =	vxor.u32 v10, v18;
	v19 =	vxor.u32 v13, v14;
	v21 =	vxor.u32 v14, v18;
	[tilespmem:s9+$0x40] =	vst v16;
	s9 =	smov.u32 s5  }
0x3a6: {  	v18 =	vadd.s32 $0x1, v9;
	v16 =	vxor.u32 v10, v13;
	v14 =	vand.u32 $0x7FFFF, v15  }
0x3a7: {  	s7 =	sadd.s32 $0x20, s7;
	v15 =	vand.u32 $0x7FFFF, v19;
	v13 =	vand.u32 $0x7FFFF, v21;
	v10 =	vand.u32 $0x7FFFF, v20  }
0x3a8: {  	v0 =	vsub.f32 v8, v17;
	v3 =	vxor.u32 v1, v3  }
0x3a9: {  	v4 =	vsub.f32 v4, v11;
	[tilespmem:s5+$0x30] =	vst v3  }
0x3aa: {  	v5 =	vsub.f32 v5, v12;
	[tilespmem:s11+$0xFFFFFFF0] =	vst v0  }
0x3ab: {  	v0 =	vand.u32 $0x7FFFF, v9;
	[tilespmem:s12+$0xFFFFFFF0] =	vst v4  }
0x3ac: {  	v4 =	vxor.u32 v0, v14;
	[tilespmem:s13+$0xFFFFFFF0] =	vst v5  }
0x3ad: {  	v5 =	vxor.u32 v0, v15;
	[tilespmem:s5+$0xFFFFFF90] =	vst v4  }
0x3ae: {  	v8 =	vxor.u32 v0, v13;
	v4 =	vand.u32 $0x7FFFF, v18;
	[tilespmem:s5+$0xFFFFFFA0] =	vst v5  }
0x3af: {  	[tilespmem:s5+$0xFFFFFFB0] =	vst v8;
	v5 =	vxor.u32 v4, v14  }
0x3b0: {  	v8 =	vxor.u32 v4, v15;
	[tilespmem:s5+$0xFFFFFFD0] =	vst v5  }
0x3b1: {  	v5 =	vxor.u32 v4, v13;
	[tilespmem:s5+$0xFFFFFFE0] =	vst v8  }
0x3b2: {  	v8 =	vxor.u32 v1, v6;
	[tilespmem:s5+$0xFFFFFFF0] =	vst v5  }
0x3b3: {  	v3 =	vand.u32 $0x7FFFF, v16;
	v5 =	vxor.u32 v1, v10;
	[tilespmem:s5+$0x10] =	vst v8  }
0x3b4: {  	v0 =	vxor.u32 v0, v3;
	[tilespmem:s5+$0x20] =	vst v5  }
0x3b5: {  	v3 =	vxor.u32 v4, v3;
	[tilespmem:s9+$0xFFFFFF80] =	vst v0  }
0x3b6: {  	v5 =	vxor.u32 v2, v6;
	[tilespmem:s9+$0xFFFFFFC0] =	vst v3  }
0x3b7: {  	v6 =	vxor.u32 v2, v10;
	[tilespmem:s5+$0x50] =	vst v5;
	v5 =	vand.u32 $0x7FFFF, v7  }
0x3b8: {  	[tilespmem:s9+$0x60] =	vst v6;
	v0 =	vxor.u32 v1, v5  }
0x3b9: {  	v1 =	vxor.u32 v2, v5;
	[tilespmem:s9+$0x0] =	vst v0  }
0x3ba: {  	s2 =	simm.s32 $0x7C00;
	s0 =	simm.s32 $0xAC00;
	[tilespmem:s9+$0x40] =	vst v1  }
0x3bb: {  	[tilespmem:s0], [sflag:$0x3] =	stream.indirect.gather [spmem:s30], $0x1, s2, s29, $0xb8;
	[tilespmem:$0x1D500] =	vst v63  }
0x3bc: {  	s24 =	rddreg [dreg:$0x8];
	s3 =	simm.s32 $0xBC00;
	s25 =	simm.s32 $0x1  }
0x3bd: {  	[tilespmem:s3], [sflag:$0x4] =	stream.indirect.gather [spmem:s24], $0x1, s2, s29, $0xb8;
	[tilespmem:$0x1D500] =	vst v63  }
0x3be: {  	_ =	swait.ge [sflag:s25], $0x1000  }
0x3bf: {  	[sflag:s25] =	ssyncset.done $0x0  }
0x3c0: {  	[sflag:s25] =	ssyncadd.s32 $0xFFFFF000  }
0x3c1: {  	_ =	swait.ge [sflag:s10], $0x1000  }
0x3c2: {  	[sflag:s10] =	ssyncset.done $0x0  }
0x3c3: {  	[sflag:s10] =	ssyncadd.s32 $0xFFFFF000  }
0x3c4: {  	_ =	swait.ge [sflag:s31], $0x200  }
0x3c5: {  	[sflag:s31] =	ssyncset.done $0x0  }
0x3c6: {  	[sflag:s31] =	ssyncadd.s32 $0xFFFFFE00  }
0x3c7: {  	_ =	swait.ge [sflag:s31], $0x200  }
0x3c8: {  	[sflag:s31] =	ssyncset.done $0x0  }
0x3c9: {  	s26 =	simm.s32 $0x6010;
	[sflag:s31] =	ssyncadd.s32 $0xFFFFFE00  }
0x3ca: {  	s0 =	simm.s32 $0x6210;
	v0 =	vld [tilespmem:s26+$0x0]  }
0x3cb: {  	v1 =	vld [tilespmem:s0+$0x0]  }
0x3cc: {  	s2 =	simm.s32 $0x6410;
	v4 =	vld [tilespmem:s26+$0xFFFFFFF0]  }
0x3cd: {  	v2 =	vld [tilespmem:s2+$0x0]  }
0x3ce: {  	v5 =	vld [tilespmem:s0+$0xFFFFFFF0]  }
0x3cf: {  	s5 =	simm.s32 $0x9C80;
	v7 =	vld [tilespmem:s2+$0xFFFFFFF0]  }
0x3d0: {  	v3 =	vld [tilespmem:s5+$0x0]  }
0x3d1: {  	v6 =	vld [tilespmem:s5+$0x10]  }
0x3d2: {  	v8 =	vld [tilespmem:s5+$0xFFFFFF80]  }
0x3d3: {  	v11 =	vld [tilespmem:s5+$0x20];
	v9 =	vsub.f32 $1.000000000e+00, v0  }
0x3d4: {  	v13 =	vld [tilespmem:s5+$0xFFFFFF90];
	v10 =	vsub.f32 $1.000000000e+00, v1;
	v12 =	vsub.f32 $1.000000000e+00, v4  }
0x3d5: {  	v16 =	vld [tilespmem:s5+$0x30];
	v17 =	vsub.f32 $1.000000000e+00, v5  }
0x3d6: {  	v19 =	vld [tilespmem:s5+$0xFFFFFFA0];
	v15 =	vmul.f32 v10, v9;
	v18 =	vmul.f32 v5, v12  }
0x3d7: {  	v21 =	vld [tilespmem:s5+$0x40];
	v9 =	vmul.f32 v1, v9;
	v12 =	vmul.f32 v17, v12  }
0x3d8: {  	v23 =	vld [tilespmem:s5+$0xFFFFFFB0];
	v14 =	vsub.f32 $1.000000000e+00, v2;
	v10 =	vmul.f32 v10, v0;
	v0 =	vmul.f32 v1, v0  }
0x3d9: {  	v25 =	vld [tilespmem:s5+$0x50];
	v22 =	vsub.f32 $1.000000000e+00, v7;
	v17 =	vmul.f32 v17, v4;
	v4 =	vmul.f32 v5, v4  }
0x3da: {  	v27 =	vld [tilespmem:s5+$0xFFFFFFC0];
	v20 =	vmul.f32 v14, v15;
	v15 =	vmul.f32 v15, v2  }
0x3db: {  	v28 =	vld [tilespmem:s5+$0x60];
	v24 =	vmul.f32 v14, v9;
	v26 =	vmul.f32 v22, v12  }
0x3dc: {  	v29 =	vld [tilespmem:s5+$0xFFFFFFD0];
	v9 =	vmul.f32 v2, v9;
	v12 =	vmul.f32 v12, v7  }
0x3dd: {  	s9 =	simm.s32 $0x8C80;
	v31 =	vld [tilespmem:s5+$0x70];
	v3 =	vmul.f32 v3, v20;
	v6 =	vmul.f32 v6, v15  }
0x3de: {  	v5 =	vld [tilespmem:s9+$0x10];
	v30 =	vmul.f32 v14, v10;
	v10 =	vmul.f32 v10, v2  }
0x3df: {  	v32 =	vld [tilespmem:s5+$0xFFFFFFE0];
	v56 =	vmul.f32 v22, v18;
	v11 =	vmul.f32 v11, v24;
	v3 =	vadd.f32 v6, v3  }
0x3e0: {  	v33 =	vld [tilespmem:s9+$0x60];
	v18 =	vmul.f32 v7, v18;
	v8 =	vmul.f32 v8, v26  }
0x3e1: {  	v58 =	vld [tilespmem:s9+$0xFFFFFF80];
	v16 =	vmul.f32 v16, v9;
	v13 =	vmul.f32 v13, v12;
	v3 =	vadd.f32 v11, v3  }
0x3e2: {  	v34 =	vld [tilespmem:s9+$0x40];
	v25 =	vmul.f32 v25, v10;
	v23 =	vmul.f32 v23, v18  }
0x3e3: {  	v1 =	vld [tilespmem:s9+$0x70];
	v5 =	vmul.f32 v5, v15;
	v6 =	vmul.f32 v21, v30;
	v3 =	vadd.f32 v16, v3  }
0x3e4: {  	v57 =	vld [tilespmem:s9+$0x20];
	v8 =	vadd.f32 v13, v8;
	v11 =	vmul.f32 v14, v0;
	v16 =	vmul.f32 v19, v56  }
0x3e5: {  	v14 =	vld [tilespmem:s9+$0x50];
	v0 =	vmul.f32 v2, v0;
	v2 =	vmul.f32 v22, v17;
	v6 =	vadd.f32 v6, v3  }
0x3e6: {  	v15 =	vmul.f32 v26, v58;
	v3 =	vmul.f32 v17, v7;
	v17 =	vld [tilespmem:s9+$0x0];
	v8 =	vadd.f32 v16, v8  }
0x3e7: {  	v19 =	vld [tilespmem:s9+$0x30];
	v13 =	vmul.f32 v28, v11;
	v27 =	vmul.f32 v27, v2;
	v25 =	vadd.f32 v25, v6  }
0x3e8: {  	v59 =	vld [tilespmem:s9+$0xFFFFFF90];
	v16 =	vmul.f32 v31, v0;
	v0 =	vmul.f32 v1, v0;
	v8 =	vadd.f32 v23, v8  }
0x3e9: {  	v60 =	vld [tilespmem:s9+$0xFFFFFFA0];
	v1 =	vmul.f32 v33, v11;
	v6 =	vmul.f32 v22, v4;
	v11 =	vadd.f32 v13, v25  }
0x3ea: {  	s11 =	simm.s32 $0x0;
	v61 =	vld [tilespmem:s9+$0xFFFFFFB0];
	v4 =	vmul.f32 v7, v4;
	v13 =	vmul.f32 v29, v3;
	v8 =	vadd.f32 v27, v8  }
0x3eb: {  	s6 =	simm.s32 $0x10;
	s28 =	sand.u32 $0x300, s11;
	v7 =	vmul.f32 v14, v10;
	v10 =	vld [tilespmem:s9+$0xFFFFFFC0];
	v62 =	vadd.f32 v16, v11;
	v16 =	vmul.f32 v20, v17  }
0x3ec: {  	s6 =	sand.u32 $0x70, s6;
	s3 =	sor.u32 $0xCC00, s28;
	v9 =	vmul.f32 v19, v9;
	v14 =	vmul.f32 v32, v6;
	v13 =	vadd.f32 v13, v8;
	v11 =	vld [tilespmem:s9+$0xFFFFFFD0]  }
0x3ed: {  	s6 =	sor.u32 s6, s3;
	v20 =	vmul.f32 v57, v24;
	v17 =	vmul.f32 v59, v12;
	v12 =	vld [tilespmem:s9+$0xFFFFFFE0];
	v63 =	vadd.f32 v5, v16  }
0x3ee: {  	s14 =	simm.s32 $0x0;
	s12 =	simm.s32 $0x0;
	s7 =	sand.u32 $0x60, s11;
	v8 =	vmul.f32 v34, v30;
	v5 =	vadd.f32 v14, v13;
	v16 =	vmul.f32 v60, v56;
	v13 =	vld [tilespmem:s9+$0xFFFFFFF0];
	[tilespmem:s6+$0x80] =	vst v62  }
0x3ef: {  	s13 =	simm.s32 $0x6030;
	s7 =	sor.u32 s7, s3;
	v17 =	vadd.f32 v17, v15;
	v15 =	vmul.f32 v61, v18;
	v14 =	vld [tilespmem:s5+$0xFFFFFFF0];
	s18 =	rddreg [dreg:$0x1b];
	v18 =	vadd.f32 v20, v63  }
.LBB2_25:
0x3f0: {  	v19 =	vld [tilespmem:s13+$0x0];
	v2 =	vmul.f32 v10, v2;
	s0 =	sadd.s32 $0x20, s0  }
0x3f1: {  	s12 =	sadd.s32 $0x2, s12;
	v10 =	vld [tilespmem:s0+$0x0];
	v16 =	vadd.f32 v16, v17;
	v3 =	vmul.f32 v11, v3;
	v9 =	vadd.f32 v9, v18  }
0x3f2: {  	s2 =	sadd.s32 $0x20, s2;
	p0 =	slt.u32 s12, $0x1E;
	v11 =	vld [tilespmem:s13+$0xFFFFFFF0];
	v6 =	vmul.f32 v12, v6  }
0x3f3: {  	v12 =	vld [tilespmem:s2+$0x0];
	v15 =	vadd.f32 v15, v16;
	v13 =	vmul.f32 v13, v4;
	v8 =	vadd.f32 v8, v9  }
0x3f4: {  	v9 =	vld [tilespmem:s0+$0xFFFFFFF0];
	v4 =	vmul.f32 v14, v4  }
0x3f5: {  	s5 =	sadd.s32 $0x100, s5;
	v14 =	vld [tilespmem:s2+$0xFFFFFFF0];
	v2 =	vadd.f32 v2, v15;
	v7 =	vadd.f32 v7, v8  }
0x3f6: {  	v8 =	vsub.f32 $1.000000000e+00, v19;
	v15 =	vsub.f32 $1.000000000e+00, v10;
	v16 =	vld [tilespmem:s5+$0x0]  }
0x3f7: {  	v17 =	vsub.f32 $1.000000000e+00, v11;
	v18 =	vld [tilespmem:s5+$0x10];
	v2 =	vadd.f32 v3, v2  }
0x3f8: {  	v1 =	vadd.f32 v1, v7;
	v3 =	vld [tilespmem:s5+$0xFFFFFF80];
	v20 =	vsub.f32 $1.000000000e+00, v12;
	v21 =	vmul.f32 v15, v8  }
0x3f9: {  	v8 =	vmul.f32 v10, v8;
	v7 =	vsub.f32 $1.000000000e+00, v9;
	v22 =	vmul.f32 v9, v17;
	v23 =	vld [tilespmem:s5+$0x20]  }
0x3fa: {  	v24 =	vsub.f32 $1.000000000e+00, v14;
	v25 =	vld [tilespmem:s5+$0xFFFFFF90];
	v26 =	vmul.f32 v20, v21;
	v21 =	vmul.f32 v21, v12  }
0x3fb: {  	v2 =	vadd.f32 v6, v2;
	v27 =	vmul.f32 v20, v8;
	v17 =	vmul.f32 v7, v17;
	v28 =	vld [tilespmem:s5+$0x30]  }
0x3fc: {  	v4 =	vadd.f32 v4, v5;
	v6 =	vld [tilespmem:s5+$0xFFFFFFA0];
	v16 =	vmul.f32 v16, v26;
	v18 =	vmul.f32 v18, v21  }
0x3fd: {  	v5 =	vmul.f32 v15, v19;
	v2 =	vadd.f32 v13, v2;
	v29 =	vmul.f32 v24, v17;
	v15 =	vld [tilespmem:s5+$0x40]  }
0x3fe: {  	v30 =	vmul.f32 v12, v8;
	v13 =	vld [tilespmem:s5+$0xFFFFFFB0];
	v8 =	vadd.f32 v18, v16;
	v16 =	vmul.f32 v23, v27;
	[tilespmem:s7+$0x80] =	vst v4  }
0x3ff: {  	v0 =	vadd.f32 v0, v1;
	v17 =	vmul.f32 v17, v14;
	v3 =	vmul.f32 v3, v29;
	v4 =	vld [tilespmem:s5+$0x50];
	[tilespmem:s7+$0x0] =	vst v2  }
0x400: {  	v18 =	vmul.f32 v20, v5;
	v1 =	vld [tilespmem:s5+$0xFFFFFFC0];
	v2 =	vadd.f32 v16, v8;
	v8 =	vmul.f32 v28, v30  }
0x401: {  	v10 =	vmul.f32 v10, v19;
	v16 =	vmul.f32 v25, v17;
	v19 =	vld [tilespmem:s5+$0x60];
	[tilespmem:s6+$0x0] =	vst v0  }
0x402: {  	v5 =	vmul.f32 v5, v12;
	v0 =	vld [tilespmem:s5+$0xFFFFFFD0];
	v2 =	vadd.f32 v8, v2;
	v8 =	vmul.f32 v15, v18  }
0x403: {  	v15 =	vmul.f32 v24, v22;
	v22 =	vmul.f32 v14, v22;
	v3 =	vadd.f32 v16, v3;
	v16 =	vld [tilespmem:s5+$0x70]  }
0x404: {  	s9 =	sadd.s32 $0x100, s9;
	v20 =	vmul.f32 v20, v10;
	v23 =	vld [tilespmem:s5+$0xFFFFFFE0];
	v2 =	vadd.f32 v8, v2;
	v4 =	vmul.f32 v4, v5  }
0x405: {  	v7 =	vmul.f32 v7, v11;
	v6 =	vmul.f32 v6, v15;
	v8 =	vld [tilespmem:s9+$0x70]  }
0x406: {  	v10 =	vmul.f32 v12, v10;
	v4 =	vadd.f32 v4, v2;
	v12 =	vld [tilespmem:s9+$0x60];
	v19 =	vmul.f32 v19, v20  }
0x407: {  	v13 =	vmul.f32 v13, v22;
	v2 =	vmul.f32 v24, v7;
	v6 =	vadd.f32 v6, v3;
	v25 =	vld [tilespmem:s9+$0x50]  }
0x408: {  	s11 =	sadd.s32 $0x20, s11;
	s14 =	sadd.s32 $0x40, s14;
	v3 =	vmul.f32 v7, v14;
	v28 =	vld [tilespmem:s9+$0x40];
	v4 =	vadd.f32 v19, v4;
	v7 =	vmul.f32 v16, v10  }
0x409: {  	s3 =	sand.u32 $0x60, s11;
	v9 =	vmul.f32 v9, v11;
	s7 =	sadd.s32 $0x10, s11;
	s6 =	sand.u32 $0x300, s14;
	v11 =	vadd.f32 v13, v6;
	v1 =	vmul.f32 v1, v2;
	v13 =	vld [tilespmem:s9+$0x30]  }
0x40a: {  	s17 =	sand.u32 $0x70, s7;
	s6 =	sor.u32 $0xCC00, s6;
	v16 =	vmul.f32 v0, v3;
	v19 =	vld [tilespmem:s9+$0x20];
	v0 =	vmul.f32 v8, v10;
	v8 =	vadd.f32 v7, v4  }
0x40b: {  	s7 =	sor.u32 s3, s6;
	s6 =	sor.u32 s17, s6;
	v6 =	vmul.f32 v24, v9;
	v10 =	vadd.f32 v1, v11;
	v11 =	vld [tilespmem:s9+$0x0];
	v1 =	vmul.f32 v12, v20  }
0x40c: {  	v4 =	vmul.f32 v14, v9;
	v12 =	vld [tilespmem:s9+$0x10];
	v7 =	vmul.f32 v25, v5;
	[tilespmem:s6+$0x80] =	vst v8  }
0x40d: {  	v5 =	vadd.f32 v16, v10;
	v10 =	vmul.f32 v23, v6;
	v14 =	vld [tilespmem:s9+$0xFFFFFF80];
	v8 =	vmul.f32 v28, v18  }
0x40e: {  	v16 =	vld [tilespmem:s9+$0xFFFFFF90];
	v9 =	vmul.f32 v13, v30  }
0x40f: {  	v5 =	vadd.f32 v10, v5;
	v13 =	vld [tilespmem:s9+$0xFFFFFFA0];
	v18 =	vmul.f32 v19, v27  }
0x410: {  	v19 =	vld [tilespmem:s9+$0xFFFFFFB0];
	v20 =	vmul.f32 v26, v11  }
.Ltmp11:
0x411: {  	v10 =	vld [tilespmem:s9+$0xFFFFFFC0];
	v21 =	vmul.f32 v12, v21;
	(pc) =	sbr.rel @p0 .LBB2_25-.Ltmp11, $4  }
0x412: {  	v14 =	vmul.f32 v29, v14;
	v11 =	vld [tilespmem:s9+$0xFFFFFFD0]  }
0x413: {  	v17 =	vmul.f32 v16, v17;
	v12 =	vld [tilespmem:s9+$0xFFFFFFE0];
	v20 =	vadd.f32 v21, v20  }
0x414: {  	v16 =	vmul.f32 v13, v15;
	v13 =	vld [tilespmem:s9+$0xFFFFFFF0]  }
0x415: {  	s13 =	sadd.s32 $0x20, s13;
	v17 =	vadd.f32 v17, v14;
	v15 =	vmul.f32 v19, v22;
	v14 =	vld [tilespmem:s5+$0xFFFFFFF0];
	v18 =	vadd.f32 v18, v20  }
0x416: {  	_ = 	snop  }
0x417: {  	v16 =	vadd.f32 v16, v17  }
0x418: {  	v9 =	vadd.f32 v9, v18  }
0x419: {  	v2 =	vmul.f32 v10, v2;
	v10 =	vadd.f32 v15, v16  }
0x41a: {  	v8 =	vadd.f32 v8, v9  }
0x41b: {  	v3 =	vmul.f32 v11, v3;
	v2 =	vadd.f32 v2, v10  }
0x41c: {  	v7 =	vadd.f32 v7, v8  }
0x41d: {  	v6 =	vmul.f32 v12, v6;
	v2 =	vadd.f32 v3, v2;
	v3 =	vmul.f32 v14, v4  }
0x41e: {  	v1 =	vadd.f32 v1, v7  }
0x41f: {  	v4 =	vmul.f32 v13, v4;
	v2 =	vadd.f32 v6, v2;
	v3 =	vadd.f32 v3, v5  }
0x420: {  	v0 =	vadd.f32 v0, v1  }
0x421: {  	v2 =	vadd.f32 v4, v2;
	[tilespmem:s7+$0x80] =	vst v3  }
0x422: {  	[tilespmem:s6+$0x0] =	vst v0  }
0x423: {  	[tilespmem:s7+$0x0] =	vst v2  }
0x424: {  	s0 =	rddreg [dreg:$0x12]  }
0x425: {  	s3 =	simm.s32 $0xCC00;
	s2 =	sadd.s32 s18, s0;
	s0 =	simm.s32 $0x0  }
0x426: {  	[hbm4b:s2+s0] =	stream.linear.scatter [tilespmem:s3], [sflag:$0x5], $0x80, $0x38;
	[tilespmem:$0x1D500] =	vst v63  }
0x427: {  	s5 =	simm.s32 $0xCD00;
	s9 =	sadd.s32 $0x10, s2  }
0x428: {  	[hbm4b:s9+s0] =	stream.linear.scatter [tilespmem:s5], [sflag:$0x5], $0x80, $0x38;
	[tilespmem:$0x1D500] =	vst v63  }
0x429: {  	s12 =	simm.s32 $0xCE00;
	s11 =	sadd.s32 $0x20, s2  }
0x42a: {  	[hbm4b:s11+s0] =	stream.linear.scatter [tilespmem:s12], [sflag:$0x5], $0x80, $0x38;
	[tilespmem:$0x1D500] =	vst v63  }
0x42b: {  	s13 =	simm.s32 $0xCF00;
	s14 =	rddreg [dreg:$0x13];
	s2 =	sadd.s32 $0x30, s2  }
0x42c: {  	[hbm4b:s2+s0] =	stream.linear.scatter [tilespmem:s13], [sflag:$0x5], $0x80, $0x38;
	[tilespmem:$0x1D500] =	vst v63  }
0x42d: {  	s17 =	simm.s32 $0xCC80;
	s2 =	sadd.s32 s18, s14  }
0x42e: {  	[hbm4b:s2+s0] =	stream.linear.scatter [tilespmem:s17], [sflag:$0x5], $0x80, $0x38;
	[tilespmem:$0x1D500] =	vst v63  }
0x42f: {  	s20 =	simm.s32 $0xCD80;
	s19 =	sadd.s32 $0x10, s2  }
0x430: {  	[hbm4b:s19+s0] =	stream.linear.scatter [tilespmem:s20], [sflag:$0x5], $0x80, $0x38;
	[tilespmem:$0x1D500] =	vst v63  }
0x431: {  	s22 =	simm.s32 $0xCE80;
	s21 =	sadd.s32 $0x20, s2  }
0x432: {  	[hbm4b:s21+s0] =	stream.linear.scatter [tilespmem:s22], [sflag:$0x5], $0x80, $0x38;
	[tilespmem:$0x1D500] =	vst v63  }
0x433: {  	s23 =	simm.s32 $0xCF80;
	s2 =	sadd.s32 $0x30, s2  }
0x434: {  	[hbm4b:s2+s0] =	stream.linear.scatter [tilespmem:s23], [sflag:$0x5], $0x80, $0x38;
	[tilespmem:$0x1D500] =	vst v63  }
0x435: {  	_ =	swait.ge [sflag:s15], $0x1000  }
0x436: {  	[sflag:s15] =	ssyncset.done $0x0  }
0x437: {  	[sflag:s15] =	ssyncadd.s32 $0xFFFFF000  }
0x438: {  	_ =	swait.ge [sflag:s16], $0x1000  }
0x439: {  	[sflag:s16] =	ssyncset.done $0x0  }
0x43a: {  	[sflag:s16] =	ssyncadd.s32 $0xFFFFF000  }
0x43b: {  	_ =	swait.ge [sflag:s1], $0x200  }
0x43c: {  	[sflag:s1] =	ssyncset.done $0x0  }
0x43d: {  	[sflag:s1] =	ssyncadd.s32 $0xFFFFFE00  }
0x43e: {  	_ =	swait.ge [sflag:s1], $0x200  }
0x43f: {  	[sflag:s1] =	ssyncset.done $0x0  }
0x440: {  	s24 =	simm.s32 $0x6610;
	[sflag:s1] =	ssyncadd.s32 $0xFFFFFE00  }
0x441: {  	s2 =	simm.s32 $0x6810;
	v0 =	vld [tilespmem:s24+$0x0]  }
0x442: {  	v1 =	vld [tilespmem:s2+$0x0]  }
0x443: {  	s5 =	simm.s32 $0x6A10;
	v4 =	vld [tilespmem:s24+$0xFFFFFFF0]  }
0x444: {  	v2 =	vld [tilespmem:s5+$0x0]  }
0x445: {  	v5 =	vld [tilespmem:s2+$0xFFFFFFF0]  }
0x446: {  	s9 =	simm.s32 $0xBC80;
	v7 =	vld [tilespmem:s5+$0xFFFFFFF0]  }
0x447: {  	v3 =	vld [tilespmem:s9+$0x0]  }
0x448: {  	v6 =	vld [tilespmem:s9+$0x10]  }
0x449: {  	v8 =	vld [tilespmem:s9+$0xFFFFFF80]  }
0x44a: {  	v11 =	vld [tilespmem:s9+$0x20];
	v9 =	vsub.f32 $1.000000000e+00, v0  }
0x44b: {  	v13 =	vld [tilespmem:s9+$0xFFFFFF90];
	v10 =	vsub.f32 $1.000000000e+00, v1;
	v12 =	vsub.f32 $1.000000000e+00, v4  }
0x44c: {  	v16 =	vld [tilespmem:s9+$0x30];
	v17 =	vsub.f32 $1.000000000e+00, v5  }
0x44d: {  	v19 =	vld [tilespmem:s9+$0xFFFFFFA0];
	v15 =	vmul.f32 v10, v9;
	v18 =	vmul.f32 v5, v12  }
0x44e: {  	v21 =	vld [tilespmem:s9+$0x40];
	v9 =	vmul.f32 v1, v9;
	v12 =	vmul.f32 v17, v12  }
0x44f: {  	v23 =	vld [tilespmem:s9+$0xFFFFFFB0];
	v14 =	vsub.f32 $1.000000000e+00, v2;
	v10 =	vmul.f32 v10, v0;
	v0 =	vmul.f32 v1, v0  }
0x450: {  	v25 =	vld [tilespmem:s9+$0x50];
	v22 =	vsub.f32 $1.000000000e+00, v7;
	v17 =	vmul.f32 v17, v4;
	v4 =	vmul.f32 v5, v4  }
0x451: {  	v27 =	vld [tilespmem:s9+$0xFFFFFFC0];
	v20 =	vmul.f32 v14, v15;
	v15 =	vmul.f32 v15, v2  }
0x452: {  	v28 =	vld [tilespmem:s9+$0x60];
	v24 =	vmul.f32 v14, v9;
	v26 =	vmul.f32 v22, v12  }
0x453: {  	v29 =	vld [tilespmem:s9+$0xFFFFFFD0];
	v9 =	vmul.f32 v2, v9;
	v12 =	vmul.f32 v12, v7  }
0x454: {  	s11 =	simm.s32 $0xAC80;
	v31 =	vld [tilespmem:s9+$0x70];
	v3 =	vmul.f32 v3, v20;
	v6 =	vmul.f32 v6, v15  }
0x455: {  	v56 =	vld [tilespmem:s11+$0x10];
	v30 =	vmul.f32 v14, v10;
	v10 =	vmul.f32 v10, v2  }
0x456: {  	v32 =	vld [tilespmem:s9+$0xFFFFFFE0];
	v54 =	vmul.f32 v22, v18;
	v11 =	vmul.f32 v11, v24;
	v3 =	vadd.f32 v6, v3  }
0x457: {  	v33 =	vld [tilespmem:s11+$0x60];
	v18 =	vmul.f32 v7, v18;
	v8 =	vmul.f32 v8, v26  }
0x458: {  	v34 =	vld [tilespmem:s11+$0x40];
	v16 =	vmul.f32 v16, v9;
	v13 =	vmul.f32 v13, v12;
	v3 =	vadd.f32 v11, v3  }
0x459: {  	v55 =	vld [tilespmem:s11+$0x20];
	v25 =	vmul.f32 v25, v10;
	v23 =	vmul.f32 v23, v18  }
0x45a: {  	v1 =	vld [tilespmem:s11+$0x70];
	v15 =	vmul.f32 v56, v15;
	v6 =	vmul.f32 v21, v30;
	v3 =	vadd.f32 v16, v3  }
0x45b: {  	v59 =	vld [tilespmem:s11+$0xFFFFFF90];
	v8 =	vadd.f32 v13, v8;
	v11 =	vmul.f32 v14, v0;
	v16 =	vmul.f32 v19, v54  }
0x45c: {  	v14 =	vld [tilespmem:s11+$0x50];
	v0 =	vmul.f32 v2, v0;
	v2 =	vmul.f32 v22, v17;
	v6 =	vadd.f32 v6, v3  }
0x45d: {  	v13 =	vmul.f32 v28, v11;
	v3 =	vmul.f32 v17, v7;
	v17 =	vld [tilespmem:s11+$0x0];
	v8 =	vadd.f32 v16, v8  }
0x45e: {  	v19 =	vld [tilespmem:s11+$0x30];
	v57 =	vmul.f32 v27, v2;
	v16 =	vmul.f32 v31, v0;
	v5 =	vadd.f32 v25, v6  }
0x45f: {  	v58 =	vld [tilespmem:s11+$0xFFFFFF80];
	v0 =	vmul.f32 v1, v0;
	v1 =	vmul.f32 v33, v11;
	v8 =	vadd.f32 v23, v8  }
0x460: {  	v60 =	vld [tilespmem:s11+$0xFFFFFFA0];
	v6 =	vmul.f32 v22, v4;
	v22 =	vmul.f32 v59, v12;
	v11 =	vadd.f32 v13, v5  }
0x461: {  	v61 =	vld [tilespmem:s11+$0xFFFFFFB0];
	v13 =	vmul.f32 v29, v3;
	v5 =	vmul.f32 v7, v4;
	v4 =	vadd.f32 v57, v8  }
0x462: {  	v7 =	vmul.f32 v14, v10;
	v10 =	vld [tilespmem:s11+$0xFFFFFFC0];
	v62 =	vadd.f32 v16, v11;
	v16 =	vmul.f32 v20, v17  }
0x463: {  	s26 =	simm.s32 $0x10;
	s25 =	sand.u32 $0x300, s0;
	v9 =	vmul.f32 v19, v9;
	v14 =	vmul.f32 v32, v6;
	v4 =	vadd.f32 v13, v4;
	v11 =	vld [tilespmem:s11+$0xFFFFFFD0]  }
0x464: {  	s6 =	sand.u32 $0x70, s26;
	s28 =	sand.u32 $0x60, s0;
	s3 =	sor.u32 $0xD000, s25;
	v12 =	vld [tilespmem:s11+$0xFFFFFFE0];
	v20 =	vmul.f32 v55, v24;
	v17 =	vmul.f32 v26, v58;
	v63 =	vadd.f32 v15, v16  }
0x465: {  	s6 =	sor.u32 s6, s3;
	s7 =	sor.u32 s28, s3;
	v8 =	vmul.f32 v34, v30;
	v13 =	vld [tilespmem:s11+$0xFFFFFFF0];
	v4 =	vadd.f32 v14, v4;
	v16 =	vmul.f32 v60, v54  }
0x466: {  	s12 =	simm.s32 $0x0;
	s13 =	simm.s32 $0x6630;
	s14 =	simm.s32 $0x0;
	[tilespmem:s6+$0x80] =	vst v62;
	v17 =	vadd.f32 v22, v17;
	v15 =	vmul.f32 v61, v18;
	v14 =	vld [tilespmem:s9+$0xFFFFFFF0];
	v18 =	vadd.f32 v20, v63  }
.LBB2_27:
0x467: {  	v19 =	vld [tilespmem:s13+$0x0];
	v2 =	vmul.f32 v10, v2;
	s2 =	sadd.s32 $0x20, s2  }
0x468: {  	s12 =	sadd.s32 $0x2, s12;
	v10 =	vld [tilespmem:s2+$0x0];
	v16 =	vadd.f32 v16, v17;
	v3 =	vmul.f32 v11, v3;
	v9 =	vadd.f32 v9, v18  }
0x469: {  	s5 =	sadd.s32 $0x20, s5;
	p0 =	slt.u32 s12, $0x1E;
	v11 =	vld [tilespmem:s13+$0xFFFFFFF0];
	v6 =	vmul.f32 v12, v6  }
0x46a: {  	v12 =	vld [tilespmem:s5+$0x0];
	v15 =	vadd.f32 v15, v16;
	v13 =	vmul.f32 v13, v5;
	v8 =	vadd.f32 v8, v9  }
0x46b: {  	v9 =	vld [tilespmem:s2+$0xFFFFFFF0];
	v5 =	vmul.f32 v14, v5  }
0x46c: {  	s9 =	sadd.s32 $0x100, s9;
	v14 =	vld [tilespmem:s5+$0xFFFFFFF0];
	v2 =	vadd.f32 v2, v15;
	v7 =	vadd.f32 v7, v8  }
0x46d: {  	v8 =	vsub.f32 $1.000000000e+00, v19;
	v15 =	vsub.f32 $1.000000000e+00, v10;
	v16 =	vld [tilespmem:s9+$0x0]  }
0x46e: {  	v17 =	vsub.f32 $1.000000000e+00, v11;
	v18 =	vld [tilespmem:s9+$0x10];
	v2 =	vadd.f32 v3, v2  }
0x46f: {  	v1 =	vadd.f32 v1, v7;
	v3 =	vld [tilespmem:s9+$0xFFFFFF80];
	v20 =	vsub.f32 $1.000000000e+00, v12;
	v21 =	vmul.f32 v15, v8  }
0x470: {  	v8 =	vmul.f32 v10, v8;
	v7 =	vsub.f32 $1.000000000e+00, v9;
	v22 =	vmul.f32 v9, v17;
	v23 =	vld [tilespmem:s9+$0x20]  }
0x471: {  	v24 =	vsub.f32 $1.000000000e+00, v14;
	v25 =	vld [tilespmem:s9+$0xFFFFFF90];
	v26 =	vmul.f32 v20, v21;
	v21 =	vmul.f32 v21, v12  }
0x472: {  	v2 =	vadd.f32 v6, v2;
	v27 =	vmul.f32 v20, v8;
	v17 =	vmul.f32 v7, v17;
	v28 =	vld [tilespmem:s9+$0x30]  }
0x473: {  	v4 =	vadd.f32 v5, v4;
	v6 =	vld [tilespmem:s9+$0xFFFFFFA0];
	v16 =	vmul.f32 v16, v26;
	v18 =	vmul.f32 v18, v21  }
0x474: {  	v5 =	vmul.f32 v15, v19;
	v2 =	vadd.f32 v13, v2;
	v29 =	vmul.f32 v24, v17;
	v15 =	vld [tilespmem:s9+$0x40]  }
0x475: {  	v30 =	vmul.f32 v12, v8;
	v13 =	vld [tilespmem:s9+$0xFFFFFFB0];
	v8 =	vadd.f32 v18, v16;
	v16 =	vmul.f32 v23, v27;
	[tilespmem:s7+$0x80] =	vst v4  }
0x476: {  	v0 =	vadd.f32 v0, v1;
	v17 =	vmul.f32 v17, v14;
	v3 =	vmul.f32 v3, v29;
	v4 =	vld [tilespmem:s9+$0x50];
	[tilespmem:s7+$0x0] =	vst v2  }
0x477: {  	v18 =	vmul.f32 v20, v5;
	v1 =	vld [tilespmem:s9+$0xFFFFFFC0];
	v2 =	vadd.f32 v16, v8;
	v8 =	vmul.f32 v28, v30  }
0x478: {  	v10 =	vmul.f32 v10, v19;
	v16 =	vmul.f32 v25, v17;
	v19 =	vld [tilespmem:s9+$0x60];
	[tilespmem:s6+$0x0] =	vst v0  }
0x479: {  	v23 =	vmul.f32 v5, v12;
	v0 =	vld [tilespmem:s9+$0xFFFFFFD0];
	v2 =	vadd.f32 v8, v2;
	v5 =	vmul.f32 v15, v18  }
0x47a: {  	v15 =	vmul.f32 v24, v22;
	v22 =	vmul.f32 v14, v22;
	v3 =	vadd.f32 v16, v3;
	v8 =	vld [tilespmem:s9+$0x70]  }
0x47b: {  	s11 =	sadd.s32 $0x100, s11;
	v20 =	vmul.f32 v20, v10;
	v16 =	vld [tilespmem:s9+$0xFFFFFFE0];
	v2 =	vadd.f32 v5, v2;
	v4 =	vmul.f32 v4, v23  }
0x47c: {  	v5 =	vmul.f32 v7, v11;
	v6 =	vmul.f32 v6, v15;
	v7 =	vld [tilespmem:s11+$0x70]  }
0x47d: {  	v10 =	vmul.f32 v12, v10;
	v4 =	vadd.f32 v4, v2;
	v12 =	vld [tilespmem:s11+$0x60];
	v19 =	vmul.f32 v19, v20  }
0x47e: {  	v13 =	vmul.f32 v13, v22;
	v2 =	vmul.f32 v24, v5;
	v6 =	vadd.f32 v6, v3;
	v25 =	vld [tilespmem:s11+$0x50]  }
0x47f: {  	s0 =	sadd.s32 $0x20, s0;
	s14 =	sadd.s32 $0x40, s14;
	v3 =	vmul.f32 v5, v14;
	v28 =	vld [tilespmem:s11+$0x40];
	v4 =	vadd.f32 v19, v4;
	v5 =	vmul.f32 v8, v10  }
0x480: {  	s3 =	sand.u32 $0x60, s0;
	s7 =	sadd.s32 $0x10, s0;
	s6 =	sand.u32 $0x300, s14;
	v8 =	vmul.f32 v9, v11;
	v9 =	vadd.f32 v13, v6;
	v1 =	vmul.f32 v1, v2;
	v11 =	vld [tilespmem:s11+$0x30]  }
0x481: {  	s17 =	sand.u32 $0x70, s7;
	s6 =	sor.u32 $0xD000, s6;
	v13 =	vmul.f32 v0, v3;
	v19 =	vld [tilespmem:s11+$0x20];
	v0 =	vmul.f32 v7, v10;
	v4 =	vadd.f32 v5, v4  }
0x482: {  	s7 =	sor.u32 s3, s6;
	s6 =	sor.u32 s17, s6;
	v6 =	vmul.f32 v24, v8;
	v9 =	vadd.f32 v1, v9;
	v10 =	vld [tilespmem:s11+$0x0];
	v1 =	vmul.f32 v12, v20  }
0x483: {  	v5 =	vmul.f32 v14, v8;
	v12 =	vld [tilespmem:s11+$0x10];
	v7 =	vmul.f32 v25, v23;
	[tilespmem:s6+$0x80] =	vst v4  }
0x484: {  	v4 =	vadd.f32 v13, v9;
	v13 =	vmul.f32 v16, v6;
	v14 =	vld [tilespmem:s11+$0xFFFFFF80];
	v8 =	vmul.f32 v28, v18  }
0x485: {  	v16 =	vld [tilespmem:s11+$0xFFFFFF90];
	v9 =	vmul.f32 v11, v30  }
0x486: {  	v4 =	vadd.f32 v13, v4;
	v18 =	vld [tilespmem:s11+$0xFFFFFFA0];
	v19 =	vmul.f32 v19, v27  }
0x487: {  	v20 =	vld [tilespmem:s11+$0xFFFFFFB0];
	v13 =	vmul.f32 v26, v10  }
.Ltmp12:
0x488: {  	v10 =	vld [tilespmem:s11+$0xFFFFFFC0];
	v21 =	vmul.f32 v12, v21;
	(pc) =	sbr.rel @p0 .LBB2_27-.Ltmp12, $4  }
0x489: {  	v14 =	vmul.f32 v29, v14;
	v11 =	vld [tilespmem:s11+$0xFFFFFFD0]  }
0x48a: {  	v17 =	vmul.f32 v16, v17;
	v12 =	vld [tilespmem:s11+$0xFFFFFFE0];
	v21 =	vadd.f32 v21, v13  }
0x48b: {  	v16 =	vmul.f32 v18, v15;
	v13 =	vld [tilespmem:s11+$0xFFFFFFF0]  }
0x48c: {  	s13 =	sadd.s32 $0x20, s13;
	v17 =	vadd.f32 v17, v14;
	v15 =	vmul.f32 v20, v22;
	v14 =	vld [tilespmem:s9+$0xFFFFFFF0];
	v18 =	vadd.f32 v19, v21  }
0x48d: {  	_ = 	snop  }
0x48e: {  	v16 =	vadd.f32 v16, v17  }
0x48f: {  	v9 =	vadd.f32 v9, v18  }
0x490: {  	v2 =	vmul.f32 v10, v2;
	v61 =	vadd.f32 v15, v16  }
0x491: {  	v8 =	vadd.f32 v8, v9  }
0x492: {  	v3 =	vmul.f32 v11, v3;
	v2 =	vadd.f32 v2, v61  }
0x493: {  	v7 =	vadd.f32 v7, v8  }
0x494: {  	v6 =	vmul.f32 v12, v6;
	v62 =	vmul.f32 v14, v5;
	v2 =	vadd.f32 v3, v2  }
0x495: {  	v1 =	vadd.f32 v1, v7  }
0x496: {  	v63 =	vmul.f32 v13, v5;
	v3 =	vadd.f32 v62, v4;
	v2 =	vadd.f32 v6, v2  }
0x497: {  	v0 =	vadd.f32 v0, v1  }
0x498: {  	[tilespmem:s7+$0x80] =	vst v3;
	v2 =	vadd.f32 v63, v2  }
0x499: {  	[tilespmem:s6+$0x0] =	vst v0  }
0x49a: {  	[tilespmem:s7+$0x0] =	vst v2  }
0x49b: {  	s0 =	rddreg [dreg:$0x14]  }
0x49c: {  	s2 =	simm.s32 $0xD000;
	s0 =	sadd.s32 s18, s0  }
0x49d: {  	[hbm4b:s0+s8] =	stream.linear.scatter [tilespmem:s2], [sflag:$0x6], $0x80, $0x38;
	[tilespmem:$0x1D500] =	vst v63  }
0x49e: {  	s3 =	simm.s32 $0xD100;
	s13 =	sadd.s32 $0x10, s0  }
0x49f: {  	[hbm4b:s13+s8] =	stream.linear.scatter [tilespmem:s3], [sflag:$0x6], $0x80, $0x38;
	[tilespmem:$0x1D500] =	vst v63  }
0x4a0: {  	s17 =	simm.s32 $0xD200;
	s14 =	sadd.s32 $0x20, s0  }
0x4a1: {  	[hbm4b:s14+s8] =	stream.linear.scatter [tilespmem:s17], [sflag:$0x6], $0x80, $0x38;
	[tilespmem:$0x1D500] =	vst v63  }
0x4a2: {  	s19 =	simm.s32 $0xD300;
	s20 =	rddreg [dreg:$0x15];
	s0 =	sadd.s32 $0x30, s0  }
0x4a3: {  	[hbm4b:s0+s8] =	stream.linear.scatter [tilespmem:s19], [sflag:$0x6], $0x80, $0x38;
	[tilespmem:$0x1D500] =	vst v63  }
0x4a4: {  	s21 =	simm.s32 $0xD080;
	s0 =	sadd.s32 s18, s20  }
0x4a5: {  	[hbm4b:s0+s8] =	stream.linear.scatter [tilespmem:s21], [sflag:$0x6], $0x80, $0x38;
	[tilespmem:$0x1D500] =	vst v63  }
0x4a6: {  	s23 =	simm.s32 $0xD180;
	s22 =	sadd.s32 $0x10, s0  }
0x4a7: {  	[hbm4b:s22+s8] =	stream.linear.scatter [tilespmem:s23], [sflag:$0x6], $0x80, $0x38;
	[tilespmem:$0x1D500] =	vst v63  }
0x4a8: {  	s25 =	simm.s32 $0xD280;
	s24 =	sadd.s32 $0x20, s0  }
0x4a9: {  	[hbm4b:s24+s8] =	stream.linear.scatter [tilespmem:s25], [sflag:$0x6], $0x80, $0x38;
	[tilespmem:$0x1D500] =	vst v63  }
0x4aa: {  	s26 =	simm.s32 $0xD380;
	s0 =	sadd.s32 $0x30, s0  }
0x4ab: {  	[hbm4b:s0+s8] =	stream.linear.scatter [tilespmem:s26], [sflag:$0x6], $0x80, $0x38;
	[tilespmem:$0x1D500] =	vst v63  }
0x4ac: {  	_ =	swait.ge [sflag:s31], $0x200  }
0x4ad: {  	[sflag:s31] =	ssyncset.done $0x0  }
0x4ae: {  	[sflag:s31] =	ssyncadd.s32 $0xFFFFFE00  }
0x4af: {  	_ =	swait.ge [sflag:s31], $0x200  }
0x4b0: {  	[sflag:s31] =	ssyncset.done $0x0  }
0x4b1: {  	[sflag:s31] =	ssyncadd.s32 $0xFFFFFE00  }
0x4b2: {  	_ =	swait.ge [sflag:s1], $0x200  }
0x4b3: {  	[sflag:s1] =	ssyncset.done $0x0  }
0x4b4: {  	[sflag:s1] =	ssyncadd.s32 $0xFFFFFE00  }
0x4b5: {  	_ =	swait.ge [sflag:s1], $0x200  }
0x4b6: {  	s28 =	rddreg [dreg:$0x1a]  }
0x4b7: {  	s7 =	sadd.s32 $0x1, s28  }
0x4b8: {  	p0 =	sne.s32 s7, $0x10  }
.Ltmp13:
0x4b9: {  	_ = 	snop;
	(pc) =	sbr.rel @p0 .LBB2_2-.Ltmp13, $3  }
0x4ba: {  	[sflag:s1] =	ssyncset.done $0x0  }
0x4bb: {  	[sflag:s1] =	ssyncadd.s32 $0xFFFFFE00  }
0x4bc: {  	[bflag:$0x0] =	sbarrier.arrive $0xFFFF;
	_ =	sdelay $0x1  }
0x4bd: {  	s2 =	rddreg [dreg:$0x19]  }
0x4be: {  	s0 =	rddreg [dreg:$0x16];
	s2 =	sadd.s32 $0x1, s2  }
0x4bf: {  	p0 =	sne.s32 s2, s0  }
.Ltmp14:
0x4c0: {  	_ = 	snop;
	(pc) =	sbr.rel @p0 .LBB2_1-.Ltmp14, $1  }
0x4c1: {  	_ =	sdelay $0x3  }
0x4c2: {  	_ =	sfence.sel $0x180000  }
0x4c3: {  	[bflag:$0x0] =	sbarrier.arrive $0xFFFF  }
0x4c4: {  	_ =	strace $0x90000047  }
0x4c5: {  	s0 =	stileid.u32;
	[bflag:$0x2] =	sbarrier.arrive $0xFFFF  }
0x4c6: {  	p0 =	sne.s32 s0, $0x0;
	s0 =	rddreg [dreg:$0x9]  }
0x4c7: {  	s0 =	sadd.s32 @!p0 $0x100000, s0  }
0x4c8: {  	[sflag:s0] =	ssyncadd.tile.s32 @!p0 $0x1;
	_ =	shalt  }
.Lfunc_end2:
_tile_overlayer_lowered:
.L_overlay_start_2:
0x4c9: {  	(tag) =	ssettag $0x2  }
0x4ca: {  	s0 =	rddreg [dreg:$0x0];
	s2 =	stileid.u32  }
0x4cb: {  	s1 =	rddreg [dreg:$0x1];
	p0 =	sne.s32 s2, $0x0  }
0x4cc: {  	s3 =	rddreg [dreg:$0x2];
	[bflag:$0x3] =	sbarrier.arrive $0xFFFF;
	s2 =	simm.s32 @!p0 $0x1C07  }
0x4cd: {  	[timem:s3], [sflag:s2] =	dma.local @!p0 [hbm:s0], s1  }
0x4ce: {  	s0 =	simm.s32 @!p0 $0x7  }
0x4cf: {  	_ =	swait.ge @!p0 [sflag:s0], s1  }
0x4d0: {  	s1 =	ssub.s32 @!p0 $0x0, s1;
	[sflag:s0] =	ssyncset.done @!p0 $0x0  }
0x4d1: {  	[sflag:s0] =	ssyncadd.s32 @!p0 s1  }
0x4d2: {  	[bflag:$0x3] =	sbarrier.arrive $0xFFFF  }
0x4d3: {  	_ =	shalt  }

</sc_bundles>
